<compile_context>
chip_gen: v7x
topology: tpu7x:2x2x1
jax: 0.10.2.dev20260603
libtpu: 0.0.44.dev20260713+nightly
codegen_flags: <defaults>
</compile_context>

<pallas_src>
import functools

import jax
import jax.numpy as jnp
from jax import lax
from jax.experimental import pallas as pl
from jax.experimental.pallas import tpu as pltpu
from jax.experimental.pallas import tpu_sc as plsc

N = 4096
E = 131072
IN_SIZE = 128
OUT_SIZE = 4
BE = 2048

NC = 2
NS = 16
L = 16
NW = NC * NS
SLAB = 128
ER = E // SLAB

TBL = N * N + E
DUMMY_KEY = N * N
ROWS_D = N + 128
DUMMY_ROW = N

CH = E // NW
NSLAB = CH // SLAB

_mesh = plsc.VectorSubcoreMesh(
    core_axis_name="c", subcore_axis_name="s", num_cores=NC, num_subcores=NS)


def _ew_body(xi_ref, xj_ref, eij_ref, w_ref, b_ref, o0, o1, o2, o3):
    q = xj_ref[...] + eij_ref[...]
    w1 = w_ref[:IN_SIZE, :]
    w2 = w_ref[IN_SIZE:, :]
    h = (jnp.dot(q, w1, preferred_element_type=jnp.float32)
         + jnp.dot(xi_ref[...], w2, preferred_element_type=jnp.float32)
         + b_ref[...])
    ew = jnp.exp(jnp.tanh(h))
    for k, o_ref in enumerate((o0, o1, o2, o3)):
        o_ref[...] = ew[:, k]


def _compute_ew(x_i, x_j, e_ij, W, b):
    return pl.pallas_call(
        _ew_body,
        grid=(E // BE,),
        in_specs=[
            pl.BlockSpec((BE, IN_SIZE), lambda i: (i, 0)),
            pl.BlockSpec((BE, IN_SIZE), lambda i: (i, 0)),
            pl.BlockSpec((BE, IN_SIZE), lambda i: (i, 0)),
            pl.BlockSpec((2 * IN_SIZE, OUT_SIZE), lambda i: (0, 0)),
            pl.BlockSpec((OUT_SIZE,), lambda i: (0,)),
        ],
        out_specs=[pl.BlockSpec((BE,), lambda i: (i,))
                   for _ in range(OUT_SIZE)],
        out_shape=[jax.ShapeDtypeStruct((E,), jnp.float32)
                   for _ in range(OUT_SIZE)],
    )(x_i, x_j, e_ij, W, b)


@functools.partial(
    pl.kernel,
    mesh=_mesh,
    out_type=jax.ShapeDtypeStruct((TBL,), jnp.int32),
    scratch_types=[
        pltpu.VMEM((NSLAB, SLAB), jnp.int32),
        pltpu.VMEM((NSLAB, SLAB), jnp.int32),
        pltpu.SemaphoreType.DMA,
    ],
)
def _dedup_a(keys2d, tbl1, k_v, id_v, sem):
    c = lax.axis_index("c")
    s = lax.axis_index("s")
    wid = s * NC + c
    base = wid * CH
    pltpu.sync_copy(keys2d.at[pl.ds(wid * NSLAB, NSLAB)], k_v)
    iota = lax.iota(jnp.int32, L)

    @pl.loop(0, CH // L)
    def _build(i):
        j = i // (SLAB // L)
        t = i % (SLAB // L)
        id_v[j, pl.ds(t * L, L)] = base + i * L + iota

    @pl.loop(0, NSLAB // 16)
    def _sc(jj):
        ds = [pltpu.async_copy(id_v.at[jj * 16 + u],
                               tbl1.at[k_v.at[jj * 16 + u]], sem)
              for u in range(16)]
        for d in ds:
            d.wait()


@functools.partial(
    pl.kernel,
    mesh=_mesh,
    out_type=[jax.ShapeDtypeStruct((ER, SLAB), jnp.int32),
              jax.ShapeDtypeStruct((TBL,), jnp.int32)],
    scratch_types=[
        pltpu.VMEM((NSLAB, SLAB), jnp.int32),
        pltpu.VMEM((NSLAB, SLAB), jnp.int32),
        pltpu.VMEM((NSLAB, SLAB), jnp.int32),
        pltpu.VMEM((NSLAB, SLAB), jnp.int32),
        pltpu.SemaphoreType.DMA,
    ],
)
def _dedup_b(keys2d, tbl1, t1_hbm, tbl2, k_v, t_v, id_v, k2_v, sem):
    c = lax.axis_index("c")
    s = lax.axis_index("s")
    wid = s * NC + c
    base = wid * CH
    pltpu.sync_copy(keys2d.at[pl.ds(wid * NSLAB, NSLAB)], k_v)
    iota = lax.iota(jnp.int32, L)

    @pl.loop(0, NSLAB // 16)
    def _g(jj):
        ds = [pltpu.async_copy(tbl1.at[k_v.at[jj * 16 + u]],
                               t_v.at[jj * 16 + u], sem)
              for u in range(16)]
        for d in ds:
            d.wait()

    pltpu.sync_copy(t_v, t1_hbm.at[pl.ds(wid * NSLAB, NSLAB)])

    @pl.loop(0, CH // L)
    def _mask(i):
        j = i // (SLAB // L)
        t = i % (SLAB // L)
        tv = t_v[j, pl.ds(t * L, L)]
        iv = base + i * L + iota
        id_v[j, pl.ds(t * L, L)] = iv
        kv = k_v[j, pl.ds(t * L, L)]
        k2_v[j, pl.ds(t * L, L)] = jnp.where(iv > tv, kv, DUMMY_KEY + iv)

    @pl.loop(0, NSLAB // 16)
    def _sc(jj):
        ds = [pltpu.async_copy(id_v.at[jj * 16 + u],
                               tbl2.at[k2_v.at[jj * 16 + u]], sem)
              for u in range(16)]
        for d in ds:
            d.wait()


@functools.partial(
    pl.kernel,
    mesh=_mesh,
    out_type=jax.ShapeDtypeStruct((ER, SLAB), jnp.int32),
    scratch_types=[
        pltpu.VMEM((NSLAB, SLAB), jnp.int32),
        pltpu.VMEM((NSLAB, SLAB), jnp.int32),
        pltpu.VMEM((NSLAB, SLAB), jnp.int32),
        pltpu.VMEM((NSLAB, SLAB), jnp.int32),
        pltpu.VMEM((NSLAB, SLAB), jnp.int32),
        pltpu.SemaphoreType.DMA,
    ],
)
def _dedup_c(keys2d, keysflat, t1_hbm, tbl2, rep_hbm,
             k_v, t1_v, t2_v, c2_v, kk_v, sem):
    c = lax.axis_index("c")
    s = lax.axis_index("s")
    wid = s * NC + c
    pltpu.sync_copy(keys2d.at[pl.ds(wid * NSLAB, NSLAB)], k_v)
    pltpu.sync_copy(t1_hbm.at[pl.ds(wid * NSLAB, NSLAB)], t1_v)

    @pl.loop(0, NSLAB // 16)
    def _g2(jj):
        ds = [pltpu.async_copy(tbl2.at[k_v.at[jj * 16 + u]],
                               t2_v.at[jj * 16 + u], sem)
              for u in range(16)]
        for d in ds:
            d.wait()

    iota = lax.iota(jnp.int32, L)
    base = wid * CH

    @pl.loop(0, CH // L)
    def _clamp(i):
        j = i // (SLAB // L)
        t = i % (SLAB // L)
        tv = t2_v[j, pl.ds(t * L, L)]
        t1 = t1_v[j, pl.ds(t * L, L)]
        iv = base + i * L + iota
        cand = (tv > t1) & (tv >= 0) & (tv < E)
        c2_v[j, pl.ds(t * L, L)] = jnp.where(cand, tv, iv)

    @pl.loop(0, NSLAB // 16)
    def _gk(jj):
        ds = [pltpu.async_copy(keysflat.at[c2_v.at[jj * 16 + u]],
                               kk_v.at[jj * 16 + u], sem)
              for u in range(16)]
        for d in ds:
            d.wait()

    @pl.loop(0, CH // L)
    def _comb(i):
        j = i // (SLAB // L)
        t = i % (SLAB // L)
        kv = k_v[j, pl.ds(t * L, L)]
        kk = kk_v[j, pl.ds(t * L, L)]
        t1 = t1_v[j, pl.ds(t * L, L)]
        t2 = t2_v[j, pl.ds(t * L, L)]
        c2 = c2_v[j, pl.ds(t * L, L)]
        valid = (t2 > t1) & (t2 >= 0) & (t2 < E) & (kk == kv)
        t1_v[j, pl.ds(t * L, L)] = jnp.where(valid, c2, t1)

    pltpu.sync_copy(t1_v, rep_hbm.at[pl.ds(wid * NSLAB, NSLAB)])


@functools.partial(
    pl.kernel,
    mesh=_mesh,
    out_type=[jax.ShapeDtypeStruct((NC * ROWS_D,), jnp.float32)
              for _ in range(OUT_SIZE)],
    scratch_types=[
        [pltpu.VMEM_SHARED((ROWS_D,), jnp.float32) for _ in range(OUT_SIZE)],
        pltpu.VMEM((NSLAB, SLAB), jnp.int32),
        pltpu.VMEM((NSLAB, SLAB), jnp.int32),
        pltpu.VMEM((NSLAB, SLAB), jnp.int32),
        [pltpu.VMEM((CH,), jnp.float32) for _ in range(OUT_SIZE)],
        pltpu.SemaphoreType.DMA,
    ],
)
def _denom(rows2d, rep2d, ew0, ew1, ew2, ew3, z_hbm,
           dp0, dp1, dp2, dp3, dsh, r_v, rep_v, ri_v, ew_v, sem):
    c = lax.axis_index("c")
    s = lax.axis_index("s")
    wid = s * NC + c
    base = wid * CH
    ew_hbm = (ew0, ew1, ew2, ew3)
    dp_hbm = (dp0, dp1, dp2, dp3)

    @pl.when(s == 0)
    def _():
        for k in range(OUT_SIZE):
            pltpu.sync_copy(z_hbm, dsh[k])

    pltpu.sync_copy(rows2d.at[pl.ds(wid * NSLAB, NSLAB)], r_v)
    pltpu.sync_copy(rep2d.at[pl.ds(wid * NSLAB, NSLAB)], rep_v)
    for k in range(OUT_SIZE):
        pltpu.sync_copy(ew_hbm[k].at[pl.ds(base, CH)], ew_v[k])
    iota = lax.iota(jnp.int32, L)

    @pl.loop(0, CH // L)
    def _m(i):
        j = i // (SLAB // L)
        t = i % (SLAB // L)
        rv = r_v[j, pl.ds(t * L, L)]
        repv = rep_v[j, pl.ds(t * L, L)]
        iv = base + i * L + iota
        ri_v[j, pl.ds(t * L, L)] = jnp.where(repv == iv, rv, DUMMY_ROW)

    plsc.subcore_barrier()

    @pl.loop(0, NSLAB)
    def _sa(j):
        ds = [pltpu.async_copy(ew_v[k].at[pl.ds(j * SLAB, SLAB)],
                               dsh[k].at[ri_v.at[j]], sem, add=True)
              for k in range(OUT_SIZE)]
        for d in ds:
            d.wait()

    plsc.subcore_barrier()

    @pl.when(s == 0)
    def _():
        for k in range(OUT_SIZE):
            pltpu.sync_copy(dsh[k], dp_hbm[k].at[pl.ds(c * ROWS_D, ROWS_D)])


def _recip_body(dp0, dp1, dp2, dp3, r0, r1, r2, r3):
    for dp_ref, r_ref in ((dp0, r0), (dp1, r1), (dp2, r2), (dp3, r3)):
        r_ref[...] = 1.0 / (dp_ref[pl.ds(0, ROWS_D)]
                            + dp_ref[pl.ds(ROWS_D, ROWS_D)])


def _recip(dps):
    return pl.pallas_call(
        _recip_body,
        out_shape=[jax.ShapeDtypeStruct((ROWS_D,), jnp.float32)
                   for _ in range(OUT_SIZE)],
    )(*dps)


@functools.partial(
    pl.kernel,
    mesh=_mesh,
    out_type=[jax.ShapeDtypeStruct((E,), jnp.float32)
              for _ in range(OUT_SIZE)],
    scratch_types=[
        pltpu.VMEM((NSLAB, SLAB), jnp.int32),
        pltpu.VMEM((NSLAB, SLAB), jnp.int32),
        [pltpu.VMEM((CH,), jnp.float32) for _ in range(OUT_SIZE)],
        [pltpu.VMEM((CH,), jnp.float32) for _ in range(OUT_SIZE)],
        pltpu.SemaphoreType.DMA,
    ],
)
def _gather_mul(rows2d, rep2d, ew0, ew1, ew2, ew3, r0, r1, r2, r3,
                o0, o1, o2, o3, r_v, rep_v, ewr_v, rg_v, sem):
    c = lax.axis_index("c")
    s = lax.axis_index("s")
    wid = s * NC + c
    base = wid * CH
    ew_hbm = (ew0, ew1, ew2, ew3)
    rr_hbm = (r0, r1, r2, r3)
    out_hbm = (o0, o1, o2, o3)

    pltpu.sync_copy(rows2d.at[pl.ds(wid * NSLAB, NSLAB)], r_v)
    pltpu.sync_copy(rep2d.at[pl.ds(wid * NSLAB, NSLAB)], rep_v)

    @pl.loop(0, NSLAB // 2)
    def _g(jj):
        ds = []
        for u in range(2):
            j = jj * 2 + u
            for k in range(OUT_SIZE):
                ds.append(pltpu.async_copy(ew_hbm[k].at[rep_v.at[j]],
                                           ewr_v[k].at[pl.ds(j * SLAB, SLAB)],
                                           sem))
                ds.append(pltpu.async_copy(rr_hbm[k].at[r_v.at[j]],
                                           rg_v[k].at[pl.ds(j * SLAB, SLAB)],
                                           sem))
        for d in ds:
            d.wait()

    @pl.loop(0, CH // L)
    def _mul(i):
        for k in range(OUT_SIZE):
            ewr_v[k][pl.ds(i * L, L)] = (ewr_v[k][pl.ds(i * L, L)]
                                         * rg_v[k][pl.ds(i * L, L)])

    for k in range(OUT_SIZE):
        pltpu.sync_copy(ewr_v[k], out_hbm[k].at[pl.ds(base, CH)])


def kernel(x_i, x_j, e_ij, adj, e_idx, W, b):
    ew_planes = _compute_ew(x_i, x_j, e_ij, W, b)

    rows2d = e_idx[0].reshape(ER, SLAB)
    keys = e_idx[0] * N + e_idx[1]
    keys2d = keys.reshape(ER, SLAB)

    tbl1 = _dedup_a(keys2d)
    t1_2d, tbl2 = _dedup_b(keys2d, tbl1)
    rep2d = _dedup_c(keys2d, keys, t1_2d, tbl2)
    z = jnp.zeros((ROWS_D,), jnp.float32)
    dps = _denom(rows2d, rep2d, *ew_planes, z)
    rs = _recip(dps)
    outs = _gather_mul(rows2d, rep2d, *ew_planes, *rs)
    return jnp.stack(outs, axis=-1)

# --- scband reference (transcript-rebuilt; emitter-appended) ---
"""Pipeline reference for scband-attention-53077205844237 (READ-ONLY COPY).

The authoritative reference and input builder live on the scoring server;
editing this copy changes nothing except your own understanding.
"""

import jax, jax.numpy as jnp
import numpy as np

N = 4096
E = 131072
IN_SIZE = 128
OUT_SIZE = 4


def setup_inputs(seed: int = 0) -> dict:
    key = jax.random.key(seed)
    k1, k2, k3, k4, k5 = jax.random.split(key, 5)
    x_i = jax.random.normal(k1, (E, IN_SIZE), dtype=jnp.float32)
    x_j = jax.random.normal(k2, (E, IN_SIZE), dtype=jnp.float32)
    e_ij = jax.random.normal(k3, (E, IN_SIZE), dtype=jnp.float32)
    adj = jnp.zeros((N, N), dtype=jnp.float32)
    e_idx = jax.random.randint(k4, (2, E), 0, N, dtype=jnp.int32)
    # Linear(in_size * dim_coff -> out_size) parameters
    W = jax.random.normal(k5, (IN_SIZE * 2, OUT_SIZE), dtype=jnp.float32) / np.sqrt(IN_SIZE * 2)
    b = jnp.zeros((OUT_SIZE,), dtype=jnp.float32)
    return {"x_i": x_i, "x_j": x_j, "e_ij": e_ij, "adj": adj, "e_idx": e_idx, "W": W, "b": b}


def reference(x_i, x_j, e_ij, adj, e_idx, W, b):
    # agg_q((x_j, e_ij)) -> elementwise sum aggregation
    q = x_j + e_ij
    # w = tanh(Linear(cat([q, x_i], dim=-1)))
    w = jnp.tanh(jnp.concatenate([q, x_i], axis=-1) @ W + b)
    Nn, Mm = adj.shape
    # dense_att = full([N, N, out_size], -9e15); dense_att[e_idx] = w
    dense_att = jnp.full((Nn, Mm, w.shape[-1]), -9000000000000000.0, dtype=w.dtype)
    rows = e_idx[0]
    cols = e_idx[1]
    dense_att = dense_att.at[rows, cols].set(w)
    # softmax over dim=-2 (neighbor/column axis)
    dense_att = jax.nn.softmax(dense_att, axis=-2)
    # gather back edge attention weights
    w_out = dense_att[rows, cols]
    return w_out

if __name__ == "__main__":
    import jax
    _d = setup_inputs()
    print(jax.jit(kernel)(*tuple(_d.values())))

</pallas_src>

<mosaic_0001>
#map = affine_map<(d0, d1) -> (0, 0)>
#map1 = affine_map<(d0, d1) -> (0)>
module attributes {stable_mosaic.version = 14 : i64} {
  func.func @_dedup_a(%arg0: i32, %arg1: i32, %arg2: memref<1024x128xi32, #tpu.memory_space<hbm>>, %arg3: memref<16908288xi32, #tpu.memory_space<hbm>>, %arg4: memref<32x128xi32, #tpu.memory_space<vmem>>, %arg5: memref<32x128xi32, #tpu.memory_space<vmem>>, %arg6: memref<!tpu.dma_semaphore, #tpu.memory_space<semaphore_mem>>) attributes {dimension_semantics = [#tpu.dimension_semantics<core_parallel>, #tpu.dimension_semantics<subcore_parallel>], iteration_bounds = array<i64: 2, 16>, scalar_prefetch = 0 : i64, scratch_operands = 3 : i64, tpu.core_type = #tpu.core_type<sc_vector_subcore>, window_params = [{transform_indices = #map}, {transform_indices = #map1}]} {
    %mul3A = arith.constant 2 : i32
    %mul3A_0 = arith.muli %arg1, %mul3A : i32
    %add3A = arith.addi %mul3A_0, %arg0 : i32
    %mul3A_1 = arith.constant 4096 : i32
    %mul3A_2 = arith.muli %add3A, %mul3A_1 : i32
    %mul3A_3 = arith.constant 32 : i32
    %mul3A_4 = arith.muli %add3A, %mul3A_3 : i32
    "tpu.region"() ({
      %run_scoped3A = tpu.sem_alloc : memref<!tpu.dma_semaphore, #tpu.memory_space<semaphore_mem>>
      %dma_start3A = arith.constant 0 : i32
      %dma_start3A_14 = tpu.memref_slice %arg2[%mul3A_4, %dma_start3A] : memref<1024x128xi32, #tpu.memory_space<hbm>> -> memref<32x128xi32, #tpu.memory_space<hbm>>
      %dma_start3A_15 = arith.constant 0 : i32
      %dma_start3A_16 = tpu.memref_slice %arg2[%mul3A_4, %dma_start3A_15] : memref<1024x128xi32, #tpu.memory_space<hbm>> -> memref<32x128xi32, #tpu.memory_space<hbm>>
      tpu.enqueue_dma source(%dma_start3A_16 : memref<32x128xi32, #tpu.memory_space<hbm>>) target(%arg4 : memref<32x128xi32, #tpu.memory_space<vmem>>) target_semaphore(%run_scoped3A : memref<!tpu.dma_semaphore, #tpu.memory_space<semaphore_mem>>)
      %dma_wait3A = arith.constant 0 : i32
      %dma_wait3A_17 = tpu.memref_slice %arg2[%mul3A_4, %dma_wait3A] : memref<1024x128xi32, #tpu.memory_space<hbm>> -> memref<32x128xi32, #tpu.memory_space<hbm>>
      %dma_wait3A_18 = arith.constant 0 : i32
      %dma_wait3A_19 = tpu.memref_slice %arg2[%mul3A_4, %dma_wait3A_18] : memref<1024x128xi32, #tpu.memory_space<hbm>> -> memref<32x128xi32, #tpu.memory_space<hbm>>
      tpu.wait_dma2 semaphore(%run_scoped3A : memref<!tpu.dma_semaphore, #tpu.memory_space<semaphore_mem>>) src(%dma_wait3A_19 : memref<32x128xi32, #tpu.memory_space<hbm>>) dst(%arg4 : memref<32x128xi32, #tpu.memory_space<vmem>>)
      tpu.yield
    }) : () -> ()
    %iota3A = tpu.iota {dimensions = array<i32: 0>} : vector<16xi32>
    %scan3A = arith.constant 0 : i32
    %scan3A_5 = arith.constant 256 : i32
    %scan3A_6 = arith.addi %scan3A, %scan3A_5 : i32
    %scan3A_7 = arith.constant 1 : i32
    scf.for %scan3A_14 = %scan3A to %scan3A_6 step %scan3A_7  : i32 {
      %mul3A_15 = arith.constant 1 : i32
      %mul3A_16 = arith.muli %scan3A_14, %mul3A_15 : i32
      %add3A_17 = arith.constant 0 : i32
      %add3A_18 = arith.addi %add3A_17, %mul3A_16 : i32
      %jit3A = arith.constant 8 : i32
      %div3A = arith.divsi %add3A_18, %jit3A : i32
      %sign3A = arith.constant 0 : i32
      %sign3A_19 = arith.cmpi sgt, %add3A_18, %sign3A : i32
      %sign3A_20 = arith.extui %sign3A_19 : i1 to i32
      %sign3A_21 = arith.constant 0 : i32
      %sign3A_22 = arith.cmpi slt, %add3A_18, %sign3A_21 : i32
      %sign3A_23 = arith.extui %sign3A_22 : i1 to i32
      %sign3A_24 = arith.subi %sign3A_20, %sign3A_23 : i32
      %sign3A_25 = arith.constant 0 : i32
      %sign3A_26 = arith.cmpi sgt, %jit3A, %sign3A_25 : i32
      %sign3A_27 = arith.extui %sign3A_26 : i1 to i32
      %sign3A_28 = arith.constant 0 : i32
      %sign3A_29 = arith.cmpi slt, %jit3A, %sign3A_28 : i32
      %sign3A_30 = arith.extui %sign3A_29 : i1 to i32
      %sign3A_31 = arith.subi %sign3A_27, %sign3A_30 : i32
      %ne3A = arith.cmpi ne, %sign3A_24, %sign3A_31 : i32
      %rem3A = arith.remsi %add3A_18, %jit3A : i32
      %ne3A_32 = arith.constant 0 : i32
      %ne3A_33 = arith.cmpi ne, %rem3A, %ne3A_32 : i32
      %and3A = arith.andi %ne3A, %ne3A_33 : i1
      %sub3A = arith.constant 1 : i32
      %sub3A_34 = arith.subi %div3A, %sub3A : i32
      %select_n3A = arith.select %and3A, %sub3A_34, %div3A : i32
      %jit3A_35 = arith.constant 8 : i32
      %eq3A = arith.constant 0 : i32
      %eq3A_36 = arith.cmpi eq, %jit3A_35, %eq3A : i32
      %jit3A_37 = arith.constant 1 : i32
      %select_n3A_38 = arith.select %eq3A_36, %jit3A_37, %jit3A_35 : i32
      %rem3A_39 = arith.remsi %add3A_18, %select_n3A_38 : i32
      %ne3A_40 = arith.constant 0 : i32
      %ne3A_41 = arith.cmpi ne, %rem3A_39, %ne3A_40 : i32
      %lt3A = arith.constant 0 : i32
      %lt3A_42 = arith.cmpi slt, %rem3A_39, %lt3A : i32
      %lt3A_43 = arith.constant 0 : i32
      %lt3A_44 = arith.cmpi slt, %select_n3A_38, %lt3A_43 : i32
      %ne3A_45 = arith.xori %lt3A_42, %lt3A_44 : i1
      %and3A_46 = arith.andi %ne3A_45, %ne3A_41 : i1
      %add3A_47 = arith.addi %rem3A_39, %select_n3A_38 : i32
      %select_n3A_48 = arith.select %and3A_46, %add3A_47, %rem3A_39 : i32
      %mul3A_49 = arith.constant 16 : i32
      %mul3A_50 = arith.muli %add3A_18, %mul3A_49 : i32
      %add3A_51 = arith.addi %mul3A_2, %mul3A_50 : i32
      %add3A_52 = vector.broadcast %add3A_51 : i32 to vector<16xi32>
      %add3A_53 = arith.addi %add3A_52, %iota3A : vector<16xi32>
      %mul3A_54 = arith.constant 16 : i32
      %mul3A_55 = arith.muli %select_n3A_48, %mul3A_54 : i32
      %swap3A = arith.index_cast %select_n3A : i32 to index
      %swap3A_56 = arith.index_cast %mul3A_55 : i32 to index
      %swap3A_57 = tpu.vector_load %arg5[%swap3A, %swap3A_56] {strides = array<i32>} : memref<32x128xi32, #tpu.memory_space<vmem>>, vector<1x16xi32>,
      %swap3A_58 = vector.shape_cast %swap3A_57 : vector<1x16xi32> to vector<16xi32>
      %swap3A_59 = vector.shape_cast %add3A_53 : vector<16xi32> to vector<1x16xi32>
      tpu.vector_store %arg5[%swap3A, %swap3A_56], %swap3A_59 {strides = array<i32>} : memref<32x128xi32, #tpu.memory_space<vmem>>, vector<1x16xi32>,
    }
    %scan3A_8 = arith.constant 256 : i32
    %scan3A_9 = arith.constant 0 : i32
    %scan3A_10 = arith.constant 2 : i32
    %scan3A_11 = arith.addi %scan3A_9, %scan3A_10 : i32
    %scan3A_12 = arith.constant 1 : i32
    scf.for %scan3A_14 = %scan3A_9 to %scan3A_11 step %scan3A_12  : i32 {
      %mul3A_15 = arith.constant 1 : i32
      %mul3A_16 = arith.muli %scan3A_14, %mul3A_15 : i32
      %add3A_17 = arith.constant 0 : i32
      %add3A_18 = arith.addi %add3A_17, %mul3A_16 : i32
      %mul3A_19 = arith.constant 16 : i32
      %mul3A_20 = arith.muli %add3A_18, %mul3A_19 : i32
      %add3A_21 = arith.constant 0 : i32
      %add3A_22 = arith.addi %mul3A_20, %add3A_21 : i32
      %mul3A_23 = arith.constant 16 : i32
      %mul3A_24 = arith.muli %add3A_18, %mul3A_23 : i32
      %add3A_25 = arith.constant 0 : i32
      %add3A_26 = arith.addi %mul3A_24, %add3A_25 : i32
      %dma_start3A = arith.constant 0 : i32
      %dma_start3A_27 = tpu.memref_slice %arg5[%add3A_22, %dma_start3A] : memref<32x128xi32, #tpu.memory_space<vmem>> -> memref<1x128xi32, #tpu.memory_space<vmem>>
      %dma_start3A_28 = tpu.memref_squeeze %dma_start3A_27 : memref<1x128xi32, #tpu.memory_space<vmem>> -> memref<128xi32, #tpu.memory_space<vmem>>
      %dma_start3A_29 = arith.constant 0 : i32
      %dma_start3A_30 = tpu.memref_slice %arg4[%add3A_26, %dma_start3A_29] : memref<32x128xi32, #tpu.memory_space<vmem>> -> memref<1x128xi32, #tpu.memory_space<vmem>>
      %dma_start3A_31 = tpu.memref_squeeze %dma_start3A_30 : memref<1x128xi32, #tpu.memory_space<vmem>> -> memref<128xi32, #tpu.memory_space<vmem>>
      %dma_start3A_32 = arith.constant 0 : i32
      %dma_start3A_33 = tpu.memref_slice %arg3[%dma_start3A_32] : memref<16908288xi32, #tpu.memory_space<hbm>> -> memref<16908288xi32, #tpu.memory_space<hbm>>
      tpu.enqueue_indirect_dma source(%dma_start3A_28 : memref<128xi32, #tpu.memory_space<vmem>>) target(%dma_start3A_33 : memref<16908288xi32, #tpu.memory_space<hbm>>) offsets(%dma_start3A_31 : memref<128xi32, #tpu.memory_space<vmem>>) semaphore(%arg6 : memref<!tpu.dma_semaphore, #tpu.memory_space<semaphore_mem>>)
      %mul3A_34 = arith.constant 16 : i32
      %mul3A_35 = arith.muli %add3A_18, %mul3A_34 : i32
      %add3A_36 = arith.constant 1 : i32
      %add3A_37 = arith.addi %mul3A_35, %add3A_36 : i32
      %mul3A_38 = arith.constant 16 : i32
      %mul3A_39 = arith.muli %add3A_18, %mul3A_38 : i32
      %add3A_40 = arith.constant 1 : i32
      %add3A_41 = arith.addi %mul3A_39, %add3A_40 : i32
      %dma_start3A_42 = arith.constant 0 : i32
      %dma_start3A_43 = tpu.memref_slice %arg5[%add3A_37, %dma_start3A_42] : memref<32x128xi32, #tpu.memory_space<vmem>> -> memref<1x128xi32, #tpu.memory_space<vmem>>
      %dma_start3A_44 = tpu.memref_squeeze %dma_start3A_43 : memref<1x128xi32, #tpu.memory_space<vmem>> -> memref<128xi32, #tpu.memory_space<vmem>>
      %dma_start3A_45 = arith.constant 0 : i32
      %dma_start3A_46 = tpu.memref_slice %arg4[%add3A_41, %dma_start3A_45] : memref<32x128xi32, #tpu.memory_space<vmem>> -> memref<1x128xi32, #tpu.memory_space<vmem>>
      %dma_start3A_47 = tpu.memref_squeeze %dma_start3A_46 : memref<1x128xi32, #tpu.memory_space<vmem>> -> memref<128xi32, #tpu.memory_space<vmem>>
      %dma_start3A_48 = arith.constant 0 : i32
      %dma_start3A_49 = tpu.memref_slice %arg3[%dma_start3A_48] : memref<16908288xi32, #tpu.memory_space<hbm>> -> memref<16908288xi32, #tpu.memory_space<hbm>>
      tpu.enqueue_indirect_dma source(%dma_start3A_44 : memref<128xi32, #tpu.memory_space<vmem>>) target(%dma_start3A_49 : memref<16908288xi32, #tpu.memory_space<hbm>>) offsets(%dma_start3A_47 : memref<128xi32, #tpu.memory_space<vmem>>) semaphore(%arg6 : memref<!tpu.dma_semaphore, #tpu.memory_space<semaphore_mem>>)
      %mul3A_50 = arith.constant 16 : i32
      %mul3A_51 = arith.muli %add3A_18, %mul3A_50 : i32
      %add3A_52 = arith.constant 2 : i32
      %add3A_53 = arith.addi %mul3A_51, %add3A_52 : i32
      %mul3A_54 = arith.constant 16 : i32
      %mul3A_55 = arith.muli %add3A_18, %mul3A_54 : i32
      %add3A_56 = arith.constant 2 : i32
      %add3A_57 = arith.addi %mul3A_55, %add3A_56 : i32
      %dma_start3A_58 = arith.constant 0 : i32
      %dma_start3A_59 = tpu.memref_slice %arg5[%add3A_53, %dma_start3A_58] : memref<32x128xi32, #tpu.memory_space<vmem>> -> memref<1x128xi32, #tpu.memory_space<vmem>>
      %dma_start3A_60 = tpu.memref_squeeze %dma_start3A_59 : memref<1x128xi32, #tpu.memory_space<vmem>> -> memref<128xi32, #tpu.memory_space<vmem>>
      %dma_start3A_61 = arith.constant 0 : i32
      %dma_start3A_62 = tpu.memref_slice %arg4[%add3A_57, %dma_start3A_61] : memref<32x128xi32, #tpu.memory_space<vmem>> -> memref<1x128xi32, #tpu.memory_space<vmem>>
      %dma_start3A_63 = tpu.memref_squeeze %dma_start3A_62 : memref<1x128xi32, #tpu.memory_space<vmem>> -> memref<128xi32, #tpu.memory_space<vmem>>
      %dma_start3A_64 = arith.constant 0 : i32
      %dma_start3A_65 = tpu.memref_slice %arg3[%dma_start3A_64] : memref<16908288xi32, #tpu.memory_space<hbm>> -> memref<16908288xi32, #tpu.memory_space<hbm>>
      tpu.enqueue_indirect_dma source(%dma_start3A_60 : memref<128xi32, #tpu.memory_space<vmem>>) target(%dma_start3A_65 : memref<16908288xi32, #tpu.memory_space<hbm>>) offsets(%dma_start3A_63 : memref<128xi32, #tpu.memory_space<vmem>>) semaphore(%arg6 : memref<!tpu.dma_semaphore, #tpu.memory_space<semaphore_mem>>)
      %mul3A_66 = arith.constant 16 : i32
      %mul3A_67 = arith.muli %add3A_18, %mul3A_66 : i32
      %add3A_68 = arith.constant 3 : i32
      %add3A_69 = arith.addi %mul3A_67, %add3A_68 : i32
      %mul3A_70 = arith.constant 16 : i32
      %mul3A_71 = arith.muli %add3A_18, %mul3A_70 : i32
      %add3A_72 = arith.constant 3 : i32
      %add3A_73 = arith.addi %mul3A_71, %add3A_72 : i32
      %dma_start3A_74 = arith.constant 0 : i32
      %dma_start3A_75 = tpu.memref_slice %arg5[%add3A_69, %dma_start3A_74] : memref<32x128xi32, #tpu.memory_space<vmem>> -> memref<1x128xi32, #tpu.memory_space<vmem>>
      %dma_start3A_76 = tpu.memref_squeeze %dma_start3A_75 : memref<1x128xi32, #tpu.memory_space<vmem>> -> memref<128xi32, #tpu.memory_space<vmem>>
      %dma_start3A_77 = arith.constant 0 : i32
      %dma_start3A_78 = tpu.memref_slice %arg4[%add3A_73, %dma_start3A_77] : memref<32x128xi32, #tpu.memory_space<vmem>> -> memref<1x128xi32, #tpu.memory_space<vmem>>
      %dma_start3A_79 = tpu.memref_squeeze %dma_start3A_78 : memref<1x128xi32, #tpu.memory_space<vmem>> -> memref<128xi32, #tpu.memory_space<vmem>>
      %dma_start3A_80 = arith.constant 0 : i32
      %dma_start3A_81 = tpu.memref_slice %arg3[%dma_start3A_80] : memref<16908288xi32, #tpu.memory_space<hbm>> -> memref<16908288xi32, #tpu.memory_space<hbm>>
      tpu.enqueue_indirect_dma source(%dma_start3A_76 : memref<128xi32, #tpu.memory_space<vmem>>) target(%dma_start3A_81 : memref<16908288xi32, #tpu.memory_space<hbm>>) offsets(%dma_start3A_79 : memref<128xi32, #tpu.memory_space<vmem>>) semaphore(%arg6 : memref<!tpu.dma_semaphore, #tpu.memory_space<semaphore_mem>>)
      %mul3A_82 = arith.constant 16 : i32
      %mul3A_83 = arith.muli %add3A_18, %mul3A_82 : i32
      %add3A_84 = arith.constant 4 : i32
      %add3A_85 = arith.addi %mul3A_83, %add3A_84 : i32
      %mul3A_86 = arith.constant 16 : i32
      %mul3A_87 = arith.muli %add3A_18, %mul3A_86 : i32
      %add3A_88 = arith.constant 4 : i32
      %add3A_89 = arith.addi %mul3A_87, %add3A_88 : i32
      %dma_start3A_90 = arith.constant 0 : i32
      %dma_start3A_91 = tpu.memref_slice %arg5[%add3A_85, %dma_start3A_90] : memref<32x128xi32, #tpu.memory_space<vmem>> -> memref<1x128xi32, #tpu.memory_space<vmem>>
      %dma_start3A_92 = tpu.memref_squeeze %dma_start3A_91 : memref<1x128xi32, #tpu.memory_space<vmem>> -> memref<128xi32, #tpu.memory_space<vmem>>
      %dma_start3A_93 = arith.constant 0 : i32
      %dma_start3A_94 = tpu.memref_slice %arg4[%add3A_89, %dma_start3A_93] : memref<32x128xi32, #tpu.memory_space<vmem>> -> memref<1x128xi32, #tpu.memory_space<vmem>>
      %dma_start3A_95 = tpu.memref_squeeze %dma_start3A_94 : memref<1x128xi32, #tpu.memory_space<vmem>> -> memref<128xi32, #tpu.memory_space<vmem>>
      %dma_start3A_96 = arith.constant 0 : i32
      %dma_start3A_97 = tpu.memref_slice %arg3[%dma_start3A_96] : memref<16908288xi32, #tpu.memory_space<hbm>> -> memref<16908288xi32, #tpu.memory_space<hbm>>
      tpu.enqueue_indirect_dma source(%dma_start3A_92 : memref<128xi32, #tpu.memory_space<vmem>>) target(%dma_start3A_97 : memref<16908288xi32, #tpu.memory_space<hbm>>) offsets(%dma_start3A_95 : memref<128xi32, #tpu.memory_space<vmem>>) semaphore(%arg6 : memref<!tpu.dma_semaphore, #tpu.memory_space<semaphore_mem>>)
      %mul3A_98 = arith.constant 16 : i32
      %mul3A_99 = arith.muli %add3A_18, %mul3A_98 : i32
      %add3A_100 = arith.constant 5 : i32
      %add3A_101 = arith.addi %mul3A_99, %add3A_100 : i32
      %mul3A_102 = arith.constant 16 : i32
      %mul3A_103 = arith.muli %add3A_18, %mul3A_102 : i32
      %add3A_104 = arith.constant 5 : i32
      %add3A_105 = arith.addi %mul3A_103, %add3A_104 : i32
      %dma_start3A_106 = arith.constant 0 : i32
      %dma_start3A_107 = tpu.memref_slice %arg5[%add3A_101, %dma_start3A_106] : memref<32x128xi32, #tpu.memory_space<vmem>> -> memref<1x128xi32, #tpu.memory_space<vmem>>
      %dma_start3A_108 = tpu.memref_squeeze %dma_start3A_107 : memref<1x128xi32, #tpu.memory_space<vmem>> -> memref<128xi32, #tpu.memory_space<vmem>>
      %dma_start3A_109 = arith.constant 0 : i32
      %dma_start3A_110 = tpu.memref_slice %arg4[%add3A_105, %dma_start3A_109] : memref<32x128xi32, #tpu.memory_space<vmem>> -> memref<1x128xi32, #tpu.memory_space<vmem>>
      %dma_start3A_111 = tpu.memref_squeeze %dma_start3A_110 : memref<1x128xi32, #tpu.memory_space<vmem>> -> memref<128xi32, #tpu.memory_space<vmem>>
      %dma_start3A_112 = arith.constant 0 : i32
      %dma_start3A_113 = tpu.memref_slice %arg3[%dma_start3A_112] : memref<16908288xi32, #tpu.memory_space<hbm>> -> memref<16908288xi32, #tpu.memory_space<hbm>>
      tpu.enqueue_indirect_dma source(%dma_start3A_108 : memref<128xi32, #tpu.memory_space<vmem>>) target(%dma_start3A_113 : memref<16908288xi32, #tpu.memory_space<hbm>>) offsets(%dma_start3A_111 : memref<128xi32, #tpu.memory_space<vmem>>) semaphore(%arg6 : memref<!tpu.dma_semaphore, #tpu.memory_space<semaphore_mem>>)
      %mul3A_114 = arith.constant 16 : i32
      %mul3A_115 = arith.muli %add3A_18, %mul3A_114 : i32
      %add3A_116 = arith.constant 6 : i32
      %add3A_117 = arith.addi %mul3A_115, %add3A_116 : i32
      %mul3A_118 = arith.constant 16 : i32
      %mul3A_119 = arith.muli %add3A_18, %mul3A_118 : i32
      %add3A_120 = arith.constant 6 : i32
      %add3A_121 = arith.addi %mul3A_119, %add3A_120 : i32
      %dma_start3A_122 = arith.constant 0 : i32
      %dma_start3A_123 = tpu.memref_slice %arg5[%add3A_117, %dma_start3A_122] : memref<32x128xi32, #tpu.memory_space<vmem>> -> memref<1x128xi32, #tpu.memory_space<vmem>>
      %dma_start3A_124 = tpu.memref_squeeze %dma_start3A_123 : memref<1x128xi32, #tpu.memory_space<vmem>> -> memref<128xi32, #tpu.memory_space<vmem>>
      %dma_start3A_125 = arith.constant 0 : i32
      %dma_start3A_126 = tpu.memref_slice %arg4[%add3A_121, %dma_start3A_125] : memref<32x128xi32, #tpu.memory_space<vmem>> -> memref<1x128xi32, #tpu.memory_space<vmem>>
      %dma_start3A_127 = tpu.memref_squeeze %dma_start3A_126 : memref<1x128xi32, #tpu.memory_space<vmem>> -> memref<128xi32, #tpu.memory_space<vmem>>
      %dma_start3A_128 = arith.constant 0 : i32
      %dma_start3A_129 = tpu.memref_slice %arg3[%dma_start3A_128] : memref<16908288xi32, #tpu.memory_space<hbm>> -> memref<16908288xi32, #tpu.memory_space<hbm>>
      tpu.enqueue_indirect_dma source(%dma_start3A_124 : memref<128xi32, #tpu.memory_space<vmem>>) target(%dma_start3A_129 : memref<16908288xi32, #tpu.memory_space<hbm>>) offsets(%dma_start3A_127 : memref<128xi32, #tpu.memory_space<vmem>>) semaphore(%arg6 : memref<!tpu.dma_semaphore, #tpu.memory_space<semaphore_mem>>)
      %mul3A_130 = arith.constant 16 : i32
      %mul3A_131 = arith.muli %add3A_18, %mul3A_130 : i32
      %add3A_132 = arith.constant 7 : i32
      %add3A_133 = arith.addi %mul3A_131, %add3A_132 : i32
      %mul3A_134 = arith.constant 16 : i32
      %mul3A_135 = arith.muli %add3A_18, %mul3A_134 : i32
      %add3A_136 = arith.constant 7 : i32
      %add3A_137 = arith.addi %mul3A_135, %add3A_136 : i32
      %dma_start3A_138 = arith.constant 0 : i32
      %dma_start3A_139 = tpu.memref_slice %arg5[%add3A_133, %dma_start3A_138] : memref<32x128xi32, #tpu.memory_space<vmem>> -> memref<1x128xi32, #tpu.memory_space<vmem>>
      %dma_start3A_140 = tpu.memref_squeeze %dma_start3A_139 : memref<1x128xi32, #tpu.memory_space<vmem>> -> memref<128xi32, #tpu.memory_space<vmem>>
      %dma_start3A_141 = arith.constant 0 : i32
      %dma_start3A_142 = tpu.memref_slice %arg4[%add3A_137, %dma_start3A_141] : memref<32x128xi32, #tpu.memory_space<vmem>> -> memref<1x128xi32, #tpu.memory_space<vmem>>
      %dma_start3A_143 = tpu.memref_squeeze %dma_start3A_142 : memref<1x128xi32, #tpu.memory_space<vmem>> -> memref<128xi32, #tpu.memory_space<vmem>>
      %dma_start3A_144 = arith.constant 0 : i32
      %dma_start3A_145 = tpu.memref_slice %arg3[%dma_start3A_144] : memref<16908288xi32, #tpu.memory_space<hbm>> -> memref<16908288xi32, #tpu.memory_space<hbm>>
      tpu.enqueue_indirect_dma source(%dma_start3A_140 : memref<128xi32, #tpu.memory_space<vmem>>) target(%dma_start3A_145 : memref<16908288xi32, #tpu.memory_space<hbm>>) offsets(%dma_start3A_143 : memref<128xi32, #tpu.memory_space<vmem>>) semaphore(%arg6 : memref<!tpu.dma_semaphore, #tpu.memory_space<semaphore_mem>>)
      %mul3A_146 = arith.constant 16 : i32
      %mul3A_147 = arith.muli %add3A_18, %mul3A_146 : i32
      %add3A_148 = arith.constant 8 : i32
      %add3A_149 = arith.addi %mul3A_147, %add3A_148 : i32
      %mul3A_150 = arith.constant 16 : i32
      %mul3A_151 = arith.muli %add3A_18, %mul3A_150 : i32
      %add3A_152 = arith.constant 8 : i32
      %add3A_153 = arith.addi %mul3A_151, %add3A_152 : i32
      %dma_start3A_154 = arith.constant 0 : i32
      %dma_start3A_155 = tpu.memref_slice %arg5[%add3A_149, %dma_start3A_154] : memref<32x128xi32, #tpu.memory_space<vmem>> -> memref<1x128xi32, #tpu.memory_space<vmem>>
      %dma_start3A_156 = tpu.memref_squeeze %dma_start3A_155 : memref<1x128xi32, #tpu.memory_space<vmem>> -> memref<128xi32, #tpu.memory_space<vmem>>
      %dma_start3A_157 = arith.constant 0 : i32
      %dma_start3A_158 = tpu.memref_slice %arg4[%add3A_153, %dma_start3A_157] : memref<32x128xi32, #tpu.memory_space<vmem>> -> memref<1x128xi32, #tpu.memory_space<vmem>>
      %dma_start3A_159 = tpu.memref_squeeze %dma_start3A_158 : memref<1x128xi32, #tpu.memory_space<vmem>> -> memref<128xi32, #tpu.memory_space<vmem>>
      %dma_start3A_160 = arith.constant 0 : i32
      %dma_start3A_161 = tpu.memref_slice %arg3[%dma_start3A_160] : memref<16908288xi32, #tpu.memory_space<hbm>> -> memref<16908288xi32, #tpu.memory_space<hbm>>
      tpu.enqueue_indirect_dma source(%dma_start3A_156 : memref<128xi32, #tpu.memory_space<vmem>>) target(%dma_start3A_161 : memref<16908288xi32, #tpu.memory_space<hbm>>) offsets(%dma_start3A_159 : memref<128xi32, #tpu.memory_space<vmem>>) semaphore(%arg6 : memref<!tpu.dma_semaphore, #tpu.memory_space<semaphore_mem>>)
      %mul3A_162 = arith.constant 16 : i32
      %mul3A_163 = arith.muli %add3A_18, %mul3A_162 : i32
      %add3A_164 = arith.constant 9 : i32
      %add3A_165 = arith.addi %mul3A_163, %add3A_164 : i32
      %mul3A_166 = arith.constant 16 : i32
      %mul3A_167 = arith.muli %add3A_18, %mul3A_166 : i32
      %add3A_168 = arith.constant 9 : i32
      %add3A_169 = arith.addi %mul3A_167, %add3A_168 : i32
      %dma_start3A_170 = arith.constant 0 : i32
      %dma_start3A_171 = tpu.memref_slice %arg5[%add3A_165, %dma_start3A_170] : memref<32x128xi32, #tpu.memory_space<vmem>> -> memref<1x128xi32, #tpu.memory_space<vmem>>
      %dma_start3A_172 = tpu.memref_squeeze %dma_start3A_171 : memref<1x128xi32, #tpu.memory_space<vmem>> -> memref<128xi32, #tpu.memory_space<vmem>>
      %dma_start3A_173 = arith.constant 0 : i32
      %dma_start3A_174 = tpu.memref_slice %arg4[%add3A_169, %dma_start3A_173] : memref<32x128xi32, #tpu.memory_space<vmem>> -> memref<1x128xi32, #tpu.memory_space<vmem>>
      %dma_start3A_175 = tpu.memref_squeeze %dma_start3A_174 : memref<1x128xi32, #tpu.memory_space<vmem>> -> memref<128xi32, #tpu.memory_space<vmem>>
      %dma_start3A_176 = arith.constant 0 : i32
      %dma_start3A_177 = tpu.memref_slice %arg3[%dma_start3A_176] : memref<16908288xi32, #tpu.memory_space<hbm>> -> memref<16908288xi32, #tpu.memory_space<hbm>>
      tpu.enqueue_indirect_dma source(%dma_start3A_172 : memref<128xi32, #tpu.memory_space<vmem>>) target(%dma_start3A_177 : memref<16908288xi32, #tpu.memory_space<hbm>>) offsets(%dma_start3A_175 : memref<128xi32, #tpu.memory_space<vmem>>) semaphore(%arg6 : memref<!tpu.dma_semaphore, #tpu.memory_space<semaphore_mem>>)
      %mul3A_178 = arith.constant 16 : i32
      %mul3A_179 = arith.muli %add3A_18, %mul3A_178 : i32
      %add3A_180 = arith.constant 10 : i32
      %add3A_181 = arith.addi %mul3A_179, %add3A_180 : i32
      %mul3A_182 = arith.constant 16 : i32
      %mul3A_183 = arith.muli %add3A_18, %mul3A_182 : i32
      %add3A_184 = arith.constant 10 : i32
      %add3A_185 = arith.addi %mul3A_183, %add3A_184 : i32
      %dma_start3A_186 = arith.constant 0 : i32
      %dma_start3A_187 = tpu.memref_slice %arg5[%add3A_181, %dma_start3A_186] : memref<32x128xi32, #tpu.memory_space<vmem>> -> memref<1x128xi32, #tpu.memory_space<vmem>>
      %dma_start3A_188 = tpu.memref_squeeze %dma_start3A_187 : memref<1x128xi32, #tpu.memory_space<vmem>> -> memref<128xi32, #tpu.memory_space<vmem>>
      %dma_start3A_189 = arith.constant 0 : i32
      %dma_start3A_190 = tpu.memref_slice %arg4[%add3A_185, %dma_start3A_189] : memref<32x128xi32, #tpu.memory_space<vmem>> -> memref<1x128xi32, #tpu.memory_space<vmem>>
      %dma_start3A_191 = tpu.memref_squeeze %dma_start3A_190 : memref<1x128xi32, #tpu.memory_space<vmem>> -> memref<128xi32, #tpu.memory_space<vmem>>
      %dma_start3A_192 = arith.constant 0 : i32
      %dma_start3A_193 = tpu.memref_slice %arg3[%dma_start3A_192] : memref<16908288xi32, #tpu.memory_space<hbm>> -> memref<16908288xi32, #tpu.memory_space<hbm>>
      tpu.enqueue_indirect_dma source(%dma_start3A_188 : memref<128xi32, #tpu.memory_space<vmem>>) target(%dma_start3A_193 : memref<16908288xi32, #tpu.memory_space<hbm>>) offsets(%dma_start3A_191 : memref<128xi32, #tpu.memory_space<vmem>>) semaphore(%arg6 : memref<!tpu.dma_semaphore, #tpu.memory_space<semaphore_mem>>)
      %mul3A_194 = arith.constant 16 : i32
      %mul3A_195 = arith.muli %add3A_18, %mul3A_194 : i32
      %add3A_196 = arith.constant 11 : i32
      %add3A_197 = arith.addi %mul3A_195, %add3A_196 : i32
      %mul3A_198 = arith.constant 16 : i32
      %mul3A_199 = arith.muli %add3A_18, %mul3A_198 : i32
      %add3A_200 = arith.constant 11 : i32
      %add3A_201 = arith.addi %mul3A_199, %add3A_200 : i32
      %dma_start3A_202 = arith.constant 0 : i32
      %dma_start3A_203 = tpu.memref_slice %arg5[%add3A_197, %dma_start3A_202] : memref<32x128xi32, #tpu.memory_space<vmem>> -> memref<1x128xi32, #tpu.memory_space<vmem>>
      %dma_start3A_204 = tpu.memref_squeeze %dma_start3A_203 : memref<1x128xi32, #tpu.memory_space<vmem>> -> memref<128xi32, #tpu.memory_space<vmem>>
      %dma_start3A_205 = arith.constant 0 : i32
      %dma_start3A_206 = tpu.memref_slice %arg4[%add3A_201, %dma_start3A_205] : memref<32x128xi32, #tpu.memory_space<vmem>> -> memref<1x128xi32, #tpu.memory_space<vmem>>
      %dma_start3A_207 = tpu.memref_squeeze %dma_start3A_206 : memref<1x128xi32, #tpu.memory_space<vmem>> -> memref<128xi32, #tpu.memory_space<vmem>>
      %dma_start3A_208 = arith.constant 0 : i32
      %dma_start3A_209 = tpu.memref_slice %arg3[%dma_start3A_208] : memref<16908288xi32, #tpu.memory_space<hbm>> -> memref<16908288xi32, #tpu.memory_space<hbm>>
      tpu.enqueue_indirect_dma source(%dma_start3A_204 : memref<128xi32, #tpu.memory_space<vmem>>) target(%dma_start3A_209 : memref<16908288xi32, #tpu.memory_space<hbm>>) offsets(%dma_start3A_207 : memref<128xi32, #tpu.memory_space<vmem>>) semaphore(%arg6 : memref<!tpu.dma_semaphore, #tpu.memory_space<semaphore_mem>>)
      %mul3A_210 = arith.constant 16 : i32
      %mul3A_211 = arith.muli %add3A_18, %mul3A_210 : i32
      %add3A_212 = arith.constant 12 : i32
      %add3A_213 = arith.addi %mul3A_211, %add3A_212 : i32
      %mul3A_214 = arith.constant 16 : i32
      %mul3A_215 = arith.muli %add3A_18, %mul3A_214 : i32
      %add3A_216 = arith.constant 12 : i32
      %add3A_217 = arith.addi %mul3A_215, %add3A_216 : i32
      %dma_start3A_218 = arith.constant 0 : i32
      %dma_start3A_219 = tpu.memref_slice %arg5[%add3A_213, %dma_start3A_218] : memref<32x128xi32, #tpu.memory_space<vmem>> -> memref<1x128xi32, #tpu.memory_space<vmem>>
      %dma_start3A_220 = tpu.memref_squeeze %dma_start3A_219 : memref<1x128xi32, #tpu.memory_space<vmem>> -> memref<128xi32, #tpu.memory_space<vmem>>
      %dma_start3A_221 = arith.constant 0 : i32
      %dma_start3A_222 = tpu.memref_slice %arg4[%add3A_217, %dma_start3A_221] : memref<32x128xi32, #tpu.memory_space<vmem>> -> memref<1x128xi32, #tpu.memory_space<vmem>>
      %dma_start3A_223 = tpu.memref_squeeze %dma_start3A_222 : memref<1x128xi32, #tpu.memory_space<vmem>> -> memref<128xi32, #tpu.memory_space<vmem>>
      %dma_start3A_224 = arith.constant 0 : i32
      %dma_start3A_225 = tpu.memref_slice %arg3[%dma_start3A_224] : memref<16908288xi32, #tpu.memory_space<hbm>> -> memref<16908288xi32, #tpu.memory_space<hbm>>
      tpu.enqueue_indirect_dma source(%dma_start3A_220 : memref<128xi32, #tpu.memory_space<vmem>>) target(%dma_start3A_225 : memref<16908288xi32, #tpu.memory_space<hbm>>) offsets(%dma_start3A_223 : memref<128xi32, #tpu.memory_space<vmem>>) semaphore(%arg6 : memref<!tpu.dma_semaphore, #tpu.memory_space<semaphore_mem>>)
      %mul3A_226 = arith.constant 16 : i32
      %mul3A_227 = arith.muli %add3A_18, %mul3A_226 : i32
      %add3A_228 = arith.constant 13 : i32
      %add3A_229 = arith.addi %mul3A_227, %add3A_228 : i32
      %mul3A_230 = arith.constant 16 : i32
      %mul3A_231 = arith.muli %add3A_18, %mul3A_230 : i32
      %add3A_232 = arith.constant 13 : i32
      %add3A_233 = arith.addi %mul3A_231, %add3A_232 : i32
      %dma_start3A_234 = arith.constant 0 : i32
      %dma_start3A_235 = tpu.memref_slice %arg5[%add3A_229, %dma_start3A_234] : memref<32x128xi32, #tpu.memory_space<vmem>> -> memref<1x128xi32, #tpu.memory_space<vmem>>
      %dma_start3A_236 = tpu.memref_squeeze %dma_start3A_235 : memref<1x128xi32, #tpu.memory_space<vmem>> -> memref<128xi32, #tpu.memory_space<vmem>>
      %dma_start3A_237 = arith.constant 0 : i32
      %dma_start3A_238 = tpu.memref_slice %arg4[%add3A_233, %dma_start3A_237] : memref<32x128xi32, #tpu.memory_space<vmem>> -> memref<1x128xi32, #tpu.memory_space<vmem>>
      %dma_start3A_239 = tpu.memref_squeeze %dma_start3A_238 : memref<1x128xi32, #tpu.memory_space<vmem>> -> memref<128xi32, #tpu.memory_space<vmem>>
      %dma_start3A_240 = arith.constant 0 : i32
      %dma_start3A_241 = tpu.memref_slice %arg3[%dma_start3A_240] : memref<16908288xi32, #tpu.memory_space<hbm>> -> memref<16908288xi32, #tpu.memory_space<hbm>>
      tpu.enqueue_indirect_dma source(%dma_start3A_236 : memref<128xi32, #tpu.memory_space<vmem>>) target(%dma_start3A_241 : memref<16908288xi32, #tpu.memory_space<hbm>>) offsets(%dma_start3A_239 : memref<128xi32, #tpu.memory_space<vmem>>) semaphore(%arg6 : memref<!tpu.dma_semaphore, #tpu.memory_space<semaphore_mem>>)
      %mul3A_242 = arith.constant 16 : i32
      %mul3A_243 = arith.muli %add3A_18, %mul3A_242 : i32
      %add3A_244 = arith.constant 14 : i32
      %add3A_245 = arith.addi %mul3A_243, %add3A_244 : i32
      %mul3A_246 = arith.constant 16 : i32
      %mul3A_247 = arith.muli %add3A_18, %mul3A_246 : i32
      %add3A_248 = arith.constant 14 : i32
      %add3A_249 = arith.addi %mul3A_247, %add3A_248 : i32
      %dma_start3A_250 = arith.constant 0 : i32
      %dma_start3A_251 = tpu.memref_slice %arg5[%add3A_245, %dma_start3A_250] : memref<32x128xi32, #tpu.memory_space<vmem>> -> memref<1x128xi32, #tpu.memory_space<vmem>>
      %dma_start3A_252 = tpu.memref_squeeze %dma_start3A_251 : memref<1x128xi32, #tpu.memory_space<vmem>> -> memref<128xi32, #tpu.memory_space<vmem>>
      %dma_start3A_253 = arith.constant 0 : i32
      %dma_start3A_254 = tpu.memref_slice %arg4[%add3A_249, %dma_start3A_253] : memref<32x128xi32, #tpu.memory_space<vmem>> -> memref<1x128xi32, #tpu.memory_space<vmem>>
      %dma_start3A_255 = tpu.memref_squeeze %dma_start3A_254 : memref<1x128xi32, #tpu.memory_space<vmem>> -> memref<128xi32, #tpu.memory_space<vmem>>
      %dma_start3A_256 = arith.constant 0 : i32
      %dma_start3A_257 = tpu.memref_slice %arg3[%dma_start3A_256] : memref<16908288xi32, #tpu.memory_space<hbm>> -> memref<16908288xi32, #tpu.memory_space<hbm>>
      tpu.enqueue_indirect_dma source(%dma_start3A_252 : memref<128xi32, #tpu.memory_space<vmem>>) target(%dma_start3A_257 : memref<16908288xi32, #tpu.memory_space<hbm>>) offsets(%dma_start3A_255 : memref<128xi32, #tpu.memory_space<vmem>>) semaphore(%arg6 : memref<!tpu.dma_semaphore, #tpu.memory_space<semaphore_mem>>)
      %mul3A_258 = arith.constant 16 : i32
      %mul3A_259 = arith.muli %add3A_18, %mul3A_258 : i32
      %add3A_260 = arith.constant 15 : i32
      %add3A_261 = arith.addi %mul3A_259, %add3A_260 : i32
      %mul3A_262 = arith.constant 16 : i32
      %mul3A_263 = arith.muli %add3A_18, %mul3A_262 : i32
      %add3A_264 = arith.constant 15 : i32
      %add3A_265 = arith.addi %mul3A_263, %add3A_264 : i32
      %dma_start3A_266 = arith.constant 0 : i32
      %dma_start3A_267 = tpu.memref_slice %arg5[%add3A_261, %dma_start3A_266] : memref<32x128xi32, #tpu.memory_space<vmem>> -> memref<1x128xi32, #tpu.memory_space<vmem>>
      %dma_start3A_268 = tpu.memref_squeeze %dma_start3A_267 : memref<1x128xi32, #tpu.memory_space<vmem>> -> memref<128xi32, #tpu.memory_space<vmem>>
      %dma_start3A_269 = arith.constant 0 : i32
      %dma_start3A_270 = tpu.memref_slice %arg4[%add3A_265, %dma_start3A_269] : memref<32x128xi32, #tpu.memory_space<vmem>> -> memref<1x128xi32, #tpu.memory_space<vmem>>
      %dma_start3A_271 = tpu.memref_squeeze %dma_start3A_270 : memref<1x128xi32, #tpu.memory_space<vmem>> -> memref<128xi32, #tpu.memory_space<vmem>>
      %dma_start3A_272 = arith.constant 0 : i32
      %dma_start3A_273 = tpu.memref_slice %arg3[%dma_start3A_272] : memref<16908288xi32, #tpu.memory_space<hbm>> -> memref<16908288xi32, #tpu.memory_space<hbm>>
      tpu.enqueue_indirect_dma source(%dma_start3A_268 : memref<128xi32, #tpu.memory_space<vmem>>) target(%dma_start3A_273 : memref<16908288xi32, #tpu.memory_space<hbm>>) offsets(%dma_start3A_271 : memref<128xi32, #tpu.memory_space<vmem>>) semaphore(%arg6 : memref<!tpu.dma_semaphore, #tpu.memory_space<semaphore_mem>>)
      %dma_wait3A = arith.constant 0 : i32
      %dma_wait3A_274 = tpu.memref_slice %arg5[%add3A_22, %dma_wait3A] : memref<32x128xi32, #tpu.memory_space<vmem>> -> memref<1x128xi32, #tpu.memory_space<vmem>>
      %dma_wait3A_275 = tpu.memref_squeeze %dma_wait3A_274 : memref<1x128xi32, #tpu.memory_space<vmem>> -> memref<128xi32, #tpu.memory_space<vmem>>
      %dma_wait3A_276 = arith.constant 0 : i32
      %dma_wait3A_277 = tpu.memref_slice %arg4[%add3A_26, %dma_wait3A_276] : memref<32x128xi32, #tpu.memory_space<vmem>> -> memref<1x128xi32, #tpu.memory_space<vmem>>
      %dma_wait3A_278 = tpu.memref_squeeze %dma_wait3A_277 : memref<1x128xi32, #tpu.memory_space<vmem>> -> memref<128xi32, #tpu.memory_space<vmem>>
      %dma_wait3A_279 = arith.constant 0 : i32
      %dma_wait3A_280 = tpu.memref_slice %arg3[%dma_wait3A_279] : memref<16908288xi32, #tpu.memory_space<hbm>> -> memref<16908288xi32, #tpu.memory_space<hbm>>
      tpu.wait_indirect_dma semaphore(%arg6 : memref<!tpu.dma_semaphore, #tpu.memory_space<semaphore_mem>>) src(%dma_wait3A_275 : memref<128xi32, #tpu.memory_space<vmem>>) dst(%dma_wait3A_280 : memref<16908288xi32, #tpu.memory_space<hbm>>)
      %dma_wait3A_281 = arith.constant 0 : i32
      %dma_wait3A_282 = tpu.memref_slice %arg5[%add3A_37, %dma_wait3A_281] : memref<32x128xi32, #tpu.memory_space<vmem>> -> memref<1x128xi32, #tpu.memory_space<vmem>>
      %dma_wait3A_283 = tpu.memref_squeeze %dma_wait3A_282 : memref<1x128xi32, #tpu.memory_space<vmem>> -> memref<128xi32, #tpu.memory_space<vmem>>
      %dma_wait3A_284 = arith.constant 0 : i32
      %dma_wait3A_285 = tpu.memref_slice %arg4[%add3A_41, %dma_wait3A_284] : memref<32x128xi32, #tpu.memory_space<vmem>> -> memref<1x128xi32, #tpu.memory_space<vmem>>
      %dma_wait3A_286 = tpu.memref_squeeze %dma_wait3A_285 : memref<1x128xi32, #tpu.memory_space<vmem>> -> memref<128xi32, #tpu.memory_space<vmem>>
      %dma_wait3A_287 = arith.constant 0 : i32
      %dma_wait3A_288 = tpu.memref_slice %arg3[%dma_wait3A_287] : memref<16908288xi32, #tpu.memory_space<hbm>> -> memref<16908288xi32, #tpu.memory_space<hbm>>
      tpu.wait_indirect_dma semaphore(%arg6 : memref<!tpu.dma_semaphore, #tpu.memory_space<semaphore_mem>>) src(%dma_wait3A_283 : memref<128xi32, #tpu.memory_space<vmem>>) dst(%dma_wait3A_288 : memref<16908288xi32, #tpu.memory_space<hbm>>)
      %dma_wait3A_289 = arith.constant 0 : i32
      %dma_wait3A_290 = tpu.memref_slice %arg5[%add3A_53, %dma_wait3A_289] : memref<32x128xi32, #tpu.memory_space<vmem>> -> memref<1x128xi32, #tpu.memory_space<vmem>>
      %dma_wait3A_291 = tpu.memref_squeeze %dma_wait3A_290 : memref<1x128xi32, #tpu.memory_space<vmem>> -> memref<128xi32, #tpu.memory_space<vmem>>
      %dma_wait3A_292 = arith.constant 0 : i32
      %dma_wait3A_293 = tpu.memref_slice %arg4[%add3A_57, %dma_wait3A_292] : memref<32x128xi32, #tpu.memory_space<vmem>> -> memref<1x128xi32, #tpu.memory_space<vmem>>
      %dma_wait3A_294 = tpu.memref_squeeze %dma_wait3A_293 : memref<1x128xi32, #tpu.memory_space<vmem>> -> memref<128xi32, #tpu.memory_space<vmem>>
      %dma_wait3A_295 = arith.constant 0 : i32
      %dma_wait3A_296 = tpu.memref_slice %arg3[%dma_wait3A_295] : memref<16908288xi32, #tpu.memory_space<hbm>> -> memref<16908288xi32, #tpu.memory_space<hbm>>
      tpu.wait_indirect_dma semaphore(%arg6 : memref<!tpu.dma_semaphore, #tpu.memory_space<semaphore_mem>>) src(%dma_wait3A_291 : memref<128xi32, #tpu.memory_space<vmem>>) dst(%dma_wait3A_296 : memref<16908288xi32, #tpu.memory_space<hbm>>)
      %dma_wait3A_297 = arith.constant 0 : i32
      %dma_wait3A_298 = tpu.memref_slice %arg5[%add3A_69, %dma_wait3A_297] : memref<32x128xi32, #tpu.memory_space<vmem>> -> memref<1x128xi32, #tpu.memory_space<vmem>>
      %dma_wait3A_299 = tpu.memref_squeeze %dma_wait3A_298 : memref<1x128xi32, #tpu.memory_space<vmem>> -> memref<128xi32, #tpu.memory_space<vmem>>
      %dma_wait3A_300 = arith.constant 0 : i32
      %dma_wait3A_301 = tpu.memref_slice %arg4[%add3A_73, %dma_wait3A_300] : memref<32x128xi32, #tpu.memory_space<vmem>> -> memref<1x128xi32, #tpu.memory_space<vmem>>
      %dma_wait3A_302 = tpu.memref_squeeze %dma_wait3A_301 : memref<1x128xi32, #tpu.memory_space<vmem>> -> memref<128xi32, #tpu.memory_space<vmem>>
      %dma_wait3A_303 = arith.constant 0 : i32
      %dma_wait3A_304 = tpu.memref_slice %arg3[%dma_wait3A_303] : memref<16908288xi32, #tpu.memory_space<hbm>> -> memref<16908288xi32, #tpu.memory_space<hbm>>
      tpu.wait_indirect_dma semaphore(%arg6 : memref<!tpu.dma_semaphore, #tpu.memory_space<semaphore_mem>>) src(%dma_wait3A_299 : memref<128xi32, #tpu.memory_space<vmem>>) dst(%dma_wait3A_304 : memref<16908288xi32, #tpu.memory_space<hbm>>)
      %dma_wait3A_305 = arith.constant 0 : i32
      %dma_wait3A_306 = tpu.memref_slice %arg5[%add3A_85, %dma_wait3A_305] : memref<32x128xi32, #tpu.memory_space<vmem>> -> memref<1x128xi32, #tpu.memory_space<vmem>>
      %dma_wait3A_307 = tpu.memref_squeeze %dma_wait3A_306 : memref<1x128xi32, #tpu.memory_space<vmem>> -> memref<128xi32, #tpu.memory_space<vmem>>
      %dma_wait3A_308 = arith.constant 0 : i32
      %dma_wait3A_309 = tpu.memref_slice %arg4[%add3A_89, %dma_wait3A_308] : memref<32x128xi32, #tpu.memory_space<vmem>> -> memref<1x128xi32, #tpu.memory_space<vmem>>
      %dma_wait3A_310 = tpu.memref_squeeze %dma_wait3A_309 : memref<1x128xi32, #tpu.memory_space<vmem>> -> memref<128xi32, #tpu.memory_space<vmem>>
      %dma_wait3A_311 = arith.constant 0 : i32
      %dma_wait3A_312 = tpu.memref_slice %arg3[%dma_wait3A_311] : memref<16908288xi32, #tpu.memory_space<hbm>> -> memref<16908288xi32, #tpu.memory_space<hbm>>
      tpu.wait_indirect_dma semaphore(%arg6 : memref<!tpu.dma_semaphore, #tpu.memory_space<semaphore_mem>>) src(%dma_wait3A_307 : memref<128xi32, #tpu.memory_space<vmem>>) dst(%dma_wait3A_312 : memref<16908288xi32, #tpu.memory_space<hbm>>)
      %dma_wait3A_313 = arith.constant 0 : i32
      %dma_wait3A_314 = tpu.memref_slice %arg5[%add3A_101, %dma_wait3A_313] : memref<32x128xi32, #tpu.memory_space<vmem>> -> memref<1x128xi32, #tpu.memory_space<vmem>>
      %dma_wait3A_315 = tpu.memref_squeeze %dma_wait3A_314 : memref<1x128xi32, #tpu.memory_space<vmem>> -> memref<128xi32, #tpu.memory_space<vmem>>
      %dma_wait3A_316 = arith.constant 0 : i32
      %dma_wait3A_317 = tpu.memref_slice %arg4[%add3A_105, %dma_wait3A_316] : memref<32x128xi32, #tpu.memory_space<vmem>> -> memref<1x128xi32, #tpu.memory_space<vmem>>
      %dma_wait3A_318 = tpu.memref_squeeze %dma_wait3A_317 : memref<1x128xi32, #tpu.memory_space<vmem>> -> memref<128xi32, #tpu.memory_space<vmem>>
      %dma_wait3A_319 = arith.constant 0 : i32
      %dma_wait3A_320 = tpu.memref_slice %arg3[%dma_wait3A_319] : memref<16908288xi32, #tpu.memory_space<hbm>> -> memref<16908288xi32, #tpu.memory_space<hbm>>
      tpu.wait_indirect_dma semaphore(%arg6 : memref<!tpu.dma_semaphore, #tpu.memory_space<semaphore_mem>>) src(%dma_wait3A_315 : memref<128xi32, #tpu.memory_space<vmem>>) dst(%dma_wait3A_320 : memref<16908288xi32, #tpu.memory_space<hbm>>)
      %dma_wait3A_321 = arith.constant 0 : i32
      %dma_wait3A_322 = tpu.memref_slice %arg5[%add3A_117, %dma_wait3A_321] : memref<32x128xi32, #tpu.memory_space<vmem>> -> memref<1x128xi32, #tpu.memory_space<vmem>>
      %dma_wait3A_323 = tpu.memref_squeeze %dma_wait3A_322 : memref<1x128xi32, #tpu.memory_space<vmem>> -> memref<128xi32, #tpu.memory_space<vmem>>
      %dma_wait3A_324 = arith.constant 0 : i32
      %dma_wait3A_325 = tpu.memref_slice %arg4[%add3A_121, %dma_wait3A_324] : memref<32x128xi32, #tpu.memory_space<vmem>> -> memref<1x128xi32, #tpu.memory_space<vmem>>
      %dma_wait3A_326 = tpu.memref_squeeze %dma_wait3A_325 : memref<1x128xi32, #tpu.memory_space<vmem>> -> memref<128xi32, #tpu.memory_space<vmem>>
      %dma_wait3A_327 = arith.constant 0 : i32
      %dma_wait3A_328 = tpu.memref_slice %arg3[%dma_wait3A_327] : memref<16908288xi32, #tpu.memory_space<hbm>> -> memref<16908288xi32, #tpu.memory_space<hbm>>
      tpu.wait_indirect_dma semaphore(%arg6 : memref<!tpu.dma_semaphore, #tpu.memory_space<semaphore_mem>>) src(%dma_wait3A_323 : memref<128xi32, #tpu.memory_space<vmem>>) dst(%dma_wait3A_328 : memref<16908288xi32, #tpu.memory_space<hbm>>)
      %dma_wait3A_329 = arith.constant 0 : i32
      %dma_wait3A_330 = tpu.memref_slice %arg5[%add3A_133, %dma_wait3A_329] : memref<32x128xi32, #tpu.memory_space<vmem>> -> memref<1x128xi32, #tpu.memory_space<vmem>>
      %dma_wait3A_331 = tpu.memref_squeeze %dma_wait3A_330 : memref<1x128xi32, #tpu.memory_space<vmem>> -> memref<128xi32, #tpu.memory_space<vmem>>
      %dma_wait3A_332 = arith.constant 0 : i32
      %dma_wait3A_333 = tpu.memref_slice %arg4[%add3A_137, %dma_wait3A_332] : memref<32x128xi32, #tpu.memory_space<vmem>> -> memref<1x128xi32, #tpu.memory_space<vmem>>
      %dma_wait3A_334 = tpu.memref_squeeze %dma_wait3A_333 : memref<1x128xi32, #tpu.memory_space<vmem>> -> memref<128xi32, #tpu.memory_space<vmem>>
      %dma_wait3A_335 = arith.constant 0 : i32
      %dma_wait3A_336 = tpu.memref_slice %arg3[%dma_wait3A_335] : memref<16908288xi32, #tpu.memory_space<hbm>> -> memref<16908288xi32, #tpu.memory_space<hbm>>
      tpu.wait_indirect_dma semaphore(%arg6 : memref<!tpu.dma_semaphore, #tpu.memory_space<semaphore_mem>>) src(%dma_wait3A_331 : memref<128xi32, #tpu.memory_space<vmem>>) dst(%dma_wait3A_336 : memref<16908288xi32, #tpu.memory_space<hbm>>)
      %dma_wait3A_337 = arith.constant 0 : i32
      %dma_wait3A_338 = tpu.memref_slice %arg5[%add3A_149, %dma_wait3A_337] : memref<32x128xi32, #tpu.memory_space<vmem>> -> memref<1x128xi32, #tpu.memory_space<vmem>>
      %dma_wait3A_339 = tpu.memref_squeeze %dma_wait3A_338 : memref<1x128xi32, #tpu.memory_space<vmem>> -> memref<128xi32, #tpu.memory_space<vmem>>
      %dma_wait3A_340 = arith.constant 0 : i32
      %dma_wait3A_341 = tpu.memref_slice %arg4[%add3A_153, %dma_wait3A_340] : memref<32x128xi32, #tpu.memory_space<vmem>> -> memref<1x128xi32, #tpu.memory_space<vmem>>
      %dma_wait3A_342 = tpu.memref_squeeze %dma_wait3A_341 : memref<1x128xi32, #tpu.memory_space<vmem>> -> memref<128xi32, #tpu.memory_space<vmem>>
      %dma_wait3A_343 = arith.constant 0 : i32
      %dma_wait3A_344 = tpu.memref_slice %arg3[%dma_wait3A_343] : memref<16908288xi32, #tpu.memory_space<hbm>> -> memref<16908288xi32, #tpu.memory_space<hbm>>
      tpu.wait_indirect_dma semaphore(%arg6 : memref<!tpu.dma_semaphore, #tpu.memory_space<semaphore_mem>>) src(%dma_wait3A_339 : memref<128xi32, #tpu.memory_space<vmem>>) dst(%dma_wait3A_344 : memref<16908288xi32, #tpu.memory_space<hbm>>)
      %dma_wait3A_345 = arith.constant 0 : i32
      %dma_wait3A_346 = tpu.memref_slice %arg5[%add3A_165, %dma_wait3A_345] : memref<32x128xi32, #tpu.memory_space<vmem>> -> memref<1x128xi32, #tpu.memory_space<vmem>>
      %dma_wait3A_347 = tpu.memref_squeeze %dma_wait3A_346 : memref<1x128xi32, #tpu.memory_space<vmem>> -> memref<128xi32, #tpu.memory_space<vmem>>
      %dma_wait3A_348 = arith.constant 0 : i32
      %dma_wait3A_349 = tpu.memref_slice %arg4[%add3A_169, %dma_wait3A_348] : memref<32x128xi32, #tpu.memory_space<vmem>> -> memref<1x128xi32, #tpu.memory_space<vmem>>
      %dma_wait3A_350 = tpu.memref_squeeze %dma_wait3A_349 : memref<1x128xi32, #tpu.memory_space<vmem>> -> memref<128xi32, #tpu.memory_space<vmem>>
      %dma_wait3A_351 = arith.constant 0 : i32
      %dma_wait3A_352 = tpu.memref_slice %arg3[%dma_wait3A_351] : memref<16908288xi32, #tpu.memory_space<hbm>> -> memref<16908288xi32, #tpu.memory_space<hbm>>
      tpu.wait_indirect_dma semaphore(%arg6 : memref<!tpu.dma_semaphore, #tpu.memory_space<semaphore_mem>>) src(%dma_wait3A_347 : memref<128xi32, #tpu.memory_space<vmem>>) dst(%dma_wait3A_352 : memref<16908288xi32, #tpu.memory_space<hbm>>)
      %dma_wait3A_353 = arith.constant 0 : i32
      %dma_wait3A_354 = tpu.memref_slice %arg5[%add3A_181, %dma_wait3A_353] : memref<32x128xi32, #tpu.memory_space<vmem>> -> memref<1x128xi32, #tpu.memory_space<vmem>>
      %dma_wait3A_355 = tpu.memref_squeeze %dma_wait3A_354 : memref<1x128xi32, #tpu.memory_space<vmem>> -> memref<128xi32, #tpu.memory_space<vmem>>
      %dma_wait3A_356 = arith.constant 0 : i32
      %dma_wait3A_357 = tpu.memref_slice %arg4[%add3A_185, %dma_wait3A_356] : memref<32x128xi32, #tpu.memory_space<vmem>> -> memref<1x128xi32, #tpu.memory_space<vmem>>
      %dma_wait3A_358 = tpu.memref_squeeze %dma_wait3A_357 : memref<1x128xi32, #tpu.memory_space<vmem>> -> memref<128xi32, #tpu.memory_space<vmem>>
      %dma_wait3A_359 = arith.constant 0 : i32
      %dma_wait3A_360 = tpu.memref_slice %arg3[%dma_wait3A_359] : memref<16908288xi32, #tpu.memory_space<hbm>> -> memref<16908288xi32, #tpu.memory_space<hbm>>
      tpu.wait_indirect_dma semaphore(%arg6 : memref<!tpu.dma_semaphore, #tpu.memory_space<semaphore_mem>>) src(%dma_wait3A_355 : memref<128xi32, #tpu.memory_space<vmem>>) dst(%dma_wait3A_360 : memref<16908288xi32, #tpu.memory_space<hbm>>)
      %dma_wait3A_361 = arith.constant 0 : i32
      %dma_wait3A_362 = tpu.memref_slice %arg5[%add3A_197, %dma_wait3A_361] : memref<32x128xi32, #tpu.memory_space<vmem>> -> memref<1x128xi32, #tpu.memory_space<vmem>>
      %dma_wait3A_363 = tpu.memref_squeeze %dma_wait3A_362 : memref<1x128xi32, #tpu.memory_space<vmem>> -> memref<128xi32, #tpu.memory_space<vmem>>
      %dma_wait3A_364 = arith.constant 0 : i32
      %dma_wait3A_365 = tpu.memref_slice %arg4[%add3A_201, %dma_wait3A_364] : memref<32x128xi32, #tpu.memory_space<vmem>> -> memref<1x128xi32, #tpu.memory_space<vmem>>
      %dma_wait3A_366 = tpu.memref_squeeze %dma_wait3A_365 : memref<1x128xi32, #tpu.memory_space<vmem>> -> memref<128xi32, #tpu.memory_space<vmem>>
      %dma_wait3A_367 = arith.constant 0 : i32
      %dma_wait3A_368 = tpu.memref_slice %arg3[%dma_wait3A_367] : memref<16908288xi32, #tpu.memory_space<hbm>> -> memref<16908288xi32, #tpu.memory_space<hbm>>
      tpu.wait_indirect_dma semaphore(%arg6 : memref<!tpu.dma_semaphore, #tpu.memory_space<semaphore_mem>>) src(%dma_wait3A_363 : memref<128xi32, #tpu.memory_space<vmem>>) dst(%dma_wait3A_368 : memref<16908288xi32, #tpu.memory_space<hbm>>)
      %dma_wait3A_369 = arith.constant 0 : i32
      %dma_wait3A_370 = tpu.memref_slice %arg5[%add3A_213, %dma_wait3A_369] : memref<32x128xi32, #tpu.memory_space<vmem>> -> memref<1x128xi32, #tpu.memory_space<vmem>>
      %dma_wait3A_371 = tpu.memref_squeeze %dma_wait3A_370 : memref<1x128xi32, #tpu.memory_space<vmem>> -> memref<128xi32, #tpu.memory_space<vmem>>
      %dma_wait3A_372 = arith.constant 0 : i32
      %dma_wait3A_373 = tpu.memref_slice %arg4[%add3A_217, %dma_wait3A_372] : memref<32x128xi32, #tpu.memory_space<vmem>> -> memref<1x128xi32, #tpu.memory_space<vmem>>
      %dma_wait3A_374 = tpu.memref_squeeze %dma_wait3A_373 : memref<1x128xi32, #tpu.memory_space<vmem>> -> memref<128xi32, #tpu.memory_space<vmem>>
      %dma_wait3A_375 = arith.constant 0 : i32
      %dma_wait3A_376 = tpu.memref_slice %arg3[%dma_wait3A_375] : memref<16908288xi32, #tpu.memory_space<hbm>> -> memref<16908288xi32, #tpu.memory_space<hbm>>
      tpu.wait_indirect_dma semaphore(%arg6 : memref<!tpu.dma_semaphore, #tpu.memory_space<semaphore_mem>>) src(%dma_wait3A_371 : memref<128xi32, #tpu.memory_space<vmem>>) dst(%dma_wait3A_376 : memref<16908288xi32, #tpu.memory_space<hbm>>)
      %dma_wait3A_377 = arith.constant 0 : i32
      %dma_wait3A_378 = tpu.memref_slice %arg5[%add3A_229, %dma_wait3A_377] : memref<32x128xi32, #tpu.memory_space<vmem>> -> memref<1x128xi32, #tpu.memory_space<vmem>>
      %dma_wait3A_379 = tpu.memref_squeeze %dma_wait3A_378 : memref<1x128xi32, #tpu.memory_space<vmem>> -> memref<128xi32, #tpu.memory_space<vmem>>
      %dma_wait3A_380 = arith.constant 0 : i32
      %dma_wait3A_381 = tpu.memref_slice %arg4[%add3A_233, %dma_wait3A_380] : memref<32x128xi32, #tpu.memory_space<vmem>> -> memref<1x128xi32, #tpu.memory_space<vmem>>
      %dma_wait3A_382 = tpu.memref_squeeze %dma_wait3A_381 : memref<1x128xi32, #tpu.memory_space<vmem>> -> memref<128xi32, #tpu.memory_space<vmem>>
      %dma_wait3A_383 = arith.constant 0 : i32
      %dma_wait3A_384 = tpu.memref_slice %arg3[%dma_wait3A_383] : memref<16908288xi32, #tpu.memory_space<hbm>> -> memref<16908288xi32, #tpu.memory_space<hbm>>
      tpu.wait_indirect_dma semaphore(%arg6 : memref<!tpu.dma_semaphore, #tpu.memory_space<semaphore_mem>>) src(%dma_wait3A_379 : memref<128xi32, #tpu.memory_space<vmem>>) dst(%dma_wait3A_384 : memref<16908288xi32, #tpu.memory_space<hbm>>)
      %dma_wait3A_385 = arith.constant 0 : i32
      %dma_wait3A_386 = tpu.memref_slice %arg5[%add3A_245, %dma_wait3A_385] : memref<32x128xi32, #tpu.memory_space<vmem>> -> memref<1x128xi32, #tpu.memory_space<vmem>>
      %dma_wait3A_387 = tpu.memref_squeeze %dma_wait3A_386 : memref<1x128xi32, #tpu.memory_space<vmem>> -> memref<128xi32, #tpu.memory_space<vmem>>
      %dma_wait3A_388 = arith.constant 0 : i32
      %dma_wait3A_389 = tpu.memref_slice %arg4[%add3A_249, %dma_wait3A_388] : memref<32x128xi32, #tpu.memory_space<vmem>> -> memref<1x128xi32, #tpu.memory_space<vmem>>
      %dma_wait3A_390 = tpu.memref_squeeze %dma_wait3A_389 : memref<1x128xi32, #tpu.memory_space<vmem>> -> memref<128xi32, #tpu.memory_space<vmem>>
      %dma_wait3A_391 = arith.constant 0 : i32
      %dma_wait3A_392 = tpu.memref_slice %arg3[%dma_wait3A_391] : memref<16908288xi32, #tpu.memory_space<hbm>> -> memref<16908288xi32, #tpu.memory_space<hbm>>
      tpu.wait_indirect_dma semaphore(%arg6 : memref<!tpu.dma_semaphore, #tpu.memory_space<semaphore_mem>>) src(%dma_wait3A_387 : memref<128xi32, #tpu.memory_space<vmem>>) dst(%dma_wait3A_392 : memref<16908288xi32, #tpu.memory_space<hbm>>)
      %dma_wait3A_393 = arith.constant 0 : i32
      %dma_wait3A_394 = tpu.memref_slice %arg5[%add3A_261, %dma_wait3A_393] : memref<32x128xi32, #tpu.memory_space<vmem>> -> memref<1x128xi32, #tpu.memory_space<vmem>>
      %dma_wait3A_395 = tpu.memref_squeeze %dma_wait3A_394 : memref<1x128xi32, #tpu.memory_space<vmem>> -> memref<128xi32, #tpu.memory_space<vmem>>
      %dma_wait3A_396 = arith.constant 0 : i32
      %dma_wait3A_397 = tpu.memref_slice %arg4[%add3A_265, %dma_wait3A_396] : memref<32x128xi32, #tpu.memory_space<vmem>> -> memref<1x128xi32, #tpu.memory_space<vmem>>
      %dma_wait3A_398 = tpu.memref_squeeze %dma_wait3A_397 : memref<1x128xi32, #tpu.memory_space<vmem>> -> memref<128xi32, #tpu.memory_space<vmem>>
      %dma_wait3A_399 = arith.constant 0 : i32
      %dma_wait3A_400 = tpu.memref_slice %arg3[%dma_wait3A_399] : memref<16908288xi32, #tpu.memory_space<hbm>> -> memref<16908288xi32, #tpu.memory_space<hbm>>
      tpu.wait_indirect_dma semaphore(%arg6 : memref<!tpu.dma_semaphore, #tpu.memory_space<semaphore_mem>>) src(%dma_wait3A_395 : memref<128xi32, #tpu.memory_space<vmem>>) dst(%dma_wait3A_400 : memref<16908288xi32, #tpu.memory_space<hbm>>)
    }
    %scan3A_13 = arith.constant 2 : i32
    return
  }
}

#map = affine_map<(d0, d1) -> (0, 0)>
#map1 = affine_map<(d0, d1) -> (0)>
module attributes {stable_mosaic.version = 14 : i64} {
  func.func @_dedup_c(%arg0: i32, %arg1: i32, %arg2: memref<1024x128xi32, #tpu.memory_space<hbm>>, %arg3: memref<131072xi32, #tpu.memory_space<hbm>>, %arg4: memref<1024x128xi32, #tpu.memory_space<hbm>>, %arg5: memref<16908288xi32, #tpu.memory_space<hbm>>, %arg6: memref<1024x128xi32, #tpu.memory_space<hbm>>, %arg7: memref<32x128xi32, #tpu.memory_space<vmem>>, %arg8: memref<32x128xi32, #tpu.memory_space<vmem>>, %arg9: memref<32x128xi32, #tpu.memory_space<vmem>>, %arg10: memref<32x128xi32, #tpu.memory_space<vmem>>, %arg11: memref<32x128xi32, #tpu.memory_space<vmem>>, %arg12: memref<!tpu.dma_semaphore, #tpu.memory_space<semaphore_mem>>) attributes {dimension_semantics = [#tpu.dimension_semantics<core_parallel>, #tpu.dimension_semantics<subcore_parallel>], iteration_bounds = array<i64: 2, 16>, scalar_prefetch = 0 : i64, scratch_operands = 6 : i64, tpu.core_type = #tpu.core_type<sc_vector_subcore>, window_params = [{transform_indices = #map}, {transform_indices = #map1}, {transform_indices = #map}, {transform_indices = #map1}, {transform_indices = #map}]} {
    %mul3A = arith.constant 2 : i32
    %mul3A_0 = arith.muli %arg1, %mul3A : i32
    %add3A = arith.addi %mul3A_0, %arg0 : i32
    %mul3A_1 = arith.constant 32 : i32
    %mul3A_2 = arith.muli %add3A, %mul3A_1 : i32
    "tpu.region"() ({
      %run_scoped3A = tpu.sem_alloc : memref<!tpu.dma_semaphore, #tpu.memory_space<semaphore_mem>>
      %dma_start3A = arith.constant 0 : i32
      %dma_start3A_28 = tpu.memref_slice %arg2[%mul3A_2, %dma_start3A] : memref<1024x128xi32, #tpu.memory_space<hbm>> -> memref<32x128xi32, #tpu.memory_space<hbm>>
      %dma_start3A_29 = arith.constant 0 : i32
      %dma_start3A_30 = tpu.memref_slice %arg2[%mul3A_2, %dma_start3A_29] : memref<1024x128xi32, #tpu.memory_space<hbm>> -> memref<32x128xi32, #tpu.memory_space<hbm>>
      tpu.enqueue_dma source(%dma_start3A_30 : memref<32x128xi32, #tpu.memory_space<hbm>>) target(%arg7 : memref<32x128xi32, #tpu.memory_space<vmem>>) target_semaphore(%run_scoped3A : memref<!tpu.dma_semaphore, #tpu.memory_space<semaphore_mem>>)
      %dma_wait3A = arith.constant 0 : i32
      %dma_wait3A_31 = tpu.memref_slice %arg2[%mul3A_2, %dma_wait3A] : memref<1024x128xi32, #tpu.memory_space<hbm>> -> memref<32x128xi32, #tpu.memory_space<hbm>>
      %dma_wait3A_32 = arith.constant 0 : i32
      %dma_wait3A_33 = tpu.memref_slice %arg2[%mul3A_2, %dma_wait3A_32] : memref<1024x128xi32, #tpu.memory_space<hbm>> -> memref<32x128xi32, #tpu.memory_space<hbm>>
      tpu.wait_dma2 semaphore(%run_scoped3A : memref<!tpu.dma_semaphore, #tpu.memory_space<semaphore_mem>>) src(%dma_wait3A_33 : memref<32x128xi32, #tpu.memory_space<hbm>>) dst(%arg7 : memref<32x128xi32, #tpu.memory_space<vmem>>)
      tpu.yield
    }) : () -> ()
    %mul3A_3 = arith.constant 32 : i32
    %mul3A_4 = arith.muli %add3A, %mul3A_3 : i32
    "tpu.region"() ({
      %run_scoped3A = tpu.sem_alloc : memref<!tpu.dma_semaphore, #tpu.memory_space<semaphore_mem>>
      %dma_start3A = arith.constant 0 : i32
      %dma_start3A_28 = tpu.memref_slice %arg4[%mul3A_4, %dma_start3A] : memref<1024x128xi32, #tpu.memory_space<hbm>> -> memref<32x128xi32, #tpu.memory_space<hbm>>
      %dma_start3A_29 = arith.constant 0 : i32
      %dma_start3A_30 = tpu.memref_slice %arg4[%mul3A_4, %dma_start3A_29] : memref<1024x128xi32, #tpu.memory_space<hbm>> -> memref<32x128xi32, #tpu.memory_space<hbm>>
      tpu.enqueue_dma source(%dma_start3A_30 : memref<32x128xi32, #tpu.memory_space<hbm>>) target(%arg8 : memref<32x128xi32, #tpu.memory_space<vmem>>) target_semaphore(%run_scoped3A : memref<!tpu.dma_semaphore, #tpu.memory_space<semaphore_mem>>)
      %dma_wait3A = arith.constant 0 : i32
      %dma_wait3A_31 = tpu.memref_slice %arg4[%mul3A_4, %dma_wait3A] : memref<1024x128xi32, #tpu.memory_space<hbm>> -> memref<32x128xi32, #tpu.memory_space<hbm>>
      %dma_wait3A_32 = arith.constant 0 : i32
      %dma_wait3A_33 = tpu.memref_slice %arg4[%mul3A_4, %dma_wait3A_32] : memref<1024x128xi32, #tpu.memory_space<hbm>> -> memref<32x128xi32, #tpu.memory_space<hbm>>
      tpu.wait_dma2 semaphore(%run_scoped3A : memref<!tpu.dma_semaphore, #tpu.memory_space<semaphore_mem>>) src(%dma_wait3A_33 : memref<32x128xi32, #tpu.memory_space<hbm>>) dst(%arg8 : memref<32x128xi32, #tpu.memory_space<vmem>>)
      tpu.yield
    }) : () -> ()
    %scan3A = arith.constant 0 : i32
    %scan3A_5 = arith.constant 2 : i32
    %scan3A_6 = arith.addi %scan3A, %scan3A_5 : i32
    %scan3A_7 = arith.constant 1 : i32
    scf.for %scan3A_28 = %scan3A to %scan3A_6 step %scan3A_7  : i32 {
      %mul3A_29 = arith.constant 1 : i32
      %mul3A_30 = arith.muli %scan3A_28, %mul3A_29 : i32
      %add3A_31 = arith.constant 0 : i32
      %add3A_32 = arith.addi %add3A_31, %mul3A_30 : i32
      %mul3A_33 = arith.constant 16 : i32
      %mul3A_34 = arith.muli %add3A_32, %mul3A_33 : i32
      %add3A_35 = arith.constant 0 : i32
      %add3A_36 = arith.addi %mul3A_34, %add3A_35 : i32
      %mul3A_37 = arith.constant 16 : i32
      %mul3A_38 = arith.muli %add3A_32, %mul3A_37 : i32
      %add3A_39 = arith.constant 0 : i32
      %add3A_40 = arith.addi %mul3A_38, %add3A_39 : i32
      %dma_start3A = arith.constant 0 : i32
      %dma_start3A_41 = tpu.memref_slice %arg9[%add3A_40, %dma_start3A] : memref<32x128xi32, #tpu.memory_space<vmem>> -> memref<1x128xi32, #tpu.memory_space<vmem>>
      %dma_start3A_42 = tpu.memref_squeeze %dma_start3A_41 : memref<1x128xi32, #tpu.memory_space<vmem>> -> memref<128xi32, #tpu.memory_space<vmem>>
      %dma_start3A_43 = arith.constant 0 : i32
      %dma_start3A_44 = tpu.memref_slice %arg7[%add3A_36, %dma_start3A_43] : memref<32x128xi32, #tpu.memory_space<vmem>> -> memref<1x128xi32, #tpu.memory_space<vmem>>
      %dma_start3A_45 = tpu.memref_squeeze %dma_start3A_44 : memref<1x128xi32, #tpu.memory_space<vmem>> -> memref<128xi32, #tpu.memory_space<vmem>>
      %dma_start3A_46 = arith.constant 0 : i32
      %dma_start3A_47 = tpu.memref_slice %arg5[%dma_start3A_46] : memref<16908288xi32, #tpu.memory_space<hbm>> -> memref<16908288xi32, #tpu.memory_space<hbm>>
      tpu.enqueue_indirect_dma source(%dma_start3A_47 : memref<16908288xi32, #tpu.memory_space<hbm>>) target(%dma_start3A_42 : memref<128xi32, #tpu.memory_space<vmem>>) offsets(%dma_start3A_45 : memref<128xi32, #tpu.memory_space<vmem>>) semaphore(%arg12 : memref<!tpu.dma_semaphore, #tpu.memory_space<semaphore_mem>>)
      %mul3A_48 = arith.constant 16 : i32
      %mul3A_49 = arith.muli %add3A_32, %mul3A_48 : i32
      %add3A_50 = arith.constant 1 : i32
      %add3A_51 = arith.addi %mul3A_49, %add3A_50 : i32
      %mul3A_52 = arith.constant 16 : i32
      %mul3A_53 = arith.muli %add3A_32, %mul3A_52 : i32
      %add3A_54 = arith.constant 1 : i32
      %add3A_55 = arith.addi %mul3A_53, %add3A_54 : i32
      %dma_start3A_56 = arith.constant 0 : i32
      %dma_start3A_57 = tpu.memref_slice %arg9[%add3A_55, %dma_start3A_56] : memref<32x128xi32, #tpu.memory_space<vmem>> -> memref<1x128xi32, #tpu.memory_space<vmem>>
      %dma_start3A_58 = tpu.memref_squeeze %dma_start3A_57 : memref<1x128xi32, #tpu.memory_space<vmem>> -> memref<128xi32, #tpu.memory_space<vmem>>
      %dma_start3A_59 = arith.constant 0 : i32
      %dma_start3A_60 = tpu.memref_slice %arg7[%add3A_51, %dma_start3A_59] : memref<32x128xi32, #tpu.memory_space<vmem>> -> memref<1x128xi32, #tpu.memory_space<vmem>>
      %dma_start3A_61 = tpu.memref_squeeze %dma_start3A_60 : memref<1x128xi32, #tpu.memory_space<vmem>> -> memref<128xi32, #tpu.memory_space<vmem>>
      %dma_start3A_62 = arith.constant 0 : i32
      %dma_start3A_63 = tpu.memref_slice %arg5[%dma_start3A_62] : memref<16908288xi32, #tpu.memory_space<hbm>> -> memref<16908288xi32, #tpu.memory_space<hbm>>
      tpu.enqueue_indirect_dma source(%dma_start3A_63 : memref<16908288xi32, #tpu.memory_space<hbm>>) target(%dma_start3A_58 : memref<128xi32, #tpu.memory_space<vmem>>) offsets(%dma_start3A_61 : memref<128xi32, #tpu.memory_space<vmem>>) semaphore(%arg12 : memref<!tpu.dma_semaphore, #tpu.memory_space<semaphore_mem>>)
      %mul3A_64 = arith.constant 16 : i32
      %mul3A_65 = arith.muli %add3A_32, %mul3A_64 : i32
      %add3A_66 = arith.constant 2 : i32
      %add3A_67 = arith.addi %mul3A_65, %add3A_66 : i32
      %mul3A_68 = arith.constant 16 : i32
      %mul3A_69 = arith.muli %add3A_32, %mul3A_68 : i32
      %add3A_70 = arith.constant 2 : i32
      %add3A_71 = arith.addi %mul3A_69, %add3A_70 : i32
      %dma_start3A_72 = arith.constant 0 : i32
      %dma_start3A_73 = tpu.memref_slice %arg9[%add3A_71, %dma_start3A_72] : memref<32x128xi32, #tpu.memory_space<vmem>> -> memref<1x128xi32, #tpu.memory_space<vmem>>
      %dma_start3A_74 = tpu.memref_squeeze %dma_start3A_73 : memref<1x128xi32, #tpu.memory_space<vmem>> -> memref<128xi32, #tpu.memory_space<vmem>>
      %dma_start3A_75 = arith.constant 0 : i32
      %dma_start3A_76 = tpu.memref_slice %arg7[%add3A_67, %dma_start3A_75] : memref<32x128xi32, #tpu.memory_space<vmem>> -> memref<1x128xi32, #tpu.memory_space<vmem>>
      %dma_start3A_77 = tpu.memref_squeeze %dma_start3A_76 : memref<1x128xi32, #tpu.memory_space<vmem>> -> memref<128xi32, #tpu.memory_space<vmem>>
      %dma_start3A_78 = arith.constant 0 : i32
      %dma_start3A_79 = tpu.memref_slice %arg5[%dma_start3A_78] : memref<16908288xi32, #tpu.memory_space<hbm>> -> memref<16908288xi32, #tpu.memory_space<hbm>>
      tpu.enqueue_indirect_dma source(%dma_start3A_79 : memref<16908288xi32, #tpu.memory_space<hbm>>) target(%dma_start3A_74 : memref<128xi32, #tpu.memory_space<vmem>>) offsets(%dma_start3A_77 : memref<128xi32, #tpu.memory_space<vmem>>) semaphore(%arg12 : memref<!tpu.dma_semaphore, #tpu.memory_space<semaphore_mem>>)
      %mul3A_80 = arith.constant 16 : i32
      %mul3A_81 = arith.muli %add3A_32, %mul3A_80 : i32
      %add3A_82 = arith.constant 3 : i32
      %add3A_83 = arith.addi %mul3A_81, %add3A_82 : i32
      %mul3A_84 = arith.constant 16 : i32
      %mul3A_85 = arith.muli %add3A_32, %mul3A_84 : i32
      %add3A_86 = arith.constant 3 : i32
      %add3A_87 = arith.addi %mul3A_85, %add3A_86 : i32
      %dma_start3A_88 = arith.constant 0 : i32
      %dma_start3A_89 = tpu.memref_slice %arg9[%add3A_87, %dma_start3A_88] : memref<32x128xi32, #tpu.memory_space<vmem>> -> memref<1x128xi32, #tpu.memory_space<vmem>>
      %dma_start3A_90 = tpu.memref_squeeze %dma_start3A_89 : memref<1x128xi32, #tpu.memory_space<vmem>> -> memref<128xi32, #tpu.memory_space<vmem>>
      %dma_start3A_91 = arith.constant 0 : i32
      %dma_start3A_92 = tpu.memref_slice %arg7[%add3A_83, %dma_start3A_91] : memref<32x128xi32, #tpu.memory_space<vmem>> -> memref<1x128xi32, #tpu.memory_space<vmem>>
      %dma_start3A_93 = tpu.memref_squeeze %dma_start3A_92 : memref<1x128xi32, #tpu.memory_space<vmem>> -> memref<128xi32, #tpu.memory_space<vmem>>
      %dma_start3A_94 = arith.constant 0 : i32
      %dma_start3A_95 = tpu.memref_slice %arg5[%dma_start3A_94] : memref<16908288xi32, #tpu.memory_space<hbm>> -> memref<16908288xi32, #tpu.memory_space<hbm>>
      tpu.enqueue_indirect_dma source(%dma_start3A_95 : memref<16908288xi32, #tpu.memory_space<hbm>>) target(%dma_start3A_90 : memref<128xi32, #tpu.memory_space<vmem>>) offsets(%dma_start3A_93 : memref<128xi32, #tpu.memory_space<vmem>>) semaphore(%arg12 : memref<!tpu.dma_semaphore, #tpu.memory_space<semaphore_mem>>)
      %mul3A_96 = arith.constant 16 : i32
      %mul3A_97 = arith.muli %add3A_32, %mul3A_96 : i32
      %add3A_98 = arith.constant 4 : i32
      %add3A_99 = arith.addi %mul3A_97, %add3A_98 : i32
      %mul3A_100 = arith.constant 16 : i32
      %mul3A_101 = arith.muli %add3A_32, %mul3A_100 : i32
      %add3A_102 = arith.constant 4 : i32
      %add3A_103 = arith.addi %mul3A_101, %add3A_102 : i32
      %dma_start3A_104 = arith.constant 0 : i32
      %dma_start3A_105 = tpu.memref_slice %arg9[%add3A_103, %dma_start3A_104] : memref<32x128xi32, #tpu.memory_space<vmem>> -> memref<1x128xi32, #tpu.memory_space<vmem>>
      %dma_start3A_106 = tpu.memref_squeeze %dma_start3A_105 : memref<1x128xi32, #tpu.memory_space<vmem>> -> memref<128xi32, #tpu.memory_space<vmem>>
      %dma_start3A_107 = arith.constant 0 : i32
      %dma_start3A_108 = tpu.memref_slice %arg7[%add3A_99, %dma_start3A_107] : memref<32x128xi32, #tpu.memory_space<vmem>> -> memref<1x128xi32, #tpu.memory_space<vmem>>
      %dma_start3A_109 = tpu.memref_squeeze %dma_start3A_108 : memref<1x128xi32, #tpu.memory_space<vmem>> -> memref<128xi32, #tpu.memory_space<vmem>>
      %dma_start3A_110 = arith.constant 0 : i32
      %dma_start3A_111 = tpu.memref_slice %arg5[%dma_start3A_110] : memref<16908288xi32, #tpu.memory_space<hbm>> -> memref<16908288xi32, #tpu.memory_space<hbm>>
      tpu.enqueue_indirect_dma source(%dma_start3A_111 : memref<16908288xi32, #tpu.memory_space<hbm>>) target(%dma_start3A_106 : memref<128xi32, #tpu.memory_space<vmem>>) offsets(%dma_start3A_109 : memref<128xi32, #tpu.memory_space<vmem>>) semaphore(%arg12 : memref<!tpu.dma_semaphore, #tpu.memory_space<semaphore_mem>>)
      %mul3A_112 = arith.constant 16 : i32
      %mul3A_113 = arith.muli %add3A_32, %mul3A_112 : i32
      %add3A_114 = arith.constant 5 : i32
      %add3A_115 = arith.addi %mul3A_113, %add3A_114 : i32
      %mul3A_116 = arith.constant 16 : i32
      %mul3A_117 = arith.muli %add3A_32, %mul3A_116 : i32
      %add3A_118 = arith.constant 5 : i32
      %add3A_119 = arith.addi %mul3A_117, %add3A_118 : i32
      %dma_start3A_120 = arith.constant 0 : i32
      %dma_start3A_121 = tpu.memref_slice %arg9[%add3A_119, %dma_start3A_120] : memref<32x128xi32, #tpu.memory_space<vmem>> -> memref<1x128xi32, #tpu.memory_space<vmem>>
      %dma_start3A_122 = tpu.memref_squeeze %dma_start3A_121 : memref<1x128xi32, #tpu.memory_space<vmem>> -> memref<128xi32, #tpu.memory_space<vmem>>
      %dma_start3A_123 = arith.constant 0 : i32
      %dma_start3A_124 = tpu.memref_slice %arg7[%add3A_115, %dma_start3A_123] : memref<32x128xi32, #tpu.memory_space<vmem>> -> memref<1x128xi32, #tpu.memory_space<vmem>>
      %dma_start3A_125 = tpu.memref_squeeze %dma_start3A_124 : memref<1x128xi32, #tpu.memory_space<vmem>> -> memref<128xi32, #tpu.memory_space<vmem>>
      %dma_start3A_126 = arith.constant 0 : i32
      %dma_start3A_127 = tpu.memref_slice %arg5[%dma_start3A_126] : memref<16908288xi32, #tpu.memory_space<hbm>> -> memref<16908288xi32, #tpu.memory_space<hbm>>
      tpu.enqueue_indirect_dma source(%dma_start3A_127 : memref<16908288xi32, #tpu.memory_space<hbm>>) target(%dma_start3A_122 : memref<128xi32, #tpu.memory_space<vmem>>) offsets(%dma_start3A_125 : memref<128xi32, #tpu.memory_space<vmem>>) semaphore(%arg12 : memref<!tpu.dma_semaphore, #tpu.memory_space<semaphore_mem>>)
      %mul3A_128 = arith.constant 16 : i32
      %mul3A_129 = arith.muli %add3A_32, %mul3A_128 : i32
      %add3A_130 = arith.constant 6 : i32
      %add3A_131 = arith.addi %mul3A_129, %add3A_130 : i32
      %mul3A_132 = arith.constant 16 : i32
      %mul3A_133 = arith.muli %add3A_32, %mul3A_132 : i32
      %add3A_134 = arith.constant 6 : i32
      %add3A_135 = arith.addi %mul3A_133, %add3A_134 : i32
      %dma_start3A_136 = arith.constant 0 : i32
      %dma_start3A_137 = tpu.memref_slice %arg9[%add3A_135, %dma_start3A_136] : memref<32x128xi32, #tpu.memory_space<vmem>> -> memref<1x128xi32, #tpu.memory_space<vmem>>
      %dma_start3A_138 = tpu.memref_squeeze %dma_start3A_137 : memref<1x128xi32, #tpu.memory_space<vmem>> -> memref<128xi32, #tpu.memory_space<vmem>>
      %dma_start3A_139 = arith.constant 0 : i32
      %dma_start3A_140 = tpu.memref_slice %arg7[%add3A_131, %dma_start3A_139] : memref<32x128xi32, #tpu.memory_space<vmem>> -> memref<1x128xi32, #tpu.memory_space<vmem>>
      %dma_start3A_141 = tpu.memref_squeeze %dma_start3A_140 : memref<1x128xi32, #tpu.memory_space<vmem>> -> memref<128xi32, #tpu.memory_space<vmem>>
      %dma_start3A_142 = arith.constant 0 : i32
      %dma_start3A_143 = tpu.memref_slice %arg5[%dma_start3A_142] : memref<16908288xi32, #tpu.memory_space<hbm>> -> memref<16908288xi32, #tpu.memory_space<hbm>>
      tpu.enqueue_indirect_dma source(%dma_start3A_143 : memref<16908288xi32, #tpu.memory_space<hbm>>) target(%dma_start3A_138 : memref<128xi32, #tpu.memory_space<vmem>>) offsets(%dma_start3A_141 : memref<128xi32, #tpu.memory_space<vmem>>) semaphore(%arg12 : memref<!tpu.dma_semaphore, #tpu.memory_space<semaphore_mem>>)
      %mul3A_144 = arith.constant 16 : i32
      %mul3A_145 = arith.muli %add3A_32, %mul3A_144 : i32
      %add3A_146 = arith.constant 7 : i32
      %add3A_147 = arith.addi %mul3A_145, %add3A_146 : i32
      %mul3A_148 = arith.constant 16 : i32
      %mul3A_149 = arith.muli %add3A_32, %mul3A_148 : i32
      %add3A_150 = arith.constant 7 : i32
      %add3A_151 = arith.addi %mul3A_149, %add3A_150 : i32
      %dma_start3A_152 = arith.constant 0 : i32
      %dma_start3A_153 = tpu.memref_slice %arg9[%add3A_151, %dma_start3A_152] : memref<32x128xi32, #tpu.memory_space<vmem>> -> memref<1x128xi32, #tpu.memory_space<vmem>>
      %dma_start3A_154 = tpu.memref_squeeze %dma_start3A_153 : memref<1x128xi32, #tpu.memory_space<vmem>> -> memref<128xi32, #tpu.memory_space<vmem>>
      %dma_start3A_155 = arith.constant 0 : i32
      %dma_start3A_156 = tpu.memref_slice %arg7[%add3A_147, %dma_start3A_155] : memref<32x128xi32, #tpu.memory_space<vmem>> -> memref<1x128xi32, #tpu.memory_space<vmem>>
      %dma_start3A_157 = tpu.memref_squeeze %dma_start3A_156 : memref<1x128xi32, #tpu.memory_space<vmem>> -> memref<128xi32, #tpu.memory_space<vmem>>
      %dma_start3A_158 = arith.constant 0 : i32
      %dma_start3A_159 = tpu.memref_slice %arg5[%dma_start3A_158] : memref<16908288xi32, #tpu.memory_space<hbm>> -> memref<16908288xi32, #tpu.memory_space<hbm>>
      tpu.enqueue_indirect_dma source(%dma_start3A_159 : memref<16908288xi32, #tpu.memory_space<hbm>>) target(%dma_start3A_154 : memref<128xi32, #tpu.memory_space<vmem>>) offsets(%dma_start3A_157 : memref<128xi32, #tpu.memory_space<vmem>>) semaphore(%arg12 : memref<!tpu.dma_semaphore, #tpu.memory_space<semaphore_mem>>)
      %mul3A_160 = arith.constant 16 : i32
      %mul3A_161 = arith.muli %add3A_32, %mul3A_160 : i32
      %add3A_162 = arith.constant 8 : i32
      %add3A_163 = arith.addi %mul3A_161, %add3A_162 : i32
      %mul3A_164 = arith.constant 16 : i32
      %mul3A_165 = arith.muli %add3A_32, %mul3A_164 : i32
      %add3A_166 = arith.constant 8 : i32
      %add3A_167 = arith.addi %mul3A_165, %add3A_166 : i32
      %dma_start3A_168 = arith.constant 0 : i32
      %dma_start3A_169 = tpu.memref_slice %arg9[%add3A_167, %dma_start3A_168] : memref<32x128xi32, #tpu.memory_space<vmem>> -> memref<1x128xi32, #tpu.memory_space<vmem>>
      %dma_start3A_170 = tpu.memref_squeeze %dma_start3A_169 : memref<1x128xi32, #tpu.memory_space<vmem>> -> memref<128xi32, #tpu.memory_space<vmem>>
      %dma_start3A_171 = arith.constant 0 : i32
      %dma_start3A_172 = tpu.memref_slice %arg7[%add3A_163, %dma_start3A_171] : memref<32x128xi32, #tpu.memory_space<vmem>> -> memref<1x128xi32, #tpu.memory_space<vmem>>
      %dma_start3A_173 = tpu.memref_squeeze %dma_start3A_172 : memref<1x128xi32, #tpu.memory_space<vmem>> -> memref<128xi32, #tpu.memory_space<vmem>>
      %dma_start3A_174 = arith.constant 0 : i32
      %dma_start3A_175 = tpu.memref_slice %arg5[%dma_start3A_174] : memref<16908288xi32, #tpu.memory_space<hbm>> -> memref<16908288xi32, #tpu.memory_space<hbm>>
      tpu.enqueue_indirect_dma source(%dma_start3A_175 : memref<16908288xi32, #tpu.memory_space<hbm>>) target(%dma_start3A_170 : memref<128xi32, #tpu.memory_space<vmem>>) offsets(%dma_start3A_173 : memref<128xi32, #tpu.memory_space<vmem>>) semaphore(%arg12 : memref<!tpu.dma_semaphore, #tpu.memory_space<semaphore_mem>>)
      %mul3A_176 = arith.constant 16 : i32
      %mul3A_177 = arith.muli %add3A_32, %mul3A_176 : i32
      %add3A_178 = arith.constant 9 : i32
      %add3A_179 = arith.addi %mul3A_177, %add3A_178 : i32
      %mul3A_180 = arith.constant 16 : i32
      %mul3A_181 = arith.muli %add3A_32, %mul3A_180 : i32
      %add3A_182 = arith.constant 9 : i32
      %add3A_183 = arith.addi %mul3A_181, %add3A_182 : i32
      %dma_start3A_184 = arith.constant 0 : i32
      %dma_start3A_185 = tpu.memref_slice %arg9[%add3A_183, %dma_start3A_184] : memref<32x128xi32, #tpu.memory_space<vmem>> -> memref<1x128xi32, #tpu.memory_space<vmem>>
      %dma_start3A_186 = tpu.memref_squeeze %dma_start3A_185 : memref<1x128xi32, #tpu.memory_space<vmem>> -> memref<128xi32, #tpu.memory_space<vmem>>
      %dma_start3A_187 = arith.constant 0 : i32
      %dma_start3A_188 = tpu.memref_slice %arg7[%add3A_179, %dma_start3A_187] : memref<32x128xi32, #tpu.memory_space<vmem>> -> memref<1x128xi32, #tpu.memory_space<vmem>>
      %dma_start3A_189 = tpu.memref_squeeze %dma_start3A_188 : memref<1x128xi32, #tpu.memory_space<vmem>> -> memref<128xi32, #tpu.memory_space<vmem>>
      %dma_start3A_190 = arith.constant 0 : i32
      %dma_start3A_191 = tpu.memref_slice %arg5[%dma_start3A_190] : memref<16908288xi32, #tpu.memory_space<hbm>> -> memref<16908288xi32, #tpu.memory_space<hbm>>
      tpu.enqueue_indirect_dma source(%dma_start3A_191 : memref<16908288xi32, #tpu.memory_space<hbm>>) target(%dma_start3A_186 : memref<128xi32, #tpu.memory_space<vmem>>) offsets(%dma_start3A_189 : memref<128xi32, #tpu.memory_space<vmem>>) semaphore(%arg12 : memref<!tpu.dma_semaphore, #tpu.memory_space<semaphore_mem>>)
      %mul3A_192 = arith.constant 16 : i32
      %mul3A_193 = arith.muli %add3A_32, %mul3A_192 : i32
      %add3A_194 = arith.constant 10 : i32
      %add3A_195 = arith.addi %mul3A_193, %add3A_194 : i32
      %mul3A_196 = arith.constant 16 : i32
      %mul3A_197 = arith.muli %add3A_32, %mul3A_196 : i32
      %add3A_198 = arith.constant 10 : i32
      %add3A_199 = arith.addi %mul3A_197, %add3A_198 : i32
      %dma_start3A_200 = arith.constant 0 : i32
      %dma_start3A_201 = tpu.memref_slice %arg9[%add3A_199, %dma_start3A_200] : memref<32x128xi32, #tpu.memory_space<vmem>> -> memref<1x128xi32, #tpu.memory_space<vmem>>
      %dma_start3A_202 = tpu.memref_squeeze %dma_start3A_201 : memref<1x128xi32, #tpu.memory_space<vmem>> -> memref<128xi32, #tpu.memory_space<vmem>>
      %dma_start3A_203 = arith.constant 0 : i32
      %dma_start3A_204 = tpu.memref_slice %arg7[%add3A_195, %dma_start3A_203] : memref<32x128xi32, #tpu.memory_space<vmem>> -> memref<1x128xi32, #tpu.memory_space<vmem>>
      %dma_start3A_205 = tpu.memref_squeeze %dma_start3A_204 : memref<1x128xi32, #tpu.memory_space<vmem>> -> memref<128xi32, #tpu.memory_space<vmem>>
      %dma_start3A_206 = arith.constant 0 : i32
      %dma_start3A_207 = tpu.memref_slice %arg5[%dma_start3A_206] : memref<16908288xi32, #tpu.memory_space<hbm>> -> memref<16908288xi32, #tpu.memory_space<hbm>>
      tpu.enqueue_indirect_dma source(%dma_start3A_207 : memref<16908288xi32, #tpu.memory_space<hbm>>) target(%dma_start3A_202 : memref<128xi32, #tpu.memory_space<vmem>>) offsets(%dma_start3A_205 : memref<128xi32, #tpu.memory_space<vmem>>) semaphore(%arg12 : memref<!tpu.dma_semaphore, #tpu.memory_space<semaphore_mem>>)
      %mul3A_208 = arith.constant 16 : i32
      %mul3A_209 = arith.muli %add3A_32, %mul3A_208 : i32
      %add3A_210 = arith.constant 11 : i32
      %add3A_211 = arith.addi %mul3A_209, %add3A_210 : i32
      %mul3A_212 = arith.constant 16 : i32
      %mul3A_213 = arith.muli %add3A_32, %mul3A_212 : i32
      %add3A_214 = arith.constant 11 : i32
      %add3A_215 = arith.addi %mul3A_213, %add3A_214 : i32
      %dma_start3A_216 = arith.constant 0 : i32
      %dma_start3A_217 = tpu.memref_slice %arg9[%add3A_215, %dma_start3A_216] : memref<32x128xi32, #tpu.memory_space<vmem>> -> memref<1x128xi32, #tpu.memory_space<vmem>>
      %dma_start3A_218 = tpu.memref_squeeze %dma_start3A_217 : memref<1x128xi32, #tpu.memory_space<vmem>> -> memref<128xi32, #tpu.memory_space<vmem>>
      %dma_start3A_219 = arith.constant 0 : i32
      %dma_start3A_220 = tpu.memref_slice %arg7[%add3A_211, %dma_start3A_219] : memref<32x128xi32, #tpu.memory_space<vmem>> -> memref<1x128xi32, #tpu.memory_space<vmem>>
      %dma_start3A_221 = tpu.memref_squeeze %dma_start3A_220 : memref<1x128xi32, #tpu.memory_space<vmem>> -> memref<128xi32, #tpu.memory_space<vmem>>
      %dma_start3A_222 = arith.constant 0 : i32
      %dma_start3A_223 = tpu.memref_slice %arg5[%dma_start3A_222] : memref<16908288xi32, #tpu.memory_space<hbm>> -> memref<16908288xi32, #tpu.memory_space<hbm>>
      tpu.enqueue_indirect_dma source(%dma_start3A_223 : memref<16908288xi32, #tpu.memory_space<hbm>>) target(%dma_start3A_218 : memref<128xi32, #tpu.memory_space<vmem>>) offsets(%dma_start3A_221 : memref<128xi32, #tpu.memory_space<vmem>>) semaphore(%arg12 : memref<!tpu.dma_semaphore, #tpu.memory_space<semaphore_mem>>)
      %mul3A_224 = arith.constant 16 : i32
      %mul3A_225 = arith.muli %add3A_32, %mul3A_224 : i32
      %add3A_226 = arith.constant 12 : i32
      %add3A_227 = arith.addi %mul3A_225, %add3A_226 : i32
      %mul3A_228 = arith.constant 16 : i32
      %mul3A_229 = arith.muli %add3A_32, %mul3A_228 : i32
      %add3A_230 = arith.constant 12 : i32
      %add3A_231 = arith.addi %mul3A_229, %add3A_230 : i32
      %dma_start3A_232 = arith.constant 0 : i32
      %dma_start3A_233 = tpu.memref_slice %arg9[%add3A_231, %dma_start3A_232] : memref<32x128xi32, #tpu.memory_space<vmem>> -> memref<1x128xi32, #tpu.memory_space<vmem>>
      %dma_start3A_234 = tpu.memref_squeeze %dma_start3A_233 : memref<1x128xi32, #tpu.memory_space<vmem>> -> memref<128xi32, #tpu.memory_space<vmem>>
      %dma_start3A_235 = arith.constant 0 : i32
      %dma_start3A_236 = tpu.memref_slice %arg7[%add3A_227, %dma_start3A_235] : memref<32x128xi32, #tpu.memory_space<vmem>> -> memref<1x128xi32, #tpu.memory_space<vmem>>
      %dma_start3A_237 = tpu.memref_squeeze %dma_start3A_236 : memref<1x128xi32, #tpu.memory_space<vmem>> -> memref<128xi32, #tpu.memory_space<vmem>>
      %dma_start3A_238 = arith.constant 0 : i32
      %dma_start3A_239 = tpu.memref_slice %arg5[%dma_start3A_238] : memref<16908288xi32, #tpu.memory_space<hbm>> -> memref<16908288xi32, #tpu.memory_space<hbm>>
      tpu.enqueue_indirect_dma source(%dma_start3A_239 : memref<16908288xi32, #tpu.memory_space<hbm>>) target(%dma_start3A_234 : memref<128xi32, #tpu.memory_space<vmem>>) offsets(%dma_start3A_237 : memref<128xi32, #tpu.memory_space<vmem>>) semaphore(%arg12 : memref<!tpu.dma_semaphore, #tpu.memory_space<semaphore_mem>>)
      %mul3A_240 = arith.constant 16 : i32
      %mul3A_241 = arith.muli %add3A_32, %mul3A_240 : i32
      %add3A_242 = arith.constant 13 : i32
      %add3A_243 = arith.addi %mul3A_241, %add3A_242 : i32
      %mul3A_244 = arith.constant 16 : i32
      %mul3A_245 = arith.muli %add3A_32, %mul3A_244 : i32
      %add3A_246 = arith.constant 13 : i32
      %add3A_247 = arith.addi %mul3A_245, %add3A_246 : i32
      %dma_start3A_248 = arith.constant 0 : i32
      %dma_start3A_249 = tpu.memref_slice %arg9[%add3A_247, %dma_start3A_248] : memref<32x128xi32, #tpu.memory_space<vmem>> -> memref<1x128xi32, #tpu.memory_space<vmem>>
      %dma_start3A_250 = tpu.memref_squeeze %dma_start3A_249 : memref<1x128xi32, #tpu.memory_space<vmem>> -> memref<128xi32, #tpu.memory_space<vmem>>
      %dma_start3A_251 = arith.constant 0 : i32
      %dma_start3A_252 = tpu.memref_slice %arg7[%add3A_243, %dma_start3A_251] : memref<32x128xi32, #tpu.memory_space<vmem>> -> memref<1x128xi32, #tpu.memory_space<vmem>>
      %dma_start3A_253 = tpu.memref_squeeze %dma_start3A_252 : memref<1x128xi32, #tpu.memory_space<vmem>> -> memref<128xi32, #tpu.memory_space<vmem>>
      %dma_start3A_254 = arith.constant 0 : i32
      %dma_start3A_255 = tpu.memref_slice %arg5[%dma_start3A_254] : memref<16908288xi32, #tpu.memory_space<hbm>> -> memref<16908288xi32, #tpu.memory_space<hbm>>
      tpu.enqueue_indirect_dma source(%dma_start3A_255 : memref<16908288xi32, #tpu.memory_space<hbm>>) target(%dma_start3A_250 : memref<128xi32, #tpu.memory_space<vmem>>) offsets(%dma_start3A_253 : memref<128xi32, #tpu.memory_space<vmem>>) semaphore(%arg12 : memref<!tpu.dma_semaphore, #tpu.memory_space<semaphore_mem>>)
      %mul3A_256 = arith.constant 16 : i32
      %mul3A_257 = arith.muli %add3A_32, %mul3A_256 : i32
      %add3A_258 = arith.constant 14 : i32
      %add3A_259 = arith.addi %mul3A_257, %add3A_258 : i32
      %mul3A_260 = arith.constant 16 : i32
      %mul3A_261 = arith.muli %add3A_32, %mul3A_260 : i32
      %add3A_262 = arith.constant 14 : i32
      %add3A_263 = arith.addi %mul3A_261, %add3A_262 : i32
      %dma_start3A_264 = arith.constant 0 : i32
      %dma_start3A_265 = tpu.memref_slice %arg9[%add3A_263, %dma_start3A_264] : memref<32x128xi32, #tpu.memory_space<vmem>> -> memref<1x128xi32, #tpu.memory_space<vmem>>
      %dma_start3A_266 = tpu.memref_squeeze %dma_start3A_265 : memref<1x128xi32, #tpu.memory_space<vmem>> -> memref<128xi32, #tpu.memory_space<vmem>>
      %dma_start3A_267 = arith.constant 0 : i32
      %dma_start3A_268 = tpu.memref_slice %arg7[%add3A_259, %dma_start3A_267] : memref<32x128xi32, #tpu.memory_space<vmem>> -> memref<1x128xi32, #tpu.memory_space<vmem>>
      %dma_start3A_269 = tpu.memref_squeeze %dma_start3A_268 : memref<1x128xi32, #tpu.memory_space<vmem>> -> memref<128xi32, #tpu.memory_space<vmem>>
      %dma_start3A_270 = arith.constant 0 : i32
      %dma_start3A_271 = tpu.memref_slice %arg5[%dma_start3A_270] : memref<16908288xi32, #tpu.memory_space<hbm>> -> memref<16908288xi32, #tpu.memory_space<hbm>>
      tpu.enqueue_indirect_dma source(%dma_start3A_271 : memref<16908288xi32, #tpu.memory_space<hbm>>) target(%dma_start3A_266 : memref<128xi32, #tpu.memory_space<vmem>>) offsets(%dma_start3A_269 : memref<128xi32, #tpu.memory_space<vmem>>) semaphore(%arg12 : memref<!tpu.dma_semaphore, #tpu.memory_space<semaphore_mem>>)
      %mul3A_272 = arith.constant 16 : i32
      %mul3A_273 = arith.muli %add3A_32, %mul3A_272 : i32
      %add3A_274 = arith.constant 15 : i32
      %add3A_275 = arith.addi %mul3A_273, %add3A_274 : i32
      %mul3A_276 = arith.constant 16 : i32
      %mul3A_277 = arith.muli %add3A_32, %mul3A_276 : i32
      %add3A_278 = arith.constant 15 : i32
      %add3A_279 = arith.addi %mul3A_277, %add3A_278 : i32
      %dma_start3A_280 = arith.constant 0 : i32
      %dma_start3A_281 = tpu.memref_slice %arg9[%add3A_279, %dma_start3A_280] : memref<32x128xi32, #tpu.memory_space<vmem>> -> memref<1x128xi32, #tpu.memory_space<vmem>>
      %dma_start3A_282 = tpu.memref_squeeze %dma_start3A_281 : memref<1x128xi32, #tpu.memory_space<vmem>> -> memref<128xi32, #tpu.memory_space<vmem>>
      %dma_start3A_283 = arith.constant 0 : i32
      %dma_start3A_284 = tpu.memref_slice %arg7[%add3A_275, %dma_start3A_283] : memref<32x128xi32, #tpu.memory_space<vmem>> -> memref<1x128xi32, #tpu.memory_space<vmem>>
      %dma_start3A_285 = tpu.memref_squeeze %dma_start3A_284 : memref<1x128xi32, #tpu.memory_space<vmem>> -> memref<128xi32, #tpu.memory_space<vmem>>
      %dma_start3A_286 = arith.constant 0 : i32
      %dma_start3A_287 = tpu.memref_slice %arg5[%dma_start3A_286] : memref<16908288xi32, #tpu.memory_space<hbm>> -> memref<16908288xi32, #tpu.memory_space<hbm>>
      tpu.enqueue_indirect_dma source(%dma_start3A_287 : memref<16908288xi32, #tpu.memory_space<hbm>>) target(%dma_start3A_282 : memref<128xi32, #tpu.memory_space<vmem>>) offsets(%dma_start3A_285 : memref<128xi32, #tpu.memory_space<vmem>>) semaphore(%arg12 : memref<!tpu.dma_semaphore, #tpu.memory_space<semaphore_mem>>)
      %dma_wait3A = arith.constant 0 : i32
      %dma_wait3A_288 = tpu.memref_slice %arg9[%add3A_40, %dma_wait3A] : memref<32x128xi32, #tpu.memory_space<vmem>> -> memref<1x128xi32, #tpu.memory_space<vmem>>
      %dma_wait3A_289 = tpu.memref_squeeze %dma_wait3A_288 : memref<1x128xi32, #tpu.memory_space<vmem>> -> memref<128xi32, #tpu.memory_space<vmem>>
      %dma_wait3A_290 = arith.constant 0 : i32
      %dma_wait3A_291 = tpu.memref_slice %arg7[%add3A_36, %dma_wait3A_290] : memref<32x128xi32, #tpu.memory_space<vmem>> -> memref<1x128xi32, #tpu.memory_space<vmem>>
      %dma_wait3A_292 = tpu.memref_squeeze %dma_wait3A_291 : memref<1x128xi32, #tpu.memory_space<vmem>> -> memref<128xi32, #tpu.memory_space<vmem>>
      %dma_wait3A_293 = arith.constant 0 : i32
      %dma_wait3A_294 = tpu.memref_slice %arg5[%dma_wait3A_293] : memref<16908288xi32, #tpu.memory_space<hbm>> -> memref<16908288xi32, #tpu.memory_space<hbm>>
      tpu.wait_indirect_dma semaphore(%arg12 : memref<!tpu.dma_semaphore, #tpu.memory_space<semaphore_mem>>) src(%dma_wait3A_294 : memref<16908288xi32, #tpu.memory_space<hbm>>) dst(%dma_wait3A_289 : memref<128xi32, #tpu.memory_space<vmem>>)
      %dma_wait3A_295 = arith.constant 0 : i32
      %dma_wait3A_296 = tpu.memref_slice %arg9[%add3A_55, %dma_wait3A_295] : memref<32x128xi32, #tpu.memory_space<vmem>> -> memref<1x128xi32, #tpu.memory_space<vmem>>
      %dma_wait3A_297 = tpu.memref_squeeze %dma_wait3A_296 : memref<1x128xi32, #tpu.memory_space<vmem>> -> memref<128xi32, #tpu.memory_space<vmem>>
      %dma_wait3A_298 = arith.constant 0 : i32
      %dma_wait3A_299 = tpu.memref_slice %arg7[%add3A_51, %dma_wait3A_298] : memref<32x128xi32, #tpu.memory_space<vmem>> -> memref<1x128xi32, #tpu.memory_space<vmem>>
      %dma_wait3A_300 = tpu.memref_squeeze %dma_wait3A_299 : memref<1x128xi32, #tpu.memory_space<vmem>> -> memref<128xi32, #tpu.memory_space<vmem>>
      %dma_wait3A_301 = arith.constant 0 : i32
      %dma_wait3A_302 = tpu.memref_slice %arg5[%dma_wait3A_301] : memref<16908288xi32, #tpu.memory_space<hbm>> -> memref<16908288xi32, #tpu.memory_space<hbm>>
      tpu.wait_indirect_dma semaphore(%arg12 : memref<!tpu.dma_semaphore, #tpu.memory_space<semaphore_mem>>) src(%dma_wait3A_302 : memref<16908288xi32, #tpu.memory_space<hbm>>) dst(%dma_wait3A_297 : memref<128xi32, #tpu.memory_space<vmem>>)
      %dma_wait3A_303 = arith.constant 0 : i32
      %dma_wait3A_304 = tpu.memref_slice %arg9[%add3A_71, %dma_wait3A_303] : memref<32x128xi32, #tpu.memory_space<vmem>> -> memref<1x128xi32, #tpu.memory_space<vmem>>
      %dma_wait3A_305 = tpu.memref_squeeze %dma_wait3A_304 : memref<1x128xi32, #tpu.memory_space<vmem>> -> memref<128xi32, #tpu.memory_space<vmem>>
      %dma_wait3A_306 = arith.constant 0 : i32
      %dma_wait3A_307 = tpu.memref_slice %arg7[%add3A_67, %dma_wait3A_306] : memref<32x128xi32, #tpu.memory_space<vmem>> -> memref<1x128xi32, #tpu.memory_space<vmem>>
      %dma_wait3A_308 = tpu.memref_squeeze %dma_wait3A_307 : memref<1x128xi32, #tpu.memory_space<vmem>> -> memref<128xi32, #tpu.memory_space<vmem>>
      %dma_wait3A_309 = arith.constant 0 : i32
      %dma_wait3A_310 = tpu.memref_slice %arg5[%dma_wait3A_309] : memref<16908288xi32, #tpu.memory_space<hbm>> -> memref<16908288xi32, #tpu.memory_space<hbm>>
      tpu.wait_indirect_dma semaphore(%arg12 : memref<!tpu.dma_semaphore, #tpu.memory_space<semaphore_mem>>) src(%dma_wait3A_310 : memref<16908288xi32, #tpu.memory_space<hbm>>) dst(%dma_wait3A_305 : memref<128xi32, #tpu.memory_space<vmem>>)
      %dma_wait3A_311 = arith.constant 0 : i32
      %dma_wait3A_312 = tpu.memref_slice %arg9[%add3A_87, %dma_wait3A_311] : memref<32x128xi32, #tpu.memory_space<vmem>> -> memref<1x128xi32, #tpu.memory_space<vmem>>
      %dma_wait3A_313 = tpu.memref_squeeze %dma_wait3A_312 : memref<1x128xi32, #tpu.memory_space<vmem>> -> memref<128xi32, #tpu.memory_space<vmem>>
      %dma_wait3A_314 = arith.constant 0 : i32
      %dma_wait3A_315 = tpu.memref_slice %arg7[%add3A_83, %dma_wait3A_314] : memref<32x128xi32, #tpu.memory_space<vmem>> -> memref<1x128xi32, #tpu.memory_space<vmem>>
      %dma_wait3A_316 = tpu.memref_squeeze %dma_wait3A_315 : memref<1x128xi32, #tpu.memory_space<vmem>> -> memref<128xi32, #tpu.memory_space<vmem>>
      %dma_wait3A_317 = arith.constant 0 : i32
      %dma_wait3A_318 = tpu.memref_slice %arg5[%dma_wait3A_317] : memref<16908288xi32, #tpu.memory_space<hbm>> -> memref<16908288xi32, #tpu.memory_space<hbm>>
      tpu.wait_indirect_dma semaphore(%arg12 : memref<!tpu.dma_semaphore, #tpu.memory_space<semaphore_mem>>) src(%dma_wait3A_318 : memref<16908288xi32, #tpu.memory_space<hbm>>) dst(%dma_wait3A_313 : memref<128xi32, #tpu.memory_space<vmem>>)
      %dma_wait3A_319 = arith.constant 0 : i32
      %dma_wait3A_320 = tpu.memref_slice %arg9[%add3A_103, %dma_wait3A_319] : memref<32x128xi32, #tpu.memory_space<vmem>> -> memref<1x128xi32, #tpu.memory_space<vmem>>
      %dma_wait3A_321 = tpu.memref_squeeze %dma_wait3A_320 : memref<1x128xi32, #tpu.memory_space<vmem>> -> memref<128xi32, #tpu.memory_space<vmem>>
      %dma_wait3A_322 = arith.constant 0 : i32
      %dma_wait3A_323 = tpu.memref_slice %arg7[%add3A_99, %dma_wait3A_322] : memref<32x128xi32, #tpu.memory_space<vmem>> -> memref<1x128xi32, #tpu.memory_space<vmem>>
      %dma_wait3A_324 = tpu.memref_squeeze %dma_wait3A_323 : memref<1x128xi32, #tpu.memory_space<vmem>> -> memref<128xi32, #tpu.memory_space<vmem>>
      %dma_wait3A_325 = arith.constant 0 : i32
      %dma_wait3A_326 = tpu.memref_slice %arg5[%dma_wait3A_325] : memref<16908288xi32, #tpu.memory_space<hbm>> -> memref<16908288xi32, #tpu.memory_space<hbm>>
      tpu.wait_indirect_dma semaphore(%arg12 : memref<!tpu.dma_semaphore, #tpu.memory_space<semaphore_mem>>) src(%dma_wait3A_326 : memref<16908288xi32, #tpu.memory_space<hbm>>) dst(%dma_wait3A_321 : memref<128xi32, #tpu.memory_space<vmem>>)
      %dma_wait3A_327 = arith.constant 0 : i32
      %dma_wait3A_328 = tpu.memref_slice %arg9[%add3A_119, %dma_wait3A_327] : memref<32x128xi32, #tpu.memory_space<vmem>> -> memref<1x128xi32, #tpu.memory_space<vmem>>
      %dma_wait3A_329 = tpu.memref_squeeze %dma_wait3A_328 : memref<1x128xi32, #tpu.memory_space<vmem>> -> memref<128xi32, #tpu.memory_space<vmem>>
      %dma_wait3A_330 = arith.constant 0 : i32
      %dma_wait3A_331 = tpu.memref_slice %arg7[%add3A_115, %dma_wait3A_330] : memref<32x128xi32, #tpu.memory_space<vmem>> -> memref<1x128xi32, #tpu.memory_space<vmem>>
      %dma_wait3A_332 = tpu.memref_squeeze %dma_wait3A_331 : memref<1x128xi32, #tpu.memory_space<vmem>> -> memref<128xi32, #tpu.memory_space<vmem>>
      %dma_wait3A_333 = arith.constant 0 : i32
      %dma_wait3A_334 = tpu.memref_slice %arg5[%dma_wait3A_333] : memref<16908288xi32, #tpu.memory_space<hbm>> -> memref<16908288xi32, #tpu.memory_space<hbm>>
      tpu.wait_indirect_dma semaphore(%arg12 : memref<!tpu.dma_semaphore, #tpu.memory_space<semaphore_mem>>) src(%dma_wait3A_334 : memref<16908288xi32, #tpu.memory_space<hbm>>) dst(%dma_wait3A_329 : memref<128xi32, #tpu.memory_space<vmem>>)
      %dma_wait3A_335 = arith.constant 0 : i32
      %dma_wait3A_336 = tpu.memref_slice %arg9[%add3A_135, %dma_wait3A_335] : memref<32x128xi32, #tpu.memory_space<vmem>> -> memref<1x128xi32, #tpu.memory_space<vmem>>
      %dma_wait3A_337 = tpu.memref_squeeze %dma_wait3A_336 : memref<1x128xi32, #tpu.memory_space<vmem>> -> memref<128xi32, #tpu.memory_space<vmem>>
      %dma_wait3A_338 = arith.constant 0 : i32
      %dma_wait3A_339 = tpu.memref_slice %arg7[%add3A_131, %dma_wait3A_338] : memref<32x128xi32, #tpu.memory_space<vmem>> -> memref<1x128xi32, #tpu.memory_space<vmem>>
      %dma_wait3A_340 = tpu.memref_squeeze %dma_wait3A_339 : memref<1x128xi32, #tpu.memory_space<vmem>> -> memref<128xi32, #tpu.memory_space<vmem>>
      %dma_wait3A_341 = arith.constant 0 : i32
      %dma_wait3A_342 = tpu.memref_slice %arg5[%dma_wait3A_341] : memref<16908288xi32, #tpu.memory_space<hbm>> -> memref<16908288xi32, #tpu.memory_space<hbm>>
      tpu.wait_indirect_dma semaphore(%arg12 : memref<!tpu.dma_semaphore, #tpu.memory_space<semaphore_mem>>) src(%dma_wait3A_342 : memref<16908288xi32, #tpu.memory_space<hbm>>) dst(%dma_wait3A_337 : memref<128xi32, #tpu.memory_space<vmem>>)
      %dma_wait3A_343 = arith.constant 0 : i32
      %dma_wait3A_344 = tpu.memref_slice %arg9[%add3A_151, %dma_wait3A_343] : memref<32x128xi32, #tpu.memory_space<vmem>> -> memref<1x128xi32, #tpu.memory_space<vmem>>
      %dma_wait3A_345 = tpu.memref_squeeze %dma_wait3A_344 : memref<1x128xi32, #tpu.memory_space<vmem>> -> memref<128xi32, #tpu.memory_space<vmem>>
      %dma_wait3A_346 = arith.constant 0 : i32
      %dma_wait3A_347 = tpu.memref_slice %arg7[%add3A_147, %dma_wait3A_346] : memref<32x128xi32, #tpu.memory_space<vmem>> -> memref<1x128xi32, #tpu.memory_space<vmem>>
      %dma_wait3A_348 = tpu.memref_squeeze %dma_wait3A_347 : memref<1x128xi32, #tpu.memory_space<vmem>> -> memref<128xi32, #tpu.memory_space<vmem>>
      %dma_wait3A_349 = arith.constant 0 : i32
      %dma_wait3A_350 = tpu.memref_slice %arg5[%dma_wait3A_349] : memref<16908288xi32, #tpu.memory_space<hbm>> -> memref<16908288xi32, #tpu.memory_space<hbm>>
      tpu.wait_indirect_dma semaphore(%arg12 : memref<!tpu.dma_semaphore, #tpu.memory_space<semaphore_mem>>) src(%dma_wait3A_350 : memref<16908288xi32, #tpu.memory_space<hbm>>) dst(%dma_wait3A_345 : memref<128xi32, #tpu.memory_space<vmem>>)
      %dma_wait3A_351 = arith.constant 0 : i32
      %dma_wait3A_352 = tpu.memref_slice %arg9[%add3A_167, %dma_wait3A_351] : memref<32x128xi32, #tpu.memory_space<vmem>> -> memref<1x128xi32, #tpu.memory_space<vmem>>
      %dma_wait3A_353 = tpu.memref_squeeze %dma_wait3A_352 : memref<1x128xi32, #tpu.memory_space<vmem>> -> memref<128xi32, #tpu.memory_space<vmem>>
      %dma_wait3A_354 = arith.constant 0 : i32
      %dma_wait3A_355 = tpu.memref_slice %arg7[%add3A_163, %dma_wait3A_354] : memref<32x128xi32, #tpu.memory_space<vmem>> -> memref<1x128xi32, #tpu.memory_space<vmem>>
      %dma_wait3A_356 = tpu.memref_squeeze %dma_wait3A_355 : memref<1x128xi32, #tpu.memory_space<vmem>> -> memref<128xi32, #tpu.memory_space<vmem>>
      %dma_wait3A_357 = arith.constant 0 : i32
      %dma_wait3A_358 = tpu.memref_slice %arg5[%dma_wait3A_357] : memref<16908288xi32, #tpu.memory_space<hbm>> -> memref<16908288xi32, #tpu.memory_space<hbm>>
      tpu.wait_indirect_dma semaphore(%arg12 : memref<!tpu.dma_semaphore, #tpu.memory_space<semaphore_mem>>) src(%dma_wait3A_358 : memref<16908288xi32, #tpu.memory_space<hbm>>) dst(%dma_wait3A_353 : memref<128xi32, #tpu.memory_space<vmem>>)
      %dma_wait3A_359 = arith.constant 0 : i32
      %dma_wait3A_360 = tpu.memref_slice %arg9[%add3A_183, %dma_wait3A_359] : memref<32x128xi32, #tpu.memory_space<vmem>> -> memref<1x128xi32, #tpu.memory_space<vmem>>
      %dma_wait3A_361 = tpu.memref_squeeze %dma_wait3A_360 : memref<1x128xi32, #tpu.memory_space<vmem>> -> memref<128xi32, #tpu.memory_space<vmem>>
      %dma_wait3A_362 = arith.constant 0 : i32
      %dma_wait3A_363 = tpu.memref_slice %arg7[%add3A_179, %dma_wait3A_362] : memref<32x128xi32, #tpu.memory_space<vmem>> -> memref<1x128xi32, #tpu.memory_space<vmem>>
      %dma_wait3A_364 = tpu.memref_squeeze %dma_wait3A_363 : memref<1x128xi32, #tpu.memory_space<vmem>> -> memref<128xi32, #tpu.memory_space<vmem>>
      %dma_wait3A_365 = arith.constant 0 : i32
      %dma_wait3A_366 = tpu.memref_slice %arg5[%dma_wait3A_365] : memref<16908288xi32, #tpu.memory_space<hbm>> -> memref<16908288xi32, #tpu.memory_space<hbm>>
      tpu.wait_indirect_dma semaphore(%arg12 : memref<!tpu.dma_semaphore, #tpu.memory_space<semaphore_mem>>) src(%dma_wait3A_366 : memref<16908288xi32, #tpu.memory_space<hbm>>) dst(%dma_wait3A_361 : memref<128xi32, #tpu.memory_space<vmem>>)
      %dma_wait3A_367 = arith.constant 0 : i32
      %dma_wait3A_368 = tpu.memref_slice %arg9[%add3A_199, %dma_wait3A_367] : memref<32x128xi32, #tpu.memory_space<vmem>> -> memref<1x128xi32, #tpu.memory_space<vmem>>
      %dma_wait3A_369 = tpu.memref_squeeze %dma_wait3A_368 : memref<1x128xi32, #tpu.memory_space<vmem>> -> memref<128xi32, #tpu.memory_space<vmem>>
      %dma_wait3A_370 = arith.constant 0 : i32
      %dma_wait3A_371 = tpu.memref_slice %arg7[%add3A_195, %dma_wait3A_370] : memref<32x128xi32, #tpu.memory_space<vmem>> -> memref<1x128xi32, #tpu.memory_space<vmem>>
      %dma_wait3A_372 = tpu.memref_squeeze %dma_wait3A_371 : memref<1x128xi32, #tpu.memory_space<vmem>> -> memref<128xi32, #tpu.memory_space<vmem>>
      %dma_wait3A_373 = arith.constant 0 : i32
      %dma_wait3A_374 = tpu.memref_slice %arg5[%dma_wait3A_373] : memref<16908288xi32, #tpu.memory_space<hbm>> -> memref<16908288xi32, #tpu.memory_space<hbm>>
      tpu.wait_indirect_dma semaphore(%arg12 : memref<!tpu.dma_semaphore, #tpu.memory_space<semaphore_mem>>) src(%dma_wait3A_374 : memref<16908288xi32, #tpu.memory_space<hbm>>) dst(%dma_wait3A_369 : memref<128xi32, #tpu.memory_space<vmem>>)
      %dma_wait3A_375 = arith.constant 0 : i32
      %dma_wait3A_376 = tpu.memref_slice %arg9[%add3A_215, %dma_wait3A_375] : memref<32x128xi32, #tpu.memory_space<vmem>> -> memref<1x128xi32, #tpu.memory_space<vmem>>
      %dma_wait3A_377 = tpu.memref_squeeze %dma_wait3A_376 : memref<1x128xi32, #tpu.memory_space<vmem>> -> memref<128xi32, #tpu.memory_space<vmem>>
      %dma_wait3A_378 = arith.constant 0 : i32
      %dma_wait3A_379 = tpu.memref_slice %arg7[%add3A_211, %dma_wait3A_378] : memref<32x128xi32, #tpu.memory_space<vmem>> -> memref<1x128xi32, #tpu.memory_space<vmem>>
      %dma_wait3A_380 = tpu.memref_squeeze %dma_wait3A_379 : memref<1x128xi32, #tpu.memory_space<vmem>> -> memref<128xi32, #tpu.memory_space<vmem>>
      %dma_wait3A_381 = arith.constant 0 : i32
      %dma_wait3A_382 = tpu.memref_slice %arg5[%dma_wait3A_381] : memref<16908288xi32, #tpu.memory_space<hbm>> -> memref<16908288xi32, #tpu.memory_space<hbm>>
      tpu.wait_indirect_dma semaphore(%arg12 : memref<!tpu.dma_semaphore, #tpu.memory_space<semaphore_mem>>) src(%dma_wait3A_382 : memref<16908288xi32, #tpu.memory_space<hbm>>) dst(%dma_wait3A_377 : memref<128xi32, #tpu.memory_space<vmem>>)
      %dma_wait3A_383 = arith.constant 0 : i32
      %dma_wait3A_384 = tpu.memref_slice %arg9[%add3A_231, %dma_wait3A_383] : memref<32x128xi32, #tpu.memory_space<vmem>> -> memref<1x128xi32, #tpu.memory_space<vmem>>
      %dma_wait3A_385 = tpu.memref_squeeze %dma_wait3A_384 : memref<1x128xi32, #tpu.memory_space<vmem>> -> memref<128xi32, #tpu.memory_space<vmem>>
      %dma_wait3A_386 = arith.constant 0 : i32
      %dma_wait3A_387 = tpu.memref_slice %arg7[%add3A_227, %dma_wait3A_386] : memref<32x128xi32, #tpu.memory_space<vmem>> -> memref<1x128xi32, #tpu.memory_space<vmem>>
      %dma_wait3A_388 = tpu.memref_squeeze %dma_wait3A_387 : memref<1x128xi32, #tpu.memory_space<vmem>> -> memref<128xi32, #tpu.memory_space<vmem>>
      %dma_wait3A_389 = arith.constant 0 : i32
      %dma_wait3A_390 = tpu.memref_slice %arg5[%dma_wait3A_389] : memref<16908288xi32, #tpu.memory_space<hbm>> -> memref<16908288xi32, #tpu.memory_space<hbm>>
      tpu.wait_indirect_dma semaphore(%arg12 : memref<!tpu.dma_semaphore, #tpu.memory_space<semaphore_mem>>) src(%dma_wait3A_390 : memref<16908288xi32, #tpu.memory_space<hbm>>) dst(%dma_wait3A_385 : memref<128xi32, #tpu.memory_space<vmem>>)
      %dma_wait3A_391 = arith.constant 0 : i32
      %dma_wait3A_392 = tpu.memref_slice %arg9[%add3A_247, %dma_wait3A_391] : memref<32x128xi32, #tpu.memory_space<vmem>> -> memref<1x128xi32, #tpu.memory_space<vmem>>
      %dma_wait3A_393 = tpu.memref_squeeze %dma_wait3A_392 : memref<1x128xi32, #tpu.memory_space<vmem>> -> memref<128xi32, #tpu.memory_space<vmem>>
      %dma_wait3A_394 = arith.constant 0 : i32
      %dma_wait3A_395 = tpu.memref_slice %arg7[%add3A_243, %dma_wait3A_394] : memref<32x128xi32, #tpu.memory_space<vmem>> -> memref<1x128xi32, #tpu.memory_space<vmem>>
      %dma_wait3A_396 = tpu.memref_squeeze %dma_wait3A_395 : memref<1x128xi32, #tpu.memory_space<vmem>> -> memref<128xi32, #tpu.memory_space<vmem>>
      %dma_wait3A_397 = arith.constant 0 : i32
      %dma_wait3A_398 = tpu.memref_slice %arg5[%dma_wait3A_397] : memref<16908288xi32, #tpu.memory_space<hbm>> -> memref<16908288xi32, #tpu.memory_space<hbm>>
      tpu.wait_indirect_dma semaphore(%arg12 : memref<!tpu.dma_semaphore, #tpu.memory_space<semaphore_mem>>) src(%dma_wait3A_398 : memref<16908288xi32, #tpu.memory_space<hbm>>) dst(%dma_wait3A_393 : memref<128xi32, #tpu.memory_space<vmem>>)
      %dma_wait3A_399 = arith.constant 0 : i32
      %dma_wait3A_400 = tpu.memref_slice %arg9[%add3A_263, %dma_wait3A_399] : memref<32x128xi32, #tpu.memory_space<vmem>> -> memref<1x128xi32, #tpu.memory_space<vmem>>
      %dma_wait3A_401 = tpu.memref_squeeze %dma_wait3A_400 : memref<1x128xi32, #tpu.memory_space<vmem>> -> memref<128xi32, #tpu.memory_space<vmem>>
      %dma_wait3A_402 = arith.constant 0 : i32
      %dma_wait3A_403 = tpu.memref_slice %arg7[%add3A_259, %dma_wait3A_402] : memref<32x128xi32, #tpu.memory_space<vmem>> -> memref<1x128xi32, #tpu.memory_space<vmem>>
      %dma_wait3A_404 = tpu.memref_squeeze %dma_wait3A_403 : memref<1x128xi32, #tpu.memory_space<vmem>> -> memref<128xi32, #tpu.memory_space<vmem>>
      %dma_wait3A_405 = arith.constant 0 : i32
      %dma_wait3A_406 = tpu.memref_slice %arg5[%dma_wait3A_405] : memref<16908288xi32, #tpu.memory_space<hbm>> -> memref<16908288xi32, #tpu.memory_space<hbm>>
      tpu.wait_indirect_dma semaphore(%arg12 : memref<!tpu.dma_semaphore, #tpu.memory_space<semaphore_mem>>) src(%dma_wait3A_406 : memref<16908288xi32, #tpu.memory_space<hbm>>) dst(%dma_wait3A_401 : memref<128xi32, #tpu.memory_space<vmem>>)
      %dma_wait3A_407 = arith.constant 0 : i32
      %dma_wait3A_408 = tpu.memref_slice %arg9[%add3A_279, %dma_wait3A_407] : memref<32x128xi32, #tpu.memory_space<vmem>> -> memref<1x128xi32, #tpu.memory_space<vmem>>
      %dma_wait3A_409 = tpu.memref_squeeze %dma_wait3A_408 : memref<1x128xi32, #tpu.memory_space<vmem>> -> memref<128xi32, #tpu.memory_space<vmem>>
      %dma_wait3A_410 = arith.constant 0 : i32
      %dma_wait3A_411 = tpu.memref_slice %arg7[%add3A_275, %dma_wait3A_410] : memref<32x128xi32, #tpu.memory_space<vmem>> -> memref<1x128xi32, #tpu.memory_space<vmem>>
      %dma_wait3A_412 = tpu.memref_squeeze %dma_wait3A_411 : memref<1x128xi32, #tpu.memory_space<vmem>> -> memref<128xi32, #tpu.memory_space<vmem>>
      %dma_wait3A_413 = arith.constant 0 : i32
      %dma_wait3A_414 = tpu.memref_slice %arg5[%dma_wait3A_413] : memref<16908288xi32, #tpu.memory_space<hbm>> -> memref<16908288xi32, #tpu.memory_space<hbm>>
      tpu.wait_indirect_dma semaphore(%arg12 : memref<!tpu.dma_semaphore, #tpu.memory_space<semaphore_mem>>) src(%dma_wait3A_414 : memref<16908288xi32, #tpu.memory_space<hbm>>) dst(%dma_wait3A_409 : memref<128xi32, #tpu.memory_space<vmem>>)
    }
    %scan3A_8 = arith.constant 2 : i32
    %iota3A = tpu.iota {dimensions = array<i32: 0>} : vector<16xi32>
    %mul3A_9 = arith.constant 4096 : i32
    %mul3A_10 = arith.muli %add3A, %mul3A_9 : i32
    %scan3A_11 = arith.constant 0 : i32
    %scan3A_12 = arith.constant 256 : i32
    %scan3A_13 = arith.addi %scan3A_11, %scan3A_12 : i32
    %scan3A_14 = arith.constant 1 : i32
    scf.for %scan3A_28 = %scan3A_11 to %scan3A_13 step %scan3A_14  : i32 {
      %mul3A_29 = arith.constant 1 : i32
      %mul3A_30 = arith.muli %scan3A_28, %mul3A_29 : i32
      %add3A_31 = arith.constant 0 : i32
      %add3A_32 = arith.addi %add3A_31, %mul3A_30 : i32
      %jit3A = arith.constant 8 : i32
      %div3A = arith.divsi %add3A_32, %jit3A : i32
      %sign3A = arith.constant 0 : i32
      %sign3A_33 = arith.cmpi sgt, %add3A_32, %sign3A : i32
      %sign3A_34 = arith.extui %sign3A_33 : i1 to i32
      %sign3A_35 = arith.constant 0 : i32
      %sign3A_36 = arith.cmpi slt, %add3A_32, %sign3A_35 : i32
      %sign3A_37 = arith.extui %sign3A_36 : i1 to i32
      %sign3A_38 = arith.subi %sign3A_34, %sign3A_37 : i32
      %sign3A_39 = arith.constant 0 : i32
      %sign3A_40 = arith.cmpi sgt, %jit3A, %sign3A_39 : i32
      %sign3A_41 = arith.extui %sign3A_40 : i1 to i32
      %sign3A_42 = arith.constant 0 : i32
      %sign3A_43 = arith.cmpi slt, %jit3A, %sign3A_42 : i32
      %sign3A_44 = arith.extui %sign3A_43 : i1 to i32
      %sign3A_45 = arith.subi %sign3A_41, %sign3A_44 : i32
      %ne3A = arith.cmpi ne, %sign3A_38, %sign3A_45 : i32
      %rem3A = arith.remsi %add3A_32, %jit3A : i32
      %ne3A_46 = arith.constant 0 : i32
      %ne3A_47 = arith.cmpi ne, %rem3A, %ne3A_46 : i32
      %and3A = arith.andi %ne3A, %ne3A_47 : i1
      %sub3A = arith.constant 1 : i32
      %sub3A_48 = arith.subi %div3A, %sub3A : i32
      %select_n3A = arith.select %and3A, %sub3A_48, %div3A : i32
      %jit3A_49 = arith.constant 8 : i32
      %eq3A = arith.constant 0 : i32
      %eq3A_50 = arith.cmpi eq, %jit3A_49, %eq3A : i32
      %jit3A_51 = arith.constant 1 : i32
      %select_n3A_52 = arith.select %eq3A_50, %jit3A_51, %jit3A_49 : i32
      %rem3A_53 = arith.remsi %add3A_32, %select_n3A_52 : i32
      %ne3A_54 = arith.constant 0 : i32
      %ne3A_55 = arith.cmpi ne, %rem3A_53, %ne3A_54 : i32
      %lt3A = arith.constant 0 : i32
      %lt3A_56 = arith.cmpi slt, %rem3A_53, %lt3A : i32
      %lt3A_57 = arith.constant 0 : i32
      %lt3A_58 = arith.cmpi slt, %select_n3A_52, %lt3A_57 : i32
      %ne3A_59 = arith.xori %lt3A_56, %lt3A_58 : i1
      %and3A_60 = arith.andi %ne3A_59, %ne3A_55 : i1
      %add3A_61 = arith.addi %rem3A_53, %select_n3A_52 : i32
      %select_n3A_62 = arith.select %and3A_60, %add3A_61, %rem3A_53 : i32
      %mul3A_63 = arith.constant 16 : i32
      %mul3A_64 = arith.muli %select_n3A_62, %mul3A_63 : i32
      %get3A = arith.index_cast %select_n3A : i32 to index
      %get3A_65 = arith.index_cast %mul3A_64 : i32 to index
      %get3A_66 = tpu.vector_load %arg9[%get3A, %get3A_65] {strides = array<i32>} : memref<32x128xi32, #tpu.memory_space<vmem>>, vector<1x16xi32>,
      %get3A_67 = vector.shape_cast %get3A_66 : vector<1x16xi32> to vector<16xi32>
      %mul3A_68 = arith.constant 16 : i32
      %mul3A_69 = arith.muli %select_n3A_62, %mul3A_68 : i32
      %get3A_70 = arith.index_cast %select_n3A : i32 to index
      %get3A_71 = arith.index_cast %mul3A_69 : i32 to index
      %get3A_72 = tpu.vector_load %arg8[%get3A_70, %get3A_71] {strides = array<i32>} : memref<32x128xi32, #tpu.memory_space<vmem>>, vector<1x16xi32>,
      %get3A_73 = vector.shape_cast %get3A_72 : vector<1x16xi32> to vector<16xi32>
      %mul3A_74 = arith.constant 16 : i32
      %mul3A_75 = arith.muli %add3A_32, %mul3A_74 : i32
      %add3A_76 = arith.addi %mul3A_10, %mul3A_75 : i32
      %add3A_77 = vector.broadcast %add3A_76 : i32 to vector<16xi32>
      %add3A_78 = arith.addi %add3A_77, %iota3A : vector<16xi32>
      %gt3A = arith.cmpi sgt, %get3A_67, %get3A_73 : vector<16xi32>
      %ge3A = arith.constant 0 : i32
      %ge3A_79 = vector.broadcast %ge3A : i32 to vector<16xi32>
      %ge3A_80 = arith.cmpi sge, %get3A_67, %ge3A_79 : vector<16xi32>
      %and3A_81 = arith.andi %gt3A, %ge3A_80 : vector<16xi1>
      %lt3A_82 = arith.constant 131072 : i32
      %lt3A_83 = vector.broadcast %lt3A_82 : i32 to vector<16xi32>
      %lt3A_84 = arith.cmpi slt, %get3A_67, %lt3A_83 : vector<16xi32>
      %and3A_85 = arith.andi %and3A_81, %lt3A_84 : vector<16xi1>
      %select_n3A_86 = arith.select %and3A_85, %get3A_67, %add3A_78 : vector<16xi1>, vector<16xi32>
      %mul3A_87 = arith.constant 16 : i32
      %mul3A_88 = arith.muli %select_n3A_62, %mul3A_87 : i32
      %swap3A = arith.index_cast %select_n3A : i32 to index
      %swap3A_89 = arith.index_cast %mul3A_88 : i32 to index
      %swap3A_90 = tpu.vector_load %arg10[%swap3A, %swap3A_89] {strides = array<i32>} : memref<32x128xi32, #tpu.memory_space<vmem>>, vector<1x16xi32>,
      %swap3A_91 = vector.shape_cast %swap3A_90 : vector<1x16xi32> to vector<16xi32>
      %swap3A_92 = vector.shape_cast %select_n3A_86 : vector<16xi32> to vector<1x16xi32>
      tpu.vector_store %arg10[%swap3A, %swap3A_89], %swap3A_92 {strides = array<i32>} : memref<32x128xi32, #tpu.memory_space<vmem>>, vector<1x16xi32>,
    }
    %scan3A_15 = arith.constant 256 : i32
    %scan3A_16 = arith.constant 0 : i32
    %scan3A_17 = arith.constant 2 : i32
    %scan3A_18 = arith.addi %scan3A_16, %scan3A_17 : i32
    %scan3A_19 = arith.constant 1 : i32
    scf.for %scan3A_28 = %scan3A_16 to %scan3A_18 step %scan3A_19  : i32 {
      %mul3A_29 = arith.constant 1 : i32
      %mul3A_30 = arith.muli %scan3A_28, %mul3A_29 : i32
      %add3A_31 = arith.constant 0 : i32
      %add3A_32 = arith.addi %add3A_31, %mul3A_30 : i32
      %mul3A_33 = arith.constant 16 : i32
      %mul3A_34 = arith.muli %add3A_32, %mul3A_33 : i32
      %add3A_35 = arith.constant 0 : i32
      %add3A_36 = arith.addi %mul3A_34, %add3A_35 : i32
      %mul3A_37 = arith.constant 16 : i32
      %mul3A_38 = arith.muli %add3A_32, %mul3A_37 : i32
      %add3A_39 = arith.constant 0 : i32
      %add3A_40 = arith.addi %mul3A_38, %add3A_39 : i32
      %dma_start3A = arith.constant 0 : i32
      %dma_start3A_41 = tpu.memref_slice %arg11[%add3A_40, %dma_start3A] : memref<32x128xi32, #tpu.memory_space<vmem>> -> memref<1x128xi32, #tpu.memory_space<vmem>>
      %dma_start3A_42 = tpu.memref_squeeze %dma_start3A_41 : memref<1x128xi32, #tpu.memory_space<vmem>> -> memref<128xi32, #tpu.memory_space<vmem>>
      %dma_start3A_43 = arith.constant 0 : i32
      %dma_start3A_44 = tpu.memref_slice %arg10[%add3A_36, %dma_start3A_43] : memref<32x128xi32, #tpu.memory_space<vmem>> -> memref<1x128xi32, #tpu.memory_space<vmem>>
      %dma_start3A_45 = tpu.memref_squeeze %dma_start3A_44 : memref<1x128xi32, #tpu.memory_space<vmem>> -> memref<128xi32, #tpu.memory_space<vmem>>
      %dma_start3A_46 = arith.constant 0 : i32
      %dma_start3A_47 = tpu.memref_slice %arg3[%dma_start3A_46] : memref<131072xi32, #tpu.memory_space<hbm>> -> memref<131072xi32, #tpu.memory_space<hbm>>
      tpu.enqueue_indirect_dma source(%dma_start3A_47 : memref<131072xi32, #tpu.memory_space<hbm>>) target(%dma_start3A_42 : memref<128xi32, #tpu.memory_space<vmem>>) offsets(%dma_start3A_45 : memref<128xi32, #tpu.memory_space<vmem>>) semaphore(%arg12 : memref<!tpu.dma_semaphore, #tpu.memory_space<semaphore_mem>>)
      %mul3A_48 = arith.constant 16 : i32
      %mul3A_49 = arith.muli %add3A_32, %mul3A_48 : i32
      %add3A_50 = arith.constant 1 : i32
      %add3A_51 = arith.addi %mul3A_49, %add3A_50 : i32
      %mul3A_52 = arith.constant 16 : i32
      %mul3A_53 = arith.muli %add3A_32, %mul3A_52 : i32
      %add3A_54 = arith.constant 1 : i32
      %add3A_55 = arith.addi %mul3A_53, %add3A_54 : i32
      %dma_start3A_56 = arith.constant 0 : i32
      %dma_start3A_57 = tpu.memref_slice %arg11[%add3A_55, %dma_start3A_56] : memref<32x128xi32, #tpu.memory_space<vmem>> -> memref<1x128xi32, #tpu.memory_space<vmem>>
      %dma_start3A_58 = tpu.memref_squeeze %dma_start3A_57 : memref<1x128xi32, #tpu.memory_space<vmem>> -> memref<128xi32, #tpu.memory_space<vmem>>
      %dma_start3A_59 = arith.constant 0 : i32
      %dma_start3A_60 = tpu.memref_slice %arg10[%add3A_51, %dma_start3A_59] : memref<32x128xi32, #tpu.memory_space<vmem>> -> memref<1x128xi32, #tpu.memory_space<vmem>>
      %dma_start3A_61 = tpu.memref_squeeze %dma_start3A_60 : memref<1x128xi32, #tpu.memory_space<vmem>> -> memref<128xi32, #tpu.memory_space<vmem>>
      %dma_start3A_62 = arith.constant 0 : i32
      %dma_start3A_63 = tpu.memref_slice %arg3[%dma_start3A_62] : memref<131072xi32, #tpu.memory_space<hbm>> -> memref<131072xi32, #tpu.memory_space<hbm>>
      tpu.enqueue_indirect_dma source(%dma_start3A_63 : memref<131072xi32, #tpu.memory_space<hbm>>) target(%dma_start3A_58 : memref<128xi32, #tpu.memory_space<vmem>>) offsets(%dma_start3A_61 : memref<128xi32, #tpu.memory_space<vmem>>) semaphore(%arg12 : memref<!tpu.dma_semaphore, #tpu.memory_space<semaphore_mem>>)
      %mul3A_64 = arith.constant 16 : i32
      %mul3A_65 = arith.muli %add3A_32, %mul3A_64 : i32
      %add3A_66 = arith.constant 2 : i32
      %add3A_67 = arith.addi %mul3A_65, %add3A_66 : i32
      %mul3A_68 = arith.constant 16 : i32
      %mul3A_69 = arith.muli %add3A_32, %mul3A_68 : i32
      %add3A_70 = arith.constant 2 : i32
      %add3A_71 = arith.addi %mul3A_69, %add3A_70 : i32
      %dma_start3A_72 = arith.constant 0 : i32
      %dma_start3A_73 = tpu.memref_slice %arg11[%add3A_71, %dma_start3A_72] : memref<32x128xi32, #tpu.memory_space<vmem>> -> memref<1x128xi32, #tpu.memory_space<vmem>>
      %dma_start3A_74 = tpu.memref_squeeze %dma_start3A_73 : memref<1x128xi32, #tpu.memory_space<vmem>> -> memref<128xi32, #tpu.memory_space<vmem>>
      %dma_start3A_75 = arith.constant 0 : i32
      %dma_start3A_76 = tpu.memref_slice %arg10[%add3A_67, %dma_start3A_75] : memref<32x128xi32, #tpu.memory_space<vmem>> -> memref<1x128xi32, #tpu.memory_space<vmem>>
      %dma_start3A_77 = tpu.memref_squeeze %dma_start3A_76 : memref<1x128xi32, #tpu.memory_space<vmem>> -> memref<128xi32, #tpu.memory_space<vmem>>
      %dma_start3A_78 = arith.constant 0 : i32
      %dma_start3A_79 = tpu.memref_slice %arg3[%dma_start3A_78] : memref<131072xi32, #tpu.memory_space<hbm>> -> memref<131072xi32, #tpu.memory_space<hbm>>
      tpu.enqueue_indirect_dma source(%dma_start3A_79 : memref<131072xi32, #tpu.memory_space<hbm>>) target(%dma_start3A_74 : memref<128xi32, #tpu.memory_space<vmem>>) offsets(%dma_start3A_77 : memref<128xi32, #tpu.memory_space<vmem>>) semaphore(%arg12 : memref<!tpu.dma_semaphore, #tpu.memory_space<semaphore_mem>>)
      %mul3A_80 = arith.constant 16 : i32
      %mul3A_81 = arith.muli %add3A_32, %mul3A_80 : i32
      %add3A_82 = arith.constant 3 : i32
      %add3A_83 = arith.addi %mul3A_81, %add3A_82 : i32
      %mul3A_84 = arith.constant 16 : i32
      %mul3A_85 = arith.muli %add3A_32, %mul3A_84 : i32
      %add3A_86 = arith.constant 3 : i32
      %add3A_87 = arith.addi %mul3A_85, %add3A_86 : i32
      %dma_start3A_88 = arith.constant 0 : i32
      %dma_start3A_89 = tpu.memref_slice %arg11[%add3A_87, %dma_start3A_88] : memref<32x128xi32, #tpu.memory_space<vmem>> -> memref<1x128xi32, #tpu.memory_space<vmem>>
      %dma_start3A_90 = tpu.memref_squeeze %dma_start3A_89 : memref<1x128xi32, #tpu.memory_space<vmem>> -> memref<128xi32, #tpu.memory_space<vmem>>
      %dma_start3A_91 = arith.constant 0 : i32
      %dma_start3A_92 = tpu.memref_slice %arg10[%add3A_83, %dma_start3A_91] : memref<32x128xi32, #tpu.memory_space<vmem>> -> memref<1x128xi32, #tpu.memory_space<vmem>>
      %dma_start3A_93 = tpu.memref_squeeze %dma_start3A_92 : memref<1x128xi32, #tpu.memory_space<vmem>> -> memref<128xi32, #tpu.memory_space<vmem>>
      %dma_start3A_94 = arith.constant 0 : i32
      %dma_start3A_95 = tpu.memref_slice %arg3[%dma_start3A_94] : memref<131072xi32, #tpu.memory_space<hbm>> -> memref<131072xi32, #tpu.memory_space<hbm>>
      tpu.enqueue_indirect_dma source(%dma_start3A_95 : memref<131072xi32, #tpu.memory_space<hbm>>) target(%dma_start3A_90 : memref<128xi32, #tpu.memory_space<vmem>>) offsets(%dma_start3A_93 : memref<128xi32, #tpu.memory_space<vmem>>) semaphore(%arg12 : memref<!tpu.dma_semaphore, #tpu.memory_space<semaphore_mem>>)
      %mul3A_96 = arith.constant 16 : i32
      %mul3A_97 = arith.muli %add3A_32, %mul3A_96 : i32
      %add3A_98 = arith.constant 4 : i32
      %add3A_99 = arith.addi %mul3A_97, %add3A_98 : i32
      %mul3A_100 = arith.constant 16 : i32
      %mul3A_101 = arith.muli %add3A_32, %mul3A_100 : i32
      %add3A_102 = arith.constant 4 : i32
      %add3A_103 = arith.addi %mul3A_101, %add3A_102 : i32
      %dma_start3A_104 = arith.constant 0 : i32
      %dma_start3A_105 = tpu.memref_slice %arg11[%add3A_103, %dma_start3A_104] : memref<32x128xi32, #tpu.memory_space<vmem>> -> memref<1x128xi32, #tpu.memory_space<vmem>>
      %dma_start3A_106 = tpu.memref_squeeze %dma_start3A_105 : memref<1x128xi32, #tpu.memory_space<vmem>> -> memref<128xi32, #tpu.memory_space<vmem>>
      %dma_start3A_107 = arith.constant 0 : i32
      %dma_start3A_108 = tpu.memref_slice %arg10[%add3A_99, %dma_start3A_107] : memref<32x128xi32, #tpu.memory_space<vmem>> -> memref<1x128xi32, #tpu.memory_space<vmem>>
      %dma_start3A_109 = tpu.memref_squeeze %dma_start3A_108 : memref<1x128xi32, #tpu.memory_space<vmem>> -> memref<128xi32, #tpu.memory_space<vmem>>
      %dma_start3A_110 = arith.constant 0 : i32
      %dma_start3A_111 = tpu.memref_slice %arg3[%dma_start3A_110] : memref<131072xi32, #tpu.memory_space<hbm>> -> memref<131072xi32, #tpu.memory_space<hbm>>
      tpu.enqueue_indirect_dma source(%dma_start3A_111 : memref<131072xi32, #tpu.memory_space<hbm>>) target(%dma_start3A_106 : memref<128xi32, #tpu.memory_space<vmem>>) offsets(%dma_start3A_109 : memref<128xi32, #tpu.memory_space<vmem>>) semaphore(%arg12 : memref<!tpu.dma_semaphore, #tpu.memory_space<semaphore_mem>>)
      %mul3A_112 = arith.constant 16 : i32
      %mul3A_113 = arith.muli %add3A_32, %mul3A_112 : i32
      %add3A_114 = arith.constant 5 : i32
      %add3A_115 = arith.addi %mul3A_113, %add3A_114 : i32
      %mul3A_116 = arith.constant 16 : i32
      %mul3A_117 = arith.muli %add3A_32, %mul3A_116 : i32
      %add3A_118 = arith.constant 5 : i32
      %add3A_119 = arith.addi %mul3A_117, %add3A_118 : i32
      %dma_start3A_120 = arith.constant 0 : i32
      %dma_start3A_121 = tpu.memref_slice %arg11[%add3A_119, %dma_start3A_120] : memref<32x128xi32, #tpu.memory_space<vmem>> -> memref<1x128xi32, #tpu.memory_space<vmem>>
      %dma_start3A_122 = tpu.memref_squeeze %dma_start3A_121 : memref<1x128xi32, #tpu.memory_space<vmem>> -> memref<128xi32, #tpu.memory_space<vmem>>
      %dma_start3A_123 = arith.constant 0 : i32
      %dma_start3A_124 = tpu.memref_slice %arg10[%add3A_115, %dma_start3A_123] : memref<32x128xi32, #tpu.memory_space<vmem>> -> memref<1x128xi32, #tpu.memory_space<vmem>>
      %dma_start3A_125 = tpu.memref_squeeze %dma_start3A_124 : memref<1x128xi32, #tpu.memory_space<vmem>> -> memref<128xi32, #tpu.memory_space<vmem>>
      %dma_start3A_126 = arith.constant 0 : i32
      %dma_start3A_127 = tpu.memref_slice %arg3[%dma_start3A_126] : memref<131072xi32, #tpu.memory_space<hbm>> -> memref<131072xi32, #tpu.memory_space<hbm>>
      tpu.enqueue_indirect_dma source(%dma_start3A_127 : memref<131072xi32, #tpu.memory_space<hbm>>) target(%dma_start3A_122 : memref<128xi32, #tpu.memory_space<vmem>>) offsets(%dma_start3A_125 : memref<128xi32, #tpu.memory_space<vmem>>) semaphore(%arg12 : memref<!tpu.dma_semaphore, #tpu.memory_space<semaphore_mem>>)
      %mul3A_128 = arith.constant 16 : i32
      %mul3A_129 = arith.muli %add3A_32, %mul3A_128 : i32
      %add3A_130 = arith.constant 6 : i32
      %add3A_131 = arith.addi %mul3A_129, %add3A_130 : i32
      %mul3A_132 = arith.constant 16 : i32
      %mul3A_133 = arith.muli %add3A_32, %mul3A_132 : i32
      %add3A_134 = arith.constant 6 : i32
      %add3A_135 = arith.addi %mul3A_133, %add3A_134 : i32
      %dma_start3A_136 = arith.constant 0 : i32
      %dma_start3A_137 = tpu.memref_slice %arg11[%add3A_135, %dma_start3A_136] : memref<32x128xi32, #tpu.memory_space<vmem>> -> memref<1x128xi32, #tpu.memory_space<vmem>>
      %dma_start3A_138 = tpu.memref_squeeze %dma_start3A_137 : memref<1x128xi32, #tpu.memory_space<vmem>> -> memref<128xi32, #tpu.memory_space<vmem>>
      %dma_start3A_139 = arith.constant 0 : i32
      %dma_start3A_140 = tpu.memref_slice %arg10[%add3A_131, %dma_start3A_139] : memref<32x128xi32, #tpu.memory_space<vmem>> -> memref<1x128xi32, #tpu.memory_space<vmem>>
      %dma_start3A_141 = tpu.memref_squeeze %dma_start3A_140 : memref<1x128xi32, #tpu.memory_space<vmem>> -> memref<128xi32, #tpu.memory_space<vmem>>
      %dma_start3A_142 = arith.constant 0 : i32
      %dma_start3A_143 = tpu.memref_slice %arg3[%dma_start3A_142] : memref<131072xi32, #tpu.memory_space<hbm>> -> memref<131072xi32, #tpu.memory_space<hbm>>
      tpu.enqueue_indirect_dma source(%dma_start3A_143 : memref<131072xi32, #tpu.memory_space<hbm>>) target(%dma_start3A_138 : memref<128xi32, #tpu.memory_space<vmem>>) offsets(%dma_start3A_141 : memref<128xi32, #tpu.memory_space<vmem>>) semaphore(%arg12 : memref<!tpu.dma_semaphore, #tpu.memory_space<semaphore_mem>>)
      %mul3A_144 = arith.constant 16 : i32
      %mul3A_145 = arith.muli %add3A_32, %mul3A_144 : i32
      %add3A_146 = arith.constant 7 : i32
      %add3A_147 = arith.addi %mul3A_145, %add3A_146 : i32
      %mul3A_148 = arith.constant 16 : i32
      %mul3A_149 = arith.muli %add3A_32, %mul3A_148 : i32
      %add3A_150 = arith.constant 7 : i32
      %add3A_151 = arith.addi %mul3A_149, %add3A_150 : i32
      %dma_start3A_152 = arith.constant 0 : i32
      %dma_start3A_153 = tpu.memref_slice %arg11[%add3A_151, %dma_start3A_152] : memref<32x128xi32, #tpu.memory_space<vmem>> -> memref<1x128xi32, #tpu.memory_space<vmem>>
      %dma_start3A_154 = tpu.memref_squeeze %dma_start3A_153 : memref<1x128xi32, #tpu.memory_space<vmem>> -> memref<128xi32, #tpu.memory_space<vmem>>
      %dma_start3A_155 = arith.constant 0 : i32
      %dma_start3A_156 = tpu.memref_slice %arg10[%add3A_147, %dma_start3A_155] : memref<32x128xi32, #tpu.memory_space<vmem>> -> memref<1x128xi32, #tpu.memory_space<vmem>>
      %dma_start3A_157 = tpu.memref_squeeze %dma_start3A_156 : memref<1x128xi32, #tpu.memory_space<vmem>> -> memref<128xi32, #tpu.memory_space<vmem>>
      %dma_start3A_158 = arith.constant 0 : i32
      %dma_start3A_159 = tpu.memref_slice %arg3[%dma_start3A_158] : memref<131072xi32, #tpu.memory_space<hbm>> -> memref<131072xi32, #tpu.memory_space<hbm>>
      tpu.enqueue_indirect_dma source(%dma_start3A_159 : memref<131072xi32, #tpu.memory_space<hbm>>) target(%dma_start3A_154 : memref<128xi32, #tpu.memory_space<vmem>>) offsets(%dma_start3A_157 : memref<128xi32, #tpu.memory_space<vmem>>) semaphore(%arg12 : memref<!tpu.dma_semaphore, #tpu.memory_space<semaphore_mem>>)
      %mul3A_160 = arith.constant 16 : i32
      %mul3A_161 = arith.muli %add3A_32, %mul3A_160 : i32
      %add3A_162 = arith.constant 8 : i32
      %add3A_163 = arith.addi %mul3A_161, %add3A_162 : i32
      %mul3A_164 = arith.constant 16 : i32
      %mul3A_165 = arith.muli %add3A_32, %mul3A_164 : i32
      %add3A_166 = arith.constant 8 : i32
      %add3A_167 = arith.addi %mul3A_165, %add3A_166 : i32
      %dma_start3A_168 = arith.constant 0 : i32
      %dma_start3A_169 = tpu.memref_slice %arg11[%add3A_167, %dma_start3A_168] : memref<32x128xi32, #tpu.memory_space<vmem>> -> memref<1x128xi32, #tpu.memory_space<vmem>>
      %dma_start3A_170 = tpu.memref_squeeze %dma_start3A_169 : memref<1x128xi32, #tpu.memory_space<vmem>> -> memref<128xi32, #tpu.memory_space<vmem>>
      %dma_start3A_171 = arith.constant 0 : i32
      %dma_start3A_172 = tpu.memref_slice %arg10[%add3A_163, %dma_start3A_171] : memref<32x128xi32, #tpu.memory_space<vmem>> -> memref<1x128xi32, #tpu.memory_space<vmem>>
      %dma_start3A_173 = tpu.memref_squeeze %dma_start3A_172 : memref<1x128xi32, #tpu.memory_space<vmem>> -> memref<128xi32, #tpu.memory_space<vmem>>
      %dma_start3A_174 = arith.constant 0 : i32
      %dma_start3A_175 = tpu.memref_slice %arg3[%dma_start3A_174] : memref<131072xi32, #tpu.memory_space<hbm>> -> memref<131072xi32, #tpu.memory_space<hbm>>
      tpu.enqueue_indirect_dma source(%dma_start3A_175 : memref<131072xi32, #tpu.memory_space<hbm>>) target(%dma_start3A_170 : memref<128xi32, #tpu.memory_space<vmem>>) offsets(%dma_start3A_173 : memref<128xi32, #tpu.memory_space<vmem>>) semaphore(%arg12 : memref<!tpu.dma_semaphore, #tpu.memory_space<semaphore_mem>>)
      %mul3A_176 = arith.constant 16 : i32
      %mul3A_177 = arith.muli %add3A_32, %mul3A_176 : i32
      %add3A_178 = arith.constant 9 : i32
      %add3A_179 = arith.addi %mul3A_177, %add3A_178 : i32
      %mul3A_180 = arith.constant 16 : i32
      %mul3A_181 = arith.muli %add3A_32, %mul3A_180 : i32
      %add3A_182 = arith.constant 9 : i32
      %add3A_183 = arith.addi %mul3A_181, %add3A_182 : i32
      %dma_start3A_184 = arith.constant 0 : i32
      %dma_start3A_185 = tpu.memref_slice %arg11[%add3A_183, %dma_start3A_184] : memref<32x128xi32, #tpu.memory_space<vmem>> -> memref<1x128xi32, #tpu.memory_space<vmem>>
      %dma_start3A_186 = tpu.memref_squeeze %dma_start3A_185 : memref<1x128xi32, #tpu.memory_space<vmem>> -> memref<128xi32, #tpu.memory_space<vmem>>
      %dma_start3A_187 = arith.constant 0 : i32
      %dma_start3A_188 = tpu.memref_slice %arg10[%add3A_179, %dma_start3A_187] : memref<32x128xi32, #tpu.memory_space<vmem>> -> memref<1x128xi32, #tpu.memory_space<vmem>>
      %dma_start3A_189 = tpu.memref_squeeze %dma_start3A_188 : memref<1x128xi32, #tpu.memory_space<vmem>> -> memref<128xi32, #tpu.memory_space<vmem>>
      %dma_start3A_190 = arith.constant 0 : i32
      %dma_start3A_191 = tpu.memref_slice %arg3[%dma_start3A_190] : memref<131072xi32, #tpu.memory_space<hbm>> -> memref<131072xi32, #tpu.memory_space<hbm>>
      tpu.enqueue_indirect_dma source(%dma_start3A_191 : memref<131072xi32, #tpu.memory_space<hbm>>) target(%dma_start3A_186 : memref<128xi32, #tpu.memory_space<vmem>>) offsets(%dma_start3A_189 : memref<128xi32, #tpu.memory_space<vmem>>) semaphore(%arg12 : memref<!tpu.dma_semaphore, #tpu.memory_space<semaphore_mem>>)
      %mul3A_192 = arith.constant 16 : i32
      %mul3A_193 = arith.muli %add3A_32, %mul3A_192 : i32
      %add3A_194 = arith.constant 10 : i32
      %add3A_195 = arith.addi %mul3A_193, %add3A_194 : i32
      %mul3A_196 = arith.constant 16 : i32
      %mul3A_197 = arith.muli %add3A_32, %mul3A_196 : i32
      %add3A_198 = arith.constant 10 : i32
      %add3A_199 = arith.addi %mul3A_197, %add3A_198 : i32
      %dma_start3A_200 = arith.constant 0 : i32
      %dma_start3A_201 = tpu.memref_slice %arg11[%add3A_199, %dma_start3A_200] : memref<32x128xi32, #tpu.memory_space<vmem>> -> memref<1x128xi32, #tpu.memory_space<vmem>>
      %dma_start3A_202 = tpu.memref_squeeze %dma_start3A_201 : memref<1x128xi32, #tpu.memory_space<vmem>> -> memref<128xi32, #tpu.memory_space<vmem>>
      %dma_start3A_203 = arith.constant 0 : i32
      %dma_start3A_204 = tpu.memref_slice %arg10[%add3A_195, %dma_start3A_203] : memref<32x128xi32, #tpu.memory_space<vmem>> -> memref<1x128xi32, #tpu.memory_space<vmem>>
      %dma_start3A_205 = tpu.memref_squeeze %dma_start3A_204 : memref<1x128xi32, #tpu.memory_space<vmem>> -> memref<128xi32, #tpu.memory_space<vmem>>
      %dma_start3A_206 = arith.constant 0 : i32
      %dma_start3A_207 = tpu.memref_slice %arg3[%dma_start3A_206] : memref<131072xi32, #tpu.memory_space<hbm>> -> memref<131072xi32, #tpu.memory_space<hbm>>
      tpu.enqueue_indirect_dma source(%dma_start3A_207 : memref<131072xi32, #tpu.memory_space<hbm>>) target(%dma_start3A_202 : memref<128xi32, #tpu.memory_space<vmem>>) offsets(%dma_start3A_205 : memref<128xi32, #tpu.memory_space<vmem>>) semaphore(%arg12 : memref<!tpu.dma_semaphore, #tpu.memory_space<semaphore_mem>>)
      %mul3A_208 = arith.constant 16 : i32
      %mul3A_209 = arith.muli %add3A_32, %mul3A_208 : i32
      %add3A_210 = arith.constant 11 : i32
      %add3A_211 = arith.addi %mul3A_209, %add3A_210 : i32
      %mul3A_212 = arith.constant 16 : i32
      %mul3A_213 = arith.muli %add3A_32, %mul3A_212 : i32
      %add3A_214 = arith.constant 11 : i32
      %add3A_215 = arith.addi %mul3A_213, %add3A_214 : i32
      %dma_start3A_216 = arith.constant 0 : i32
      %dma_start3A_217 = tpu.memref_slice %arg11[%add3A_215, %dma_start3A_216] : memref<32x128xi32, #tpu.memory_space<vmem>> -> memref<1x128xi32, #tpu.memory_space<vmem>>
      %dma_start3A_218 = tpu.memref_squeeze %dma_start3A_217 : memref<1x128xi32, #tpu.memory_space<vmem>> -> memref<128xi32, #tpu.memory_space<vmem>>
      %dma_start3A_219 = arith.constant 0 : i32
      %dma_start3A_220 = tpu.memref_slice %arg10[%add3A_211, %dma_start3A_219] : memref<32x128xi32, #tpu.memory_space<vmem>> -> memref<1x128xi32, #tpu.memory_space<vmem>>
      %dma_start3A_221 = tpu.memref_squeeze %dma_start3A_220 : memref<1x128xi32, #tpu.memory_space<vmem>> -> memref<128xi32, #tpu.memory_space<vmem>>
      %dma_start3A_222 = arith.constant 0 : i32
      %dma_start3A_223 = tpu.memref_slice %arg3[%dma_start3A_222] : memref<131072xi32, #tpu.memory_space<hbm>> -> memref<131072xi32, #tpu.memory_space<hbm>>
      tpu.enqueue_indirect_dma source(%dma_start3A_223 : memref<131072xi32, #tpu.memory_space<hbm>>) target(%dma_start3A_218 : memref<128xi32, #tpu.memory_space<vmem>>) offsets(%dma_start3A_221 : memref<128xi32, #tpu.memory_space<vmem>>) semaphore(%arg12 : memref<!tpu.dma_semaphore, #tpu.memory_space<semaphore_mem>>)
      %mul3A_224 = arith.constant 16 : i32
      %mul3A_225 = arith.muli %add3A_32, %mul3A_224 : i32
      %add3A_226 = arith.constant 12 : i32
      %add3A_227 = arith.addi %mul3A_225, %add3A_226 : i32
      %mul3A_228 = arith.constant 16 : i32
      %mul3A_229 = arith.muli %add3A_32, %mul3A_228 : i32
      %add3A_230 = arith.constant 12 : i32
      %add3A_231 = arith.addi %mul3A_229, %add3A_230 : i32
      %dma_start3A_232 = arith.constant 0 : i32
      %dma_start3A_233 = tpu.memref_slice %arg11[%add3A_231, %dma_start3A_232] : memref<32x128xi32, #tpu.memory_space<vmem>> -> memref<1x128xi32, #tpu.memory_space<vmem>>
      %dma_start3A_234 = tpu.memref_squeeze %dma_start3A_233 : memref<1x128xi32, #tpu.memory_space<vmem>> -> memref<128xi32, #tpu.memory_space<vmem>>
      %dma_start3A_235 = arith.constant 0 : i32
      %dma_start3A_236 = tpu.memref_slice %arg10[%add3A_227, %dma_start3A_235] : memref<32x128xi32, #tpu.memory_space<vmem>> -> memref<1x128xi32, #tpu.memory_space<vmem>>
      %dma_start3A_237 = tpu.memref_squeeze %dma_start3A_236 : memref<1x128xi32, #tpu.memory_space<vmem>> -> memref<128xi32, #tpu.memory_space<vmem>>
      %dma_start3A_238 = arith.constant 0 : i32
      %dma_start3A_239 = tpu.memref_slice %arg3[%dma_start3A_238] : memref<131072xi32, #tpu.memory_space<hbm>> -> memref<131072xi32, #tpu.memory_space<hbm>>
      tpu.enqueue_indirect_dma source(%dma_start3A_239 : memref<131072xi32, #tpu.memory_space<hbm>>) target(%dma_start3A_234 : memref<128xi32, #tpu.memory_space<vmem>>) offsets(%dma_start3A_237 : memref<128xi32, #tpu.memory_space<vmem>>) semaphore(%arg12 : memref<!tpu.dma_semaphore, #tpu.memory_space<semaphore_mem>>)
      %mul3A_240 = arith.constant 16 : i32
      %mul3A_241 = arith.muli %add3A_32, %mul3A_240 : i32
      %add3A_242 = arith.constant 13 : i32
      %add3A_243 = arith.addi %mul3A_241, %add3A_242 : i32
      %mul3A_244 = arith.constant 16 : i32
      %mul3A_245 = arith.muli %add3A_32, %mul3A_244 : i32
      %add3A_246 = arith.constant 13 : i32
      %add3A_247 = arith.addi %mul3A_245, %add3A_246 : i32
      %dma_start3A_248 = arith.constant 0 : i32
      %dma_start3A_249 = tpu.memref_slice %arg11[%add3A_247, %dma_start3A_248] : memref<32x128xi32, #tpu.memory_space<vmem>> -> memref<1x128xi32, #tpu.memory_space<vmem>>
      %dma_start3A_250 = tpu.memref_squeeze %dma_start3A_249 : memref<1x128xi32, #tpu.memory_space<vmem>> -> memref<128xi32, #tpu.memory_space<vmem>>
      %dma_start3A_251 = arith.constant 0 : i32
      %dma_start3A_252 = tpu.memref_slice %arg10[%add3A_243, %dma_start3A_251] : memref<32x128xi32, #tpu.memory_space<vmem>> -> memref<1x128xi32, #tpu.memory_space<vmem>>
      %dma_start3A_253 = tpu.memref_squeeze %dma_start3A_252 : memref<1x128xi32, #tpu.memory_space<vmem>> -> memref<128xi32, #tpu.memory_space<vmem>>
      %dma_start3A_254 = arith.constant 0 : i32
      %dma_start3A_255 = tpu.memref_slice %arg3[%dma_start3A_254] : memref<131072xi32, #tpu.memory_space<hbm>> -> memref<131072xi32, #tpu.memory_space<hbm>>
      tpu.enqueue_indirect_dma source(%dma_start3A_255 : memref<131072xi32, #tpu.memory_space<hbm>>) target(%dma_start3A_250 : memref<128xi32, #tpu.memory_space<vmem>>) offsets(%dma_start3A_253 : memref<128xi32, #tpu.memory_space<vmem>>) semaphore(%arg12 : memref<!tpu.dma_semaphore, #tpu.memory_space<semaphore_mem>>)
      %mul3A_256 = arith.constant 16 : i32
      %mul3A_257 = arith.muli %add3A_32, %mul3A_256 : i32
      %add3A_258 = arith.constant 14 : i32
      %add3A_259 = arith.addi %mul3A_257, %add3A_258 : i32
      %mul3A_260 = arith.constant 16 : i32
      %mul3A_261 = arith.muli %add3A_32, %mul3A_260 : i32
      %add3A_262 = arith.constant 14 : i32
      %add3A_263 = arith.addi %mul3A_261, %add3A_262 : i32
      %dma_start3A_264 = arith.constant 0 : i32
      %dma_start3A_265 = tpu.memref_slice %arg11[%add3A_263, %dma_start3A_264] : memref<32x128xi32, #tpu.memory_space<vmem>> -> memref<1x128xi32, #tpu.memory_space<vmem>>
      %dma_start3A_266 = tpu.memref_squeeze %dma_start3A_265 : memref<1x128xi32, #tpu.memory_space<vmem>> -> memref<128xi32, #tpu.memory_space<vmem>>
      %dma_start3A_267 = arith.constant 0 : i32
      %dma_start3A_268 = tpu.memref_slice %arg10[%add3A_259, %dma_start3A_267] : memref<32x128xi32, #tpu.memory_space<vmem>> -> memref<1x128xi32, #tpu.memory_space<vmem>>
      %dma_start3A_269 = tpu.memref_squeeze %dma_start3A_268 : memref<1x128xi32, #tpu.memory_space<vmem>> -> memref<128xi32, #tpu.memory_space<vmem>>
      %dma_start3A_270 = arith.constant 0 : i32
      %dma_start3A_271 = tpu.memref_slice %arg3[%dma_start3A_270] : memref<131072xi32, #tpu.memory_space<hbm>> -> memref<131072xi32, #tpu.memory_space<hbm>>
      tpu.enqueue_indirect_dma source(%dma_start3A_271 : memref<131072xi32, #tpu.memory_space<hbm>>) target(%dma_start3A_266 : memref<128xi32, #tpu.memory_space<vmem>>) offsets(%dma_start3A_269 : memref<128xi32, #tpu.memory_space<vmem>>) semaphore(%arg12 : memref<!tpu.dma_semaphore, #tpu.memory_space<semaphore_mem>>)
      %mul3A_272 = arith.constant 16 : i32
      %mul3A_273 = arith.muli %add3A_32, %mul3A_272 : i32
      %add3A_274 = arith.constant 15 : i32
      %add3A_275 = arith.addi %mul3A_273, %add3A_274 : i32
      %mul3A_276 = arith.constant 16 : i32
      %mul3A_277 = arith.muli %add3A_32, %mul3A_276 : i32
      %add3A_278 = arith.constant 15 : i32
      %add3A_279 = arith.addi %mul3A_277, %add3A_278 : i32
      %dma_start3A_280 = arith.constant 0 : i32
      %dma_start3A_281 = tpu.memref_slice %arg11[%add3A_279, %dma_start3A_280] : memref<32x128xi32, #tpu.memory_space<vmem>> -> memref<1x128xi32, #tpu.memory_space<vmem>>
      %dma_start3A_282 = tpu.memref_squeeze %dma_start3A_281 : memref<1x128xi32, #tpu.memory_space<vmem>> -> memref<128xi32, #tpu.memory_space<vmem>>
      %dma_start3A_283 = arith.constant 0 : i32
      %dma_start3A_284 = tpu.memref_slice %arg10[%add3A_275, %dma_start3A_283] : memref<32x128xi32, #tpu.memory_space<vmem>> -> memref<1x128xi32, #tpu.memory_space<vmem>>
      %dma_start3A_285 = tpu.memref_squeeze %dma_start3A_284 : memref<1x128xi32, #tpu.memory_space<vmem>> -> memref<128xi32, #tpu.memory_space<vmem>>
      %dma_start3A_286 = arith.constant 0 : i32
      %dma_start3A_287 = tpu.memref_slice %arg3[%dma_start3A_286] : memref<131072xi32, #tpu.memory_space<hbm>> -> memref<131072xi32, #tpu.memory_space<hbm>>
      tpu.enqueue_indirect_dma source(%dma_start3A_287 : memref<131072xi32, #tpu.memory_space<hbm>>) target(%dma_start3A_282 : memref<128xi32, #tpu.memory_space<vmem>>) offsets(%dma_start3A_285 : memref<128xi32, #tpu.memory_space<vmem>>) semaphore(%arg12 : memref<!tpu.dma_semaphore, #tpu.memory_space<semaphore_mem>>)
      %dma_wait3A = arith.constant 0 : i32
      %dma_wait3A_288 = tpu.memref_slice %arg11[%add3A_40, %dma_wait3A] : memref<32x128xi32, #tpu.memory_space<vmem>> -> memref<1x128xi32, #tpu.memory_space<vmem>>
      %dma_wait3A_289 = tpu.memref_squeeze %dma_wait3A_288 : memref<1x128xi32, #tpu.memory_space<vmem>> -> memref<128xi32, #tpu.memory_space<vmem>>
      %dma_wait3A_290 = arith.constant 0 : i32
      %dma_wait3A_291 = tpu.memref_slice %arg10[%add3A_36, %dma_wait3A_290] : memref<32x128xi32, #tpu.memory_space<vmem>> -> memref<1x128xi32, #tpu.memory_space<vmem>>
      %dma_wait3A_292 = tpu.memref_squeeze %dma_wait3A_291 : memref<1x128xi32, #tpu.memory_space<vmem>> -> memref<128xi32, #tpu.memory_space<vmem>>
      %dma_wait3A_293 = arith.constant 0 : i32
      %dma_wait3A_294 = tpu.memref_slice %arg3[%dma_wait3A_293] : memref<131072xi32, #tpu.memory_space<hbm>> -> memref<131072xi32, #tpu.memory_space<hbm>>
      tpu.wait_indirect_dma semaphore(%arg12 : memref<!tpu.dma_semaphore, #tpu.memory_space<semaphore_mem>>) src(%dma_wait3A_294 : memref<131072xi32, #tpu.memory_space<hbm>>) dst(%dma_wait3A_289 : memref<128xi32, #tpu.memory_space<vmem>>)
      %dma_wait3A_295 = arith.constant 0 : i32
      %dma_wait3A_296 = tpu.memref_slice %arg11[%add3A_55, %dma_wait3A_295] : memref<32x128xi32, #tpu.memory_space<vmem>> -> memref<1x128xi32, #tpu.memory_space<vmem>>
      %dma_wait3A_297 = tpu.memref_squeeze %dma_wait3A_296 : memref<1x128xi32, #tpu.memory_space<vmem>> -> memref<128xi32, #tpu.memory_space<vmem>>
      %dma_wait3A_298 = arith.constant 0 : i32
      %dma_wait3A_299 = tpu.memref_slice %arg10[%add3A_51, %dma_wait3A_298] : memref<32x128xi32, #tpu.memory_space<vmem>> -> memref<1x128xi32, #tpu.memory_space<vmem>>
      %dma_wait3A_300 = tpu.memref_squeeze %dma_wait3A_299 : memref<1x128xi32, #tpu.memory_space<vmem>> -> memref<128xi32, #tpu.memory_space<vmem>>
      %dma_wait3A_301 = arith.constant 0 : i32
      %dma_wait3A_302 = tpu.memref_slice %arg3[%dma_wait3A_301] : memref<131072xi32, #tpu.memory_space<hbm>> -> memref<131072xi32, #tpu.memory_space<hbm>>
      tpu.wait_indirect_dma semaphore(%arg12 : memref<!tpu.dma_semaphore, #tpu.memory_space<semaphore_mem>>) src(%dma_wait3A_302 : memref<131072xi32, #tpu.memory_space<hbm>>) dst(%dma_wait3A_297 : memref<128xi32, #tpu.memory_space<vmem>>)
      %dma_wait3A_303 = arith.constant 0 : i32
      %dma_wait3A_304 = tpu.memref_slice %arg11[%add3A_71, %dma_wait3A_303] : memref<32x128xi32, #tpu.memory_space<vmem>> -> memref<1x128xi32, #tpu.memory_space<vmem>>
      %dma_wait3A_305 = tpu.memref_squeeze %dma_wait3A_304 : memref<1x128xi32, #tpu.memory_space<vmem>> -> memref<128xi32, #tpu.memory_space<vmem>>
      %dma_wait3A_306 = arith.constant 0 : i32
      %dma_wait3A_307 = tpu.memref_slice %arg10[%add3A_67, %dma_wait3A_306] : memref<32x128xi32, #tpu.memory_space<vmem>> -> memref<1x128xi32, #tpu.memory_space<vmem>>
      %dma_wait3A_308 = tpu.memref_squeeze %dma_wait3A_307 : memref<1x128xi32, #tpu.memory_space<vmem>> -> memref<128xi32, #tpu.memory_space<vmem>>
      %dma_wait3A_309 = arith.constant 0 : i32
      %dma_wait3A_310 = tpu.memref_slice %arg3[%dma_wait3A_309] : memref<131072xi32, #tpu.memory_space<hbm>> -> memref<131072xi32, #tpu.memory_space<hbm>>
      tpu.wait_indirect_dma semaphore(%arg12 : memref<!tpu.dma_semaphore, #tpu.memory_space<semaphore_mem>>) src(%dma_wait3A_310 : memref<131072xi32, #tpu.memory_space<hbm>>) dst(%dma_wait3A_305 : memref<128xi32, #tpu.memory_space<vmem>>)
      %dma_wait3A_311 = arith.constant 0 : i32
      %dma_wait3A_312 = tpu.memref_slice %arg11[%add3A_87, %dma_wait3A_311] : memref<32x128xi32, #tpu.memory_space<vmem>> -> memref<1x128xi32, #tpu.memory_space<vmem>>
      %dma_wait3A_313 = tpu.memref_squeeze %dma_wait3A_312 : memref<1x128xi32, #tpu.memory_space<vmem>> -> memref<128xi32, #tpu.memory_space<vmem>>
      %dma_wait3A_314 = arith.constant 0 : i32
      %dma_wait3A_315 = tpu.memref_slice %arg10[%add3A_83, %dma_wait3A_314] : memref<32x128xi32, #tpu.memory_space<vmem>> -> memref<1x128xi32, #tpu.memory_space<vmem>>
      %dma_wait3A_316 = tpu.memref_squeeze %dma_wait3A_315 : memref<1x128xi32, #tpu.memory_space<vmem>> -> memref<128xi32, #tpu.memory_space<vmem>>
      %dma_wait3A_317 = arith.constant 0 : i32
      %dma_wait3A_318 = tpu.memref_slice %arg3[%dma_wait3A_317] : memref<131072xi32, #tpu.memory_space<hbm>> -> memref<131072xi32, #tpu.memory_space<hbm>>
      tpu.wait_indirect_dma semaphore(%arg12 : memref<!tpu.dma_semaphore, #tpu.memory_space<semaphore_mem>>) src(%dma_wait3A_318 : memref<131072xi32, #tpu.memory_space<hbm>>) dst(%dma_wait3A_313 : memref<128xi32, #tpu.memory_space<vmem>>)
      %dma_wait3A_319 = arith.constant 0 : i32
      %dma_wait3A_320 = tpu.memref_slice %arg11[%add3A_103, %dma_wait3A_319] : memref<32x128xi32, #tpu.memory_space<vmem>> -> memref<1x128xi32, #tpu.memory_space<vmem>>
      %dma_wait3A_321 = tpu.memref_squeeze %dma_wait3A_320 : memref<1x128xi32, #tpu.memory_space<vmem>> -> memref<128xi32, #tpu.memory_space<vmem>>
      %dma_wait3A_322 = arith.constant 0 : i32
      %dma_wait3A_323 = tpu.memref_slice %arg10[%add3A_99, %dma_wait3A_322] : memref<32x128xi32, #tpu.memory_space<vmem>> -> memref<1x128xi32, #tpu.memory_space<vmem>>
      %dma_wait3A_324 = tpu.memref_squeeze %dma_wait3A_323 : memref<1x128xi32, #tpu.memory_space<vmem>> -> memref<128xi32, #tpu.memory_space<vmem>>
      %dma_wait3A_325 = arith.constant 0 : i32
      %dma_wait3A_326 = tpu.memref_slice %arg3[%dma_wait3A_325] : memref<131072xi32, #tpu.memory_space<hbm>> -> memref<131072xi32, #tpu.memory_space<hbm>>
      tpu.wait_indirect_dma semaphore(%arg12 : memref<!tpu.dma_semaphore, #tpu.memory_space<semaphore_mem>>) src(%dma_wait3A_326 : memref<131072xi32, #tpu.memory_space<hbm>>) dst(%dma_wait3A_321 : memref<128xi32, #tpu.memory_space<vmem>>)
      %dma_wait3A_327 = arith.constant 0 : i32
      %dma_wait3A_328 = tpu.memref_slice %arg11[%add3A_119, %dma_wait3A_327] : memref<32x128xi32, #tpu.memory_space<vmem>> -> memref<1x128xi32, #tpu.memory_space<vmem>>
      %dma_wait3A_329 = tpu.memref_squeeze %dma_wait3A_328 : memref<1x128xi32, #tpu.memory_space<vmem>> -> memref<128xi32, #tpu.memory_space<vmem>>
      %dma_wait3A_330 = arith.constant 0 : i32
      %dma_wait3A_331 = tpu.memref_slice %arg10[%add3A_115, %dma_wait3A_330] : memref<32x128xi32, #tpu.memory_space<vmem>> -> memref<1x128xi32, #tpu.memory_space<vmem>>
      %dma_wait3A_332 = tpu.memref_squeeze %dma_wait3A_331 : memref<1x128xi32, #tpu.memory_space<vmem>> -> memref<128xi32, #tpu.memory_space<vmem>>
      %dma_wait3A_333 = arith.constant 0 : i32
      %dma_wait3A_334 = tpu.memref_slice %arg3[%dma_wait3A_333] : memref<131072xi32, #tpu.memory_space<hbm>> -> memref<131072xi32, #tpu.memory_space<hbm>>
      tpu.wait_indirect_dma semaphore(%arg12 : memref<!tpu.dma_semaphore, #tpu.memory_space<semaphore_mem>>) src(%dma_wait3A_334 : memref<131072xi32, #tpu.memory_space<hbm>>) dst(%dma_wait3A_329 : memref<128xi32, #tpu.memory_space<vmem>>)
      %dma_wait3A_335 = arith.constant 0 : i32
      %dma_wait3A_336 = tpu.memref_slice %arg11[%add3A_135, %dma_wait3A_335] : memref<32x128xi32, #tpu.memory_space<vmem>> -> memref<1x128xi32, #tpu.memory_space<vmem>>
      %dma_wait3A_337 = tpu.memref_squeeze %dma_wait3A_336 : memref<1x128xi32, #tpu.memory_space<vmem>> -> memref<128xi32, #tpu.memory_space<vmem>>
      %dma_wait3A_338 = arith.constant 0 : i32
      %dma_wait3A_339 = tpu.memref_slice %arg10[%add3A_131, %dma_wait3A_338] : memref<32x128xi32, #tpu.memory_space<vmem>> -> memref<1x128xi32, #tpu.memory_space<vmem>>
      %dma_wait3A_340 = tpu.memref_squeeze %dma_wait3A_339 : memref<1x128xi32, #tpu.memory_space<vmem>> -> memref<128xi32, #tpu.memory_space<vmem>>
      %dma_wait3A_341 = arith.constant 0 : i32
      %dma_wait3A_342 = tpu.memref_slice %arg3[%dma_wait3A_341] : memref<131072xi32, #tpu.memory_space<hbm>> -> memref<131072xi32, #tpu.memory_space<hbm>>
      tpu.wait_indirect_dma semaphore(%arg12 : memref<!tpu.dma_semaphore, #tpu.memory_space<semaphore_mem>>) src(%dma_wait3A_342 : memref<131072xi32, #tpu.memory_space<hbm>>) dst(%dma_wait3A_337 : memref<128xi32, #tpu.memory_space<vmem>>)
      %dma_wait3A_343 = arith.constant 0 : i32
      %dma_wait3A_344 = tpu.memref_slice %arg11[%add3A_151, %dma_wait3A_343] : memref<32x128xi32, #tpu.memory_space<vmem>> -> memref<1x128xi32, #tpu.memory_space<vmem>>
      %dma_wait3A_345 = tpu.memref_squeeze %dma_wait3A_344 : memref<1x128xi32, #tpu.memory_space<vmem>> -> memref<128xi32, #tpu.memory_space<vmem>>
      %dma_wait3A_346 = arith.constant 0 : i32
      %dma_wait3A_347 = tpu.memref_slice %arg10[%add3A_147, %dma_wait3A_346] : memref<32x128xi32, #tpu.memory_space<vmem>> -> memref<1x128xi32, #tpu.memory_space<vmem>>
      %dma_wait3A_348 = tpu.memref_squeeze %dma_wait3A_347 : memref<1x128xi32, #tpu.memory_space<vmem>> -> memref<128xi32, #tpu.memory_space<vmem>>
      %dma_wait3A_349 = arith.constant 0 : i32
      %dma_wait3A_350 = tpu.memref_slice %arg3[%dma_wait3A_349] : memref<131072xi32, #tpu.memory_space<hbm>> -> memref<131072xi32, #tpu.memory_space<hbm>>
      tpu.wait_indirect_dma semaphore(%arg12 : memref<!tpu.dma_semaphore, #tpu.memory_space<semaphore_mem>>) src(%dma_wait3A_350 : memref<131072xi32, #tpu.memory_space<hbm>>) dst(%dma_wait3A_345 : memref<128xi32, #tpu.memory_space<vmem>>)
      %dma_wait3A_351 = arith.constant 0 : i32
      %dma_wait3A_352 = tpu.memref_slice %arg11[%add3A_167, %dma_wait3A_351] : memref<32x128xi32, #tpu.memory_space<vmem>> -> memref<1x128xi32, #tpu.memory_space<vmem>>
      %dma_wait3A_353 = tpu.memref_squeeze %dma_wait3A_352 : memref<1x128xi32, #tpu.memory_space<vmem>> -> memref<128xi32, #tpu.memory_space<vmem>>
      %dma_wait3A_354 = arith.constant 0 : i32
      %dma_wait3A_355 = tpu.memref_slice %arg10[%add3A_163, %dma_wait3A_354] : memref<32x128xi32, #tpu.memory_space<vmem>> -> memref<1x128xi32, #tpu.memory_space<vmem>>
      %dma_wait3A_356 = tpu.memref_squeeze %dma_wait3A_355 : memref<1x128xi32, #tpu.memory_space<vmem>> -> memref<128xi32, #tpu.memory_space<vmem>>
      %dma_wait3A_357 = arith.constant 0 : i32
      %dma_wait3A_358 = tpu.memref_slice %arg3[%dma_wait3A_357] : memref<131072xi32, #tpu.memory_space<hbm>> -> memref<131072xi32, #tpu.memory_space<hbm>>
      tpu.wait_indirect_dma semaphore(%arg12 : memref<!tpu.dma_semaphore, #tpu.memory_space<semaphore_mem>>) src(%dma_wait3A_358 : memref<131072xi32, #tpu.memory_space<hbm>>) dst(%dma_wait3A_353 : memref<128xi32, #tpu.memory_space<vmem>>)
      %dma_wait3A_359 = arith.constant 0 : i32
      %dma_wait3A_360 = tpu.memref_slice %arg11[%add3A_183, %dma_wait3A_359] : memref<32x128xi32, #tpu.memory_space<vmem>> -> memref<1x128xi32, #tpu.memory_space<vmem>>
      %dma_wait3A_361 = tpu.memref_squeeze %dma_wait3A_360 : memref<1x128xi32, #tpu.memory_space<vmem>> -> memref<128xi32, #tpu.memory_space<vmem>>
      %dma_wait3A_362 = arith.constant 0 : i32
      %dma_wait3A_363 = tpu.memref_slice %arg10[%add3A_179, %dma_wait3A_362] : memref<32x128xi32, #tpu.memory_space<vmem>> -> memref<1x128xi32, #tpu.memory_space<vmem>>
      %dma_wait3A_364 = tpu.memref_squeeze %dma_wait3A_363 : memref<1x128xi32, #tpu.memory_space<vmem>> -> memref<128xi32, #tpu.memory_space<vmem>>
      %dma_wait3A_365 = arith.constant 0 : i32
      %dma_wait3A_366 = tpu.memref_slice %arg3[%dma_wait3A_365] : memref<131072xi32, #tpu.memory_space<hbm>> -> memref<131072xi32, #tpu.memory_space<hbm>>
      tpu.wait_indirect_dma semaphore(%arg12 : memref<!tpu.dma_semaphore, #tpu.memory_space<semaphore_mem>>) src(%dma_wait3A_366 : memref<131072xi32, #tpu.memory_space<hbm>>) dst(%dma_wait3A_361 : memref<128xi32, #tpu.memory_space<vmem>>)
      %dma_wait3A_367 = arith.constant 0 : i32
      %dma_wait3A_368 = tpu.memref_slice %arg11[%add3A_199, %dma_wait3A_367] : memref<32x128xi32, #tpu.memory_space<vmem>> -> memref<1x128xi32, #tpu.memory_space<vmem>>
      %dma_wait3A_369 = tpu.memref_squeeze %dma_wait3A_368 : memref<1x128xi32, #tpu.memory_space<vmem>> -> memref<128xi32, #tpu.memory_space<vmem>>
      %dma_wait3A_370 = arith.constant 0 : i32
      %dma_wait3A_371 = tpu.memref_slice %arg10[%add3A_195, %dma_wait3A_370] : memref<32x128xi32, #tpu.memory_space<vmem>> -> memref<1x128xi32, #tpu.memory_space<vmem>>
      %dma_wait3A_372 = tpu.memref_squeeze %dma_wait3A_371 : memref<1x128xi32, #tpu.memory_space<vmem>> -> memref<128xi32, #tpu.memory_space<vmem>>
      %dma_wait3A_373 = arith.constant 0 : i32
      %dma_wait3A_374 = tpu.memref_slice %arg3[%dma_wait3A_373] : memref<131072xi32, #tpu.memory_space<hbm>> -> memref<131072xi32, #tpu.memory_space<hbm>>
      tpu.wait_indirect_dma semaphore(%arg12 : memref<!tpu.dma_semaphore, #tpu.memory_space<semaphore_mem>>) src(%dma_wait3A_374 : memref<131072xi32, #tpu.memory_space<hbm>>) dst(%dma_wait3A_369 : memref<128xi32, #tpu.memory_space<vmem>>)
      %dma_wait3A_375 = arith.constant 0 : i32
      %dma_wait3A_376 = tpu.memref_slice %arg11[%add3A_215, %dma_wait3A_375] : memref<32x128xi32, #tpu.memory_space<vmem>> -> memref<1x128xi32, #tpu.memory_space<vmem>>
      %dma_wait3A_377 = tpu.memref_squeeze %dma_wait3A_376 : memref<1x128xi32, #tpu.memory_space<vmem>> -> memref<128xi32, #tpu.memory_space<vmem>>
      %dma_wait3A_378 = arith.constant 0 : i32
      %dma_wait3A_379 = tpu.memref_slice %arg10[%add3A_211, %dma_wait3A_378] : memref<32x128xi32, #tpu.memory_space<vmem>> -> memref<1x128xi32, #tpu.memory_space<vmem>>
      %dma_wait3A_380 = tpu.memref_squeeze %dma_wait3A_379 : memref<1x128xi32, #tpu.memory_space<vmem>> -> memref<128xi32, #tpu.memory_space<vmem>>
      %dma_wait3A_381 = arith.constant 0 : i32
      %dma_wait3A_382 = tpu.memref_slice %arg3[%dma_wait3A_381] : memref<131072xi32, #tpu.memory_space<hbm>> -> memref<131072xi32, #tpu.memory_space<hbm>>
      tpu.wait_indirect_dma semaphore(%arg12 : memref<!tpu.dma_semaphore, #tpu.memory_space<semaphore_mem>>) src(%dma_wait3A_382 : memref<131072xi32, #tpu.memory_space<hbm>>) dst(%dma_wait3A_377 : memref<128xi32, #tpu.memory_space<vmem>>)
      %dma_wait3A_383 = arith.constant 0 : i32
      %dma_wait3A_384 = tpu.memref_slice %arg11[%add3A_231, %dma_wait3A_383] : memref<32x128xi32, #tpu.memory_space<vmem>> -> memref<1x128xi32, #tpu.memory_space<vmem>>
      %dma_wait3A_385 = tpu.memref_squeeze %dma_wait3A_384 : memref<1x128xi32, #tpu.memory_space<vmem>> -> memref<128xi32, #tpu.memory_space<vmem>>
      %dma_wait3A_386 = arith.constant 0 : i32
      %dma_wait3A_387 = tpu.memref_slice %arg10[%add3A_227, %dma_wait3A_386] : memref<32x128xi32, #tpu.memory_space<vmem>> -> memref<1x128xi32, #tpu.memory_space<vmem>>
      %dma_wait3A_388 = tpu.memref_squeeze %dma_wait3A_387 : memref<1x128xi32, #tpu.memory_space<vmem>> -> memref<128xi32, #tpu.memory_space<vmem>>
      %dma_wait3A_389 = arith.constant 0 : i32
      %dma_wait3A_390 = tpu.memref_slice %arg3[%dma_wait3A_389] : memref<131072xi32, #tpu.memory_space<hbm>> -> memref<131072xi32, #tpu.memory_space<hbm>>
      tpu.wait_indirect_dma semaphore(%arg12 : memref<!tpu.dma_semaphore, #tpu.memory_space<semaphore_mem>>) src(%dma_wait3A_390 : memref<131072xi32, #tpu.memory_space<hbm>>) dst(%dma_wait3A_385 : memref<128xi32, #tpu.memory_space<vmem>>)
      %dma_wait3A_391 = arith.constant 0 : i32
      %dma_wait3A_392 = tpu.memref_slice %arg11[%add3A_247, %dma_wait3A_391] : memref<32x128xi32, #tpu.memory_space<vmem>> -> memref<1x128xi32, #tpu.memory_space<vmem>>
      %dma_wait3A_393 = tpu.memref_squeeze %dma_wait3A_392 : memref<1x128xi32, #tpu.memory_space<vmem>> -> memref<128xi32, #tpu.memory_space<vmem>>
      %dma_wait3A_394 = arith.constant 0 : i32
      %dma_wait3A_395 = tpu.memref_slice %arg10[%add3A_243, %dma_wait3A_394] : memref<32x128xi32, #tpu.memory_space<vmem>> -> memref<1x128xi32, #tpu.memory_space<vmem>>
      %dma_wait3A_396 = tpu.memref_squeeze %dma_wait3A_395 : memref<1x128xi32, #tpu.memory_space<vmem>> -> memref<128xi32, #tpu.memory_space<vmem>>
      %dma_wait3A_397 = arith.constant 0 : i32
      %dma_wait3A_398 = tpu.memref_slice %arg3[%dma_wait3A_397] : memref<131072xi32, #tpu.memory_space<hbm>> -> memref<131072xi32, #tpu.memory_space<hbm>>
      tpu.wait_indirect_dma semaphore(%arg12 : memref<!tpu.dma_semaphore, #tpu.memory_space<semaphore_mem>>) src(%dma_wait3A_398 : memref<131072xi32, #tpu.memory_space<hbm>>) dst(%dma_wait3A_393 : memref<128xi32, #tpu.memory_space<vmem>>)
      %dma_wait3A_399 = arith.constant 0 : i32
      %dma_wait3A_400 = tpu.memref_slice %arg11[%add3A_263, %dma_wait3A_399] : memref<32x128xi32, #tpu.memory_space<vmem>> -> memref<1x128xi32, #tpu.memory_space<vmem>>
      %dma_wait3A_401 = tpu.memref_squeeze %dma_wait3A_400 : memref<1x128xi32, #tpu.memory_space<vmem>> -> memref<128xi32, #tpu.memory_space<vmem>>
      %dma_wait3A_402 = arith.constant 0 : i32
      %dma_wait3A_403 = tpu.memref_slice %arg10[%add3A_259, %dma_wait3A_402] : memref<32x128xi32, #tpu.memory_space<vmem>> -> memref<1x128xi32, #tpu.memory_space<vmem>>
      %dma_wait3A_404 = tpu.memref_squeeze %dma_wait3A_403 : memref<1x128xi32, #tpu.memory_space<vmem>> -> memref<128xi32, #tpu.memory_space<vmem>>
      %dma_wait3A_405 = arith.constant 0 : i32
      %dma_wait3A_406 = tpu.memref_slice %arg3[%dma_wait3A_405] : memref<131072xi32, #tpu.memory_space<hbm>> -> memref<131072xi32, #tpu.memory_space<hbm>>
      tpu.wait_indirect_dma semaphore(%arg12 : memref<!tpu.dma_semaphore, #tpu.memory_space<semaphore_mem>>) src(%dma_wait3A_406 : memref<131072xi32, #tpu.memory_space<hbm>>) dst(%dma_wait3A_401 : memref<128xi32, #tpu.memory_space<vmem>>)
      %dma_wait3A_407 = arith.constant 0 : i32
      %dma_wait3A_408 = tpu.memref_slice %arg11[%add3A_279, %dma_wait3A_407] : memref<32x128xi32, #tpu.memory_space<vmem>> -> memref<1x128xi32, #tpu.memory_space<vmem>>
      %dma_wait3A_409 = tpu.memref_squeeze %dma_wait3A_408 : memref<1x128xi32, #tpu.memory_space<vmem>> -> memref<128xi32, #tpu.memory_space<vmem>>
      %dma_wait3A_410 = arith.constant 0 : i32
      %dma_wait3A_411 = tpu.memref_slice %arg10[%add3A_275, %dma_wait3A_410] : memref<32x128xi32, #tpu.memory_space<vmem>> -> memref<1x128xi32, #tpu.memory_space<vmem>>
      %dma_wait3A_412 = tpu.memref_squeeze %dma_wait3A_411 : memref<1x128xi32, #tpu.memory_space<vmem>> -> memref<128xi32, #tpu.memory_space<vmem>>
      %dma_wait3A_413 = arith.constant 0 : i32
      %dma_wait3A_414 = tpu.memref_slice %arg3[%dma_wait3A_413] : memref<131072xi32, #tpu.memory_space<hbm>> -> memref<131072xi32, #tpu.memory_space<hbm>>
      tpu.wait_indirect_dma semaphore(%arg12 : memref<!tpu.dma_semaphore, #tpu.memory_space<semaphore_mem>>) src(%dma_wait3A_414 : memref<131072xi32, #tpu.memory_space<hbm>>) dst(%dma_wait3A_409 : memref<128xi32, #tpu.memory_space<vmem>>)
    }
    %scan3A_20 = arith.constant 2 : i32
    %scan3A_21 = arith.constant 0 : i32
    %scan3A_22 = arith.constant 256 : i32
    %scan3A_23 = arith.addi %scan3A_21, %scan3A_22 : i32
    %scan3A_24 = arith.constant 1 : i32
    scf.for %scan3A_28 = %scan3A_21 to %scan3A_23 step %scan3A_24  : i32 {
      %mul3A_29 = arith.constant 1 : i32
      %mul3A_30 = arith.muli %scan3A_28, %mul3A_29 : i32
      %add3A_31 = arith.constant 0 : i32
      %add3A_32 = arith.addi %add3A_31, %mul3A_30 : i32
      %jit3A = arith.constant 8 : i32
      %div3A = arith.divsi %add3A_32, %jit3A : i32
      %sign3A = arith.constant 0 : i32
      %sign3A_33 = arith.cmpi sgt, %add3A_32, %sign3A : i32
      %sign3A_34 = arith.extui %sign3A_33 : i1 to i32
      %sign3A_35 = arith.constant 0 : i32
      %sign3A_36 = arith.cmpi slt, %add3A_32, %sign3A_35 : i32
      %sign3A_37 = arith.extui %sign3A_36 : i1 to i32
      %sign3A_38 = arith.subi %sign3A_34, %sign3A_37 : i32
      %sign3A_39 = arith.constant 0 : i32
      %sign3A_40 = arith.cmpi sgt, %jit3A, %sign3A_39 : i32
      %sign3A_41 = arith.extui %sign3A_40 : i1 to i32
      %sign3A_42 = arith.constant 0 : i32
      %sign3A_43 = arith.cmpi slt, %jit3A, %sign3A_42 : i32
      %sign3A_44 = arith.extui %sign3A_43 : i1 to i32
      %sign3A_45 = arith.subi %sign3A_41, %sign3A_44 : i32
      %ne3A = arith.cmpi ne, %sign3A_38, %sign3A_45 : i32
      %rem3A = arith.remsi %add3A_32, %jit3A : i32
      %ne3A_46 = arith.constant 0 : i32
      %ne3A_47 = arith.cmpi ne, %rem3A, %ne3A_46 : i32
      %and3A = arith.andi %ne3A, %ne3A_47 : i1
      %sub3A = arith.constant 1 : i32
      %sub3A_48 = arith.subi %div3A, %sub3A : i32
      %select_n3A = arith.select %and3A, %sub3A_48, %div3A : i32
      %jit3A_49 = arith.constant 8 : i32
      %eq3A = arith.constant 0 : i32
      %eq3A_50 = arith.cmpi eq, %jit3A_49, %eq3A : i32
      %jit3A_51 = arith.constant 1 : i32
      %select_n3A_52 = arith.select %eq3A_50, %jit3A_51, %jit3A_49 : i32
      %rem3A_53 = arith.remsi %add3A_32, %select_n3A_52 : i32
      %ne3A_54 = arith.constant 0 : i32
      %ne3A_55 = arith.cmpi ne, %rem3A_53, %ne3A_54 : i32
      %lt3A = arith.constant 0 : i32
      %lt3A_56 = arith.cmpi slt, %rem3A_53, %lt3A : i32
      %lt3A_57 = arith.constant 0 : i32
      %lt3A_58 = arith.cmpi slt, %select_n3A_52, %lt3A_57 : i32
      %ne3A_59 = arith.xori %lt3A_56, %lt3A_58 : i1
      %and3A_60 = arith.andi %ne3A_59, %ne3A_55 : i1
      %add3A_61 = arith.addi %rem3A_53, %select_n3A_52 : i32
      %select_n3A_62 = arith.select %and3A_60, %add3A_61, %rem3A_53 : i32
      %mul3A_63 = arith.constant 16 : i32
      %mul3A_64 = arith.muli %select_n3A_62, %mul3A_63 : i32
      %get3A = arith.index_cast %select_n3A : i32 to index
      %get3A_65 = arith.index_cast %mul3A_64 : i32 to index
      %get3A_66 = tpu.vector_load %arg7[%get3A, %get3A_65] {strides = array<i32>} : memref<32x128xi32, #tpu.memory_space<vmem>>, vector<1x16xi32>,
      %get3A_67 = vector.shape_cast %get3A_66 : vector<1x16xi32> to vector<16xi32>
      %mul3A_68 = arith.constant 16 : i32
      %mul3A_69 = arith.muli %select_n3A_62, %mul3A_68 : i32
      %get3A_70 = arith.index_cast %select_n3A : i32 to index
      %get3A_71 = arith.index_cast %mul3A_69 : i32 to index
      %get3A_72 = tpu.vector_load %arg11[%get3A_70, %get3A_71] {strides = array<i32>} : memref<32x128xi32, #tpu.memory_space<vmem>>, vector<1x16xi32>,
      %get3A_73 = vector.shape_cast %get3A_72 : vector<1x16xi32> to vector<16xi32>
      %mul3A_74 = arith.constant 16 : i32
      %mul3A_75 = arith.muli %select_n3A_62, %mul3A_74 : i32
      %get3A_76 = arith.index_cast %select_n3A : i32 to index
      %get3A_77 = arith.index_cast %mul3A_75 : i32 to index
      %get3A_78 = tpu.vector_load %arg8[%get3A_76, %get3A_77] {strides = array<i32>} : memref<32x128xi32, #tpu.memory_space<vmem>>, vector<1x16xi32>,
      %get3A_79 = vector.shape_cast %get3A_78 : vector<1x16xi32> to vector<16xi32>
      %mul3A_80 = arith.constant 16 : i32
      %mul3A_81 = arith.muli %select_n3A_62, %mul3A_80 : i32
      %get3A_82 = arith.index_cast %select_n3A : i32 to index
      %get3A_83 = arith.index_cast %mul3A_81 : i32 to index
      %get3A_84 = tpu.vector_load %arg9[%get3A_82, %get3A_83] {strides = array<i32>} : memref<32x128xi32, #tpu.memory_space<vmem>>, vector<1x16xi32>,
      %get3A_85 = vector.shape_cast %get3A_84 : vector<1x16xi32> to vector<16xi32>
      %mul3A_86 = arith.constant 16 : i32
      %mul3A_87 = arith.muli %select_n3A_62, %mul3A_86 : i32
      %get3A_88 = arith.index_cast %select_n3A : i32 to index
      %get3A_89 = arith.index_cast %mul3A_87 : i32 to index
      %get3A_90 = tpu.vector_load %arg10[%get3A_88, %get3A_89] {strides = array<i32>} : memref<32x128xi32, #tpu.memory_space<vmem>>, vector<1x16xi32>,
      %get3A_91 = vector.shape_cast %get3A_90 : vector<1x16xi32> to vector<16xi32>
      %gt3A = arith.cmpi sgt, %get3A_85, %get3A_79 : vector<16xi32>
      %ge3A = arith.constant 0 : i32
      %ge3A_92 = vector.broadcast %ge3A : i32 to vector<16xi32>
      %ge3A_93 = arith.cmpi sge, %get3A_85, %ge3A_92 : vector<16xi32>
      %and3A_94 = arith.andi %gt3A, %ge3A_93 : vector<16xi1>
      %lt3A_95 = arith.constant 131072 : i32
      %lt3A_96 = vector.broadcast %lt3A_95 : i32 to vector<16xi32>
      %lt3A_97 = arith.cmpi slt, %get3A_85, %lt3A_96 : vector<16xi32>
      %and3A_98 = arith.andi %and3A_94, %lt3A_97 : vector<16xi1>
      %eq3A_99 = arith.cmpi eq, %get3A_73, %get3A_67 : vector<16xi32>
      %and3A_100 = arith.andi %and3A_98, %eq3A_99 : vector<16xi1>
      %select_n3A_101 = arith.select %and3A_100, %get3A_91, %get3A_79 : vector<16xi1>, vector<16xi32>
      %mul3A_102 = arith.constant 16 : i32
      %mul3A_103 = arith.muli %select_n3A_62, %mul3A_102 : i32
      %swap3A = arith.index_cast %select_n3A : i32 to index
      %swap3A_104 = arith.index_cast %mul3A_103 : i32 to index
      %swap3A_105 = tpu.vector_load %arg8[%swap3A, %swap3A_104] {strides = array<i32>} : memref<32x128xi32, #tpu.memory_space<vmem>>, vector<1x16xi32>,
      %swap3A_106 = vector.shape_cast %swap3A_105 : vector<1x16xi32> to vector<16xi32>
      %swap3A_107 = vector.shape_cast %select_n3A_101 : vector<16xi32> to vector<1x16xi32>
      tpu.vector_store %arg8[%swap3A, %swap3A_104], %swap3A_107 {strides = array<i32>} : memref<32x128xi32, #tpu.memory_space<vmem>>, vector<1x16xi32>,
    }
    %scan3A_25 = arith.constant 256 : i32
    %mul3A_26 = arith.constant 32 : i32
    %mul3A_27 = arith.muli %add3A, %mul3A_26 : i32
    "tpu.region"() ({
      %run_scoped3A = tpu.sem_alloc : memref<!tpu.dma_semaphore, #tpu.memory_space<semaphore_mem>>
      %dma_start3A = arith.constant 0 : i32
      %dma_start3A_28 = tpu.memref_slice %arg6[%mul3A_27, %dma_start3A] : memref<1024x128xi32, #tpu.memory_space<hbm>> -> memref<32x128xi32, #tpu.memory_space<hbm>>
      %dma_start3A_29 = arith.constant 0 : i32
      %dma_start3A_30 = tpu.memref_slice %arg6[%mul3A_27, %dma_start3A_29] : memref<1024x128xi32, #tpu.memory_space<hbm>> -> memref<32x128xi32, #tpu.memory_space<hbm>>
      tpu.enqueue_dma source(%arg8 : memref<32x128xi32, #tpu.memory_space<vmem>>) target(%dma_start3A_30 : memref<32x128xi32, #tpu.memory_space<hbm>>) target_semaphore(%run_scoped3A : memref<!tpu.dma_semaphore, #tpu.memory_space<semaphore_mem>>)
      %dma_wait3A = arith.constant 0 : i32
      %dma_wait3A_31 = tpu.memref_slice %arg6[%mul3A_27, %dma_wait3A] : memref<1024x128xi32, #tpu.memory_space<hbm>> -> memref<32x128xi32, #tpu.memory_space<hbm>>
      %dma_wait3A_32 = arith.constant 0 : i32
      %dma_wait3A_33 = tpu.memref_slice %arg6[%mul3A_27, %dma_wait3A_32] : memref<1024x128xi32, #tpu.memory_space<hbm>> -> memref<32x128xi32, #tpu.memory_space<hbm>>
      tpu.wait_dma2 semaphore(%run_scoped3A : memref<!tpu.dma_semaphore, #tpu.memory_space<semaphore_mem>>) src(%arg8 : memref<32x128xi32, #tpu.memory_space<vmem>>) dst(%dma_wait3A_33 : memref<32x128xi32, #tpu.memory_space<hbm>>)
      tpu.yield
    }) : () -> ()
    return
  }
}

#map = affine_map<(d0, d1) -> (0, 0)>
#map1 = affine_map<(d0, d1) -> (0)>
module attributes {stable_mosaic.version = 14 : i64} {
  func.func @_denom(%arg0: i32, %arg1: i32, %arg2: memref<1024x128xi32, #tpu.memory_space<hbm>>, %arg3: memref<1024x128xi32, #tpu.memory_space<hbm>>, %arg4: memref<131072xf32, #tpu.memory_space<hbm>>, %arg5: memref<131072xf32, #tpu.memory_space<hbm>>, %arg6: memref<131072xf32, #tpu.memory_space<hbm>>, %arg7: memref<131072xf32, #tpu.memory_space<hbm>>, %arg8: memref<4224xf32, #tpu.memory_space<hbm>>, %arg9: memref<8448xf32, #tpu.memory_space<hbm>>, %arg10: memref<8448xf32, #tpu.memory_space<hbm>>, %arg11: memref<8448xf32, #tpu.memory_space<hbm>>, %arg12: memref<8448xf32, #tpu.memory_space<hbm>>, %arg13: memref<4224xf32, #tpu.memory_space<vmem_shared>>, %arg14: memref<4224xf32, #tpu.memory_space<vmem_shared>>, %arg15: memref<4224xf32, #tpu.memory_space<vmem_shared>>, %arg16: memref<4224xf32, #tpu.memory_space<vmem_shared>>, %arg17: memref<32x128xi32, #tpu.memory_space<vmem>>, %arg18: memref<32x128xi32, #tpu.memory_space<vmem>>, %arg19: memref<32x128xi32, #tpu.memory_space<vmem>>, %arg20: memref<4096xf32, #tpu.memory_space<vmem>>, %arg21: memref<4096xf32, #tpu.memory_space<vmem>>, %arg22: memref<4096xf32, #tpu.memory_space<vmem>>, %arg23: memref<4096xf32, #tpu.memory_space<vmem>>, %arg24: memref<!tpu.dma_semaphore, #tpu.memory_space<semaphore_mem>>) attributes {dimension_semantics = [#tpu.dimension_semantics<core_parallel>, #tpu.dimension_semantics<subcore_parallel>], iteration_bounds = array<i64: 2, 16>, scalar_prefetch = 0 : i64, scratch_operands = 12 : i64, tpu.core_type = #tpu.core_type<sc_vector_subcore>, window_params = [{transform_indices = #map}, {transform_indices = #map}, {transform_indices = #map1}, {transform_indices = #map1}, {transform_indices = #map1}, {transform_indices = #map1}, {transform_indices = #map1}, {transform_indices = #map1}, {transform_indices = #map1}, {transform_indices = #map1}, {transform_indices = #map1}]} {
    %mul3A = arith.constant 2 : i32
    %mul3A_0 = arith.muli %arg1, %mul3A : i32
    %add3A = arith.addi %mul3A_0, %arg0 : i32
    %mul3A_1 = arith.constant 4096 : i32
    %mul3A_2 = arith.muli %add3A, %mul3A_1 : i32
    %eq3A = arith.constant 0 : i32
    %eq3A_3 = arith.cmpi eq, %arg1, %eq3A : i32
    %convert_element_type3A = arith.extui %eq3A_3 : i1 to i32
    %cond3A = arith.constant 0 : i32
    %cond3A_4 = arith.cmpi ne, %convert_element_type3A, %cond3A : i32
    scf.if %cond3A_4 {
      "tpu.region"() ({
        %run_scoped3A = tpu.sem_alloc : memref<!tpu.dma_semaphore, #tpu.memory_space<semaphore_mem>>
        tpu.enqueue_dma source(%arg8 : memref<4224xf32, #tpu.memory_space<hbm>>) target(%arg13 : memref<4224xf32, #tpu.memory_space<vmem_shared>>) target_semaphore(%run_scoped3A : memref<!tpu.dma_semaphore, #tpu.memory_space<semaphore_mem>>)
        tpu.wait_dma2 semaphore(%run_scoped3A : memref<!tpu.dma_semaphore, #tpu.memory_space<semaphore_mem>>) src(%arg8 : memref<4224xf32, #tpu.memory_space<hbm>>) dst(%arg13 : memref<4224xf32, #tpu.memory_space<vmem_shared>>)
        tpu.yield
      }) : () -> ()
      "tpu.region"() ({
        %run_scoped3A = tpu.sem_alloc : memref<!tpu.dma_semaphore, #tpu.memory_space<semaphore_mem>>
        tpu.enqueue_dma source(%arg8 : memref<4224xf32, #tpu.memory_space<hbm>>) target(%arg14 : memref<4224xf32, #tpu.memory_space<vmem_shared>>) target_semaphore(%run_scoped3A : memref<!tpu.dma_semaphore, #tpu.memory_space<semaphore_mem>>)
        tpu.wait_dma2 semaphore(%run_scoped3A : memref<!tpu.dma_semaphore, #tpu.memory_space<semaphore_mem>>) src(%arg8 : memref<4224xf32, #tpu.memory_space<hbm>>) dst(%arg14 : memref<4224xf32, #tpu.memory_space<vmem_shared>>)
        tpu.yield
      }) : () -> ()
      "tpu.region"() ({
        %run_scoped3A = tpu.sem_alloc : memref<!tpu.dma_semaphore, #tpu.memory_space<semaphore_mem>>
        tpu.enqueue_dma source(%arg8 : memref<4224xf32, #tpu.memory_space<hbm>>) target(%arg15 : memref<4224xf32, #tpu.memory_space<vmem_shared>>) target_semaphore(%run_scoped3A : memref<!tpu.dma_semaphore, #tpu.memory_space<semaphore_mem>>)
        tpu.wait_dma2 semaphore(%run_scoped3A : memref<!tpu.dma_semaphore, #tpu.memory_space<semaphore_mem>>) src(%arg8 : memref<4224xf32, #tpu.memory_space<hbm>>) dst(%arg15 : memref<4224xf32, #tpu.memory_space<vmem_shared>>)
        tpu.yield
      }) : () -> ()
      "tpu.region"() ({
        %run_scoped3A = tpu.sem_alloc : memref<!tpu.dma_semaphore, #tpu.memory_space<semaphore_mem>>
        tpu.enqueue_dma source(%arg8 : memref<4224xf32, #tpu.memory_space<hbm>>) target(%arg16 : memref<4224xf32, #tpu.memory_space<vmem_shared>>) target_semaphore(%run_scoped3A : memref<!tpu.dma_semaphore, #tpu.memory_space<semaphore_mem>>)
        tpu.wait_dma2 semaphore(%run_scoped3A : memref<!tpu.dma_semaphore, #tpu.memory_space<semaphore_mem>>) src(%arg8 : memref<4224xf32, #tpu.memory_space<hbm>>) dst(%arg16 : memref<4224xf32, #tpu.memory_space<vmem_shared>>)
        tpu.yield
      }) : () -> ()
    } else {
    }
    %mul3A_5 = arith.constant 32 : i32
    %mul3A_6 = arith.muli %add3A, %mul3A_5 : i32
    "tpu.region"() ({
      %run_scoped3A = tpu.sem_alloc : memref<!tpu.dma_semaphore, #tpu.memory_space<semaphore_mem>>
      %dma_start3A = arith.constant 0 : i32
      %dma_start3A_24 = tpu.memref_slice %arg2[%mul3A_6, %dma_start3A] : memref<1024x128xi32, #tpu.memory_space<hbm>> -> memref<32x128xi32, #tpu.memory_space<hbm>>
      %dma_start3A_25 = arith.constant 0 : i32
      %dma_start3A_26 = tpu.memref_slice %arg2[%mul3A_6, %dma_start3A_25] : memref<1024x128xi32, #tpu.memory_space<hbm>> -> memref<32x128xi32, #tpu.memory_space<hbm>>
      tpu.enqueue_dma source(%dma_start3A_26 : memref<32x128xi32, #tpu.memory_space<hbm>>) target(%arg17 : memref<32x128xi32, #tpu.memory_space<vmem>>) target_semaphore(%run_scoped3A : memref<!tpu.dma_semaphore, #tpu.memory_space<semaphore_mem>>)
      %dma_wait3A = arith.constant 0 : i32
      %dma_wait3A_27 = tpu.memref_slice %arg2[%mul3A_6, %dma_wait3A] : memref<1024x128xi32, #tpu.memory_space<hbm>> -> memref<32x128xi32, #tpu.memory_space<hbm>>
      %dma_wait3A_28 = arith.constant 0 : i32
      %dma_wait3A_29 = tpu.memref_slice %arg2[%mul3A_6, %dma_wait3A_28] : memref<1024x128xi32, #tpu.memory_space<hbm>> -> memref<32x128xi32, #tpu.memory_space<hbm>>
      tpu.wait_dma2 semaphore(%run_scoped3A : memref<!tpu.dma_semaphore, #tpu.memory_space<semaphore_mem>>) src(%dma_wait3A_29 : memref<32x128xi32, #tpu.memory_space<hbm>>) dst(%arg17 : memref<32x128xi32, #tpu.memory_space<vmem>>)
      tpu.yield
    }) : () -> ()
    %mul3A_7 = arith.constant 32 : i32
    %mul3A_8 = arith.muli %add3A, %mul3A_7 : i32
    "tpu.region"() ({
      %run_scoped3A = tpu.sem_alloc : memref<!tpu.dma_semaphore, #tpu.memory_space<semaphore_mem>>
      %dma_start3A = arith.constant 0 : i32
      %dma_start3A_24 = tpu.memref_slice %arg3[%mul3A_8, %dma_start3A] : memref<1024x128xi32, #tpu.memory_space<hbm>> -> memref<32x128xi32, #tpu.memory_space<hbm>>
      %dma_start3A_25 = arith.constant 0 : i32
      %dma_start3A_26 = tpu.memref_slice %arg3[%mul3A_8, %dma_start3A_25] : memref<1024x128xi32, #tpu.memory_space<hbm>> -> memref<32x128xi32, #tpu.memory_space<hbm>>
      tpu.enqueue_dma source(%dma_start3A_26 : memref<32x128xi32, #tpu.memory_space<hbm>>) target(%arg18 : memref<32x128xi32, #tpu.memory_space<vmem>>) target_semaphore(%run_scoped3A : memref<!tpu.dma_semaphore, #tpu.memory_space<semaphore_mem>>)
      %dma_wait3A = arith.constant 0 : i32
      %dma_wait3A_27 = tpu.memref_slice %arg3[%mul3A_8, %dma_wait3A] : memref<1024x128xi32, #tpu.memory_space<hbm>> -> memref<32x128xi32, #tpu.memory_space<hbm>>
      %dma_wait3A_28 = arith.constant 0 : i32
      %dma_wait3A_29 = tpu.memref_slice %arg3[%mul3A_8, %dma_wait3A_28] : memref<1024x128xi32, #tpu.memory_space<hbm>> -> memref<32x128xi32, #tpu.memory_space<hbm>>
      tpu.wait_dma2 semaphore(%run_scoped3A : memref<!tpu.dma_semaphore, #tpu.memory_space<semaphore_mem>>) src(%dma_wait3A_29 : memref<32x128xi32, #tpu.memory_space<hbm>>) dst(%arg18 : memref<32x128xi32, #tpu.memory_space<vmem>>)
      tpu.yield
    }) : () -> ()
    "tpu.region"() ({
      %run_scoped3A = tpu.sem_alloc : memref<!tpu.dma_semaphore, #tpu.memory_space<semaphore_mem>>
      %dma_start3A = tpu.memref_slice %arg4[%mul3A_2] : memref<131072xf32, #tpu.memory_space<hbm>> -> memref<4096xf32, #tpu.memory_space<hbm>>
      %dma_start3A_24 = tpu.memref_slice %arg4[%mul3A_2] : memref<131072xf32, #tpu.memory_space<hbm>> -> memref<4096xf32, #tpu.memory_space<hbm>>
      tpu.enqueue_dma source(%dma_start3A_24 : memref<4096xf32, #tpu.memory_space<hbm>>) target(%arg20 : memref<4096xf32, #tpu.memory_space<vmem>>) target_semaphore(%run_scoped3A : memref<!tpu.dma_semaphore, #tpu.memory_space<semaphore_mem>>)
      %dma_wait3A = tpu.memref_slice %arg4[%mul3A_2] : memref<131072xf32, #tpu.memory_space<hbm>> -> memref<4096xf32, #tpu.memory_space<hbm>>
      %dma_wait3A_25 = tpu.memref_slice %arg4[%mul3A_2] : memref<131072xf32, #tpu.memory_space<hbm>> -> memref<4096xf32, #tpu.memory_space<hbm>>
      tpu.wait_dma2 semaphore(%run_scoped3A : memref<!tpu.dma_semaphore, #tpu.memory_space<semaphore_mem>>) src(%dma_wait3A_25 : memref<4096xf32, #tpu.memory_space<hbm>>) dst(%arg20 : memref<4096xf32, #tpu.memory_space<vmem>>)
      tpu.yield
    }) : () -> ()
    "tpu.region"() ({
      %run_scoped3A = tpu.sem_alloc : memref<!tpu.dma_semaphore, #tpu.memory_space<semaphore_mem>>
      %dma_start3A = tpu.memref_slice %arg5[%mul3A_2] : memref<131072xf32, #tpu.memory_space<hbm>> -> memref<4096xf32, #tpu.memory_space<hbm>>
      %dma_start3A_24 = tpu.memref_slice %arg5[%mul3A_2] : memref<131072xf32, #tpu.memory_space<hbm>> -> memref<4096xf32, #tpu.memory_space<hbm>>
      tpu.enqueue_dma source(%dma_start3A_24 : memref<4096xf32, #tpu.memory_space<hbm>>) target(%arg21 : memref<4096xf32, #tpu.memory_space<vmem>>) target_semaphore(%run_scoped3A : memref<!tpu.dma_semaphore, #tpu.memory_space<semaphore_mem>>)
      %dma_wait3A = tpu.memref_slice %arg5[%mul3A_2] : memref<131072xf32, #tpu.memory_space<hbm>> -> memref<4096xf32, #tpu.memory_space<hbm>>
      %dma_wait3A_25 = tpu.memref_slice %arg5[%mul3A_2] : memref<131072xf32, #tpu.memory_space<hbm>> -> memref<4096xf32, #tpu.memory_space<hbm>>
      tpu.wait_dma2 semaphore(%run_scoped3A : memref<!tpu.dma_semaphore, #tpu.memory_space<semaphore_mem>>) src(%dma_wait3A_25 : memref<4096xf32, #tpu.memory_space<hbm>>) dst(%arg21 : memref<4096xf32, #tpu.memory_space<vmem>>)
      tpu.yield
    }) : () -> ()
    "tpu.region"() ({
      %run_scoped3A = tpu.sem_alloc : memref<!tpu.dma_semaphore, #tpu.memory_space<semaphore_mem>>
      %dma_start3A = tpu.memref_slice %arg6[%mul3A_2] : memref<131072xf32, #tpu.memory_space<hbm>> -> memref<4096xf32, #tpu.memory_space<hbm>>
      %dma_start3A_24 = tpu.memref_slice %arg6[%mul3A_2] : memref<131072xf32, #tpu.memory_space<hbm>> -> memref<4096xf32, #tpu.memory_space<hbm>>
      tpu.enqueue_dma source(%dma_start3A_24 : memref<4096xf32, #tpu.memory_space<hbm>>) target(%arg22 : memref<4096xf32, #tpu.memory_space<vmem>>) target_semaphore(%run_scoped3A : memref<!tpu.dma_semaphore, #tpu.memory_space<semaphore_mem>>)
      %dma_wait3A = tpu.memref_slice %arg6[%mul3A_2] : memref<131072xf32, #tpu.memory_space<hbm>> -> memref<4096xf32, #tpu.memory_space<hbm>>
      %dma_wait3A_25 = tpu.memref_slice %arg6[%mul3A_2] : memref<131072xf32, #tpu.memory_space<hbm>> -> memref<4096xf32, #tpu.memory_space<hbm>>
      tpu.wait_dma2 semaphore(%run_scoped3A : memref<!tpu.dma_semaphore, #tpu.memory_space<semaphore_mem>>) src(%dma_wait3A_25 : memref<4096xf32, #tpu.memory_space<hbm>>) dst(%arg22 : memref<4096xf32, #tpu.memory_space<vmem>>)
      tpu.yield
    }) : () -> ()
    "tpu.region"() ({
      %run_scoped3A = tpu.sem_alloc : memref<!tpu.dma_semaphore, #tpu.memory_space<semaphore_mem>>
      %dma_start3A = tpu.memref_slice %arg7[%mul3A_2] : memref<131072xf32, #tpu.memory_space<hbm>> -> memref<4096xf32, #tpu.memory_space<hbm>>
      %dma_start3A_24 = tpu.memref_slice %arg7[%mul3A_2] : memref<131072xf32, #tpu.memory_space<hbm>> -> memref<4096xf32, #tpu.memory_space<hbm>>
      tpu.enqueue_dma source(%dma_start3A_24 : memref<4096xf32, #tpu.memory_space<hbm>>) target(%arg23 : memref<4096xf32, #tpu.memory_space<vmem>>) target_semaphore(%run_scoped3A : memref<!tpu.dma_semaphore, #tpu.memory_space<semaphore_mem>>)
      %dma_wait3A = tpu.memref_slice %arg7[%mul3A_2] : memref<131072xf32, #tpu.memory_space<hbm>> -> memref<4096xf32, #tpu.memory_space<hbm>>
      %dma_wait3A_25 = tpu.memref_slice %arg7[%mul3A_2] : memref<131072xf32, #tpu.memory_space<hbm>> -> memref<4096xf32, #tpu.memory_space<hbm>>
      tpu.wait_dma2 semaphore(%run_scoped3A : memref<!tpu.dma_semaphore, #tpu.memory_space<semaphore_mem>>) src(%dma_wait3A_25 : memref<4096xf32, #tpu.memory_space<hbm>>) dst(%arg23 : memref<4096xf32, #tpu.memory_space<vmem>>)
      tpu.yield
    }) : () -> ()
    %iota3A = tpu.iota {dimensions = array<i32: 0>} : vector<16xi32>
    %scan3A = arith.constant 0 : i32
    %scan3A_9 = arith.constant 256 : i32
    %scan3A_10 = arith.addi %scan3A, %scan3A_9 : i32
    %scan3A_11 = arith.constant 1 : i32
    scf.for %scan3A_24 = %scan3A to %scan3A_10 step %scan3A_11  : i32 {
      %mul3A_25 = arith.constant 1 : i32
      %mul3A_26 = arith.muli %scan3A_24, %mul3A_25 : i32
      %add3A_27 = arith.constant 0 : i32
      %add3A_28 = arith.addi %add3A_27, %mul3A_26 : i32
      %jit3A = arith.constant 8 : i32
      %div3A = arith.divsi %add3A_28, %jit3A : i32
      %sign3A = arith.constant 0 : i32
      %sign3A_29 = arith.cmpi sgt, %add3A_28, %sign3A : i32
      %sign3A_30 = arith.extui %sign3A_29 : i1 to i32
      %sign3A_31 = arith.constant 0 : i32
      %sign3A_32 = arith.cmpi slt, %add3A_28, %sign3A_31 : i32
      %sign3A_33 = arith.extui %sign3A_32 : i1 to i32
      %sign3A_34 = arith.subi %sign3A_30, %sign3A_33 : i32
      %sign3A_35 = arith.constant 0 : i32
      %sign3A_36 = arith.cmpi sgt, %jit3A, %sign3A_35 : i32
      %sign3A_37 = arith.extui %sign3A_36 : i1 to i32
      %sign3A_38 = arith.constant 0 : i32
      %sign3A_39 = arith.cmpi slt, %jit3A, %sign3A_38 : i32
      %sign3A_40 = arith.extui %sign3A_39 : i1 to i32
      %sign3A_41 = arith.subi %sign3A_37, %sign3A_40 : i32
      %ne3A = arith.cmpi ne, %sign3A_34, %sign3A_41 : i32
      %rem3A = arith.remsi %add3A_28, %jit3A : i32
      %ne3A_42 = arith.constant 0 : i32
      %ne3A_43 = arith.cmpi ne, %rem3A, %ne3A_42 : i32
      %and3A = arith.andi %ne3A, %ne3A_43 : i1
      %sub3A = arith.constant 1 : i32
      %sub3A_44 = arith.subi %div3A, %sub3A : i32
      %select_n3A = arith.select %and3A, %sub3A_44, %div3A : i32
      %jit3A_45 = arith.constant 8 : i32
      %eq3A_46 = arith.constant 0 : i32
      %eq3A_47 = arith.cmpi eq, %jit3A_45, %eq3A_46 : i32
      %jit3A_48 = arith.constant 1 : i32
      %select_n3A_49 = arith.select %eq3A_47, %jit3A_48, %jit3A_45 : i32
      %rem3A_50 = arith.remsi %add3A_28, %select_n3A_49 : i32
      %ne3A_51 = arith.constant 0 : i32
      %ne3A_52 = arith.cmpi ne, %rem3A_50, %ne3A_51 : i32
      %lt3A = arith.constant 0 : i32
      %lt3A_53 = arith.cmpi slt, %rem3A_50, %lt3A : i32
      %lt3A_54 = arith.constant 0 : i32
      %lt3A_55 = arith.cmpi slt, %select_n3A_49, %lt3A_54 : i32
      %ne3A_56 = arith.xori %lt3A_53, %lt3A_55 : i1
      %and3A_57 = arith.andi %ne3A_56, %ne3A_52 : i1
      %add3A_58 = arith.addi %rem3A_50, %select_n3A_49 : i32
      %select_n3A_59 = arith.select %and3A_57, %add3A_58, %rem3A_50 : i32
      %mul3A_60 = arith.constant 16 : i32
      %mul3A_61 = arith.muli %select_n3A_59, %mul3A_60 : i32
      %get3A = arith.index_cast %select_n3A : i32 to index
      %get3A_62 = arith.index_cast %mul3A_61 : i32 to index
      %get3A_63 = tpu.vector_load %arg17[%get3A, %get3A_62] {strides = array<i32>} : memref<32x128xi32, #tpu.memory_space<vmem>>, vector<1x16xi32>,
      %get3A_64 = vector.shape_cast %get3A_63 : vector<1x16xi32> to vector<16xi32>
      %mul3A_65 = arith.constant 16 : i32
      %mul3A_66 = arith.muli %select_n3A_59, %mul3A_65 : i32
      %get3A_67 = arith.index_cast %select_n3A : i32 to index
      %get3A_68 = arith.index_cast %mul3A_66 : i32 to index
      %get3A_69 = tpu.vector_load %arg18[%get3A_67, %get3A_68] {strides = array<i32>} : memref<32x128xi32, #tpu.memory_space<vmem>>, vector<1x16xi32>,
      %get3A_70 = vector.shape_cast %get3A_69 : vector<1x16xi32> to vector<16xi32>
      %mul3A_71 = arith.constant 16 : i32
      %mul3A_72 = arith.muli %add3A_28, %mul3A_71 : i32
      %add3A_73 = arith.addi %mul3A_2, %mul3A_72 : i32
      %add3A_74 = vector.broadcast %add3A_73 : i32 to vector<16xi32>
      %add3A_75 = arith.addi %add3A_74, %iota3A : vector<16xi32>
      %eq3A_76 = arith.cmpi eq, %get3A_70, %add3A_75 : vector<16xi32>
      %jit3A_77 = arith.constant 4096 : i32
      %broadcast_in_dim3A = vector.broadcast %jit3A_77 : i32 to vector<16xi32>
      %select_n3A_78 = arith.select %eq3A_76, %get3A_64, %broadcast_in_dim3A : vector<16xi1>, vector<16xi32>
      %mul3A_79 = arith.constant 16 : i32
      %mul3A_80 = arith.muli %select_n3A_59, %mul3A_79 : i32
      %swap3A = arith.index_cast %select_n3A : i32 to index
      %swap3A_81 = arith.index_cast %mul3A_80 : i32 to index
      %swap3A_82 = tpu.vector_load %arg19[%swap3A, %swap3A_81] {strides = array<i32>} : memref<32x128xi32, #tpu.memory_space<vmem>>, vector<1x16xi32>,
      %swap3A_83 = vector.shape_cast %swap3A_82 : vector<1x16xi32> to vector<16xi32>
      %swap3A_84 = vector.shape_cast %select_n3A_78 : vector<16xi32> to vector<1x16xi32>
      tpu.vector_store %arg19[%swap3A, %swap3A_81], %swap3A_84 {strides = array<i32>} : memref<32x128xi32, #tpu.memory_space<vmem>>, vector<1x16xi32>,
    }
    %scan3A_12 = arith.constant 256 : i32
    %barrier3A = arith.constant 0 : index
    tpu.barrier barrier_id(%barrier3A)
    %scan3A_13 = arith.constant 0 : i32
    %scan3A_14 = arith.constant 32 : i32
    %scan3A_15 = arith.addi %scan3A_13, %scan3A_14 : i32
    %scan3A_16 = arith.constant 1 : i32
    scf.for %scan3A_24 = %scan3A_13 to %scan3A_15 step %scan3A_16  : i32 {
      %mul3A_25 = arith.constant 1 : i32
      %mul3A_26 = arith.muli %scan3A_24, %mul3A_25 : i32
      %add3A_27 = arith.constant 0 : i32
      %add3A_28 = arith.addi %add3A_27, %mul3A_26 : i32
      %mul3A_29 = arith.constant 128 : i32
      %mul3A_30 = arith.muli %add3A_28, %mul3A_29 : i32
      %dma_start3A = tpu.memref_slice %arg20[%mul3A_30] : memref<4096xf32, #tpu.memory_space<vmem>> -> memref<128xf32, #tpu.memory_space<vmem>>
      %dma_start3A_31 = arith.constant 0 : i32
      %dma_start3A_32 = tpu.memref_slice %arg19[%add3A_28, %dma_start3A_31] : memref<32x128xi32, #tpu.memory_space<vmem>> -> memref<1x128xi32, #tpu.memory_space<vmem>>
      %dma_start3A_33 = tpu.memref_squeeze %dma_start3A_32 : memref<1x128xi32, #tpu.memory_space<vmem>> -> memref<128xi32, #tpu.memory_space<vmem>>
      %dma_start3A_34 = arith.constant 0 : i32
      %dma_start3A_35 = tpu.memref_slice %arg13[%dma_start3A_34] : memref<4224xf32, #tpu.memory_space<vmem_shared>> -> memref<4224xf32, #tpu.memory_space<vmem_shared>>
      tpu.enqueue_indirect_dma source(%dma_start3A : memref<128xf32, #tpu.memory_space<vmem>>) target(%dma_start3A_35 : memref<4224xf32, #tpu.memory_space<vmem_shared>>) offsets(%dma_start3A_33 : memref<128xi32, #tpu.memory_space<vmem>>) semaphore(%arg24 : memref<!tpu.dma_semaphore, #tpu.memory_space<semaphore_mem>>) {add = true}
      %mul3A_36 = arith.constant 128 : i32
      %mul3A_37 = arith.muli %add3A_28, %mul3A_36 : i32
      %dma_start3A_38 = tpu.memref_slice %arg21[%mul3A_37] : memref<4096xf32, #tpu.memory_space<vmem>> -> memref<128xf32, #tpu.memory_space<vmem>>
      %dma_start3A_39 = arith.constant 0 : i32
      %dma_start3A_40 = tpu.memref_slice %arg19[%add3A_28, %dma_start3A_39] : memref<32x128xi32, #tpu.memory_space<vmem>> -> memref<1x128xi32, #tpu.memory_space<vmem>>
      %dma_start3A_41 = tpu.memref_squeeze %dma_start3A_40 : memref<1x128xi32, #tpu.memory_space<vmem>> -> memref<128xi32, #tpu.memory_space<vmem>>
      %dma_start3A_42 = arith.constant 0 : i32
      %dma_start3A_43 = tpu.memref_slice %arg14[%dma_start3A_42] : memref<4224xf32, #tpu.memory_space<vmem_shared>> -> memref<4224xf32, #tpu.memory_space<vmem_shared>>
      tpu.enqueue_indirect_dma source(%dma_start3A_38 : memref<128xf32, #tpu.memory_space<vmem>>) target(%dma_start3A_43 : memref<4224xf32, #tpu.memory_space<vmem_shared>>) offsets(%dma_start3A_41 : memref<128xi32, #tpu.memory_space<vmem>>) semaphore(%arg24 : memref<!tpu.dma_semaphore, #tpu.memory_space<semaphore_mem>>) {add = true}
      %mul3A_44 = arith.constant 128 : i32
      %mul3A_45 = arith.muli %add3A_28, %mul3A_44 : i32
      %dma_start3A_46 = tpu.memref_slice %arg22[%mul3A_45] : memref<4096xf32, #tpu.memory_space<vmem>> -> memref<128xf32, #tpu.memory_space<vmem>>
      %dma_start3A_47 = arith.constant 0 : i32
      %dma_start3A_48 = tpu.memref_slice %arg19[%add3A_28, %dma_start3A_47] : memref<32x128xi32, #tpu.memory_space<vmem>> -> memref<1x128xi32, #tpu.memory_space<vmem>>
      %dma_start3A_49 = tpu.memref_squeeze %dma_start3A_48 : memref<1x128xi32, #tpu.memory_space<vmem>> -> memref<128xi32, #tpu.memory_space<vmem>>
      %dma_start3A_50 = arith.constant 0 : i32
      %dma_start3A_51 = tpu.memref_slice %arg15[%dma_start3A_50] : memref<4224xf32, #tpu.memory_space<vmem_shared>> -> memref<4224xf32, #tpu.memory_space<vmem_shared>>
      tpu.enqueue_indirect_dma source(%dma_start3A_46 : memref<128xf32, #tpu.memory_space<vmem>>) target(%dma_start3A_51 : memref<4224xf32, #tpu.memory_space<vmem_shared>>) offsets(%dma_start3A_49 : memref<128xi32, #tpu.memory_space<vmem>>) semaphore(%arg24 : memref<!tpu.dma_semaphore, #tpu.memory_space<semaphore_mem>>) {add = true}
      %mul3A_52 = arith.constant 128 : i32
      %mul3A_53 = arith.muli %add3A_28, %mul3A_52 : i32
      %dma_start3A_54 = tpu.memref_slice %arg23[%mul3A_53] : memref<4096xf32, #tpu.memory_space<vmem>> -> memref<128xf32, #tpu.memory_space<vmem>>
      %dma_start3A_55 = arith.constant 0 : i32
      %dma_start3A_56 = tpu.memref_slice %arg19[%add3A_28, %dma_start3A_55] : memref<32x128xi32, #tpu.memory_space<vmem>> -> memref<1x128xi32, #tpu.memory_space<vmem>>
      %dma_start3A_57 = tpu.memref_squeeze %dma_start3A_56 : memref<1x128xi32, #tpu.memory_space<vmem>> -> memref<128xi32, #tpu.memory_space<vmem>>
      %dma_start3A_58 = arith.constant 0 : i32
      %dma_start3A_59 = tpu.memref_slice %arg16[%dma_start3A_58] : memref<4224xf32, #tpu.memory_space<vmem_shared>> -> memref<4224xf32, #tpu.memory_space<vmem_shared>>
      tpu.enqueue_indirect_dma source(%dma_start3A_54 : memref<128xf32, #tpu.memory_space<vmem>>) target(%dma_start3A_59 : memref<4224xf32, #tpu.memory_space<vmem_shared>>) offsets(%dma_start3A_57 : memref<128xi32, #tpu.memory_space<vmem>>) semaphore(%arg24 : memref<!tpu.dma_semaphore, #tpu.memory_space<semaphore_mem>>) {add = true}
      %dma_wait3A = tpu.memref_slice %arg20[%mul3A_30] : memref<4096xf32, #tpu.memory_space<vmem>> -> memref<128xf32, #tpu.memory_space<vmem>>
      %dma_wait3A_60 = arith.constant 0 : i32
      %dma_wait3A_61 = tpu.memref_slice %arg19[%add3A_28, %dma_wait3A_60] : memref<32x128xi32, #tpu.memory_space<vmem>> -> memref<1x128xi32, #tpu.memory_space<vmem>>
      %dma_wait3A_62 = tpu.memref_squeeze %dma_wait3A_61 : memref<1x128xi32, #tpu.memory_space<vmem>> -> memref<128xi32, #tpu.memory_space<vmem>>
      %dma_wait3A_63 = arith.constant 0 : i32
      %dma_wait3A_64 = tpu.memref_slice %arg13[%dma_wait3A_63] : memref<4224xf32, #tpu.memory_space<vmem_shared>> -> memref<4224xf32, #tpu.memory_space<vmem_shared>>
      tpu.wait_indirect_dma semaphore(%arg24 : memref<!tpu.dma_semaphore, #tpu.memory_space<semaphore_mem>>) src(%dma_wait3A : memref<128xf32, #tpu.memory_space<vmem>>) dst(%dma_wait3A_64 : memref<4224xf32, #tpu.memory_space<vmem_shared>>)
      %dma_wait3A_65 = tpu.memref_slice %arg21[%mul3A_37] : memref<4096xf32, #tpu.memory_space<vmem>> -> memref<128xf32, #tpu.memory_space<vmem>>
      %dma_wait3A_66 = arith.constant 0 : i32
      %dma_wait3A_67 = tpu.memref_slice %arg19[%add3A_28, %dma_wait3A_66] : memref<32x128xi32, #tpu.memory_space<vmem>> -> memref<1x128xi32, #tpu.memory_space<vmem>>
      %dma_wait3A_68 = tpu.memref_squeeze %dma_wait3A_67 : memref<1x128xi32, #tpu.memory_space<vmem>> -> memref<128xi32, #tpu.memory_space<vmem>>
      %dma_wait3A_69 = arith.constant 0 : i32
      %dma_wait3A_70 = tpu.memref_slice %arg14[%dma_wait3A_69] : memref<4224xf32, #tpu.memory_space<vmem_shared>> -> memref<4224xf32, #tpu.memory_space<vmem_shared>>
      tpu.wait_indirect_dma semaphore(%arg24 : memref<!tpu.dma_semaphore, #tpu.memory_space<semaphore_mem>>) src(%dma_wait3A_65 : memref<128xf32, #tpu.memory_space<vmem>>) dst(%dma_wait3A_70 : memref<4224xf32, #tpu.memory_space<vmem_shared>>)
      %dma_wait3A_71 = tpu.memref_slice %arg22[%mul3A_45] : memref<4096xf32, #tpu.memory_space<vmem>> -> memref<128xf32, #tpu.memory_space<vmem>>
      %dma_wait3A_72 = arith.constant 0 : i32
      %dma_wait3A_73 = tpu.memref_slice %arg19[%add3A_28, %dma_wait3A_72] : memref<32x128xi32, #tpu.memory_space<vmem>> -> memref<1x128xi32, #tpu.memory_space<vmem>>
      %dma_wait3A_74 = tpu.memref_squeeze %dma_wait3A_73 : memref<1x128xi32, #tpu.memory_space<vmem>> -> memref<128xi32, #tpu.memory_space<vmem>>
      %dma_wait3A_75 = arith.constant 0 : i32
      %dma_wait3A_76 = tpu.memref_slice %arg15[%dma_wait3A_75] : memref<4224xf32, #tpu.memory_space<vmem_shared>> -> memref<4224xf32, #tpu.memory_space<vmem_shared>>
      tpu.wait_indirect_dma semaphore(%arg24 : memref<!tpu.dma_semaphore, #tpu.memory_space<semaphore_mem>>) src(%dma_wait3A_71 : memref<128xf32, #tpu.memory_space<vmem>>) dst(%dma_wait3A_76 : memref<4224xf32, #tpu.memory_space<vmem_shared>>)
      %dma_wait3A_77 = tpu.memref_slice %arg23[%mul3A_53] : memref<4096xf32, #tpu.memory_space<vmem>> -> memref<128xf32, #tpu.memory_space<vmem>>
      %dma_wait3A_78 = arith.constant 0 : i32
      %dma_wait3A_79 = tpu.memref_slice %arg19[%add3A_28, %dma_wait3A_78] : memref<32x128xi32, #tpu.memory_space<vmem>> -> memref<1x128xi32, #tpu.memory_space<vmem>>
      %dma_wait3A_80 = tpu.memref_squeeze %dma_wait3A_79 : memref<1x128xi32, #tpu.memory_space<vmem>> -> memref<128xi32, #tpu.memory_space<vmem>>
      %dma_wait3A_81 = arith.constant 0 : i32
      %dma_wait3A_82 = tpu.memref_slice %arg16[%dma_wait3A_81] : memref<4224xf32, #tpu.memory_space<vmem_shared>> -> memref<4224xf32, #tpu.memory_space<vmem_shared>>
      tpu.wait_indirect_dma semaphore(%arg24 : memref<!tpu.dma_semaphore, #tpu.memory_space<semaphore_mem>>) src(%dma_wait3A_77 : memref<128xf32, #tpu.memory_space<vmem>>) dst(%dma_wait3A_82 : memref<4224xf32, #tpu.memory_space<vmem_shared>>)
    }
    %scan3A_17 = arith.constant 32 : i32
    %barrier3A_18 = arith.constant 0 : index
    tpu.barrier barrier_id(%barrier3A_18)
    %eq3A_19 = arith.constant 0 : i32
    %eq3A_20 = arith.cmpi eq, %arg1, %eq3A_19 : i32
    %convert_element_type3A_21 = arith.extui %eq3A_20 : i1 to i32
    %cond3A_22 = arith.constant 0 : i32
    %cond3A_23 = arith.cmpi ne, %convert_element_type3A_21, %cond3A_22 : i32
    scf.if %cond3A_23 {
      %mul3A_24 = arith.constant 4224 : i32
      %mul3A_25 = arith.muli %arg0, %mul3A_24 : i32
      "tpu.region"() ({
        %run_scoped3A = tpu.sem_alloc : memref<!tpu.dma_semaphore, #tpu.memory_space<semaphore_mem>>
        %dma_start3A = tpu.memref_slice %arg9[%mul3A_25] : memref<8448xf32, #tpu.memory_space<hbm>> -> memref<4224xf32, #tpu.memory_space<hbm>>
        tpu.enqueue_dma source(%arg13 : memref<4224xf32, #tpu.memory_space<vmem_shared>>) target(%dma_start3A : memref<4224xf32, #tpu.memory_space<hbm>>) target_semaphore(%run_scoped3A : memref<!tpu.dma_semaphore, #tpu.memory_space<semaphore_mem>>)
        %dma_wait3A = tpu.memref_slice %arg9[%mul3A_25] : memref<8448xf32, #tpu.memory_space<hbm>> -> memref<4224xf32, #tpu.memory_space<hbm>>
        tpu.wait_dma2 semaphore(%run_scoped3A : memref<!tpu.dma_semaphore, #tpu.memory_space<semaphore_mem>>) src(%arg13 : memref<4224xf32, #tpu.memory_space<vmem_shared>>) dst(%dma_wait3A : memref<4224xf32, #tpu.memory_space<hbm>>)
        tpu.yield
      }) : () -> ()
      %mul3A_26 = arith.constant 4224 : i32
      %mul3A_27 = arith.muli %arg0, %mul3A_26 : i32
      "tpu.region"() ({
        %run_scoped3A = tpu.sem_alloc : memref<!tpu.dma_semaphore, #tpu.memory_space<semaphore_mem>>
        %dma_start3A = tpu.memref_slice %arg10[%mul3A_27] : memref<8448xf32, #tpu.memory_space<hbm>> -> memref<4224xf32, #tpu.memory_space<hbm>>
        tpu.enqueue_dma source(%arg14 : memref<4224xf32, #tpu.memory_space<vmem_shared>>) target(%dma_start3A : memref<4224xf32, #tpu.memory_space<hbm>>) target_semaphore(%run_scoped3A : memref<!tpu.dma_semaphore, #tpu.memory_space<semaphore_mem>>)
        %dma_wait3A = tpu.memref_slice %arg10[%mul3A_27] : memref<8448xf32, #tpu.memory_space<hbm>> -> memref<4224xf32, #tpu.memory_space<hbm>>
        tpu.wait_dma2 semaphore(%run_scoped3A : memref<!tpu.dma_semaphore, #tpu.memory_space<semaphore_mem>>) src(%arg14 : memref<4224xf32, #tpu.memory_space<vmem_shared>>) dst(%dma_wait3A : memref<4224xf32, #tpu.memory_space<hbm>>)
        tpu.yield
      }) : () -> ()
      %mul3A_28 = arith.constant 4224 : i32
      %mul3A_29 = arith.muli %arg0, %mul3A_28 : i32
      "tpu.region"() ({
        %run_scoped3A = tpu.sem_alloc : memref<!tpu.dma_semaphore, #tpu.memory_space<semaphore_mem>>
        %dma_start3A = tpu.memref_slice %arg11[%mul3A_29] : memref<8448xf32, #tpu.memory_space<hbm>> -> memref<4224xf32, #tpu.memory_space<hbm>>
        tpu.enqueue_dma source(%arg15 : memref<4224xf32, #tpu.memory_space<vmem_shared>>) target(%dma_start3A : memref<4224xf32, #tpu.memory_space<hbm>>) target_semaphore(%run_scoped3A : memref<!tpu.dma_semaphore, #tpu.memory_space<semaphore_mem>>)
        %dma_wait3A = tpu.memref_slice %arg11[%mul3A_29] : memref<8448xf32, #tpu.memory_space<hbm>> -> memref<4224xf32, #tpu.memory_space<hbm>>
        tpu.wait_dma2 semaphore(%run_scoped3A : memref<!tpu.dma_semaphore, #tpu.memory_space<semaphore_mem>>) src(%arg15 : memref<4224xf32, #tpu.memory_space<vmem_shared>>) dst(%dma_wait3A : memref<4224xf32, #tpu.memory_space<hbm>>)
        tpu.yield
      }) : () -> ()
      %mul3A_30 = arith.constant 4224 : i32
      %mul3A_31 = arith.muli %arg0, %mul3A_30 : i32
      "tpu.region"() ({
        %run_scoped3A = tpu.sem_alloc : memref<!tpu.dma_semaphore, #tpu.memory_space<semaphore_mem>>
        %dma_start3A = tpu.memref_slice %arg12[%mul3A_31] : memref<8448xf32, #tpu.memory_space<hbm>> -> memref<4224xf32, #tpu.memory_space<hbm>>
        tpu.enqueue_dma source(%arg16 : memref<4224xf32, #tpu.memory_space<vmem_shared>>) target(%dma_start3A : memref<4224xf32, #tpu.memory_space<hbm>>) target_semaphore(%run_scoped3A : memref<!tpu.dma_semaphore, #tpu.memory_space<semaphore_mem>>)
        %dma_wait3A = tpu.memref_slice %arg12[%mul3A_31] : memref<8448xf32, #tpu.memory_space<hbm>> -> memref<4224xf32, #tpu.memory_space<hbm>>
        tpu.wait_dma2 semaphore(%run_scoped3A : memref<!tpu.dma_semaphore, #tpu.memory_space<semaphore_mem>>) src(%arg16 : memref<4224xf32, #tpu.memory_space<vmem_shared>>) dst(%dma_wait3A : memref<4224xf32, #tpu.memory_space<hbm>>)
        tpu.yield
      }) : () -> ()
    } else {
    }
    return
  }
}

#map = affine_map<(d0, d1) -> (0, 0)>
#map1 = affine_map<(d0, d1) -> (0)>
module attributes {stable_mosaic.version = 14 : i64} {
  func.func @_dedup_b(%arg0: i32, %arg1: i32, %arg2: memref<1024x128xi32, #tpu.memory_space<hbm>>, %arg3: memref<16908288xi32, #tpu.memory_space<hbm>>, %arg4: memref<1024x128xi32, #tpu.memory_space<hbm>>, %arg5: memref<16908288xi32, #tpu.memory_space<hbm>>, %arg6: memref<32x128xi32, #tpu.memory_space<vmem>>, %arg7: memref<32x128xi32, #tpu.memory_space<vmem>>, %arg8: memref<32x128xi32, #tpu.memory_space<vmem>>, %arg9: memref<32x128xi32, #tpu.memory_space<vmem>>, %arg10: memref<!tpu.dma_semaphore, #tpu.memory_space<semaphore_mem>>) attributes {dimension_semantics = [#tpu.dimension_semantics<core_parallel>, #tpu.dimension_semantics<subcore_parallel>], iteration_bounds = array<i64: 2, 16>, scalar_prefetch = 0 : i64, scratch_operands = 5 : i64, tpu.core_type = #tpu.core_type<sc_vector_subcore>, window_params = [{transform_indices = #map}, {transform_indices = #map1}, {transform_indices = #map}, {transform_indices = #map1}]} {
    %mul3A = arith.constant 2 : i32
    %mul3A_0 = arith.muli %arg1, %mul3A : i32
    %add3A = arith.addi %mul3A_0, %arg0 : i32
    %mul3A_1 = arith.constant 4096 : i32
    %mul3A_2 = arith.muli %add3A, %mul3A_1 : i32
    %mul3A_3 = arith.constant 32 : i32
    %mul3A_4 = arith.muli %add3A, %mul3A_3 : i32
    "tpu.region"() ({
      %run_scoped3A = tpu.sem_alloc : memref<!tpu.dma_semaphore, #tpu.memory_space<semaphore_mem>>
      %dma_start3A = arith.constant 0 : i32
      %dma_start3A_21 = tpu.memref_slice %arg2[%mul3A_4, %dma_start3A] : memref<1024x128xi32, #tpu.memory_space<hbm>> -> memref<32x128xi32, #tpu.memory_space<hbm>>
      %dma_start3A_22 = arith.constant 0 : i32
      %dma_start3A_23 = tpu.memref_slice %arg2[%mul3A_4, %dma_start3A_22] : memref<1024x128xi32, #tpu.memory_space<hbm>> -> memref<32x128xi32, #tpu.memory_space<hbm>>
      tpu.enqueue_dma source(%dma_start3A_23 : memref<32x128xi32, #tpu.memory_space<hbm>>) target(%arg6 : memref<32x128xi32, #tpu.memory_space<vmem>>) target_semaphore(%run_scoped3A : memref<!tpu.dma_semaphore, #tpu.memory_space<semaphore_mem>>)
      %dma_wait3A = arith.constant 0 : i32
      %dma_wait3A_24 = tpu.memref_slice %arg2[%mul3A_4, %dma_wait3A] : memref<1024x128xi32, #tpu.memory_space<hbm>> -> memref<32x128xi32, #tpu.memory_space<hbm>>
      %dma_wait3A_25 = arith.constant 0 : i32
      %dma_wait3A_26 = tpu.memref_slice %arg2[%mul3A_4, %dma_wait3A_25] : memref<1024x128xi32, #tpu.memory_space<hbm>> -> memref<32x128xi32, #tpu.memory_space<hbm>>
      tpu.wait_dma2 semaphore(%run_scoped3A : memref<!tpu.dma_semaphore, #tpu.memory_space<semaphore_mem>>) src(%dma_wait3A_26 : memref<32x128xi32, #tpu.memory_space<hbm>>) dst(%arg6 : memref<32x128xi32, #tpu.memory_space<vmem>>)
      tpu.yield
    }) : () -> ()
    %iota3A = tpu.iota {dimensions = array<i32: 0>} : vector<16xi32>
    %scan3A = arith.constant 0 : i32
    %scan3A_5 = arith.constant 2 : i32
    %scan3A_6 = arith.addi %scan3A, %scan3A_5 : i32
    %scan3A_7 = arith.constant 1 : i32
    scf.for %scan3A_21 = %scan3A to %scan3A_6 step %scan3A_7  : i32 {
      %mul3A_22 = arith.constant 1 : i32
      %mul3A_23 = arith.muli %scan3A_21, %mul3A_22 : i32
      %add3A_24 = arith.constant 0 : i32
      %add3A_25 = arith.addi %add3A_24, %mul3A_23 : i32
      %mul3A_26 = arith.constant 16 : i32
      %mul3A_27 = arith.muli %add3A_25, %mul3A_26 : i32
      %add3A_28 = arith.constant 0 : i32
      %add3A_29 = arith.addi %mul3A_27, %add3A_28 : i32
      %mul3A_30 = arith.constant 16 : i32
      %mul3A_31 = arith.muli %add3A_25, %mul3A_30 : i32
      %add3A_32 = arith.constant 0 : i32
      %add3A_33 = arith.addi %mul3A_31, %add3A_32 : i32
      %dma_start3A = arith.constant 0 : i32
      %dma_start3A_34 = tpu.memref_slice %arg7[%add3A_33, %dma_start3A] : memref<32x128xi32, #tpu.memory_space<vmem>> -> memref<1x128xi32, #tpu.memory_space<vmem>>
      %dma_start3A_35 = tpu.memref_squeeze %dma_start3A_34 : memref<1x128xi32, #tpu.memory_space<vmem>> -> memref<128xi32, #tpu.memory_space<vmem>>
      %dma_start3A_36 = arith.constant 0 : i32
      %dma_start3A_37 = tpu.memref_slice %arg6[%add3A_29, %dma_start3A_36] : memref<32x128xi32, #tpu.memory_space<vmem>> -> memref<1x128xi32, #tpu.memory_space<vmem>>
      %dma_start3A_38 = tpu.memref_squeeze %dma_start3A_37 : memref<1x128xi32, #tpu.memory_space<vmem>> -> memref<128xi32, #tpu.memory_space<vmem>>
      %dma_start3A_39 = arith.constant 0 : i32
      %dma_start3A_40 = tpu.memref_slice %arg3[%dma_start3A_39] : memref<16908288xi32, #tpu.memory_space<hbm>> -> memref<16908288xi32, #tpu.memory_space<hbm>>
      tpu.enqueue_indirect_dma source(%dma_start3A_40 : memref<16908288xi32, #tpu.memory_space<hbm>>) target(%dma_start3A_35 : memref<128xi32, #tpu.memory_space<vmem>>) offsets(%dma_start3A_38 : memref<128xi32, #tpu.memory_space<vmem>>) semaphore(%arg10 : memref<!tpu.dma_semaphore, #tpu.memory_space<semaphore_mem>>)
      %mul3A_41 = arith.constant 16 : i32
      %mul3A_42 = arith.muli %add3A_25, %mul3A_41 : i32
      %add3A_43 = arith.constant 1 : i32
      %add3A_44 = arith.addi %mul3A_42, %add3A_43 : i32
      %mul3A_45 = arith.constant 16 : i32
      %mul3A_46 = arith.muli %add3A_25, %mul3A_45 : i32
      %add3A_47 = arith.constant 1 : i32
      %add3A_48 = arith.addi %mul3A_46, %add3A_47 : i32
      %dma_start3A_49 = arith.constant 0 : i32
      %dma_start3A_50 = tpu.memref_slice %arg7[%add3A_48, %dma_start3A_49] : memref<32x128xi32, #tpu.memory_space<vmem>> -> memref<1x128xi32, #tpu.memory_space<vmem>>
      %dma_start3A_51 = tpu.memref_squeeze %dma_start3A_50 : memref<1x128xi32, #tpu.memory_space<vmem>> -> memref<128xi32, #tpu.memory_space<vmem>>
      %dma_start3A_52 = arith.constant 0 : i32
      %dma_start3A_53 = tpu.memref_slice %arg6[%add3A_44, %dma_start3A_52] : memref<32x128xi32, #tpu.memory_space<vmem>> -> memref<1x128xi32, #tpu.memory_space<vmem>>
      %dma_start3A_54 = tpu.memref_squeeze %dma_start3A_53 : memref<1x128xi32, #tpu.memory_space<vmem>> -> memref<128xi32, #tpu.memory_space<vmem>>
      %dma_start3A_55 = arith.constant 0 : i32
      %dma_start3A_56 = tpu.memref_slice %arg3[%dma_start3A_55] : memref<16908288xi32, #tpu.memory_space<hbm>> -> memref<16908288xi32, #tpu.memory_space<hbm>>
      tpu.enqueue_indirect_dma source(%dma_start3A_56 : memref<16908288xi32, #tpu.memory_space<hbm>>) target(%dma_start3A_51 : memref<128xi32, #tpu.memory_space<vmem>>) offsets(%dma_start3A_54 : memref<128xi32, #tpu.memory_space<vmem>>) semaphore(%arg10 : memref<!tpu.dma_semaphore, #tpu.memory_space<semaphore_mem>>)
      %mul3A_57 = arith.constant 16 : i32
      %mul3A_58 = arith.muli %add3A_25, %mul3A_57 : i32
      %add3A_59 = arith.constant 2 : i32
      %add3A_60 = arith.addi %mul3A_58, %add3A_59 : i32
      %mul3A_61 = arith.constant 16 : i32
      %mul3A_62 = arith.muli %add3A_25, %mul3A_61 : i32
      %add3A_63 = arith.constant 2 : i32
      %add3A_64 = arith.addi %mul3A_62, %add3A_63 : i32
      %dma_start3A_65 = arith.constant 0 : i32
      %dma_start3A_66 = tpu.memref_slice %arg7[%add3A_64, %dma_start3A_65] : memref<32x128xi32, #tpu.memory_space<vmem>> -> memref<1x128xi32, #tpu.memory_space<vmem>>
      %dma_start3A_67 = tpu.memref_squeeze %dma_start3A_66 : memref<1x128xi32, #tpu.memory_space<vmem>> -> memref<128xi32, #tpu.memory_space<vmem>>
      %dma_start3A_68 = arith.constant 0 : i32
      %dma_start3A_69 = tpu.memref_slice %arg6[%add3A_60, %dma_start3A_68] : memref<32x128xi32, #tpu.memory_space<vmem>> -> memref<1x128xi32, #tpu.memory_space<vmem>>
      %dma_start3A_70 = tpu.memref_squeeze %dma_start3A_69 : memref<1x128xi32, #tpu.memory_space<vmem>> -> memref<128xi32, #tpu.memory_space<vmem>>
      %dma_start3A_71 = arith.constant 0 : i32
      %dma_start3A_72 = tpu.memref_slice %arg3[%dma_start3A_71] : memref<16908288xi32, #tpu.memory_space<hbm>> -> memref<16908288xi32, #tpu.memory_space<hbm>>
      tpu.enqueue_indirect_dma source(%dma_start3A_72 : memref<16908288xi32, #tpu.memory_space<hbm>>) target(%dma_start3A_67 : memref<128xi32, #tpu.memory_space<vmem>>) offsets(%dma_start3A_70 : memref<128xi32, #tpu.memory_space<vmem>>) semaphore(%arg10 : memref<!tpu.dma_semaphore, #tpu.memory_space<semaphore_mem>>)
      %mul3A_73 = arith.constant 16 : i32
      %mul3A_74 = arith.muli %add3A_25, %mul3A_73 : i32
      %add3A_75 = arith.constant 3 : i32
      %add3A_76 = arith.addi %mul3A_74, %add3A_75 : i32
      %mul3A_77 = arith.constant 16 : i32
      %mul3A_78 = arith.muli %add3A_25, %mul3A_77 : i32
      %add3A_79 = arith.constant 3 : i32
      %add3A_80 = arith.addi %mul3A_78, %add3A_79 : i32
      %dma_start3A_81 = arith.constant 0 : i32
      %dma_start3A_82 = tpu.memref_slice %arg7[%add3A_80, %dma_start3A_81] : memref<32x128xi32, #tpu.memory_space<vmem>> -> memref<1x128xi32, #tpu.memory_space<vmem>>
      %dma_start3A_83 = tpu.memref_squeeze %dma_start3A_82 : memref<1x128xi32, #tpu.memory_space<vmem>> -> memref<128xi32, #tpu.memory_space<vmem>>
      %dma_start3A_84 = arith.constant 0 : i32
      %dma_start3A_85 = tpu.memref_slice %arg6[%add3A_76, %dma_start3A_84] : memref<32x128xi32, #tpu.memory_space<vmem>> -> memref<1x128xi32, #tpu.memory_space<vmem>>
      %dma_start3A_86 = tpu.memref_squeeze %dma_start3A_85 : memref<1x128xi32, #tpu.memory_space<vmem>> -> memref<128xi32, #tpu.memory_space<vmem>>
      %dma_start3A_87 = arith.constant 0 : i32
      %dma_start3A_88 = tpu.memref_slice %arg3[%dma_start3A_87] : memref<16908288xi32, #tpu.memory_space<hbm>> -> memref<16908288xi32, #tpu.memory_space<hbm>>
      tpu.enqueue_indirect_dma source(%dma_start3A_88 : memref<16908288xi32, #tpu.memory_space<hbm>>) target(%dma_start3A_83 : memref<128xi32, #tpu.memory_space<vmem>>) offsets(%dma_start3A_86 : memref<128xi32, #tpu.memory_space<vmem>>) semaphore(%arg10 : memref<!tpu.dma_semaphore, #tpu.memory_space<semaphore_mem>>)
      %mul3A_89 = arith.constant 16 : i32
      %mul3A_90 = arith.muli %add3A_25, %mul3A_89 : i32
      %add3A_91 = arith.constant 4 : i32
      %add3A_92 = arith.addi %mul3A_90, %add3A_91 : i32
      %mul3A_93 = arith.constant 16 : i32
      %mul3A_94 = arith.muli %add3A_25, %mul3A_93 : i32
      %add3A_95 = arith.constant 4 : i32
      %add3A_96 = arith.addi %mul3A_94, %add3A_95 : i32
      %dma_start3A_97 = arith.constant 0 : i32
      %dma_start3A_98 = tpu.memref_slice %arg7[%add3A_96, %dma_start3A_97] : memref<32x128xi32, #tpu.memory_space<vmem>> -> memref<1x128xi32, #tpu.memory_space<vmem>>
      %dma_start3A_99 = tpu.memref_squeeze %dma_start3A_98 : memref<1x128xi32, #tpu.memory_space<vmem>> -> memref<128xi32, #tpu.memory_space<vmem>>
      %dma_start3A_100 = arith.constant 0 : i32
      %dma_start3A_101 = tpu.memref_slice %arg6[%add3A_92, %dma_start3A_100] : memref<32x128xi32, #tpu.memory_space<vmem>> -> memref<1x128xi32, #tpu.memory_space<vmem>>
      %dma_start3A_102 = tpu.memref_squeeze %dma_start3A_101 : memref<1x128xi32, #tpu.memory_space<vmem>> -> memref<128xi32, #tpu.memory_space<vmem>>
      %dma_start3A_103 = arith.constant 0 : i32
      %dma_start3A_104 = tpu.memref_slice %arg3[%dma_start3A_103] : memref<16908288xi32, #tpu.memory_space<hbm>> -> memref<16908288xi32, #tpu.memory_space<hbm>>
      tpu.enqueue_indirect_dma source(%dma_start3A_104 : memref<16908288xi32, #tpu.memory_space<hbm>>) target(%dma_start3A_99 : memref<128xi32, #tpu.memory_space<vmem>>) offsets(%dma_start3A_102 : memref<128xi32, #tpu.memory_space<vmem>>) semaphore(%arg10 : memref<!tpu.dma_semaphore, #tpu.memory_space<semaphore_mem>>)
      %mul3A_105 = arith.constant 16 : i32
      %mul3A_106 = arith.muli %add3A_25, %mul3A_105 : i32
      %add3A_107 = arith.constant 5 : i32
      %add3A_108 = arith.addi %mul3A_106, %add3A_107 : i32
      %mul3A_109 = arith.constant 16 : i32
      %mul3A_110 = arith.muli %add3A_25, %mul3A_109 : i32
      %add3A_111 = arith.constant 5 : i32
      %add3A_112 = arith.addi %mul3A_110, %add3A_111 : i32
      %dma_start3A_113 = arith.constant 0 : i32
      %dma_start3A_114 = tpu.memref_slice %arg7[%add3A_112, %dma_start3A_113] : memref<32x128xi32, #tpu.memory_space<vmem>> -> memref<1x128xi32, #tpu.memory_space<vmem>>
      %dma_start3A_115 = tpu.memref_squeeze %dma_start3A_114 : memref<1x128xi32, #tpu.memory_space<vmem>> -> memref<128xi32, #tpu.memory_space<vmem>>
      %dma_start3A_116 = arith.constant 0 : i32
      %dma_start3A_117 = tpu.memref_slice %arg6[%add3A_108, %dma_start3A_116] : memref<32x128xi32, #tpu.memory_space<vmem>> -> memref<1x128xi32, #tpu.memory_space<vmem>>
      %dma_start3A_118 = tpu.memref_squeeze %dma_start3A_117 : memref<1x128xi32, #tpu.memory_space<vmem>> -> memref<128xi32, #tpu.memory_space<vmem>>
      %dma_start3A_119 = arith.constant 0 : i32
      %dma_start3A_120 = tpu.memref_slice %arg3[%dma_start3A_119] : memref<16908288xi32, #tpu.memory_space<hbm>> -> memref<16908288xi32, #tpu.memory_space<hbm>>
      tpu.enqueue_indirect_dma source(%dma_start3A_120 : memref<16908288xi32, #tpu.memory_space<hbm>>) target(%dma_start3A_115 : memref<128xi32, #tpu.memory_space<vmem>>) offsets(%dma_start3A_118 : memref<128xi32, #tpu.memory_space<vmem>>) semaphore(%arg10 : memref<!tpu.dma_semaphore, #tpu.memory_space<semaphore_mem>>)
      %mul3A_121 = arith.constant 16 : i32
      %mul3A_122 = arith.muli %add3A_25, %mul3A_121 : i32
      %add3A_123 = arith.constant 6 : i32
      %add3A_124 = arith.addi %mul3A_122, %add3A_123 : i32
      %mul3A_125 = arith.constant 16 : i32
      %mul3A_126 = arith.muli %add3A_25, %mul3A_125 : i32
      %add3A_127 = arith.constant 6 : i32
      %add3A_128 = arith.addi %mul3A_126, %add3A_127 : i32
      %dma_start3A_129 = arith.constant 0 : i32
      %dma_start3A_130 = tpu.memref_slice %arg7[%add3A_128, %dma_start3A_129] : memref<32x128xi32, #tpu.memory_space<vmem>> -> memref<1x128xi32, #tpu.memory_space<vmem>>
      %dma_start3A_131 = tpu.memref_squeeze %dma_start3A_130 : memref<1x128xi32, #tpu.memory_space<vmem>> -> memref<128xi32, #tpu.memory_space<vmem>>
      %dma_start3A_132 = arith.constant 0 : i32
      %dma_start3A_133 = tpu.memref_slice %arg6[%add3A_124, %dma_start3A_132] : memref<32x128xi32, #tpu.memory_space<vmem>> -> memref<1x128xi32, #tpu.memory_space<vmem>>
      %dma_start3A_134 = tpu.memref_squeeze %dma_start3A_133 : memref<1x128xi32, #tpu.memory_space<vmem>> -> memref<128xi32, #tpu.memory_space<vmem>>
      %dma_start3A_135 = arith.constant 0 : i32
      %dma_start3A_136 = tpu.memref_slice %arg3[%dma_start3A_135] : memref<16908288xi32, #tpu.memory_space<hbm>> -> memref<16908288xi32, #tpu.memory_space<hbm>>
      tpu.enqueue_indirect_dma source(%dma_start3A_136 : memref<16908288xi32, #tpu.memory_space<hbm>>) target(%dma_start3A_131 : memref<128xi32, #tpu.memory_space<vmem>>) offsets(%dma_start3A_134 : memref<128xi32, #tpu.memory_space<vmem>>) semaphore(%arg10 : memref<!tpu.dma_semaphore, #tpu.memory_space<semaphore_mem>>)
      %mul3A_137 = arith.constant 16 : i32
      %mul3A_138 = arith.muli %add3A_25, %mul3A_137 : i32
      %add3A_139 = arith.constant 7 : i32
      %add3A_140 = arith.addi %mul3A_138, %add3A_139 : i32
      %mul3A_141 = arith.constant 16 : i32
      %mul3A_142 = arith.muli %add3A_25, %mul3A_141 : i32
      %add3A_143 = arith.constant 7 : i32
      %add3A_144 = arith.addi %mul3A_142, %add3A_143 : i32
      %dma_start3A_145 = arith.constant 0 : i32
      %dma_start3A_146 = tpu.memref_slice %arg7[%add3A_144, %dma_start3A_145] : memref<32x128xi32, #tpu.memory_space<vmem>> -> memref<1x128xi32, #tpu.memory_space<vmem>>
      %dma_start3A_147 = tpu.memref_squeeze %dma_start3A_146 : memref<1x128xi32, #tpu.memory_space<vmem>> -> memref<128xi32, #tpu.memory_space<vmem>>
      %dma_start3A_148 = arith.constant 0 : i32
      %dma_start3A_149 = tpu.memref_slice %arg6[%add3A_140, %dma_start3A_148] : memref<32x128xi32, #tpu.memory_space<vmem>> -> memref<1x128xi32, #tpu.memory_space<vmem>>
      %dma_start3A_150 = tpu.memref_squeeze %dma_start3A_149 : memref<1x128xi32, #tpu.memory_space<vmem>> -> memref<128xi32, #tpu.memory_space<vmem>>
      %dma_start3A_151 = arith.constant 0 : i32
      %dma_start3A_152 = tpu.memref_slice %arg3[%dma_start3A_151] : memref<16908288xi32, #tpu.memory_space<hbm>> -> memref<16908288xi32, #tpu.memory_space<hbm>>
      tpu.enqueue_indirect_dma source(%dma_start3A_152 : memref<16908288xi32, #tpu.memory_space<hbm>>) target(%dma_start3A_147 : memref<128xi32, #tpu.memory_space<vmem>>) offsets(%dma_start3A_150 : memref<128xi32, #tpu.memory_space<vmem>>) semaphore(%arg10 : memref<!tpu.dma_semaphore, #tpu.memory_space<semaphore_mem>>)
      %mul3A_153 = arith.constant 16 : i32
      %mul3A_154 = arith.muli %add3A_25, %mul3A_153 : i32
      %add3A_155 = arith.constant 8 : i32
      %add3A_156 = arith.addi %mul3A_154, %add3A_155 : i32
      %mul3A_157 = arith.constant 16 : i32
      %mul3A_158 = arith.muli %add3A_25, %mul3A_157 : i32
      %add3A_159 = arith.constant 8 : i32
      %add3A_160 = arith.addi %mul3A_158, %add3A_159 : i32
      %dma_start3A_161 = arith.constant 0 : i32
      %dma_start3A_162 = tpu.memref_slice %arg7[%add3A_160, %dma_start3A_161] : memref<32x128xi32, #tpu.memory_space<vmem>> -> memref<1x128xi32, #tpu.memory_space<vmem>>
      %dma_start3A_163 = tpu.memref_squeeze %dma_start3A_162 : memref<1x128xi32, #tpu.memory_space<vmem>> -> memref<128xi32, #tpu.memory_space<vmem>>
      %dma_start3A_164 = arith.constant 0 : i32
      %dma_start3A_165 = tpu.memref_slice %arg6[%add3A_156, %dma_start3A_164] : memref<32x128xi32, #tpu.memory_space<vmem>> -> memref<1x128xi32, #tpu.memory_space<vmem>>
      %dma_start3A_166 = tpu.memref_squeeze %dma_start3A_165 : memref<1x128xi32, #tpu.memory_space<vmem>> -> memref<128xi32, #tpu.memory_space<vmem>>
      %dma_start3A_167 = arith.constant 0 : i32
      %dma_start3A_168 = tpu.memref_slice %arg3[%dma_start3A_167] : memref<16908288xi32, #tpu.memory_space<hbm>> -> memref<16908288xi32, #tpu.memory_space<hbm>>
      tpu.enqueue_indirect_dma source(%dma_start3A_168 : memref<16908288xi32, #tpu.memory_space<hbm>>) target(%dma_start3A_163 : memref<128xi32, #tpu.memory_space<vmem>>) offsets(%dma_start3A_166 : memref<128xi32, #tpu.memory_space<vmem>>) semaphore(%arg10 : memref<!tpu.dma_semaphore, #tpu.memory_space<semaphore_mem>>)
      %mul3A_169 = arith.constant 16 : i32
      %mul3A_170 = arith.muli %add3A_25, %mul3A_169 : i32
      %add3A_171 = arith.constant 9 : i32
      %add3A_172 = arith.addi %mul3A_170, %add3A_171 : i32
      %mul3A_173 = arith.constant 16 : i32
      %mul3A_174 = arith.muli %add3A_25, %mul3A_173 : i32
      %add3A_175 = arith.constant 9 : i32
      %add3A_176 = arith.addi %mul3A_174, %add3A_175 : i32
      %dma_start3A_177 = arith.constant 0 : i32
      %dma_start3A_178 = tpu.memref_slice %arg7[%add3A_176, %dma_start3A_177] : memref<32x128xi32, #tpu.memory_space<vmem>> -> memref<1x128xi32, #tpu.memory_space<vmem>>
      %dma_start3A_179 = tpu.memref_squeeze %dma_start3A_178 : memref<1x128xi32, #tpu.memory_space<vmem>> -> memref<128xi32, #tpu.memory_space<vmem>>
      %dma_start3A_180 = arith.constant 0 : i32
      %dma_start3A_181 = tpu.memref_slice %arg6[%add3A_172, %dma_start3A_180] : memref<32x128xi32, #tpu.memory_space<vmem>> -> memref<1x128xi32, #tpu.memory_space<vmem>>
      %dma_start3A_182 = tpu.memref_squeeze %dma_start3A_181 : memref<1x128xi32, #tpu.memory_space<vmem>> -> memref<128xi32, #tpu.memory_space<vmem>>
      %dma_start3A_183 = arith.constant 0 : i32
      %dma_start3A_184 = tpu.memref_slice %arg3[%dma_start3A_183] : memref<16908288xi32, #tpu.memory_space<hbm>> -> memref<16908288xi32, #tpu.memory_space<hbm>>
      tpu.enqueue_indirect_dma source(%dma_start3A_184 : memref<16908288xi32, #tpu.memory_space<hbm>>) target(%dma_start3A_179 : memref<128xi32, #tpu.memory_space<vmem>>) offsets(%dma_start3A_182 : memref<128xi32, #tpu.memory_space<vmem>>) semaphore(%arg10 : memref<!tpu.dma_semaphore, #tpu.memory_space<semaphore_mem>>)
      %mul3A_185 = arith.constant 16 : i32
      %mul3A_186 = arith.muli %add3A_25, %mul3A_185 : i32
      %add3A_187 = arith.constant 10 : i32
      %add3A_188 = arith.addi %mul3A_186, %add3A_187 : i32
      %mul3A_189 = arith.constant 16 : i32
      %mul3A_190 = arith.muli %add3A_25, %mul3A_189 : i32
      %add3A_191 = arith.constant 10 : i32
      %add3A_192 = arith.addi %mul3A_190, %add3A_191 : i32
      %dma_start3A_193 = arith.constant 0 : i32
      %dma_start3A_194 = tpu.memref_slice %arg7[%add3A_192, %dma_start3A_193] : memref<32x128xi32, #tpu.memory_space<vmem>> -> memref<1x128xi32, #tpu.memory_space<vmem>>
      %dma_start3A_195 = tpu.memref_squeeze %dma_start3A_194 : memref<1x128xi32, #tpu.memory_space<vmem>> -> memref<128xi32, #tpu.memory_space<vmem>>
      %dma_start3A_196 = arith.constant 0 : i32
      %dma_start3A_197 = tpu.memref_slice %arg6[%add3A_188, %dma_start3A_196] : memref<32x128xi32, #tpu.memory_space<vmem>> -> memref<1x128xi32, #tpu.memory_space<vmem>>
      %dma_start3A_198 = tpu.memref_squeeze %dma_start3A_197 : memref<1x128xi32, #tpu.memory_space<vmem>> -> memref<128xi32, #tpu.memory_space<vmem>>
      %dma_start3A_199 = arith.constant 0 : i32
      %dma_start3A_200 = tpu.memref_slice %arg3[%dma_start3A_199] : memref<16908288xi32, #tpu.memory_space<hbm>> -> memref<16908288xi32, #tpu.memory_space<hbm>>
      tpu.enqueue_indirect_dma source(%dma_start3A_200 : memref<16908288xi32, #tpu.memory_space<hbm>>) target(%dma_start3A_195 : memref<128xi32, #tpu.memory_space<vmem>>) offsets(%dma_start3A_198 : memref<128xi32, #tpu.memory_space<vmem>>) semaphore(%arg10 : memref<!tpu.dma_semaphore, #tpu.memory_space<semaphore_mem>>)
      %mul3A_201 = arith.constant 16 : i32
      %mul3A_202 = arith.muli %add3A_25, %mul3A_201 : i32
      %add3A_203 = arith.constant 11 : i32
      %add3A_204 = arith.addi %mul3A_202, %add3A_203 : i32
      %mul3A_205 = arith.constant 16 : i32
      %mul3A_206 = arith.muli %add3A_25, %mul3A_205 : i32
      %add3A_207 = arith.constant 11 : i32
      %add3A_208 = arith.addi %mul3A_206, %add3A_207 : i32
      %dma_start3A_209 = arith.constant 0 : i32
      %dma_start3A_210 = tpu.memref_slice %arg7[%add3A_208, %dma_start3A_209] : memref<32x128xi32, #tpu.memory_space<vmem>> -> memref<1x128xi32, #tpu.memory_space<vmem>>
      %dma_start3A_211 = tpu.memref_squeeze %dma_start3A_210 : memref<1x128xi32, #tpu.memory_space<vmem>> -> memref<128xi32, #tpu.memory_space<vmem>>
      %dma_start3A_212 = arith.constant 0 : i32
      %dma_start3A_213 = tpu.memref_slice %arg6[%add3A_204, %dma_start3A_212] : memref<32x128xi32, #tpu.memory_space<vmem>> -> memref<1x128xi32, #tpu.memory_space<vmem>>
      %dma_start3A_214 = tpu.memref_squeeze %dma_start3A_213 : memref<1x128xi32, #tpu.memory_space<vmem>> -> memref<128xi32, #tpu.memory_space<vmem>>
      %dma_start3A_215 = arith.constant 0 : i32
      %dma_start3A_216 = tpu.memref_slice %arg3[%dma_start3A_215] : memref<16908288xi32, #tpu.memory_space<hbm>> -> memref<16908288xi32, #tpu.memory_space<hbm>>
      tpu.enqueue_indirect_dma source(%dma_start3A_216 : memref<16908288xi32, #tpu.memory_space<hbm>>) target(%dma_start3A_211 : memref<128xi32, #tpu.memory_space<vmem>>) offsets(%dma_start3A_214 : memref<128xi32, #tpu.memory_space<vmem>>) semaphore(%arg10 : memref<!tpu.dma_semaphore, #tpu.memory_space<semaphore_mem>>)
      %mul3A_217 = arith.constant 16 : i32
      %mul3A_218 = arith.muli %add3A_25, %mul3A_217 : i32
      %add3A_219 = arith.constant 12 : i32
      %add3A_220 = arith.addi %mul3A_218, %add3A_219 : i32
      %mul3A_221 = arith.constant 16 : i32
      %mul3A_222 = arith.muli %add3A_25, %mul3A_221 : i32
      %add3A_223 = arith.constant 12 : i32
      %add3A_224 = arith.addi %mul3A_222, %add3A_223 : i32
      %dma_start3A_225 = arith.constant 0 : i32
      %dma_start3A_226 = tpu.memref_slice %arg7[%add3A_224, %dma_start3A_225] : memref<32x128xi32, #tpu.memory_space<vmem>> -> memref<1x128xi32, #tpu.memory_space<vmem>>
      %dma_start3A_227 = tpu.memref_squeeze %dma_start3A_226 : memref<1x128xi32, #tpu.memory_space<vmem>> -> memref<128xi32, #tpu.memory_space<vmem>>
      %dma_start3A_228 = arith.constant 0 : i32
      %dma_start3A_229 = tpu.memref_slice %arg6[%add3A_220, %dma_start3A_228] : memref<32x128xi32, #tpu.memory_space<vmem>> -> memref<1x128xi32, #tpu.memory_space<vmem>>
      %dma_start3A_230 = tpu.memref_squeeze %dma_start3A_229 : memref<1x128xi32, #tpu.memory_space<vmem>> -> memref<128xi32, #tpu.memory_space<vmem>>
      %dma_start3A_231 = arith.constant 0 : i32
      %dma_start3A_232 = tpu.memref_slice %arg3[%dma_start3A_231] : memref<16908288xi32, #tpu.memory_space<hbm>> -> memref<16908288xi32, #tpu.memory_space<hbm>>
      tpu.enqueue_indirect_dma source(%dma_start3A_232 : memref<16908288xi32, #tpu.memory_space<hbm>>) target(%dma_start3A_227 : memref<128xi32, #tpu.memory_space<vmem>>) offsets(%dma_start3A_230 : memref<128xi32, #tpu.memory_space<vmem>>) semaphore(%arg10 : memref<!tpu.dma_semaphore, #tpu.memory_space<semaphore_mem>>)
      %mul3A_233 = arith.constant 16 : i32
      %mul3A_234 = arith.muli %add3A_25, %mul3A_233 : i32
      %add3A_235 = arith.constant 13 : i32
      %add3A_236 = arith.addi %mul3A_234, %add3A_235 : i32
      %mul3A_237 = arith.constant 16 : i32
      %mul3A_238 = arith.muli %add3A_25, %mul3A_237 : i32
      %add3A_239 = arith.constant 13 : i32
      %add3A_240 = arith.addi %mul3A_238, %add3A_239 : i32
      %dma_start3A_241 = arith.constant 0 : i32
      %dma_start3A_242 = tpu.memref_slice %arg7[%add3A_240, %dma_start3A_241] : memref<32x128xi32, #tpu.memory_space<vmem>> -> memref<1x128xi32, #tpu.memory_space<vmem>>
      %dma_start3A_243 = tpu.memref_squeeze %dma_start3A_242 : memref<1x128xi32, #tpu.memory_space<vmem>> -> memref<128xi32, #tpu.memory_space<vmem>>
      %dma_start3A_244 = arith.constant 0 : i32
      %dma_start3A_245 = tpu.memref_slice %arg6[%add3A_236, %dma_start3A_244] : memref<32x128xi32, #tpu.memory_space<vmem>> -> memref<1x128xi32, #tpu.memory_space<vmem>>
      %dma_start3A_246 = tpu.memref_squeeze %dma_start3A_245 : memref<1x128xi32, #tpu.memory_space<vmem>> -> memref<128xi32, #tpu.memory_space<vmem>>
      %dma_start3A_247 = arith.constant 0 : i32
      %dma_start3A_248 = tpu.memref_slice %arg3[%dma_start3A_247] : memref<16908288xi32, #tpu.memory_space<hbm>> -> memref<16908288xi32, #tpu.memory_space<hbm>>
      tpu.enqueue_indirect_dma source(%dma_start3A_248 : memref<16908288xi32, #tpu.memory_space<hbm>>) target(%dma_start3A_243 : memref<128xi32, #tpu.memory_space<vmem>>) offsets(%dma_start3A_246 : memref<128xi32, #tpu.memory_space<vmem>>) semaphore(%arg10 : memref<!tpu.dma_semaphore, #tpu.memory_space<semaphore_mem>>)
      %mul3A_249 = arith.constant 16 : i32
      %mul3A_250 = arith.muli %add3A_25, %mul3A_249 : i32
      %add3A_251 = arith.constant 14 : i32
      %add3A_252 = arith.addi %mul3A_250, %add3A_251 : i32
      %mul3A_253 = arith.constant 16 : i32
      %mul3A_254 = arith.muli %add3A_25, %mul3A_253 : i32
      %add3A_255 = arith.constant 14 : i32
      %add3A_256 = arith.addi %mul3A_254, %add3A_255 : i32
      %dma_start3A_257 = arith.constant 0 : i32
      %dma_start3A_258 = tpu.memref_slice %arg7[%add3A_256, %dma_start3A_257] : memref<32x128xi32, #tpu.memory_space<vmem>> -> memref<1x128xi32, #tpu.memory_space<vmem>>
      %dma_start3A_259 = tpu.memref_squeeze %dma_start3A_258 : memref<1x128xi32, #tpu.memory_space<vmem>> -> memref<128xi32, #tpu.memory_space<vmem>>
      %dma_start3A_260 = arith.constant 0 : i32
      %dma_start3A_261 = tpu.memref_slice %arg6[%add3A_252, %dma_start3A_260] : memref<32x128xi32, #tpu.memory_space<vmem>> -> memref<1x128xi32, #tpu.memory_space<vmem>>
      %dma_start3A_262 = tpu.memref_squeeze %dma_start3A_261 : memref<1x128xi32, #tpu.memory_space<vmem>> -> memref<128xi32, #tpu.memory_space<vmem>>
      %dma_start3A_263 = arith.constant 0 : i32
      %dma_start3A_264 = tpu.memref_slice %arg3[%dma_start3A_263] : memref<16908288xi32, #tpu.memory_space<hbm>> -> memref<16908288xi32, #tpu.memory_space<hbm>>
      tpu.enqueue_indirect_dma source(%dma_start3A_264 : memref<16908288xi32, #tpu.memory_space<hbm>>) target(%dma_start3A_259 : memref<128xi32, #tpu.memory_space<vmem>>) offsets(%dma_start3A_262 : memref<128xi32, #tpu.memory_space<vmem>>) semaphore(%arg10 : memref<!tpu.dma_semaphore, #tpu.memory_space<semaphore_mem>>)
      %mul3A_265 = arith.constant 16 : i32
      %mul3A_266 = arith.muli %add3A_25, %mul3A_265 : i32
      %add3A_267 = arith.constant 15 : i32
      %add3A_268 = arith.addi %mul3A_266, %add3A_267 : i32
      %mul3A_269 = arith.constant 16 : i32
      %mul3A_270 = arith.muli %add3A_25, %mul3A_269 : i32
      %add3A_271 = arith.constant 15 : i32
      %add3A_272 = arith.addi %mul3A_270, %add3A_271 : i32
      %dma_start3A_273 = arith.constant 0 : i32
      %dma_start3A_274 = tpu.memref_slice %arg7[%add3A_272, %dma_start3A_273] : memref<32x128xi32, #tpu.memory_space<vmem>> -> memref<1x128xi32, #tpu.memory_space<vmem>>
      %dma_start3A_275 = tpu.memref_squeeze %dma_start3A_274 : memref<1x128xi32, #tpu.memory_space<vmem>> -> memref<128xi32, #tpu.memory_space<vmem>>
      %dma_start3A_276 = arith.constant 0 : i32
      %dma_start3A_277 = tpu.memref_slice %arg6[%add3A_268, %dma_start3A_276] : memref<32x128xi32, #tpu.memory_space<vmem>> -> memref<1x128xi32, #tpu.memory_space<vmem>>
      %dma_start3A_278 = tpu.memref_squeeze %dma_start3A_277 : memref<1x128xi32, #tpu.memory_space<vmem>> -> memref<128xi32, #tpu.memory_space<vmem>>
      %dma_start3A_279 = arith.constant 0 : i32
      %dma_start3A_280 = tpu.memref_slice %arg3[%dma_start3A_279] : memref<16908288xi32, #tpu.memory_space<hbm>> -> memref<16908288xi32, #tpu.memory_space<hbm>>
      tpu.enqueue_indirect_dma source(%dma_start3A_280 : memref<16908288xi32, #tpu.memory_space<hbm>>) target(%dma_start3A_275 : memref<128xi32, #tpu.memory_space<vmem>>) offsets(%dma_start3A_278 : memref<128xi32, #tpu.memory_space<vmem>>) semaphore(%arg10 : memref<!tpu.dma_semaphore, #tpu.memory_space<semaphore_mem>>)
      %dma_wait3A = arith.constant 0 : i32
      %dma_wait3A_281 = tpu.memref_slice %arg7[%add3A_33, %dma_wait3A] : memref<32x128xi32, #tpu.memory_space<vmem>> -> memref<1x128xi32, #tpu.memory_space<vmem>>
      %dma_wait3A_282 = tpu.memref_squeeze %dma_wait3A_281 : memref<1x128xi32, #tpu.memory_space<vmem>> -> memref<128xi32, #tpu.memory_space<vmem>>
      %dma_wait3A_283 = arith.constant 0 : i32
      %dma_wait3A_284 = tpu.memref_slice %arg6[%add3A_29, %dma_wait3A_283] : memref<32x128xi32, #tpu.memory_space<vmem>> -> memref<1x128xi32, #tpu.memory_space<vmem>>
      %dma_wait3A_285 = tpu.memref_squeeze %dma_wait3A_284 : memref<1x128xi32, #tpu.memory_space<vmem>> -> memref<128xi32, #tpu.memory_space<vmem>>
      %dma_wait3A_286 = arith.constant 0 : i32
      %dma_wait3A_287 = tpu.memref_slice %arg3[%dma_wait3A_286] : memref<16908288xi32, #tpu.memory_space<hbm>> -> memref<16908288xi32, #tpu.memory_space<hbm>>
      tpu.wait_indirect_dma semaphore(%arg10 : memref<!tpu.dma_semaphore, #tpu.memory_space<semaphore_mem>>) src(%dma_wait3A_287 : memref<16908288xi32, #tpu.memory_space<hbm>>) dst(%dma_wait3A_282 : memref<128xi32, #tpu.memory_space<vmem>>)
      %dma_wait3A_288 = arith.constant 0 : i32
      %dma_wait3A_289 = tpu.memref_slice %arg7[%add3A_48, %dma_wait3A_288] : memref<32x128xi32, #tpu.memory_space<vmem>> -> memref<1x128xi32, #tpu.memory_space<vmem>>
      %dma_wait3A_290 = tpu.memref_squeeze %dma_wait3A_289 : memref<1x128xi32, #tpu.memory_space<vmem>> -> memref<128xi32, #tpu.memory_space<vmem>>
      %dma_wait3A_291 = arith.constant 0 : i32
      %dma_wait3A_292 = tpu.memref_slice %arg6[%add3A_44, %dma_wait3A_291] : memref<32x128xi32, #tpu.memory_space<vmem>> -> memref<1x128xi32, #tpu.memory_space<vmem>>
      %dma_wait3A_293 = tpu.memref_squeeze %dma_wait3A_292 : memref<1x128xi32, #tpu.memory_space<vmem>> -> memref<128xi32, #tpu.memory_space<vmem>>
      %dma_wait3A_294 = arith.constant 0 : i32
      %dma_wait3A_295 = tpu.memref_slice %arg3[%dma_wait3A_294] : memref<16908288xi32, #tpu.memory_space<hbm>> -> memref<16908288xi32, #tpu.memory_space<hbm>>
      tpu.wait_indirect_dma semaphore(%arg10 : memref<!tpu.dma_semaphore, #tpu.memory_space<semaphore_mem>>) src(%dma_wait3A_295 : memref<16908288xi32, #tpu.memory_space<hbm>>) dst(%dma_wait3A_290 : memref<128xi32, #tpu.memory_space<vmem>>)
      %dma_wait3A_296 = arith.constant 0 : i32
      %dma_wait3A_297 = tpu.memref_slice %arg7[%add3A_64, %dma_wait3A_296] : memref<32x128xi32, #tpu.memory_space<vmem>> -> memref<1x128xi32, #tpu.memory_space<vmem>>
      %dma_wait3A_298 = tpu.memref_squeeze %dma_wait3A_297 : memref<1x128xi32, #tpu.memory_space<vmem>> -> memref<128xi32, #tpu.memory_space<vmem>>
      %dma_wait3A_299 = arith.constant 0 : i32
      %dma_wait3A_300 = tpu.memref_slice %arg6[%add3A_60, %dma_wait3A_299] : memref<32x128xi32, #tpu.memory_space<vmem>> -> memref<1x128xi32, #tpu.memory_space<vmem>>
      %dma_wait3A_301 = tpu.memref_squeeze %dma_wait3A_300 : memref<1x128xi32, #tpu.memory_space<vmem>> -> memref<128xi32, #tpu.memory_space<vmem>>
      %dma_wait3A_302 = arith.constant 0 : i32
      %dma_wait3A_303 = tpu.memref_slice %arg3[%dma_wait3A_302] : memref<16908288xi32, #tpu.memory_space<hbm>> -> memref<16908288xi32, #tpu.memory_space<hbm>>
      tpu.wait_indirect_dma semaphore(%arg10 : memref<!tpu.dma_semaphore, #tpu.memory_space<semaphore_mem>>) src(%dma_wait3A_303 : memref<16908288xi32, #tpu.memory_space<hbm>>) dst(%dma_wait3A_298 : memref<128xi32, #tpu.memory_space<vmem>>)
      %dma_wait3A_304 = arith.constant 0 : i32
      %dma_wait3A_305 = tpu.memref_slice %arg7[%add3A_80, %dma_wait3A_304] : memref<32x128xi32, #tpu.memory_space<vmem>> -> memref<1x128xi32, #tpu.memory_space<vmem>>
      %dma_wait3A_306 = tpu.memref_squeeze %dma_wait3A_305 : memref<1x128xi32, #tpu.memory_space<vmem>> -> memref<128xi32, #tpu.memory_space<vmem>>
      %dma_wait3A_307 = arith.constant 0 : i32
      %dma_wait3A_308 = tpu.memref_slice %arg6[%add3A_76, %dma_wait3A_307] : memref<32x128xi32, #tpu.memory_space<vmem>> -> memref<1x128xi32, #tpu.memory_space<vmem>>
      %dma_wait3A_309 = tpu.memref_squeeze %dma_wait3A_308 : memref<1x128xi32, #tpu.memory_space<vmem>> -> memref<128xi32, #tpu.memory_space<vmem>>
      %dma_wait3A_310 = arith.constant 0 : i32
      %dma_wait3A_311 = tpu.memref_slice %arg3[%dma_wait3A_310] : memref<16908288xi32, #tpu.memory_space<hbm>> -> memref<16908288xi32, #tpu.memory_space<hbm>>
      tpu.wait_indirect_dma semaphore(%arg10 : memref<!tpu.dma_semaphore, #tpu.memory_space<semaphore_mem>>) src(%dma_wait3A_311 : memref<16908288xi32, #tpu.memory_space<hbm>>) dst(%dma_wait3A_306 : memref<128xi32, #tpu.memory_space<vmem>>)
      %dma_wait3A_312 = arith.constant 0 : i32
      %dma_wait3A_313 = tpu.memref_slice %arg7[%add3A_96, %dma_wait3A_312] : memref<32x128xi32, #tpu.memory_space<vmem>> -> memref<1x128xi32, #tpu.memory_space<vmem>>
      %dma_wait3A_314 = tpu.memref_squeeze %dma_wait3A_313 : memref<1x128xi32, #tpu.memory_space<vmem>> -> memref<128xi32, #tpu.memory_space<vmem>>
      %dma_wait3A_315 = arith.constant 0 : i32
      %dma_wait3A_316 = tpu.memref_slice %arg6[%add3A_92, %dma_wait3A_315] : memref<32x128xi32, #tpu.memory_space<vmem>> -> memref<1x128xi32, #tpu.memory_space<vmem>>
      %dma_wait3A_317 = tpu.memref_squeeze %dma_wait3A_316 : memref<1x128xi32, #tpu.memory_space<vmem>> -> memref<128xi32, #tpu.memory_space<vmem>>
      %dma_wait3A_318 = arith.constant 0 : i32
      %dma_wait3A_319 = tpu.memref_slice %arg3[%dma_wait3A_318] : memref<16908288xi32, #tpu.memory_space<hbm>> -> memref<16908288xi32, #tpu.memory_space<hbm>>
      tpu.wait_indirect_dma semaphore(%arg10 : memref<!tpu.dma_semaphore, #tpu.memory_space<semaphore_mem>>) src(%dma_wait3A_319 : memref<16908288xi32, #tpu.memory_space<hbm>>) dst(%dma_wait3A_314 : memref<128xi32, #tpu.memory_space<vmem>>)
      %dma_wait3A_320 = arith.constant 0 : i32
      %dma_wait3A_321 = tpu.memref_slice %arg7[%add3A_112, %dma_wait3A_320] : memref<32x128xi32, #tpu.memory_space<vmem>> -> memref<1x128xi32, #tpu.memory_space<vmem>>
      %dma_wait3A_322 = tpu.memref_squeeze %dma_wait3A_321 : memref<1x128xi32, #tpu.memory_space<vmem>> -> memref<128xi32, #tpu.memory_space<vmem>>
      %dma_wait3A_323 = arith.constant 0 : i32
      %dma_wait3A_324 = tpu.memref_slice %arg6[%add3A_108, %dma_wait3A_323] : memref<32x128xi32, #tpu.memory_space<vmem>> -> memref<1x128xi32, #tpu.memory_space<vmem>>
      %dma_wait3A_325 = tpu.memref_squeeze %dma_wait3A_324 : memref<1x128xi32, #tpu.memory_space<vmem>> -> memref<128xi32, #tpu.memory_space<vmem>>
      %dma_wait3A_326 = arith.constant 0 : i32
      %dma_wait3A_327 = tpu.memref_slice %arg3[%dma_wait3A_326] : memref<16908288xi32, #tpu.memory_space<hbm>> -> memref<16908288xi32, #tpu.memory_space<hbm>>
      tpu.wait_indirect_dma semaphore(%arg10 : memref<!tpu.dma_semaphore, #tpu.memory_space<semaphore_mem>>) src(%dma_wait3A_327 : memref<16908288xi32, #tpu.memory_space<hbm>>) dst(%dma_wait3A_322 : memref<128xi32, #tpu.memory_space<vmem>>)
      %dma_wait3A_328 = arith.constant 0 : i32
      %dma_wait3A_329 = tpu.memref_slice %arg7[%add3A_128, %dma_wait3A_328] : memref<32x128xi32, #tpu.memory_space<vmem>> -> memref<1x128xi32, #tpu.memory_space<vmem>>
      %dma_wait3A_330 = tpu.memref_squeeze %dma_wait3A_329 : memref<1x128xi32, #tpu.memory_space<vmem>> -> memref<128xi32, #tpu.memory_space<vmem>>
      %dma_wait3A_331 = arith.constant 0 : i32
      %dma_wait3A_332 = tpu.memref_slice %arg6[%add3A_124, %dma_wait3A_331] : memref<32x128xi32, #tpu.memory_space<vmem>> -> memref<1x128xi32, #tpu.memory_space<vmem>>
      %dma_wait3A_333 = tpu.memref_squeeze %dma_wait3A_332 : memref<1x128xi32, #tpu.memory_space<vmem>> -> memref<128xi32, #tpu.memory_space<vmem>>
      %dma_wait3A_334 = arith.constant 0 : i32
      %dma_wait3A_335 = tpu.memref_slice %arg3[%dma_wait3A_334] : memref<16908288xi32, #tpu.memory_space<hbm>> -> memref<16908288xi32, #tpu.memory_space<hbm>>
      tpu.wait_indirect_dma semaphore(%arg10 : memref<!tpu.dma_semaphore, #tpu.memory_space<semaphore_mem>>) src(%dma_wait3A_335 : memref<16908288xi32, #tpu.memory_space<hbm>>) dst(%dma_wait3A_330 : memref<128xi32, #tpu.memory_space<vmem>>)
      %dma_wait3A_336 = arith.constant 0 : i32
      %dma_wait3A_337 = tpu.memref_slice %arg7[%add3A_144, %dma_wait3A_336] : memref<32x128xi32, #tpu.memory_space<vmem>> -> memref<1x128xi32, #tpu.memory_space<vmem>>
      %dma_wait3A_338 = tpu.memref_squeeze %dma_wait3A_337 : memref<1x128xi32, #tpu.memory_space<vmem>> -> memref<128xi32, #tpu.memory_space<vmem>>
      %dma_wait3A_339 = arith.constant 0 : i32
      %dma_wait3A_340 = tpu.memref_slice %arg6[%add3A_140, %dma_wait3A_339] : memref<32x128xi32, #tpu.memory_space<vmem>> -> memref<1x128xi32, #tpu.memory_space<vmem>>
      %dma_wait3A_341 = tpu.memref_squeeze %dma_wait3A_340 : memref<1x128xi32, #tpu.memory_space<vmem>> -> memref<128xi32, #tpu.memory_space<vmem>>
      %dma_wait3A_342 = arith.constant 0 : i32
      %dma_wait3A_343 = tpu.memref_slice %arg3[%dma_wait3A_342] : memref<16908288xi32, #tpu.memory_space<hbm>> -> memref<16908288xi32, #tpu.memory_space<hbm>>
      tpu.wait_indirect_dma semaphore(%arg10 : memref<!tpu.dma_semaphore, #tpu.memory_space<semaphore_mem>>) src(%dma_wait3A_343 : memref<16908288xi32, #tpu.memory_space<hbm>>) dst(%dma_wait3A_338 : memref<128xi32, #tpu.memory_space<vmem>>)
      %dma_wait3A_344 = arith.constant 0 : i32
      %dma_wait3A_345 = tpu.memref_slice %arg7[%add3A_160, %dma_wait3A_344] : memref<32x128xi32, #tpu.memory_space<vmem>> -> memref<1x128xi32, #tpu.memory_space<vmem>>
      %dma_wait3A_346 = tpu.memref_squeeze %dma_wait3A_345 : memref<1x128xi32, #tpu.memory_space<vmem>> -> memref<128xi32, #tpu.memory_space<vmem>>
      %dma_wait3A_347 = arith.constant 0 : i32
      %dma_wait3A_348 = tpu.memref_slice %arg6[%add3A_156, %dma_wait3A_347] : memref<32x128xi32, #tpu.memory_space<vmem>> -> memref<1x128xi32, #tpu.memory_space<vmem>>
      %dma_wait3A_349 = tpu.memref_squeeze %dma_wait3A_348 : memref<1x128xi32, #tpu.memory_space<vmem>> -> memref<128xi32, #tpu.memory_space<vmem>>
      %dma_wait3A_350 = arith.constant 0 : i32
      %dma_wait3A_351 = tpu.memref_slice %arg3[%dma_wait3A_350] : memref<16908288xi32, #tpu.memory_space<hbm>> -> memref<16908288xi32, #tpu.memory_space<hbm>>
      tpu.wait_indirect_dma semaphore(%arg10 : memref<!tpu.dma_semaphore, #tpu.memory_space<semaphore_mem>>) src(%dma_wait3A_351 : memref<16908288xi32, #tpu.memory_space<hbm>>) dst(%dma_wait3A_346 : memref<128xi32, #tpu.memory_space<vmem>>)
      %dma_wait3A_352 = arith.constant 0 : i32
      %dma_wait3A_353 = tpu.memref_slice %arg7[%add3A_176, %dma_wait3A_352] : memref<32x128xi32, #tpu.memory_space<vmem>> -> memref<1x128xi32, #tpu.memory_space<vmem>>
      %dma_wait3A_354 = tpu.memref_squeeze %dma_wait3A_353 : memref<1x128xi32, #tpu.memory_space<vmem>> -> memref<128xi32, #tpu.memory_space<vmem>>
      %dma_wait3A_355 = arith.constant 0 : i32
      %dma_wait3A_356 = tpu.memref_slice %arg6[%add3A_172, %dma_wait3A_355] : memref<32x128xi32, #tpu.memory_space<vmem>> -> memref<1x128xi32, #tpu.memory_space<vmem>>
      %dma_wait3A_357 = tpu.memref_squeeze %dma_wait3A_356 : memref<1x128xi32, #tpu.memory_space<vmem>> -> memref<128xi32, #tpu.memory_space<vmem>>
      %dma_wait3A_358 = arith.constant 0 : i32
      %dma_wait3A_359 = tpu.memref_slice %arg3[%dma_wait3A_358] : memref<16908288xi32, #tpu.memory_space<hbm>> -> memref<16908288xi32, #tpu.memory_space<hbm>>
      tpu.wait_indirect_dma semaphore(%arg10 : memref<!tpu.dma_semaphore, #tpu.memory_space<semaphore_mem>>) src(%dma_wait3A_359 : memref<16908288xi32, #tpu.memory_space<hbm>>) dst(%dma_wait3A_354 : memref<128xi32, #tpu.memory_space<vmem>>)
      %dma_wait3A_360 = arith.constant 0 : i32
      %dma_wait3A_361 = tpu.memref_slice %arg7[%add3A_192, %dma_wait3A_360] : memref<32x128xi32, #tpu.memory_space<vmem>> -> memref<1x128xi32, #tpu.memory_space<vmem>>
      %dma_wait3A_362 = tpu.memref_squeeze %dma_wait3A_361 : memref<1x128xi32, #tpu.memory_space<vmem>> -> memref<128xi32, #tpu.memory_space<vmem>>
      %dma_wait3A_363 = arith.constant 0 : i32
      %dma_wait3A_364 = tpu.memref_slice %arg6[%add3A_188, %dma_wait3A_363] : memref<32x128xi32, #tpu.memory_space<vmem>> -> memref<1x128xi32, #tpu.memory_space<vmem>>
      %dma_wait3A_365 = tpu.memref_squeeze %dma_wait3A_364 : memref<1x128xi32, #tpu.memory_space<vmem>> -> memref<128xi32, #tpu.memory_space<vmem>>
      %dma_wait3A_366 = arith.constant 0 : i32
      %dma_wait3A_367 = tpu.memref_slice %arg3[%dma_wait3A_366] : memref<16908288xi32, #tpu.memory_space<hbm>> -> memref<16908288xi32, #tpu.memory_space<hbm>>
      tpu.wait_indirect_dma semaphore(%arg10 : memref<!tpu.dma_semaphore, #tpu.memory_space<semaphore_mem>>) src(%dma_wait3A_367 : memref<16908288xi32, #tpu.memory_space<hbm>>) dst(%dma_wait3A_362 : memref<128xi32, #tpu.memory_space<vmem>>)
      %dma_wait3A_368 = arith.constant 0 : i32
      %dma_wait3A_369 = tpu.memref_slice %arg7[%add3A_208, %dma_wait3A_368] : memref<32x128xi32, #tpu.memory_space<vmem>> -> memref<1x128xi32, #tpu.memory_space<vmem>>
      %dma_wait3A_370 = tpu.memref_squeeze %dma_wait3A_369 : memref<1x128xi32, #tpu.memory_space<vmem>> -> memref<128xi32, #tpu.memory_space<vmem>>
      %dma_wait3A_371 = arith.constant 0 : i32
      %dma_wait3A_372 = tpu.memref_slice %arg6[%add3A_204, %dma_wait3A_371] : memref<32x128xi32, #tpu.memory_space<vmem>> -> memref<1x128xi32, #tpu.memory_space<vmem>>
      %dma_wait3A_373 = tpu.memref_squeeze %dma_wait3A_372 : memref<1x128xi32, #tpu.memory_space<vmem>> -> memref<128xi32, #tpu.memory_space<vmem>>
      %dma_wait3A_374 = arith.constant 0 : i32
      %dma_wait3A_375 = tpu.memref_slice %arg3[%dma_wait3A_374] : memref<16908288xi32, #tpu.memory_space<hbm>> -> memref<16908288xi32, #tpu.memory_space<hbm>>
      tpu.wait_indirect_dma semaphore(%arg10 : memref<!tpu.dma_semaphore, #tpu.memory_space<semaphore_mem>>) src(%dma_wait3A_375 : memref<16908288xi32, #tpu.memory_space<hbm>>) dst(%dma_wait3A_370 : memref<128xi32, #tpu.memory_space<vmem>>)
      %dma_wait3A_376 = arith.constant 0 : i32
      %dma_wait3A_377 = tpu.memref_slice %arg7[%add3A_224, %dma_wait3A_376] : memref<32x128xi32, #tpu.memory_space<vmem>> -> memref<1x128xi32, #tpu.memory_space<vmem>>
      %dma_wait3A_378 = tpu.memref_squeeze %dma_wait3A_377 : memref<1x128xi32, #tpu.memory_space<vmem>> -> memref<128xi32, #tpu.memory_space<vmem>>
      %dma_wait3A_379 = arith.constant 0 : i32
      %dma_wait3A_380 = tpu.memref_slice %arg6[%add3A_220, %dma_wait3A_379] : memref<32x128xi32, #tpu.memory_space<vmem>> -> memref<1x128xi32, #tpu.memory_space<vmem>>
      %dma_wait3A_381 = tpu.memref_squeeze %dma_wait3A_380 : memref<1x128xi32, #tpu.memory_space<vmem>> -> memref<128xi32, #tpu.memory_space<vmem>>
      %dma_wait3A_382 = arith.constant 0 : i32
      %dma_wait3A_383 = tpu.memref_slice %arg3[%dma_wait3A_382] : memref<16908288xi32, #tpu.memory_space<hbm>> -> memref<16908288xi32, #tpu.memory_space<hbm>>
      tpu.wait_indirect_dma semaphore(%arg10 : memref<!tpu.dma_semaphore, #tpu.memory_space<semaphore_mem>>) src(%dma_wait3A_383 : memref<16908288xi32, #tpu.memory_space<hbm>>) dst(%dma_wait3A_378 : memref<128xi32, #tpu.memory_space<vmem>>)
      %dma_wait3A_384 = arith.constant 0 : i32
      %dma_wait3A_385 = tpu.memref_slice %arg7[%add3A_240, %dma_wait3A_384] : memref<32x128xi32, #tpu.memory_space<vmem>> -> memref<1x128xi32, #tpu.memory_space<vmem>>
      %dma_wait3A_386 = tpu.memref_squeeze %dma_wait3A_385 : memref<1x128xi32, #tpu.memory_space<vmem>> -> memref<128xi32, #tpu.memory_space<vmem>>
      %dma_wait3A_387 = arith.constant 0 : i32
      %dma_wait3A_388 = tpu.memref_slice %arg6[%add3A_236, %dma_wait3A_387] : memref<32x128xi32, #tpu.memory_space<vmem>> -> memref<1x128xi32, #tpu.memory_space<vmem>>
      %dma_wait3A_389 = tpu.memref_squeeze %dma_wait3A_388 : memref<1x128xi32, #tpu.memory_space<vmem>> -> memref<128xi32, #tpu.memory_space<vmem>>
      %dma_wait3A_390 = arith.constant 0 : i32
      %dma_wait3A_391 = tpu.memref_slice %arg3[%dma_wait3A_390] : memref<16908288xi32, #tpu.memory_space<hbm>> -> memref<16908288xi32, #tpu.memory_space<hbm>>
      tpu.wait_indirect_dma semaphore(%arg10 : memref<!tpu.dma_semaphore, #tpu.memory_space<semaphore_mem>>) src(%dma_wait3A_391 : memref<16908288xi32, #tpu.memory_space<hbm>>) dst(%dma_wait3A_386 : memref<128xi32, #tpu.memory_space<vmem>>)
      %dma_wait3A_392 = arith.constant 0 : i32
      %dma_wait3A_393 = tpu.memref_slice %arg7[%add3A_256, %dma_wait3A_392] : memref<32x128xi32, #tpu.memory_space<vmem>> -> memref<1x128xi32, #tpu.memory_space<vmem>>
      %dma_wait3A_394 = tpu.memref_squeeze %dma_wait3A_393 : memref<1x128xi32, #tpu.memory_space<vmem>> -> memref<128xi32, #tpu.memory_space<vmem>>
      %dma_wait3A_395 = arith.constant 0 : i32
      %dma_wait3A_396 = tpu.memref_slice %arg6[%add3A_252, %dma_wait3A_395] : memref<32x128xi32, #tpu.memory_space<vmem>> -> memref<1x128xi32, #tpu.memory_space<vmem>>
      %dma_wait3A_397 = tpu.memref_squeeze %dma_wait3A_396 : memref<1x128xi32, #tpu.memory_space<vmem>> -> memref<128xi32, #tpu.memory_space<vmem>>
      %dma_wait3A_398 = arith.constant 0 : i32
      %dma_wait3A_399 = tpu.memref_slice %arg3[%dma_wait3A_398] : memref<16908288xi32, #tpu.memory_space<hbm>> -> memref<16908288xi32, #tpu.memory_space<hbm>>
      tpu.wait_indirect_dma semaphore(%arg10 : memref<!tpu.dma_semaphore, #tpu.memory_space<semaphore_mem>>) src(%dma_wait3A_399 : memref<16908288xi32, #tpu.memory_space<hbm>>) dst(%dma_wait3A_394 : memref<128xi32, #tpu.memory_space<vmem>>)
      %dma_wait3A_400 = arith.constant 0 : i32
      %dma_wait3A_401 = tpu.memref_slice %arg7[%add3A_272, %dma_wait3A_400] : memref<32x128xi32, #tpu.memory_space<vmem>> -> memref<1x128xi32, #tpu.memory_space<vmem>>
      %dma_wait3A_402 = tpu.memref_squeeze %dma_wait3A_401 : memref<1x128xi32, #tpu.memory_space<vmem>> -> memref<128xi32, #tpu.memory_space<vmem>>
      %dma_wait3A_403 = arith.constant 0 : i32
      %dma_wait3A_404 = tpu.memref_slice %arg6[%add3A_268, %dma_wait3A_403] : memref<32x128xi32, #tpu.memory_space<vmem>> -> memref<1x128xi32, #tpu.memory_space<vmem>>
      %dma_wait3A_405 = tpu.memref_squeeze %dma_wait3A_404 : memref<1x128xi32, #tpu.memory_space<vmem>> -> memref<128xi32, #tpu.memory_space<vmem>>
      %dma_wait3A_406 = arith.constant 0 : i32
      %dma_wait3A_407 = tpu.memref_slice %arg3[%dma_wait3A_406] : memref<16908288xi32, #tpu.memory_space<hbm>> -> memref<16908288xi32, #tpu.memory_space<hbm>>
      tpu.wait_indirect_dma semaphore(%arg10 : memref<!tpu.dma_semaphore, #tpu.memory_space<semaphore_mem>>) src(%dma_wait3A_407 : memref<16908288xi32, #tpu.memory_space<hbm>>) dst(%dma_wait3A_402 : memref<128xi32, #tpu.memory_space<vmem>>)
    }
    %scan3A_8 = arith.constant 2 : i32
    %mul3A_9 = arith.constant 32 : i32
    %mul3A_10 = arith.muli %add3A, %mul3A_9 : i32
    "tpu.region"() ({
      %run_scoped3A = tpu.sem_alloc : memref<!tpu.dma_semaphore, #tpu.memory_space<semaphore_mem>>
      %dma_start3A = arith.constant 0 : i32
      %dma_start3A_21 = tpu.memref_slice %arg4[%mul3A_10, %dma_start3A] : memref<1024x128xi32, #tpu.memory_space<hbm>> -> memref<32x128xi32, #tpu.memory_space<hbm>>
      %dma_start3A_22 = arith.constant 0 : i32
      %dma_start3A_23 = tpu.memref_slice %arg4[%mul3A_10, %dma_start3A_22] : memref<1024x128xi32, #tpu.memory_space<hbm>> -> memref<32x128xi32, #tpu.memory_space<hbm>>
      tpu.enqueue_dma source(%arg7 : memref<32x128xi32, #tpu.memory_space<vmem>>) target(%dma_start3A_23 : memref<32x128xi32, #tpu.memory_space<hbm>>) target_semaphore(%run_scoped3A : memref<!tpu.dma_semaphore, #tpu.memory_space<semaphore_mem>>)
      %dma_wait3A = arith.constant 0 : i32
      %dma_wait3A_24 = tpu.memref_slice %arg4[%mul3A_10, %dma_wait3A] : memref<1024x128xi32, #tpu.memory_space<hbm>> -> memref<32x128xi32, #tpu.memory_space<hbm>>
      %dma_wait3A_25 = arith.constant 0 : i32
      %dma_wait3A_26 = tpu.memref_slice %arg4[%mul3A_10, %dma_wait3A_25] : memref<1024x128xi32, #tpu.memory_space<hbm>> -> memref<32x128xi32, #tpu.memory_space<hbm>>
      tpu.wait_dma2 semaphore(%run_scoped3A : memref<!tpu.dma_semaphore, #tpu.memory_space<semaphore_mem>>) src(%arg7 : memref<32x128xi32, #tpu.memory_space<vmem>>) dst(%dma_wait3A_26 : memref<32x128xi32, #tpu.memory_space<hbm>>)
      tpu.yield
    }) : () -> ()
    %scan3A_11 = arith.constant 0 : i32
    %scan3A_12 = arith.constant 256 : i32
    %scan3A_13 = arith.addi %scan3A_11, %scan3A_12 : i32
    %scan3A_14 = arith.constant 1 : i32
    scf.for %scan3A_21 = %scan3A_11 to %scan3A_13 step %scan3A_14  : i32 {
      %mul3A_22 = arith.constant 1 : i32
      %mul3A_23 = arith.muli %scan3A_21, %mul3A_22 : i32
      %add3A_24 = arith.constant 0 : i32
      %add3A_25 = arith.addi %add3A_24, %mul3A_23 : i32
      %jit3A = arith.constant 8 : i32
      %div3A = arith.divsi %add3A_25, %jit3A : i32
      %sign3A = arith.constant 0 : i32
      %sign3A_26 = arith.cmpi sgt, %add3A_25, %sign3A : i32
      %sign3A_27 = arith.extui %sign3A_26 : i1 to i32
      %sign3A_28 = arith.constant 0 : i32
      %sign3A_29 = arith.cmpi slt, %add3A_25, %sign3A_28 : i32
      %sign3A_30 = arith.extui %sign3A_29 : i1 to i32
      %sign3A_31 = arith.subi %sign3A_27, %sign3A_30 : i32
      %sign3A_32 = arith.constant 0 : i32
      %sign3A_33 = arith.cmpi sgt, %jit3A, %sign3A_32 : i32
      %sign3A_34 = arith.extui %sign3A_33 : i1 to i32
      %sign3A_35 = arith.constant 0 : i32
      %sign3A_36 = arith.cmpi slt, %jit3A, %sign3A_35 : i32
      %sign3A_37 = arith.extui %sign3A_36 : i1 to i32
      %sign3A_38 = arith.subi %sign3A_34, %sign3A_37 : i32
      %ne3A = arith.cmpi ne, %sign3A_31, %sign3A_38 : i32
      %rem3A = arith.remsi %add3A_25, %jit3A : i32
      %ne3A_39 = arith.constant 0 : i32
      %ne3A_40 = arith.cmpi ne, %rem3A, %ne3A_39 : i32
      %and3A = arith.andi %ne3A, %ne3A_40 : i1
      %sub3A = arith.constant 1 : i32
      %sub3A_41 = arith.subi %div3A, %sub3A : i32
      %select_n3A = arith.select %and3A, %sub3A_41, %div3A : i32
      %jit3A_42 = arith.constant 8 : i32
      %eq3A = arith.constant 0 : i32
      %eq3A_43 = arith.cmpi eq, %jit3A_42, %eq3A : i32
      %jit3A_44 = arith.constant 1 : i32
      %select_n3A_45 = arith.select %eq3A_43, %jit3A_44, %jit3A_42 : i32
      %rem3A_46 = arith.remsi %add3A_25, %select_n3A_45 : i32
      %ne3A_47 = arith.constant 0 : i32
      %ne3A_48 = arith.cmpi ne, %rem3A_46, %ne3A_47 : i32
      %lt3A = arith.constant 0 : i32
      %lt3A_49 = arith.cmpi slt, %rem3A_46, %lt3A : i32
      %lt3A_50 = arith.constant 0 : i32
      %lt3A_51 = arith.cmpi slt, %select_n3A_45, %lt3A_50 : i32
      %ne3A_52 = arith.xori %lt3A_49, %lt3A_51 : i1
      %and3A_53 = arith.andi %ne3A_52, %ne3A_48 : i1
      %add3A_54 = arith.addi %rem3A_46, %select_n3A_45 : i32
      %select_n3A_55 = arith.select %and3A_53, %add3A_54, %rem3A_46 : i32
      %mul3A_56 = arith.constant 16 : i32
      %mul3A_57 = arith.muli %select_n3A_55, %mul3A_56 : i32
      %get3A = arith.index_cast %select_n3A : i32 to index
      %get3A_58 = arith.index_cast %mul3A_57 : i32 to index
      %get3A_59 = tpu.vector_load %arg7[%get3A, %get3A_58] {strides = array<i32>} : memref<32x128xi32, #tpu.memory_space<vmem>>, vector<1x16xi32>,
      %get3A_60 = vector.shape_cast %get3A_59 : vector<1x16xi32> to vector<16xi32>
      %mul3A_61 = arith.constant 16 : i32
      %mul3A_62 = arith.muli %add3A_25, %mul3A_61 : i32
      %add3A_63 = arith.addi %mul3A_2, %mul3A_62 : i32
      %add3A_64 = vector.broadcast %add3A_63 : i32 to vector<16xi32>
      %add3A_65 = arith.addi %add3A_64, %iota3A : vector<16xi32>
      %mul3A_66 = arith.constant 16 : i32
      %mul3A_67 = arith.muli %select_n3A_55, %mul3A_66 : i32
      %swap3A = arith.index_cast %select_n3A : i32 to index
      %swap3A_68 = arith.index_cast %mul3A_67 : i32 to index
      %swap3A_69 = tpu.vector_load %arg8[%swap3A, %swap3A_68] {strides = array<i32>} : memref<32x128xi32, #tpu.memory_space<vmem>>, vector<1x16xi32>,
      %swap3A_70 = vector.shape_cast %swap3A_69 : vector<1x16xi32> to vector<16xi32>
      %swap3A_71 = vector.shape_cast %add3A_65 : vector<16xi32> to vector<1x16xi32>
      tpu.vector_store %arg8[%swap3A, %swap3A_68], %swap3A_71 {strides = array<i32>} : memref<32x128xi32, #tpu.memory_space<vmem>>, vector<1x16xi32>,
      %mul3A_72 = arith.constant 16 : i32
      %mul3A_73 = arith.muli %select_n3A_55, %mul3A_72 : i32
      %get3A_74 = arith.index_cast %select_n3A : i32 to index
      %get3A_75 = arith.index_cast %mul3A_73 : i32 to index
      %get3A_76 = tpu.vector_load %arg6[%get3A_74, %get3A_75] {strides = array<i32>} : memref<32x128xi32, #tpu.memory_space<vmem>>, vector<1x16xi32>,
      %get3A_77 = vector.shape_cast %get3A_76 : vector<1x16xi32> to vector<16xi32>
      %gt3A = arith.cmpi sgt, %add3A_65, %get3A_60 : vector<16xi32>
      %add3A_78 = arith.constant 16777216 : i32
      %add3A_79 = vector.broadcast %add3A_78 : i32 to vector<16xi32>
      %add3A_80 = arith.addi %add3A_79, %add3A_65 : vector<16xi32>
      %select_n3A_81 = arith.select %gt3A, %get3A_77, %add3A_80 : vector<16xi1>, vector<16xi32>
      %mul3A_82 = arith.constant 16 : i32
      %mul3A_83 = arith.muli %select_n3A_55, %mul3A_82 : i32
      %swap3A_84 = arith.index_cast %select_n3A : i32 to index
      %swap3A_85 = arith.index_cast %mul3A_83 : i32 to index
      %swap3A_86 = tpu.vector_load %arg9[%swap3A_84, %swap3A_85] {strides = array<i32>} : memref<32x128xi32, #tpu.memory_space<vmem>>, vector<1x16xi32>,
      %swap3A_87 = vector.shape_cast %swap3A_86 : vector<1x16xi32> to vector<16xi32>
      %swap3A_88 = vector.shape_cast %select_n3A_81 : vector<16xi32> to vector<1x16xi32>
      tpu.vector_store %arg9[%swap3A_84, %swap3A_85], %swap3A_88 {strides = array<i32>} : memref<32x128xi32, #tpu.memory_space<vmem>>, vector<1x16xi32>,
    }
    %scan3A_15 = arith.constant 256 : i32
    %scan3A_16 = arith.constant 0 : i32
    %scan3A_17 = arith.constant 2 : i32
    %scan3A_18 = arith.addi %scan3A_16, %scan3A_17 : i32
    %scan3A_19 = arith.constant 1 : i32
    scf.for %scan3A_21 = %scan3A_16 to %scan3A_18 step %scan3A_19  : i32 {
      %mul3A_22 = arith.constant 1 : i32
      %mul3A_23 = arith.muli %scan3A_21, %mul3A_22 : i32
      %add3A_24 = arith.constant 0 : i32
      %add3A_25 = arith.addi %add3A_24, %mul3A_23 : i32
      %mul3A_26 = arith.constant 16 : i32
      %mul3A_27 = arith.muli %add3A_25, %mul3A_26 : i32
      %add3A_28 = arith.constant 0 : i32
      %add3A_29 = arith.addi %mul3A_27, %add3A_28 : i32
      %mul3A_30 = arith.constant 16 : i32
      %mul3A_31 = arith.muli %add3A_25, %mul3A_30 : i32
      %add3A_32 = arith.constant 0 : i32
      %add3A_33 = arith.addi %mul3A_31, %add3A_32 : i32
      %dma_start3A = arith.constant 0 : i32
      %dma_start3A_34 = tpu.memref_slice %arg8[%add3A_29, %dma_start3A] : memref<32x128xi32, #tpu.memory_space<vmem>> -> memref<1x128xi32, #tpu.memory_space<vmem>>
      %dma_start3A_35 = tpu.memref_squeeze %dma_start3A_34 : memref<1x128xi32, #tpu.memory_space<vmem>> -> memref<128xi32, #tpu.memory_space<vmem>>
      %dma_start3A_36 = arith.constant 0 : i32
      %dma_start3A_37 = tpu.memref_slice %arg9[%add3A_33, %dma_start3A_36] : memref<32x128xi32, #tpu.memory_space<vmem>> -> memref<1x128xi32, #tpu.memory_space<vmem>>
      %dma_start3A_38 = tpu.memref_squeeze %dma_start3A_37 : memref<1x128xi32, #tpu.memory_space<vmem>> -> memref<128xi32, #tpu.memory_space<vmem>>
      %dma_start3A_39 = arith.constant 0 : i32
      %dma_start3A_40 = tpu.memref_slice %arg5[%dma_start3A_39] : memref<16908288xi32, #tpu.memory_space<hbm>> -> memref<16908288xi32, #tpu.memory_space<hbm>>
      tpu.enqueue_indirect_dma source(%dma_start3A_35 : memref<128xi32, #tpu.memory_space<vmem>>) target(%dma_start3A_40 : memref<16908288xi32, #tpu.memory_space<hbm>>) offsets(%dma_start3A_38 : memref<128xi32, #tpu.memory_space<vmem>>) semaphore(%arg10 : memref<!tpu.dma_semaphore, #tpu.memory_space<semaphore_mem>>)
      %mul3A_41 = arith.constant 16 : i32
      %mul3A_42 = arith.muli %add3A_25, %mul3A_41 : i32
      %add3A_43 = arith.constant 1 : i32
      %add3A_44 = arith.addi %mul3A_42, %add3A_43 : i32
      %mul3A_45 = arith.constant 16 : i32
      %mul3A_46 = arith.muli %add3A_25, %mul3A_45 : i32
      %add3A_47 = arith.constant 1 : i32
      %add3A_48 = arith.addi %mul3A_46, %add3A_47 : i32
      %dma_start3A_49 = arith.constant 0 : i32
      %dma_start3A_50 = tpu.memref_slice %arg8[%add3A_44, %dma_start3A_49] : memref<32x128xi32, #tpu.memory_space<vmem>> -> memref<1x128xi32, #tpu.memory_space<vmem>>
      %dma_start3A_51 = tpu.memref_squeeze %dma_start3A_50 : memref<1x128xi32, #tpu.memory_space<vmem>> -> memref<128xi32, #tpu.memory_space<vmem>>
      %dma_start3A_52 = arith.constant 0 : i32
      %dma_start3A_53 = tpu.memref_slice %arg9[%add3A_48, %dma_start3A_52] : memref<32x128xi32, #tpu.memory_space<vmem>> -> memref<1x128xi32, #tpu.memory_space<vmem>>
      %dma_start3A_54 = tpu.memref_squeeze %dma_start3A_53 : memref<1x128xi32, #tpu.memory_space<vmem>> -> memref<128xi32, #tpu.memory_space<vmem>>
      %dma_start3A_55 = arith.constant 0 : i32
      %dma_start3A_56 = tpu.memref_slice %arg5[%dma_start3A_55] : memref<16908288xi32, #tpu.memory_space<hbm>> -> memref<16908288xi32, #tpu.memory_space<hbm>>
      tpu.enqueue_indirect_dma source(%dma_start3A_51 : memref<128xi32, #tpu.memory_space<vmem>>) target(%dma_start3A_56 : memref<16908288xi32, #tpu.memory_space<hbm>>) offsets(%dma_start3A_54 : memref<128xi32, #tpu.memory_space<vmem>>) semaphore(%arg10 : memref<!tpu.dma_semaphore, #tpu.memory_space<semaphore_mem>>)
      %mul3A_57 = arith.constant 16 : i32
      %mul3A_58 = arith.muli %add3A_25, %mul3A_57 : i32
      %add3A_59 = arith.constant 2 : i32
      %add3A_60 = arith.addi %mul3A_58, %add3A_59 : i32
      %mul3A_61 = arith.constant 16 : i32
      %mul3A_62 = arith.muli %add3A_25, %mul3A_61 : i32
      %add3A_63 = arith.constant 2 : i32
      %add3A_64 = arith.addi %mul3A_62, %add3A_63 : i32
      %dma_start3A_65 = arith.constant 0 : i32
      %dma_start3A_66 = tpu.memref_slice %arg8[%add3A_60, %dma_start3A_65] : memref<32x128xi32, #tpu.memory_space<vmem>> -> memref<1x128xi32, #tpu.memory_space<vmem>>
      %dma_start3A_67 = tpu.memref_squeeze %dma_start3A_66 : memref<1x128xi32, #tpu.memory_space<vmem>> -> memref<128xi32, #tpu.memory_space<vmem>>
      %dma_start3A_68 = arith.constant 0 : i32
      %dma_start3A_69 = tpu.memref_slice %arg9[%add3A_64, %dma_start3A_68] : memref<32x128xi32, #tpu.memory_space<vmem>> -> memref<1x128xi32, #tpu.memory_space<vmem>>
      %dma_start3A_70 = tpu.memref_squeeze %dma_start3A_69 : memref<1x128xi32, #tpu.memory_space<vmem>> -> memref<128xi32, #tpu.memory_space<vmem>>
      %dma_start3A_71 = arith.constant 0 : i32
      %dma_start3A_72 = tpu.memref_slice %arg5[%dma_start3A_71] : memref<16908288xi32, #tpu.memory_space<hbm>> -> memref<16908288xi32, #tpu.memory_space<hbm>>
      tpu.enqueue_indirect_dma source(%dma_start3A_67 : memref<128xi32, #tpu.memory_space<vmem>>) target(%dma_start3A_72 : memref<16908288xi32, #tpu.memory_space<hbm>>) offsets(%dma_start3A_70 : memref<128xi32, #tpu.memory_space<vmem>>) semaphore(%arg10 : memref<!tpu.dma_semaphore, #tpu.memory_space<semaphore_mem>>)
      %mul3A_73 = arith.constant 16 : i32
      %mul3A_74 = arith.muli %add3A_25, %mul3A_73 : i32
      %add3A_75 = arith.constant 3 : i32
      %add3A_76 = arith.addi %mul3A_74, %add3A_75 : i32
      %mul3A_77 = arith.constant 16 : i32
      %mul3A_78 = arith.muli %add3A_25, %mul3A_77 : i32
      %add3A_79 = arith.constant 3 : i32
      %add3A_80 = arith.addi %mul3A_78, %add3A_79 : i32
      %dma_start3A_81 = arith.constant 0 : i32
      %dma_start3A_82 = tpu.memref_slice %arg8[%add3A_76, %dma_start3A_81] : memref<32x128xi32, #tpu.memory_space<vmem>> -> memref<1x128xi32, #tpu.memory_space<vmem>>
      %dma_start3A_83 = tpu.memref_squeeze %dma_start3A_82 : memref<1x128xi32, #tpu.memory_space<vmem>> -> memref<128xi32, #tpu.memory_space<vmem>>
      %dma_start3A_84 = arith.constant 0 : i32
      %dma_start3A_85 = tpu.memref_slice %arg9[%add3A_80, %dma_start3A_84] : memref<32x128xi32, #tpu.memory_space<vmem>> -> memref<1x128xi32, #tpu.memory_space<vmem>>
      %dma_start3A_86 = tpu.memref_squeeze %dma_start3A_85 : memref<1x128xi32, #tpu.memory_space<vmem>> -> memref<128xi32, #tpu.memory_space<vmem>>
      %dma_start3A_87 = arith.constant 0 : i32
      %dma_start3A_88 = tpu.memref_slice %arg5[%dma_start3A_87] : memref<16908288xi32, #tpu.memory_space<hbm>> -> memref<16908288xi32, #tpu.memory_space<hbm>>
      tpu.enqueue_indirect_dma source(%dma_start3A_83 : memref<128xi32, #tpu.memory_space<vmem>>) target(%dma_start3A_88 : memref<16908288xi32, #tpu.memory_space<hbm>>) offsets(%dma_start3A_86 : memref<128xi32, #tpu.memory_space<vmem>>) semaphore(%arg10 : memref<!tpu.dma_semaphore, #tpu.memory_space<semaphore_mem>>)
      %mul3A_89 = arith.constant 16 : i32
      %mul3A_90 = arith.muli %add3A_25, %mul3A_89 : i32
      %add3A_91 = arith.constant 4 : i32
      %add3A_92 = arith.addi %mul3A_90, %add3A_91 : i32
      %mul3A_93 = arith.constant 16 : i32
      %mul3A_94 = arith.muli %add3A_25, %mul3A_93 : i32
      %add3A_95 = arith.constant 4 : i32
      %add3A_96 = arith.addi %mul3A_94, %add3A_95 : i32
      %dma_start3A_97 = arith.constant 0 : i32
      %dma_start3A_98 = tpu.memref_slice %arg8[%add3A_92, %dma_start3A_97] : memref<32x128xi32, #tpu.memory_space<vmem>> -> memref<1x128xi32, #tpu.memory_space<vmem>>
      %dma_start3A_99 = tpu.memref_squeeze %dma_start3A_98 : memref<1x128xi32, #tpu.memory_space<vmem>> -> memref<128xi32, #tpu.memory_space<vmem>>
      %dma_start3A_100 = arith.constant 0 : i32
      %dma_start3A_101 = tpu.memref_slice %arg9[%add3A_96, %dma_start3A_100] : memref<32x128xi32, #tpu.memory_space<vmem>> -> memref<1x128xi32, #tpu.memory_space<vmem>>
      %dma_start3A_102 = tpu.memref_squeeze %dma_start3A_101 : memref<1x128xi32, #tpu.memory_space<vmem>> -> memref<128xi32, #tpu.memory_space<vmem>>
      %dma_start3A_103 = arith.constant 0 : i32
      %dma_start3A_104 = tpu.memref_slice %arg5[%dma_start3A_103] : memref<16908288xi32, #tpu.memory_space<hbm>> -> memref<16908288xi32, #tpu.memory_space<hbm>>
      tpu.enqueue_indirect_dma source(%dma_start3A_99 : memref<128xi32, #tpu.memory_space<vmem>>) target(%dma_start3A_104 : memref<16908288xi32, #tpu.memory_space<hbm>>) offsets(%dma_start3A_102 : memref<128xi32, #tpu.memory_space<vmem>>) semaphore(%arg10 : memref<!tpu.dma_semaphore, #tpu.memory_space<semaphore_mem>>)
      %mul3A_105 = arith.constant 16 : i32
      %mul3A_106 = arith.muli %add3A_25, %mul3A_105 : i32
      %add3A_107 = arith.constant 5 : i32
      %add3A_108 = arith.addi %mul3A_106, %add3A_107 : i32
      %mul3A_109 = arith.constant 16 : i32
      %mul3A_110 = arith.muli %add3A_25, %mul3A_109 : i32
      %add3A_111 = arith.constant 5 : i32
      %add3A_112 = arith.addi %mul3A_110, %add3A_111 : i32
      %dma_start3A_113 = arith.constant 0 : i32
      %dma_start3A_114 = tpu.memref_slice %arg8[%add3A_108, %dma_start3A_113] : memref<32x128xi32, #tpu.memory_space<vmem>> -> memref<1x128xi32, #tpu.memory_space<vmem>>
      %dma_start3A_115 = tpu.memref_squeeze %dma_start3A_114 : memref<1x128xi32, #tpu.memory_space<vmem>> -> memref<128xi32, #tpu.memory_space<vmem>>
      %dma_start3A_116 = arith.constant 0 : i32
      %dma_start3A_117 = tpu.memref_slice %arg9[%add3A_112, %dma_start3A_116] : memref<32x128xi32, #tpu.memory_space<vmem>> -> memref<1x128xi32, #tpu.memory_space<vmem>>
      %dma_start3A_118 = tpu.memref_squeeze %dma_start3A_117 : memref<1x128xi32, #tpu.memory_space<vmem>> -> memref<128xi32, #tpu.memory_space<vmem>>
      %dma_start3A_119 = arith.constant 0 : i32
      %dma_start3A_120 = tpu.memref_slice %arg5[%dma_start3A_119] : memref<16908288xi32, #tpu.memory_space<hbm>> -> memref<16908288xi32, #tpu.memory_space<hbm>>
      tpu.enqueue_indirect_dma source(%dma_start3A_115 : memref<128xi32, #tpu.memory_space<vmem>>) target(%dma_start3A_120 : memref<16908288xi32, #tpu.memory_space<hbm>>) offsets(%dma_start3A_118 : memref<128xi32, #tpu.memory_space<vmem>>) semaphore(%arg10 : memref<!tpu.dma_semaphore, #tpu.memory_space<semaphore_mem>>)
      %mul3A_121 = arith.constant 16 : i32
      %mul3A_122 = arith.muli %add3A_25, %mul3A_121 : i32
      %add3A_123 = arith.constant 6 : i32
      %add3A_124 = arith.addi %mul3A_122, %add3A_123 : i32
      %mul3A_125 = arith.constant 16 : i32
      %mul3A_126 = arith.muli %add3A_25, %mul3A_125 : i32
      %add3A_127 = arith.constant 6 : i32
      %add3A_128 = arith.addi %mul3A_126, %add3A_127 : i32
      %dma_start3A_129 = arith.constant 0 : i32
      %dma_start3A_130 = tpu.memref_slice %arg8[%add3A_124, %dma_start3A_129] : memref<32x128xi32, #tpu.memory_space<vmem>> -> memref<1x128xi32, #tpu.memory_space<vmem>>
      %dma_start3A_131 = tpu.memref_squeeze %dma_start3A_130 : memref<1x128xi32, #tpu.memory_space<vmem>> -> memref<128xi32, #tpu.memory_space<vmem>>
      %dma_start3A_132 = arith.constant 0 : i32
      %dma_start3A_133 = tpu.memref_slice %arg9[%add3A_128, %dma_start3A_132] : memref<32x128xi32, #tpu.memory_space<vmem>> -> memref<1x128xi32, #tpu.memory_space<vmem>>
      %dma_start3A_134 = tpu.memref_squeeze %dma_start3A_133 : memref<1x128xi32, #tpu.memory_space<vmem>> -> memref<128xi32, #tpu.memory_space<vmem>>
      %dma_start3A_135 = arith.constant 0 : i32
      %dma_start3A_136 = tpu.memref_slice %arg5[%dma_start3A_135] : memref<16908288xi32, #tpu.memory_space<hbm>> -> memref<16908288xi32, #tpu.memory_space<hbm>>
      tpu.enqueue_indirect_dma source(%dma_start3A_131 : memref<128xi32, #tpu.memory_space<vmem>>) target(%dma_start3A_136 : memref<16908288xi32, #tpu.memory_space<hbm>>) offsets(%dma_start3A_134 : memref<128xi32, #tpu.memory_space<vmem>>) semaphore(%arg10 : memref<!tpu.dma_semaphore, #tpu.memory_space<semaphore_mem>>)
      %mul3A_137 = arith.constant 16 : i32
      %mul3A_138 = arith.muli %add3A_25, %mul3A_137 : i32
      %add3A_139 = arith.constant 7 : i32
      %add3A_140 = arith.addi %mul3A_138, %add3A_139 : i32
      %mul3A_141 = arith.constant 16 : i32
      %mul3A_142 = arith.muli %add3A_25, %mul3A_141 : i32
      %add3A_143 = arith.constant 7 : i32
      %add3A_144 = arith.addi %mul3A_142, %add3A_143 : i32
      %dma_start3A_145 = arith.constant 0 : i32
      %dma_start3A_146 = tpu.memref_slice %arg8[%add3A_140, %dma_start3A_145] : memref<32x128xi32, #tpu.memory_space<vmem>> -> memref<1x128xi32, #tpu.memory_space<vmem>>
      %dma_start3A_147 = tpu.memref_squeeze %dma_start3A_146 : memref<1x128xi32, #tpu.memory_space<vmem>> -> memref<128xi32, #tpu.memory_space<vmem>>
      %dma_start3A_148 = arith.constant 0 : i32
      %dma_start3A_149 = tpu.memref_slice %arg9[%add3A_144, %dma_start3A_148] : memref<32x128xi32, #tpu.memory_space<vmem>> -> memref<1x128xi32, #tpu.memory_space<vmem>>
      %dma_start3A_150 = tpu.memref_squeeze %dma_start3A_149 : memref<1x128xi32, #tpu.memory_space<vmem>> -> memref<128xi32, #tpu.memory_space<vmem>>
      %dma_start3A_151 = arith.constant 0 : i32
      %dma_start3A_152 = tpu.memref_slice %arg5[%dma_start3A_151] : memref<16908288xi32, #tpu.memory_space<hbm>> -> memref<16908288xi32, #tpu.memory_space<hbm>>
      tpu.enqueue_indirect_dma source(%dma_start3A_147 : memref<128xi32, #tpu.memory_space<vmem>>) target(%dma_start3A_152 : memref<16908288xi32, #tpu.memory_space<hbm>>) offsets(%dma_start3A_150 : memref<128xi32, #tpu.memory_space<vmem>>) semaphore(%arg10 : memref<!tpu.dma_semaphore, #tpu.memory_space<semaphore_mem>>)
      %mul3A_153 = arith.constant 16 : i32
      %mul3A_154 = arith.muli %add3A_25, %mul3A_153 : i32
      %add3A_155 = arith.constant 8 : i32
      %add3A_156 = arith.addi %mul3A_154, %add3A_155 : i32
      %mul3A_157 = arith.constant 16 : i32
      %mul3A_158 = arith.muli %add3A_25, %mul3A_157 : i32
      %add3A_159 = arith.constant 8 : i32
      %add3A_160 = arith.addi %mul3A_158, %add3A_159 : i32
      %dma_start3A_161 = arith.constant 0 : i32
      %dma_start3A_162 = tpu.memref_slice %arg8[%add3A_156, %dma_start3A_161] : memref<32x128xi32, #tpu.memory_space<vmem>> -> memref<1x128xi32, #tpu.memory_space<vmem>>
      %dma_start3A_163 = tpu.memref_squeeze %dma_start3A_162 : memref<1x128xi32, #tpu.memory_space<vmem>> -> memref<128xi32, #tpu.memory_space<vmem>>
      %dma_start3A_164 = arith.constant 0 : i32
      %dma_start3A_165 = tpu.memref_slice %arg9[%add3A_160, %dma_start3A_164] : memref<32x128xi32, #tpu.memory_space<vmem>> -> memref<1x128xi32, #tpu.memory_space<vmem>>
      %dma_start3A_166 = tpu.memref_squeeze %dma_start3A_165 : memref<1x128xi32, #tpu.memory_space<vmem>> -> memref<128xi32, #tpu.memory_space<vmem>>
      %dma_start3A_167 = arith.constant 0 : i32
      %dma_start3A_168 = tpu.memref_slice %arg5[%dma_start3A_167] : memref<16908288xi32, #tpu.memory_space<hbm>> -> memref<16908288xi32, #tpu.memory_space<hbm>>
      tpu.enqueue_indirect_dma source(%dma_start3A_163 : memref<128xi32, #tpu.memory_space<vmem>>) target(%dma_start3A_168 : memref<16908288xi32, #tpu.memory_space<hbm>>) offsets(%dma_start3A_166 : memref<128xi32, #tpu.memory_space<vmem>>) semaphore(%arg10 : memref<!tpu.dma_semaphore, #tpu.memory_space<semaphore_mem>>)
      %mul3A_169 = arith.constant 16 : i32
      %mul3A_170 = arith.muli %add3A_25, %mul3A_169 : i32
      %add3A_171 = arith.constant 9 : i32
      %add3A_172 = arith.addi %mul3A_170, %add3A_171 : i32
      %mul3A_173 = arith.constant 16 : i32
      %mul3A_174 = arith.muli %add3A_25, %mul3A_173 : i32
      %add3A_175 = arith.constant 9 : i32
      %add3A_176 = arith.addi %mul3A_174, %add3A_175 : i32
      %dma_start3A_177 = arith.constant 0 : i32
      %dma_start3A_178 = tpu.memref_slice %arg8[%add3A_172, %dma_start3A_177] : memref<32x128xi32, #tpu.memory_space<vmem>> -> memref<1x128xi32, #tpu.memory_space<vmem>>
      %dma_start3A_179 = tpu.memref_squeeze %dma_start3A_178 : memref<1x128xi32, #tpu.memory_space<vmem>> -> memref<128xi32, #tpu.memory_space<vmem>>
      %dma_start3A_180 = arith.constant 0 : i32
      %dma_start3A_181 = tpu.memref_slice %arg9[%add3A_176, %dma_start3A_180] : memref<32x128xi32, #tpu.memory_space<vmem>> -> memref<1x128xi32, #tpu.memory_space<vmem>>
      %dma_start3A_182 = tpu.memref_squeeze %dma_start3A_181 : memref<1x128xi32, #tpu.memory_space<vmem>> -> memref<128xi32, #tpu.memory_space<vmem>>
      %dma_start3A_183 = arith.constant 0 : i32
      %dma_start3A_184 = tpu.memref_slice %arg5[%dma_start3A_183] : memref<16908288xi32, #tpu.memory_space<hbm>> -> memref<16908288xi32, #tpu.memory_space<hbm>>
      tpu.enqueue_indirect_dma source(%dma_start3A_179 : memref<128xi32, #tpu.memory_space<vmem>>) target(%dma_start3A_184 : memref<16908288xi32, #tpu.memory_space<hbm>>) offsets(%dma_start3A_182 : memref<128xi32, #tpu.memory_space<vmem>>) semaphore(%arg10 : memref<!tpu.dma_semaphore, #tpu.memory_space<semaphore_mem>>)
      %mul3A_185 = arith.constant 16 : i32
      %mul3A_186 = arith.muli %add3A_25, %mul3A_185 : i32
      %add3A_187 = arith.constant 10 : i32
      %add3A_188 = arith.addi %mul3A_186, %add3A_187 : i32
      %mul3A_189 = arith.constant 16 : i32
      %mul3A_190 = arith.muli %add3A_25, %mul3A_189 : i32
      %add3A_191 = arith.constant 10 : i32
      %add3A_192 = arith.addi %mul3A_190, %add3A_191 : i32
      %dma_start3A_193 = arith.constant 0 : i32
      %dma_start3A_194 = tpu.memref_slice %arg8[%add3A_188, %dma_start3A_193] : memref<32x128xi32, #tpu.memory_space<vmem>> -> memref<1x128xi32, #tpu.memory_space<vmem>>
      %dma_start3A_195 = tpu.memref_squeeze %dma_start3A_194 : memref<1x128xi32, #tpu.memory_space<vmem>> -> memref<128xi32, #tpu.memory_space<vmem>>
      %dma_start3A_196 = arith.constant 0 : i32
      %dma_start3A_197 = tpu.memref_slice %arg9[%add3A_192, %dma_start3A_196] : memref<32x128xi32, #tpu.memory_space<vmem>> -> memref<1x128xi32, #tpu.memory_space<vmem>>
      %dma_start3A_198 = tpu.memref_squeeze %dma_start3A_197 : memref<1x128xi32, #tpu.memory_space<vmem>> -> memref<128xi32, #tpu.memory_space<vmem>>
      %dma_start3A_199 = arith.constant 0 : i32
      %dma_start3A_200 = tpu.memref_slice %arg5[%dma_start3A_199] : memref<16908288xi32, #tpu.memory_space<hbm>> -> memref<16908288xi32, #tpu.memory_space<hbm>>
      tpu.enqueue_indirect_dma source(%dma_start3A_195 : memref<128xi32, #tpu.memory_space<vmem>>) target(%dma_start3A_200 : memref<16908288xi32, #tpu.memory_space<hbm>>) offsets(%dma_start3A_198 : memref<128xi32, #tpu.memory_space<vmem>>) semaphore(%arg10 : memref<!tpu.dma_semaphore, #tpu.memory_space<semaphore_mem>>)
      %mul3A_201 = arith.constant 16 : i32
      %mul3A_202 = arith.muli %add3A_25, %mul3A_201 : i32
      %add3A_203 = arith.constant 11 : i32
      %add3A_204 = arith.addi %mul3A_202, %add3A_203 : i32
      %mul3A_205 = arith.constant 16 : i32
      %mul3A_206 = arith.muli %add3A_25, %mul3A_205 : i32
      %add3A_207 = arith.constant 11 : i32
      %add3A_208 = arith.addi %mul3A_206, %add3A_207 : i32
      %dma_start3A_209 = arith.constant 0 : i32
      %dma_start3A_210 = tpu.memref_slice %arg8[%add3A_204, %dma_start3A_209] : memref<32x128xi32, #tpu.memory_space<vmem>> -> memref<1x128xi32, #tpu.memory_space<vmem>>
      %dma_start3A_211 = tpu.memref_squeeze %dma_start3A_210 : memref<1x128xi32, #tpu.memory_space<vmem>> -> memref<128xi32, #tpu.memory_space<vmem>>
      %dma_start3A_212 = arith.constant 0 : i32
      %dma_start3A_213 = tpu.memref_slice %arg9[%add3A_208, %dma_start3A_212] : memref<32x128xi32, #tpu.memory_space<vmem>> -> memref<1x128xi32, #tpu.memory_space<vmem>>
      %dma_start3A_214 = tpu.memref_squeeze %dma_start3A_213 : memref<1x128xi32, #tpu.memory_space<vmem>> -> memref<128xi32, #tpu.memory_space<vmem>>
      %dma_start3A_215 = arith.constant 0 : i32
      %dma_start3A_216 = tpu.memref_slice %arg5[%dma_start3A_215] : memref<16908288xi32, #tpu.memory_space<hbm>> -> memref<16908288xi32, #tpu.memory_space<hbm>>
      tpu.enqueue_indirect_dma source(%dma_start3A_211 : memref<128xi32, #tpu.memory_space<vmem>>) target(%dma_start3A_216 : memref<16908288xi32, #tpu.memory_space<hbm>>) offsets(%dma_start3A_214 : memref<128xi32, #tpu.memory_space<vmem>>) semaphore(%arg10 : memref<!tpu.dma_semaphore, #tpu.memory_space<semaphore_mem>>)
      %mul3A_217 = arith.constant 16 : i32
      %mul3A_218 = arith.muli %add3A_25, %mul3A_217 : i32
      %add3A_219 = arith.constant 12 : i32
      %add3A_220 = arith.addi %mul3A_218, %add3A_219 : i32
      %mul3A_221 = arith.constant 16 : i32
      %mul3A_222 = arith.muli %add3A_25, %mul3A_221 : i32
      %add3A_223 = arith.constant 12 : i32
      %add3A_224 = arith.addi %mul3A_222, %add3A_223 : i32
      %dma_start3A_225 = arith.constant 0 : i32
      %dma_start3A_226 = tpu.memref_slice %arg8[%add3A_220, %dma_start3A_225] : memref<32x128xi32, #tpu.memory_space<vmem>> -> memref<1x128xi32, #tpu.memory_space<vmem>>
      %dma_start3A_227 = tpu.memref_squeeze %dma_start3A_226 : memref<1x128xi32, #tpu.memory_space<vmem>> -> memref<128xi32, #tpu.memory_space<vmem>>
      %dma_start3A_228 = arith.constant 0 : i32
      %dma_start3A_229 = tpu.memref_slice %arg9[%add3A_224, %dma_start3A_228] : memref<32x128xi32, #tpu.memory_space<vmem>> -> memref<1x128xi32, #tpu.memory_space<vmem>>
      %dma_start3A_230 = tpu.memref_squeeze %dma_start3A_229 : memref<1x128xi32, #tpu.memory_space<vmem>> -> memref<128xi32, #tpu.memory_space<vmem>>
      %dma_start3A_231 = arith.constant 0 : i32
      %dma_start3A_232 = tpu.memref_slice %arg5[%dma_start3A_231] : memref<16908288xi32, #tpu.memory_space<hbm>> -> memref<16908288xi32, #tpu.memory_space<hbm>>
      tpu.enqueue_indirect_dma source(%dma_start3A_227 : memref<128xi32, #tpu.memory_space<vmem>>) target(%dma_start3A_232 : memref<16908288xi32, #tpu.memory_space<hbm>>) offsets(%dma_start3A_230 : memref<128xi32, #tpu.memory_space<vmem>>) semaphore(%arg10 : memref<!tpu.dma_semaphore, #tpu.memory_space<semaphore_mem>>)
      %mul3A_233 = arith.constant 16 : i32
      %mul3A_234 = arith.muli %add3A_25, %mul3A_233 : i32
      %add3A_235 = arith.constant 13 : i32
      %add3A_236 = arith.addi %mul3A_234, %add3A_235 : i32
      %mul3A_237 = arith.constant 16 : i32
      %mul3A_238 = arith.muli %add3A_25, %mul3A_237 : i32
      %add3A_239 = arith.constant 13 : i32
      %add3A_240 = arith.addi %mul3A_238, %add3A_239 : i32
      %dma_start3A_241 = arith.constant 0 : i32
      %dma_start3A_242 = tpu.memref_slice %arg8[%add3A_236, %dma_start3A_241] : memref<32x128xi32, #tpu.memory_space<vmem>> -> memref<1x128xi32, #tpu.memory_space<vmem>>
      %dma_start3A_243 = tpu.memref_squeeze %dma_start3A_242 : memref<1x128xi32, #tpu.memory_space<vmem>> -> memref<128xi32, #tpu.memory_space<vmem>>
      %dma_start3A_244 = arith.constant 0 : i32
      %dma_start3A_245 = tpu.memref_slice %arg9[%add3A_240, %dma_start3A_244] : memref<32x128xi32, #tpu.memory_space<vmem>> -> memref<1x128xi32, #tpu.memory_space<vmem>>
      %dma_start3A_246 = tpu.memref_squeeze %dma_start3A_245 : memref<1x128xi32, #tpu.memory_space<vmem>> -> memref<128xi32, #tpu.memory_space<vmem>>
      %dma_start3A_247 = arith.constant 0 : i32
      %dma_start3A_248 = tpu.memref_slice %arg5[%dma_start3A_247] : memref<16908288xi32, #tpu.memory_space<hbm>> -> memref<16908288xi32, #tpu.memory_space<hbm>>
      tpu.enqueue_indirect_dma source(%dma_start3A_243 : memref<128xi32, #tpu.memory_space<vmem>>) target(%dma_start3A_248 : memref<16908288xi32, #tpu.memory_space<hbm>>) offsets(%dma_start3A_246 : memref<128xi32, #tpu.memory_space<vmem>>) semaphore(%arg10 : memref<!tpu.dma_semaphore, #tpu.memory_space<semaphore_mem>>)
      %mul3A_249 = arith.constant 16 : i32
      %mul3A_250 = arith.muli %add3A_25, %mul3A_249 : i32
      %add3A_251 = arith.constant 14 : i32
      %add3A_252 = arith.addi %mul3A_250, %add3A_251 : i32
      %mul3A_253 = arith.constant 16 : i32
      %mul3A_254 = arith.muli %add3A_25, %mul3A_253 : i32
      %add3A_255 = arith.constant 14 : i32
      %add3A_256 = arith.addi %mul3A_254, %add3A_255 : i32
      %dma_start3A_257 = arith.constant 0 : i32
      %dma_start3A_258 = tpu.memref_slice %arg8[%add3A_252, %dma_start3A_257] : memref<32x128xi32, #tpu.memory_space<vmem>> -> memref<1x128xi32, #tpu.memory_space<vmem>>
      %dma_start3A_259 = tpu.memref_squeeze %dma_start3A_258 : memref<1x128xi32, #tpu.memory_space<vmem>> -> memref<128xi32, #tpu.memory_space<vmem>>
      %dma_start3A_260 = arith.constant 0 : i32
      %dma_start3A_261 = tpu.memref_slice %arg9[%add3A_256, %dma_start3A_260] : memref<32x128xi32, #tpu.memory_space<vmem>> -> memref<1x128xi32, #tpu.memory_space<vmem>>
      %dma_start3A_262 = tpu.memref_squeeze %dma_start3A_261 : memref<1x128xi32, #tpu.memory_space<vmem>> -> memref<128xi32, #tpu.memory_space<vmem>>
      %dma_start3A_263 = arith.constant 0 : i32
      %dma_start3A_264 = tpu.memref_slice %arg5[%dma_start3A_263] : memref<16908288xi32, #tpu.memory_space<hbm>> -> memref<16908288xi32, #tpu.memory_space<hbm>>
      tpu.enqueue_indirect_dma source(%dma_start3A_259 : memref<128xi32, #tpu.memory_space<vmem>>) target(%dma_start3A_264 : memref<16908288xi32, #tpu.memory_space<hbm>>) offsets(%dma_start3A_262 : memref<128xi32, #tpu.memory_space<vmem>>) semaphore(%arg10 : memref<!tpu.dma_semaphore, #tpu.memory_space<semaphore_mem>>)
      %mul3A_265 = arith.constant 16 : i32
      %mul3A_266 = arith.muli %add3A_25, %mul3A_265 : i32
      %add3A_267 = arith.constant 15 : i32
      %add3A_268 = arith.addi %mul3A_266, %add3A_267 : i32
      %mul3A_269 = arith.constant 16 : i32
      %mul3A_270 = arith.muli %add3A_25, %mul3A_269 : i32
      %add3A_271 = arith.constant 15 : i32
      %add3A_272 = arith.addi %mul3A_270, %add3A_271 : i32
      %dma_start3A_273 = arith.constant 0 : i32
      %dma_start3A_274 = tpu.memref_slice %arg8[%add3A_268, %dma_start3A_273] : memref<32x128xi32, #tpu.memory_space<vmem>> -> memref<1x128xi32, #tpu.memory_space<vmem>>
      %dma_start3A_275 = tpu.memref_squeeze %dma_start3A_274 : memref<1x128xi32, #tpu.memory_space<vmem>> -> memref<128xi32, #tpu.memory_space<vmem>>
      %dma_start3A_276 = arith.constant 0 : i32
      %dma_start3A_277 = tpu.memref_slice %arg9[%add3A_272, %dma_start3A_276] : memref<32x128xi32, #tpu.memory_space<vmem>> -> memref<1x128xi32, #tpu.memory_space<vmem>>
      %dma_start3A_278 = tpu.memref_squeeze %dma_start3A_277 : memref<1x128xi32, #tpu.memory_space<vmem>> -> memref<128xi32, #tpu.memory_space<vmem>>
      %dma_start3A_279 = arith.constant 0 : i32
      %dma_start3A_280 = tpu.memref_slice %arg5[%dma_start3A_279] : memref<16908288xi32, #tpu.memory_space<hbm>> -> memref<16908288xi32, #tpu.memory_space<hbm>>
      tpu.enqueue_indirect_dma source(%dma_start3A_275 : memref<128xi32, #tpu.memory_space<vmem>>) target(%dma_start3A_280 : memref<16908288xi32, #tpu.memory_space<hbm>>) offsets(%dma_start3A_278 : memref<128xi32, #tpu.memory_space<vmem>>) semaphore(%arg10 : memref<!tpu.dma_semaphore, #tpu.memory_space<semaphore_mem>>)
      %dma_wait3A = arith.constant 0 : i32
      %dma_wait3A_281 = tpu.memref_slice %arg8[%add3A_29, %dma_wait3A] : memref<32x128xi32, #tpu.memory_space<vmem>> -> memref<1x128xi32, #tpu.memory_space<vmem>>
      %dma_wait3A_282 = tpu.memref_squeeze %dma_wait3A_281 : memref<1x128xi32, #tpu.memory_space<vmem>> -> memref<128xi32, #tpu.memory_space<vmem>>
      %dma_wait3A_283 = arith.constant 0 : i32
      %dma_wait3A_284 = tpu.memref_slice %arg9[%add3A_33, %dma_wait3A_283] : memref<32x128xi32, #tpu.memory_space<vmem>> -> memref<1x128xi32, #tpu.memory_space<vmem>>
      %dma_wait3A_285 = tpu.memref_squeeze %dma_wait3A_284 : memref<1x128xi32, #tpu.memory_space<vmem>> -> memref<128xi32, #tpu.memory_space<vmem>>
      %dma_wait3A_286 = arith.constant 0 : i32
      %dma_wait3A_287 = tpu.memref_slice %arg5[%dma_wait3A_286] : memref<16908288xi32, #tpu.memory_space<hbm>> -> memref<16908288xi32, #tpu.memory_space<hbm>>
      tpu.wait_indirect_dma semaphore(%arg10 : memref<!tpu.dma_semaphore, #tpu.memory_space<semaphore_mem>>) src(%dma_wait3A_282 : memref<128xi32, #tpu.memory_space<vmem>>) dst(%dma_wait3A_287 : memref<16908288xi32, #tpu.memory_space<hbm>>)
      %dma_wait3A_288 = arith.constant 0 : i32
      %dma_wait3A_289 = tpu.memref_slice %arg8[%add3A_44, %dma_wait3A_288] : memref<32x128xi32, #tpu.memory_space<vmem>> -> memref<1x128xi32, #tpu.memory_space<vmem>>
      %dma_wait3A_290 = tpu.memref_squeeze %dma_wait3A_289 : memref<1x128xi32, #tpu.memory_space<vmem>> -> memref<128xi32, #tpu.memory_space<vmem>>
      %dma_wait3A_291 = arith.constant 0 : i32
      %dma_wait3A_292 = tpu.memref_slice %arg9[%add3A_48, %dma_wait3A_291] : memref<32x128xi32, #tpu.memory_space<vmem>> -> memref<1x128xi32, #tpu.memory_space<vmem>>
      %dma_wait3A_293 = tpu.memref_squeeze %dma_wait3A_292 : memref<1x128xi32, #tpu.memory_space<vmem>> -> memref<128xi32, #tpu.memory_space<vmem>>
      %dma_wait3A_294 = arith.constant 0 : i32
      %dma_wait3A_295 = tpu.memref_slice %arg5[%dma_wait3A_294] : memref<16908288xi32, #tpu.memory_space<hbm>> -> memref<16908288xi32, #tpu.memory_space<hbm>>
      tpu.wait_indirect_dma semaphore(%arg10 : memref<!tpu.dma_semaphore, #tpu.memory_space<semaphore_mem>>) src(%dma_wait3A_290 : memref<128xi32, #tpu.memory_space<vmem>>) dst(%dma_wait3A_295 : memref<16908288xi32, #tpu.memory_space<hbm>>)
      %dma_wait3A_296 = arith.constant 0 : i32
      %dma_wait3A_297 = tpu.memref_slice %arg8[%add3A_60, %dma_wait3A_296] : memref<32x128xi32, #tpu.memory_space<vmem>> -> memref<1x128xi32, #tpu.memory_space<vmem>>
      %dma_wait3A_298 = tpu.memref_squeeze %dma_wait3A_297 : memref<1x128xi32, #tpu.memory_space<vmem>> -> memref<128xi32, #tpu.memory_space<vmem>>
      %dma_wait3A_299 = arith.constant 0 : i32
      %dma_wait3A_300 = tpu.memref_slice %arg9[%add3A_64, %dma_wait3A_299] : memref<32x128xi32, #tpu.memory_space<vmem>> -> memref<1x128xi32, #tpu.memory_space<vmem>>
      %dma_wait3A_301 = tpu.memref_squeeze %dma_wait3A_300 : memref<1x128xi32, #tpu.memory_space<vmem>> -> memref<128xi32, #tpu.memory_space<vmem>>
      %dma_wait3A_302 = arith.constant 0 : i32
      %dma_wait3A_303 = tpu.memref_slice %arg5[%dma_wait3A_302] : memref<16908288xi32, #tpu.memory_space<hbm>> -> memref<16908288xi32, #tpu.memory_space<hbm>>
      tpu.wait_indirect_dma semaphore(%arg10 : memref<!tpu.dma_semaphore, #tpu.memory_space<semaphore_mem>>) src(%dma_wait3A_298 : memref<128xi32, #tpu.memory_space<vmem>>) dst(%dma_wait3A_303 : memref<16908288xi32, #tpu.memory_space<hbm>>)
      %dma_wait3A_304 = arith.constant 0 : i32
      %dma_wait3A_305 = tpu.memref_slice %arg8[%add3A_76, %dma_wait3A_304] : memref<32x128xi32, #tpu.memory_space<vmem>> -> memref<1x128xi32, #tpu.memory_space<vmem>>
      %dma_wait3A_306 = tpu.memref_squeeze %dma_wait3A_305 : memref<1x128xi32, #tpu.memory_space<vmem>> -> memref<128xi32, #tpu.memory_space<vmem>>
      %dma_wait3A_307 = arith.constant 0 : i32
      %dma_wait3A_308 = tpu.memref_slice %arg9[%add3A_80, %dma_wait3A_307] : memref<32x128xi32, #tpu.memory_space<vmem>> -> memref<1x128xi32, #tpu.memory_space<vmem>>
      %dma_wait3A_309 = tpu.memref_squeeze %dma_wait3A_308 : memref<1x128xi32, #tpu.memory_space<vmem>> -> memref<128xi32, #tpu.memory_space<vmem>>
      %dma_wait3A_310 = arith.constant 0 : i32
      %dma_wait3A_311 = tpu.memref_slice %arg5[%dma_wait3A_310] : memref<16908288xi32, #tpu.memory_space<hbm>> -> memref<16908288xi32, #tpu.memory_space<hbm>>
      tpu.wait_indirect_dma semaphore(%arg10 : memref<!tpu.dma_semaphore, #tpu.memory_space<semaphore_mem>>) src(%dma_wait3A_306 : memref<128xi32, #tpu.memory_space<vmem>>) dst(%dma_wait3A_311 : memref<16908288xi32, #tpu.memory_space<hbm>>)
      %dma_wait3A_312 = arith.constant 0 : i32
      %dma_wait3A_313 = tpu.memref_slice %arg8[%add3A_92, %dma_wait3A_312] : memref<32x128xi32, #tpu.memory_space<vmem>> -> memref<1x128xi32, #tpu.memory_space<vmem>>
      %dma_wait3A_314 = tpu.memref_squeeze %dma_wait3A_313 : memref<1x128xi32, #tpu.memory_space<vmem>> -> memref<128xi32, #tpu.memory_space<vmem>>
      %dma_wait3A_315 = arith.constant 0 : i32
      %dma_wait3A_316 = tpu.memref_slice %arg9[%add3A_96, %dma_wait3A_315] : memref<32x128xi32, #tpu.memory_space<vmem>> -> memref<1x128xi32, #tpu.memory_space<vmem>>
      %dma_wait3A_317 = tpu.memref_squeeze %dma_wait3A_316 : memref<1x128xi32, #tpu.memory_space<vmem>> -> memref<128xi32, #tpu.memory_space<vmem>>
      %dma_wait3A_318 = arith.constant 0 : i32
      %dma_wait3A_319 = tpu.memref_slice %arg5[%dma_wait3A_318] : memref<16908288xi32, #tpu.memory_space<hbm>> -> memref<16908288xi32, #tpu.memory_space<hbm>>
      tpu.wait_indirect_dma semaphore(%arg10 : memref<!tpu.dma_semaphore, #tpu.memory_space<semaphore_mem>>) src(%dma_wait3A_314 : memref<128xi32, #tpu.memory_space<vmem>>) dst(%dma_wait3A_319 : memref<16908288xi32, #tpu.memory_space<hbm>>)
      %dma_wait3A_320 = arith.constant 0 : i32
      %dma_wait3A_321 = tpu.memref_slice %arg8[%add3A_108, %dma_wait3A_320] : memref<32x128xi32, #tpu.memory_space<vmem>> -> memref<1x128xi32, #tpu.memory_space<vmem>>
      %dma_wait3A_322 = tpu.memref_squeeze %dma_wait3A_321 : memref<1x128xi32, #tpu.memory_space<vmem>> -> memref<128xi32, #tpu.memory_space<vmem>>
      %dma_wait3A_323 = arith.constant 0 : i32
      %dma_wait3A_324 = tpu.memref_slice %arg9[%add3A_112, %dma_wait3A_323] : memref<32x128xi32, #tpu.memory_space<vmem>> -> memref<1x128xi32, #tpu.memory_space<vmem>>
      %dma_wait3A_325 = tpu.memref_squeeze %dma_wait3A_324 : memref<1x128xi32, #tpu.memory_space<vmem>> -> memref<128xi32, #tpu.memory_space<vmem>>
      %dma_wait3A_326 = arith.constant 0 : i32
      %dma_wait3A_327 = tpu.memref_slice %arg5[%dma_wait3A_326] : memref<16908288xi32, #tpu.memory_space<hbm>> -> memref<16908288xi32, #tpu.memory_space<hbm>>
      tpu.wait_indirect_dma semaphore(%arg10 : memref<!tpu.dma_semaphore, #tpu.memory_space<semaphore_mem>>) src(%dma_wait3A_322 : memref<128xi32, #tpu.memory_space<vmem>>) dst(%dma_wait3A_327 : memref<16908288xi32, #tpu.memory_space<hbm>>)
      %dma_wait3A_328 = arith.constant 0 : i32
      %dma_wait3A_329 = tpu.memref_slice %arg8[%add3A_124, %dma_wait3A_328] : memref<32x128xi32, #tpu.memory_space<vmem>> -> memref<1x128xi32, #tpu.memory_space<vmem>>
      %dma_wait3A_330 = tpu.memref_squeeze %dma_wait3A_329 : memref<1x128xi32, #tpu.memory_space<vmem>> -> memref<128xi32, #tpu.memory_space<vmem>>
      %dma_wait3A_331 = arith.constant 0 : i32
      %dma_wait3A_332 = tpu.memref_slice %arg9[%add3A_128, %dma_wait3A_331] : memref<32x128xi32, #tpu.memory_space<vmem>> -> memref<1x128xi32, #tpu.memory_space<vmem>>
      %dma_wait3A_333 = tpu.memref_squeeze %dma_wait3A_332 : memref<1x128xi32, #tpu.memory_space<vmem>> -> memref<128xi32, #tpu.memory_space<vmem>>
      %dma_wait3A_334 = arith.constant 0 : i32
      %dma_wait3A_335 = tpu.memref_slice %arg5[%dma_wait3A_334] : memref<16908288xi32, #tpu.memory_space<hbm>> -> memref<16908288xi32, #tpu.memory_space<hbm>>
      tpu.wait_indirect_dma semaphore(%arg10 : memref<!tpu.dma_semaphore, #tpu.memory_space<semaphore_mem>>) src(%dma_wait3A_330 : memref<128xi32, #tpu.memory_space<vmem>>) dst(%dma_wait3A_335 : memref<16908288xi32, #tpu.memory_space<hbm>>)
      %dma_wait3A_336 = arith.constant 0 : i32
      %dma_wait3A_337 = tpu.memref_slice %arg8[%add3A_140, %dma_wait3A_336] : memref<32x128xi32, #tpu.memory_space<vmem>> -> memref<1x128xi32, #tpu.memory_space<vmem>>
      %dma_wait3A_338 = tpu.memref_squeeze %dma_wait3A_337 : memref<1x128xi32, #tpu.memory_space<vmem>> -> memref<128xi32, #tpu.memory_space<vmem>>
      %dma_wait3A_339 = arith.constant 0 : i32
      %dma_wait3A_340 = tpu.memref_slice %arg9[%add3A_144, %dma_wait3A_339] : memref<32x128xi32, #tpu.memory_space<vmem>> -> memref<1x128xi32, #tpu.memory_space<vmem>>
      %dma_wait3A_341 = tpu.memref_squeeze %dma_wait3A_340 : memref<1x128xi32, #tpu.memory_space<vmem>> -> memref<128xi32, #tpu.memory_space<vmem>>
      %dma_wait3A_342 = arith.constant 0 : i32
      %dma_wait3A_343 = tpu.memref_slice %arg5[%dma_wait3A_342] : memref<16908288xi32, #tpu.memory_space<hbm>> -> memref<16908288xi32, #tpu.memory_space<hbm>>
      tpu.wait_indirect_dma semaphore(%arg10 : memref<!tpu.dma_semaphore, #tpu.memory_space<semaphore_mem>>) src(%dma_wait3A_338 : memref<128xi32, #tpu.memory_space<vmem>>) dst(%dma_wait3A_343 : memref<16908288xi32, #tpu.memory_space<hbm>>)
      %dma_wait3A_344 = arith.constant 0 : i32
      %dma_wait3A_345 = tpu.memref_slice %arg8[%add3A_156, %dma_wait3A_344] : memref<32x128xi32, #tpu.memory_space<vmem>> -> memref<1x128xi32, #tpu.memory_space<vmem>>
      %dma_wait3A_346 = tpu.memref_squeeze %dma_wait3A_345 : memref<1x128xi32, #tpu.memory_space<vmem>> -> memref<128xi32, #tpu.memory_space<vmem>>
      %dma_wait3A_347 = arith.constant 0 : i32
      %dma_wait3A_348 = tpu.memref_slice %arg9[%add3A_160, %dma_wait3A_347] : memref<32x128xi32, #tpu.memory_space<vmem>> -> memref<1x128xi32, #tpu.memory_space<vmem>>
      %dma_wait3A_349 = tpu.memref_squeeze %dma_wait3A_348 : memref<1x128xi32, #tpu.memory_space<vmem>> -> memref<128xi32, #tpu.memory_space<vmem>>
      %dma_wait3A_350 = arith.constant 0 : i32
      %dma_wait3A_351 = tpu.memref_slice %arg5[%dma_wait3A_350] : memref<16908288xi32, #tpu.memory_space<hbm>> -> memref<16908288xi32, #tpu.memory_space<hbm>>
      tpu.wait_indirect_dma semaphore(%arg10 : memref<!tpu.dma_semaphore, #tpu.memory_space<semaphore_mem>>) src(%dma_wait3A_346 : memref<128xi32, #tpu.memory_space<vmem>>) dst(%dma_wait3A_351 : memref<16908288xi32, #tpu.memory_space<hbm>>)
      %dma_wait3A_352 = arith.constant 0 : i32
      %dma_wait3A_353 = tpu.memref_slice %arg8[%add3A_172, %dma_wait3A_352] : memref<32x128xi32, #tpu.memory_space<vmem>> -> memref<1x128xi32, #tpu.memory_space<vmem>>
      %dma_wait3A_354 = tpu.memref_squeeze %dma_wait3A_353 : memref<1x128xi32, #tpu.memory_space<vmem>> -> memref<128xi32, #tpu.memory_space<vmem>>
      %dma_wait3A_355 = arith.constant 0 : i32
      %dma_wait3A_356 = tpu.memref_slice %arg9[%add3A_176, %dma_wait3A_355] : memref<32x128xi32, #tpu.memory_space<vmem>> -> memref<1x128xi32, #tpu.memory_space<vmem>>
      %dma_wait3A_357 = tpu.memref_squeeze %dma_wait3A_356 : memref<1x128xi32, #tpu.memory_space<vmem>> -> memref<128xi32, #tpu.memory_space<vmem>>
      %dma_wait3A_358 = arith.constant 0 : i32
      %dma_wait3A_359 = tpu.memref_slice %arg5[%dma_wait3A_358] : memref<16908288xi32, #tpu.memory_space<hbm>> -> memref<16908288xi32, #tpu.memory_space<hbm>>
      tpu.wait_indirect_dma semaphore(%arg10 : memref<!tpu.dma_semaphore, #tpu.memory_space<semaphore_mem>>) src(%dma_wait3A_354 : memref<128xi32, #tpu.memory_space<vmem>>) dst(%dma_wait3A_359 : memref<16908288xi32, #tpu.memory_space<hbm>>)
      %dma_wait3A_360 = arith.constant 0 : i32
      %dma_wait3A_361 = tpu.memref_slice %arg8[%add3A_188, %dma_wait3A_360] : memref<32x128xi32, #tpu.memory_space<vmem>> -> memref<1x128xi32, #tpu.memory_space<vmem>>
      %dma_wait3A_362 = tpu.memref_squeeze %dma_wait3A_361 : memref<1x128xi32, #tpu.memory_space<vmem>> -> memref<128xi32, #tpu.memory_space<vmem>>
      %dma_wait3A_363 = arith.constant 0 : i32
      %dma_wait3A_364 = tpu.memref_slice %arg9[%add3A_192, %dma_wait3A_363] : memref<32x128xi32, #tpu.memory_space<vmem>> -> memref<1x128xi32, #tpu.memory_space<vmem>>
      %dma_wait3A_365 = tpu.memref_squeeze %dma_wait3A_364 : memref<1x128xi32, #tpu.memory_space<vmem>> -> memref<128xi32, #tpu.memory_space<vmem>>
      %dma_wait3A_366 = arith.constant 0 : i32
      %dma_wait3A_367 = tpu.memref_slice %arg5[%dma_wait3A_366] : memref<16908288xi32, #tpu.memory_space<hbm>> -> memref<16908288xi32, #tpu.memory_space<hbm>>
      tpu.wait_indirect_dma semaphore(%arg10 : memref<!tpu.dma_semaphore, #tpu.memory_space<semaphore_mem>>) src(%dma_wait3A_362 : memref<128xi32, #tpu.memory_space<vmem>>) dst(%dma_wait3A_367 : memref<16908288xi32, #tpu.memory_space<hbm>>)
      %dma_wait3A_368 = arith.constant 0 : i32
      %dma_wait3A_369 = tpu.memref_slice %arg8[%add3A_204, %dma_wait3A_368] : memref<32x128xi32, #tpu.memory_space<vmem>> -> memref<1x128xi32, #tpu.memory_space<vmem>>
      %dma_wait3A_370 = tpu.memref_squeeze %dma_wait3A_369 : memref<1x128xi32, #tpu.memory_space<vmem>> -> memref<128xi32, #tpu.memory_space<vmem>>
      %dma_wait3A_371 = arith.constant 0 : i32
      %dma_wait3A_372 = tpu.memref_slice %arg9[%add3A_208, %dma_wait3A_371] : memref<32x128xi32, #tpu.memory_space<vmem>> -> memref<1x128xi32, #tpu.memory_space<vmem>>
      %dma_wait3A_373 = tpu.memref_squeeze %dma_wait3A_372 : memref<1x128xi32, #tpu.memory_space<vmem>> -> memref<128xi32, #tpu.memory_space<vmem>>
      %dma_wait3A_374 = arith.constant 0 : i32
      %dma_wait3A_375 = tpu.memref_slice %arg5[%dma_wait3A_374] : memref<16908288xi32, #tpu.memory_space<hbm>> -> memref<16908288xi32, #tpu.memory_space<hbm>>
      tpu.wait_indirect_dma semaphore(%arg10 : memref<!tpu.dma_semaphore, #tpu.memory_space<semaphore_mem>>) src(%dma_wait3A_370 : memref<128xi32, #tpu.memory_space<vmem>>) dst(%dma_wait3A_375 : memref<16908288xi32, #tpu.memory_space<hbm>>)
      %dma_wait3A_376 = arith.constant 0 : i32
      %dma_wait3A_377 = tpu.memref_slice %arg8[%add3A_220, %dma_wait3A_376] : memref<32x128xi32, #tpu.memory_space<vmem>> -> memref<1x128xi32, #tpu.memory_space<vmem>>
      %dma_wait3A_378 = tpu.memref_squeeze %dma_wait3A_377 : memref<1x128xi32, #tpu.memory_space<vmem>> -> memref<128xi32, #tpu.memory_space<vmem>>
      %dma_wait3A_379 = arith.constant 0 : i32
      %dma_wait3A_380 = tpu.memref_slice %arg9[%add3A_224, %dma_wait3A_379] : memref<32x128xi32, #tpu.memory_space<vmem>> -> memref<1x128xi32, #tpu.memory_space<vmem>>
      %dma_wait3A_381 = tpu.memref_squeeze %dma_wait3A_380 : memref<1x128xi32, #tpu.memory_space<vmem>> -> memref<128xi32, #tpu.memory_space<vmem>>
      %dma_wait3A_382 = arith.constant 0 : i32
      %dma_wait3A_383 = tpu.memref_slice %arg5[%dma_wait3A_382] : memref<16908288xi32, #tpu.memory_space<hbm>> -> memref<16908288xi32, #tpu.memory_space<hbm>>
      tpu.wait_indirect_dma semaphore(%arg10 : memref<!tpu.dma_semaphore, #tpu.memory_space<semaphore_mem>>) src(%dma_wait3A_378 : memref<128xi32, #tpu.memory_space<vmem>>) dst(%dma_wait3A_383 : memref<16908288xi32, #tpu.memory_space<hbm>>)
      %dma_wait3A_384 = arith.constant 0 : i32
      %dma_wait3A_385 = tpu.memref_slice %arg8[%add3A_236, %dma_wait3A_384] : memref<32x128xi32, #tpu.memory_space<vmem>> -> memref<1x128xi32, #tpu.memory_space<vmem>>
      %dma_wait3A_386 = tpu.memref_squeeze %dma_wait3A_385 : memref<1x128xi32, #tpu.memory_space<vmem>> -> memref<128xi32, #tpu.memory_space<vmem>>
      %dma_wait3A_387 = arith.constant 0 : i32
      %dma_wait3A_388 = tpu.memref_slice %arg9[%add3A_240, %dma_wait3A_387] : memref<32x128xi32, #tpu.memory_space<vmem>> -> memref<1x128xi32, #tpu.memory_space<vmem>>
      %dma_wait3A_389 = tpu.memref_squeeze %dma_wait3A_388 : memref<1x128xi32, #tpu.memory_space<vmem>> -> memref<128xi32, #tpu.memory_space<vmem>>
      %dma_wait3A_390 = arith.constant 0 : i32
      %dma_wait3A_391 = tpu.memref_slice %arg5[%dma_wait3A_390] : memref<16908288xi32, #tpu.memory_space<hbm>> -> memref<16908288xi32, #tpu.memory_space<hbm>>
      tpu.wait_indirect_dma semaphore(%arg10 : memref<!tpu.dma_semaphore, #tpu.memory_space<semaphore_mem>>) src(%dma_wait3A_386 : memref<128xi32, #tpu.memory_space<vmem>>) dst(%dma_wait3A_391 : memref<16908288xi32, #tpu.memory_space<hbm>>)
      %dma_wait3A_392 = arith.constant 0 : i32
      %dma_wait3A_393 = tpu.memref_slice %arg8[%add3A_252, %dma_wait3A_392] : memref<32x128xi32, #tpu.memory_space<vmem>> -> memref<1x128xi32, #tpu.memory_space<vmem>>
      %dma_wait3A_394 = tpu.memref_squeeze %dma_wait3A_393 : memref<1x128xi32, #tpu.memory_space<vmem>> -> memref<128xi32, #tpu.memory_space<vmem>>
      %dma_wait3A_395 = arith.constant 0 : i32
      %dma_wait3A_396 = tpu.memref_slice %arg9[%add3A_256, %dma_wait3A_395] : memref<32x128xi32, #tpu.memory_space<vmem>> -> memref<1x128xi32, #tpu.memory_space<vmem>>
      %dma_wait3A_397 = tpu.memref_squeeze %dma_wait3A_396 : memref<1x128xi32, #tpu.memory_space<vmem>> -> memref<128xi32, #tpu.memory_space<vmem>>
      %dma_wait3A_398 = arith.constant 0 : i32
      %dma_wait3A_399 = tpu.memref_slice %arg5[%dma_wait3A_398] : memref<16908288xi32, #tpu.memory_space<hbm>> -> memref<16908288xi32, #tpu.memory_space<hbm>>
      tpu.wait_indirect_dma semaphore(%arg10 : memref<!tpu.dma_semaphore, #tpu.memory_space<semaphore_mem>>) src(%dma_wait3A_394 : memref<128xi32, #tpu.memory_space<vmem>>) dst(%dma_wait3A_399 : memref<16908288xi32, #tpu.memory_space<hbm>>)
      %dma_wait3A_400 = arith.constant 0 : i32
      %dma_wait3A_401 = tpu.memref_slice %arg8[%add3A_268, %dma_wait3A_400] : memref<32x128xi32, #tpu.memory_space<vmem>> -> memref<1x128xi32, #tpu.memory_space<vmem>>
      %dma_wait3A_402 = tpu.memref_squeeze %dma_wait3A_401 : memref<1x128xi32, #tpu.memory_space<vmem>> -> memref<128xi32, #tpu.memory_space<vmem>>
      %dma_wait3A_403 = arith.constant 0 : i32
      %dma_wait3A_404 = tpu.memref_slice %arg9[%add3A_272, %dma_wait3A_403] : memref<32x128xi32, #tpu.memory_space<vmem>> -> memref<1x128xi32, #tpu.memory_space<vmem>>
      %dma_wait3A_405 = tpu.memref_squeeze %dma_wait3A_404 : memref<1x128xi32, #tpu.memory_space<vmem>> -> memref<128xi32, #tpu.memory_space<vmem>>
      %dma_wait3A_406 = arith.constant 0 : i32
      %dma_wait3A_407 = tpu.memref_slice %arg5[%dma_wait3A_406] : memref<16908288xi32, #tpu.memory_space<hbm>> -> memref<16908288xi32, #tpu.memory_space<hbm>>
      tpu.wait_indirect_dma semaphore(%arg10 : memref<!tpu.dma_semaphore, #tpu.memory_space<semaphore_mem>>) src(%dma_wait3A_402 : memref<128xi32, #tpu.memory_space<vmem>>) dst(%dma_wait3A_407 : memref<16908288xi32, #tpu.memory_space<hbm>>)
    }
    %scan3A_20 = arith.constant 2 : i32
    return
  }
}

#map = affine_map<(d0, d1) -> (0, 0)>
#map1 = affine_map<(d0, d1) -> (0)>
module attributes {stable_mosaic.version = 14 : i64} {
  func.func @_gather_mul(%arg0: i32, %arg1: i32, %arg2: memref<1024x128xi32, #tpu.memory_space<hbm>>, %arg3: memref<1024x128xi32, #tpu.memory_space<hbm>>, %arg4: memref<131072xf32, #tpu.memory_space<hbm>>, %arg5: memref<131072xf32, #tpu.memory_space<hbm>>, %arg6: memref<131072xf32, #tpu.memory_space<hbm>>, %arg7: memref<131072xf32, #tpu.memory_space<hbm>>, %arg8: memref<4224xf32, #tpu.memory_space<hbm>>, %arg9: memref<4224xf32, #tpu.memory_space<hbm>>, %arg10: memref<4224xf32, #tpu.memory_space<hbm>>, %arg11: memref<4224xf32, #tpu.memory_space<hbm>>, %arg12: memref<131072xf32, #tpu.memory_space<hbm>>, %arg13: memref<131072xf32, #tpu.memory_space<hbm>>, %arg14: memref<131072xf32, #tpu.memory_space<hbm>>, %arg15: memref<131072xf32, #tpu.memory_space<hbm>>, %arg16: memref<32x128xi32, #tpu.memory_space<vmem>>, %arg17: memref<32x128xi32, #tpu.memory_space<vmem>>, %arg18: memref<4096xf32, #tpu.memory_space<vmem>>, %arg19: memref<4096xf32, #tpu.memory_space<vmem>>, %arg20: memref<4096xf32, #tpu.memory_space<vmem>>, %arg21: memref<4096xf32, #tpu.memory_space<vmem>>, %arg22: memref<4096xf32, #tpu.memory_space<vmem>>, %arg23: memref<4096xf32, #tpu.memory_space<vmem>>, %arg24: memref<4096xf32, #tpu.memory_space<vmem>>, %arg25: memref<4096xf32, #tpu.memory_space<vmem>>, %arg26: memref<!tpu.dma_semaphore, #tpu.memory_space<semaphore_mem>>) attributes {dimension_semantics = [#tpu.dimension_semantics<core_parallel>, #tpu.dimension_semantics<subcore_parallel>], iteration_bounds = array<i64: 2, 16>, scalar_prefetch = 0 : i64, scratch_operands = 11 : i64, tpu.core_type = #tpu.core_type<sc_vector_subcore>, window_params = [{transform_indices = #map}, {transform_indices = #map}, {transform_indices = #map1}, {transform_indices = #map1}, {transform_indices = #map1}, {transform_indices = #map1}, {transform_indices = #map1}, {transform_indices = #map1}, {transform_indices = #map1}, {transform_indices = #map1}, {transform_indices = #map1}, {transform_indices = #map1}, {transform_indices = #map1}, {transform_indices = #map1}]} {
    %mul3A = arith.constant 2 : i32
    %mul3A_0 = arith.muli %arg1, %mul3A : i32
    %add3A = arith.addi %mul3A_0, %arg0 : i32
    %mul3A_1 = arith.constant 4096 : i32
    %mul3A_2 = arith.muli %add3A, %mul3A_1 : i32
    %mul3A_3 = arith.constant 32 : i32
    %mul3A_4 = arith.muli %add3A, %mul3A_3 : i32
    "tpu.region"() ({
      %run_scoped3A = tpu.sem_alloc : memref<!tpu.dma_semaphore, #tpu.memory_space<semaphore_mem>>
      %dma_start3A = arith.constant 0 : i32
      %dma_start3A_16 = tpu.memref_slice %arg2[%mul3A_4, %dma_start3A] : memref<1024x128xi32, #tpu.memory_space<hbm>> -> memref<32x128xi32, #tpu.memory_space<hbm>>
      %dma_start3A_17 = arith.constant 0 : i32
      %dma_start3A_18 = tpu.memref_slice %arg2[%mul3A_4, %dma_start3A_17] : memref<1024x128xi32, #tpu.memory_space<hbm>> -> memref<32x128xi32, #tpu.memory_space<hbm>>
      tpu.enqueue_dma source(%dma_start3A_18 : memref<32x128xi32, #tpu.memory_space<hbm>>) target(%arg16 : memref<32x128xi32, #tpu.memory_space<vmem>>) target_semaphore(%run_scoped3A : memref<!tpu.dma_semaphore, #tpu.memory_space<semaphore_mem>>)
      %dma_wait3A = arith.constant 0 : i32
      %dma_wait3A_19 = tpu.memref_slice %arg2[%mul3A_4, %dma_wait3A] : memref<1024x128xi32, #tpu.memory_space<hbm>> -> memref<32x128xi32, #tpu.memory_space<hbm>>
      %dma_wait3A_20 = arith.constant 0 : i32
      %dma_wait3A_21 = tpu.memref_slice %arg2[%mul3A_4, %dma_wait3A_20] : memref<1024x128xi32, #tpu.memory_space<hbm>> -> memref<32x128xi32, #tpu.memory_space<hbm>>
      tpu.wait_dma2 semaphore(%run_scoped3A : memref<!tpu.dma_semaphore, #tpu.memory_space<semaphore_mem>>) src(%dma_wait3A_21 : memref<32x128xi32, #tpu.memory_space<hbm>>) dst(%arg16 : memref<32x128xi32, #tpu.memory_space<vmem>>)
      tpu.yield
    }) : () -> ()
    %mul3A_5 = arith.constant 32 : i32
    %mul3A_6 = arith.muli %add3A, %mul3A_5 : i32
    "tpu.region"() ({
      %run_scoped3A = tpu.sem_alloc : memref<!tpu.dma_semaphore, #tpu.memory_space<semaphore_mem>>
      %dma_start3A = arith.constant 0 : i32
      %dma_start3A_16 = tpu.memref_slice %arg3[%mul3A_6, %dma_start3A] : memref<1024x128xi32, #tpu.memory_space<hbm>> -> memref<32x128xi32, #tpu.memory_space<hbm>>
      %dma_start3A_17 = arith.constant 0 : i32
      %dma_start3A_18 = tpu.memref_slice %arg3[%mul3A_6, %dma_start3A_17] : memref<1024x128xi32, #tpu.memory_space<hbm>> -> memref<32x128xi32, #tpu.memory_space<hbm>>
      tpu.enqueue_dma source(%dma_start3A_18 : memref<32x128xi32, #tpu.memory_space<hbm>>) target(%arg17 : memref<32x128xi32, #tpu.memory_space<vmem>>) target_semaphore(%run_scoped3A : memref<!tpu.dma_semaphore, #tpu.memory_space<semaphore_mem>>)
      %dma_wait3A = arith.constant 0 : i32
      %dma_wait3A_19 = tpu.memref_slice %arg3[%mul3A_6, %dma_wait3A] : memref<1024x128xi32, #tpu.memory_space<hbm>> -> memref<32x128xi32, #tpu.memory_space<hbm>>
      %dma_wait3A_20 = arith.constant 0 : i32
      %dma_wait3A_21 = tpu.memref_slice %arg3[%mul3A_6, %dma_wait3A_20] : memref<1024x128xi32, #tpu.memory_space<hbm>> -> memref<32x128xi32, #tpu.memory_space<hbm>>
      tpu.wait_dma2 semaphore(%run_scoped3A : memref<!tpu.dma_semaphore, #tpu.memory_space<semaphore_mem>>) src(%dma_wait3A_21 : memref<32x128xi32, #tpu.memory_space<hbm>>) dst(%arg17 : memref<32x128xi32, #tpu.memory_space<vmem>>)
      tpu.yield
    }) : () -> ()
    %scan3A = arith.constant 0 : i32
    %scan3A_7 = arith.constant 16 : i32
    %scan3A_8 = arith.addi %scan3A, %scan3A_7 : i32
    %scan3A_9 = arith.constant 1 : i32
    scf.for %scan3A_16 = %scan3A to %scan3A_8 step %scan3A_9  : i32 {
      %mul3A_17 = arith.constant 1 : i32
      %mul3A_18 = arith.muli %scan3A_16, %mul3A_17 : i32
      %add3A_19 = arith.constant 0 : i32
      %add3A_20 = arith.addi %add3A_19, %mul3A_18 : i32
      %mul3A_21 = arith.constant 2 : i32
      %mul3A_22 = arith.muli %add3A_20, %mul3A_21 : i32
      %add3A_23 = arith.constant 0 : i32
      %add3A_24 = arith.addi %mul3A_22, %add3A_23 : i32
      %mul3A_25 = arith.constant 128 : i32
      %mul3A_26 = arith.muli %add3A_24, %mul3A_25 : i32
      %dma_start3A = tpu.memref_slice %arg18[%mul3A_26] : memref<4096xf32, #tpu.memory_space<vmem>> -> memref<128xf32, #tpu.memory_space<vmem>>
      %dma_start3A_27 = arith.constant 0 : i32
      %dma_start3A_28 = tpu.memref_slice %arg17[%add3A_24, %dma_start3A_27] : memref<32x128xi32, #tpu.memory_space<vmem>> -> memref<1x128xi32, #tpu.memory_space<vmem>>
      %dma_start3A_29 = tpu.memref_squeeze %dma_start3A_28 : memref<1x128xi32, #tpu.memory_space<vmem>> -> memref<128xi32, #tpu.memory_space<vmem>>
      %dma_start3A_30 = arith.constant 0 : i32
      %dma_start3A_31 = tpu.memref_slice %arg4[%dma_start3A_30] : memref<131072xf32, #tpu.memory_space<hbm>> -> memref<131072xf32, #tpu.memory_space<hbm>>
      tpu.enqueue_indirect_dma source(%dma_start3A_31 : memref<131072xf32, #tpu.memory_space<hbm>>) target(%dma_start3A : memref<128xf32, #tpu.memory_space<vmem>>) offsets(%dma_start3A_29 : memref<128xi32, #tpu.memory_space<vmem>>) semaphore(%arg26 : memref<!tpu.dma_semaphore, #tpu.memory_space<semaphore_mem>>)
      %mul3A_32 = arith.constant 128 : i32
      %mul3A_33 = arith.muli %add3A_24, %mul3A_32 : i32
      %dma_start3A_34 = tpu.memref_slice %arg22[%mul3A_33] : memref<4096xf32, #tpu.memory_space<vmem>> -> memref<128xf32, #tpu.memory_space<vmem>>
      %dma_start3A_35 = arith.constant 0 : i32
      %dma_start3A_36 = tpu.memref_slice %arg16[%add3A_24, %dma_start3A_35] : memref<32x128xi32, #tpu.memory_space<vmem>> -> memref<1x128xi32, #tpu.memory_space<vmem>>
      %dma_start3A_37 = tpu.memref_squeeze %dma_start3A_36 : memref<1x128xi32, #tpu.memory_space<vmem>> -> memref<128xi32, #tpu.memory_space<vmem>>
      %dma_start3A_38 = arith.constant 0 : i32
      %dma_start3A_39 = tpu.memref_slice %arg8[%dma_start3A_38] : memref<4224xf32, #tpu.memory_space<hbm>> -> memref<4224xf32, #tpu.memory_space<hbm>>
      tpu.enqueue_indirect_dma source(%dma_start3A_39 : memref<4224xf32, #tpu.memory_space<hbm>>) target(%dma_start3A_34 : memref<128xf32, #tpu.memory_space<vmem>>) offsets(%dma_start3A_37 : memref<128xi32, #tpu.memory_space<vmem>>) semaphore(%arg26 : memref<!tpu.dma_semaphore, #tpu.memory_space<semaphore_mem>>)
      %mul3A_40 = arith.constant 128 : i32
      %mul3A_41 = arith.muli %add3A_24, %mul3A_40 : i32
      %dma_start3A_42 = tpu.memref_slice %arg19[%mul3A_41] : memref<4096xf32, #tpu.memory_space<vmem>> -> memref<128xf32, #tpu.memory_space<vmem>>
      %dma_start3A_43 = arith.constant 0 : i32
      %dma_start3A_44 = tpu.memref_slice %arg17[%add3A_24, %dma_start3A_43] : memref<32x128xi32, #tpu.memory_space<vmem>> -> memref<1x128xi32, #tpu.memory_space<vmem>>
      %dma_start3A_45 = tpu.memref_squeeze %dma_start3A_44 : memref<1x128xi32, #tpu.memory_space<vmem>> -> memref<128xi32, #tpu.memory_space<vmem>>
      %dma_start3A_46 = arith.constant 0 : i32
      %dma_start3A_47 = tpu.memref_slice %arg5[%dma_start3A_46] : memref<131072xf32, #tpu.memory_space<hbm>> -> memref<131072xf32, #tpu.memory_space<hbm>>
      tpu.enqueue_indirect_dma source(%dma_start3A_47 : memref<131072xf32, #tpu.memory_space<hbm>>) target(%dma_start3A_42 : memref<128xf32, #tpu.memory_space<vmem>>) offsets(%dma_start3A_45 : memref<128xi32, #tpu.memory_space<vmem>>) semaphore(%arg26 : memref<!tpu.dma_semaphore, #tpu.memory_space<semaphore_mem>>)
      %mul3A_48 = arith.constant 128 : i32
      %mul3A_49 = arith.muli %add3A_24, %mul3A_48 : i32
      %dma_start3A_50 = tpu.memref_slice %arg23[%mul3A_49] : memref<4096xf32, #tpu.memory_space<vmem>> -> memref<128xf32, #tpu.memory_space<vmem>>
      %dma_start3A_51 = arith.constant 0 : i32
      %dma_start3A_52 = tpu.memref_slice %arg16[%add3A_24, %dma_start3A_51] : memref<32x128xi32, #tpu.memory_space<vmem>> -> memref<1x128xi32, #tpu.memory_space<vmem>>
      %dma_start3A_53 = tpu.memref_squeeze %dma_start3A_52 : memref<1x128xi32, #tpu.memory_space<vmem>> -> memref<128xi32, #tpu.memory_space<vmem>>
      %dma_start3A_54 = arith.constant 0 : i32
      %dma_start3A_55 = tpu.memref_slice %arg9[%dma_start3A_54] : memref<4224xf32, #tpu.memory_space<hbm>> -> memref<4224xf32, #tpu.memory_space<hbm>>
      tpu.enqueue_indirect_dma source(%dma_start3A_55 : memref<4224xf32, #tpu.memory_space<hbm>>) target(%dma_start3A_50 : memref<128xf32, #tpu.memory_space<vmem>>) offsets(%dma_start3A_53 : memref<128xi32, #tpu.memory_space<vmem>>) semaphore(%arg26 : memref<!tpu.dma_semaphore, #tpu.memory_space<semaphore_mem>>)
      %mul3A_56 = arith.constant 128 : i32
      %mul3A_57 = arith.muli %add3A_24, %mul3A_56 : i32
      %dma_start3A_58 = tpu.memref_slice %arg20[%mul3A_57] : memref<4096xf32, #tpu.memory_space<vmem>> -> memref<128xf32, #tpu.memory_space<vmem>>
      %dma_start3A_59 = arith.constant 0 : i32
      %dma_start3A_60 = tpu.memref_slice %arg17[%add3A_24, %dma_start3A_59] : memref<32x128xi32, #tpu.memory_space<vmem>> -> memref<1x128xi32, #tpu.memory_space<vmem>>
      %dma_start3A_61 = tpu.memref_squeeze %dma_start3A_60 : memref<1x128xi32, #tpu.memory_space<vmem>> -> memref<128xi32, #tpu.memory_space<vmem>>
      %dma_start3A_62 = arith.constant 0 : i32
      %dma_start3A_63 = tpu.memref_slice %arg6[%dma_start3A_62] : memref<131072xf32, #tpu.memory_space<hbm>> -> memref<131072xf32, #tpu.memory_space<hbm>>
      tpu.enqueue_indirect_dma source(%dma_start3A_63 : memref<131072xf32, #tpu.memory_space<hbm>>) target(%dma_start3A_58 : memref<128xf32, #tpu.memory_space<vmem>>) offsets(%dma_start3A_61 : memref<128xi32, #tpu.memory_space<vmem>>) semaphore(%arg26 : memref<!tpu.dma_semaphore, #tpu.memory_space<semaphore_mem>>)
      %mul3A_64 = arith.constant 128 : i32
      %mul3A_65 = arith.muli %add3A_24, %mul3A_64 : i32
      %dma_start3A_66 = tpu.memref_slice %arg24[%mul3A_65] : memref<4096xf32, #tpu.memory_space<vmem>> -> memref<128xf32, #tpu.memory_space<vmem>>
      %dma_start3A_67 = arith.constant 0 : i32
      %dma_start3A_68 = tpu.memref_slice %arg16[%add3A_24, %dma_start3A_67] : memref<32x128xi32, #tpu.memory_space<vmem>> -> memref<1x128xi32, #tpu.memory_space<vmem>>
      %dma_start3A_69 = tpu.memref_squeeze %dma_start3A_68 : memref<1x128xi32, #tpu.memory_space<vmem>> -> memref<128xi32, #tpu.memory_space<vmem>>
      %dma_start3A_70 = arith.constant 0 : i32
      %dma_start3A_71 = tpu.memref_slice %arg10[%dma_start3A_70] : memref<4224xf32, #tpu.memory_space<hbm>> -> memref<4224xf32, #tpu.memory_space<hbm>>
      tpu.enqueue_indirect_dma source(%dma_start3A_71 : memref<4224xf32, #tpu.memory_space<hbm>>) target(%dma_start3A_66 : memref<128xf32, #tpu.memory_space<vmem>>) offsets(%dma_start3A_69 : memref<128xi32, #tpu.memory_space<vmem>>) semaphore(%arg26 : memref<!tpu.dma_semaphore, #tpu.memory_space<semaphore_mem>>)
      %mul3A_72 = arith.constant 128 : i32
      %mul3A_73 = arith.muli %add3A_24, %mul3A_72 : i32
      %dma_start3A_74 = tpu.memref_slice %arg21[%mul3A_73] : memref<4096xf32, #tpu.memory_space<vmem>> -> memref<128xf32, #tpu.memory_space<vmem>>
      %dma_start3A_75 = arith.constant 0 : i32
      %dma_start3A_76 = tpu.memref_slice %arg17[%add3A_24, %dma_start3A_75] : memref<32x128xi32, #tpu.memory_space<vmem>> -> memref<1x128xi32, #tpu.memory_space<vmem>>
      %dma_start3A_77 = tpu.memref_squeeze %dma_start3A_76 : memref<1x128xi32, #tpu.memory_space<vmem>> -> memref<128xi32, #tpu.memory_space<vmem>>
      %dma_start3A_78 = arith.constant 0 : i32
      %dma_start3A_79 = tpu.memref_slice %arg7[%dma_start3A_78] : memref<131072xf32, #tpu.memory_space<hbm>> -> memref<131072xf32, #tpu.memory_space<hbm>>
      tpu.enqueue_indirect_dma source(%dma_start3A_79 : memref<131072xf32, #tpu.memory_space<hbm>>) target(%dma_start3A_74 : memref<128xf32, #tpu.memory_space<vmem>>) offsets(%dma_start3A_77 : memref<128xi32, #tpu.memory_space<vmem>>) semaphore(%arg26 : memref<!tpu.dma_semaphore, #tpu.memory_space<semaphore_mem>>)
      %mul3A_80 = arith.constant 128 : i32
      %mul3A_81 = arith.muli %add3A_24, %mul3A_80 : i32
      %dma_start3A_82 = tpu.memref_slice %arg25[%mul3A_81] : memref<4096xf32, #tpu.memory_space<vmem>> -> memref<128xf32, #tpu.memory_space<vmem>>
      %dma_start3A_83 = arith.constant 0 : i32
      %dma_start3A_84 = tpu.memref_slice %arg16[%add3A_24, %dma_start3A_83] : memref<32x128xi32, #tpu.memory_space<vmem>> -> memref<1x128xi32, #tpu.memory_space<vmem>>
      %dma_start3A_85 = tpu.memref_squeeze %dma_start3A_84 : memref<1x128xi32, #tpu.memory_space<vmem>> -> memref<128xi32, #tpu.memory_space<vmem>>
      %dma_start3A_86 = arith.constant 0 : i32
      %dma_start3A_87 = tpu.memref_slice %arg11[%dma_start3A_86] : memref<4224xf32, #tpu.memory_space<hbm>> -> memref<4224xf32, #tpu.memory_space<hbm>>
      tpu.enqueue_indirect_dma source(%dma_start3A_87 : memref<4224xf32, #tpu.memory_space<hbm>>) target(%dma_start3A_82 : memref<128xf32, #tpu.memory_space<vmem>>) offsets(%dma_start3A_85 : memref<128xi32, #tpu.memory_space<vmem>>) semaphore(%arg26 : memref<!tpu.dma_semaphore, #tpu.memory_space<semaphore_mem>>)
      %mul3A_88 = arith.constant 2 : i32
      %mul3A_89 = arith.muli %add3A_20, %mul3A_88 : i32
      %add3A_90 = arith.constant 1 : i32
      %add3A_91 = arith.addi %mul3A_89, %add3A_90 : i32
      %mul3A_92 = arith.constant 128 : i32
      %mul3A_93 = arith.muli %add3A_91, %mul3A_92 : i32
      %dma_start3A_94 = tpu.memref_slice %arg18[%mul3A_93] : memref<4096xf32, #tpu.memory_space<vmem>> -> memref<128xf32, #tpu.memory_space<vmem>>
      %dma_start3A_95 = arith.constant 0 : i32
      %dma_start3A_96 = tpu.memref_slice %arg17[%add3A_91, %dma_start3A_95] : memref<32x128xi32, #tpu.memory_space<vmem>> -> memref<1x128xi32, #tpu.memory_space<vmem>>
      %dma_start3A_97 = tpu.memref_squeeze %dma_start3A_96 : memref<1x128xi32, #tpu.memory_space<vmem>> -> memref<128xi32, #tpu.memory_space<vmem>>
      %dma_start3A_98 = arith.constant 0 : i32
      %dma_start3A_99 = tpu.memref_slice %arg4[%dma_start3A_98] : memref<131072xf32, #tpu.memory_space<hbm>> -> memref<131072xf32, #tpu.memory_space<hbm>>
      tpu.enqueue_indirect_dma source(%dma_start3A_99 : memref<131072xf32, #tpu.memory_space<hbm>>) target(%dma_start3A_94 : memref<128xf32, #tpu.memory_space<vmem>>) offsets(%dma_start3A_97 : memref<128xi32, #tpu.memory_space<vmem>>) semaphore(%arg26 : memref<!tpu.dma_semaphore, #tpu.memory_space<semaphore_mem>>)
      %mul3A_100 = arith.constant 128 : i32
      %mul3A_101 = arith.muli %add3A_91, %mul3A_100 : i32
      %dma_start3A_102 = tpu.memref_slice %arg22[%mul3A_101] : memref<4096xf32, #tpu.memory_space<vmem>> -> memref<128xf32, #tpu.memory_space<vmem>>
      %dma_start3A_103 = arith.constant 0 : i32
      %dma_start3A_104 = tpu.memref_slice %arg16[%add3A_91, %dma_start3A_103] : memref<32x128xi32, #tpu.memory_space<vmem>> -> memref<1x128xi32, #tpu.memory_space<vmem>>
      %dma_start3A_105 = tpu.memref_squeeze %dma_start3A_104 : memref<1x128xi32, #tpu.memory_space<vmem>> -> memref<128xi32, #tpu.memory_space<vmem>>
      %dma_start3A_106 = arith.constant 0 : i32
      %dma_start3A_107 = tpu.memref_slice %arg8[%dma_start3A_106] : memref<4224xf32, #tpu.memory_space<hbm>> -> memref<4224xf32, #tpu.memory_space<hbm>>
      tpu.enqueue_indirect_dma source(%dma_start3A_107 : memref<4224xf32, #tpu.memory_space<hbm>>) target(%dma_start3A_102 : memref<128xf32, #tpu.memory_space<vmem>>) offsets(%dma_start3A_105 : memref<128xi32, #tpu.memory_space<vmem>>) semaphore(%arg26 : memref<!tpu.dma_semaphore, #tpu.memory_space<semaphore_mem>>)
      %mul3A_108 = arith.constant 128 : i32
      %mul3A_109 = arith.muli %add3A_91, %mul3A_108 : i32
      %dma_start3A_110 = tpu.memref_slice %arg19[%mul3A_109] : memref<4096xf32, #tpu.memory_space<vmem>> -> memref<128xf32, #tpu.memory_space<vmem>>
      %dma_start3A_111 = arith.constant 0 : i32
      %dma_start3A_112 = tpu.memref_slice %arg17[%add3A_91, %dma_start3A_111] : memref<32x128xi32, #tpu.memory_space<vmem>> -> memref<1x128xi32, #tpu.memory_space<vmem>>
      %dma_start3A_113 = tpu.memref_squeeze %dma_start3A_112 : memref<1x128xi32, #tpu.memory_space<vmem>> -> memref<128xi32, #tpu.memory_space<vmem>>
      %dma_start3A_114 = arith.constant 0 : i32
      %dma_start3A_115 = tpu.memref_slice %arg5[%dma_start3A_114] : memref<131072xf32, #tpu.memory_space<hbm>> -> memref<131072xf32, #tpu.memory_space<hbm>>
      tpu.enqueue_indirect_dma source(%dma_start3A_115 : memref<131072xf32, #tpu.memory_space<hbm>>) target(%dma_start3A_110 : memref<128xf32, #tpu.memory_space<vmem>>) offsets(%dma_start3A_113 : memref<128xi32, #tpu.memory_space<vmem>>) semaphore(%arg26 : memref<!tpu.dma_semaphore, #tpu.memory_space<semaphore_mem>>)
      %mul3A_116 = arith.constant 128 : i32
      %mul3A_117 = arith.muli %add3A_91, %mul3A_116 : i32
      %dma_start3A_118 = tpu.memref_slice %arg23[%mul3A_117] : memref<4096xf32, #tpu.memory_space<vmem>> -> memref<128xf32, #tpu.memory_space<vmem>>
      %dma_start3A_119 = arith.constant 0 : i32
      %dma_start3A_120 = tpu.memref_slice %arg16[%add3A_91, %dma_start3A_119] : memref<32x128xi32, #tpu.memory_space<vmem>> -> memref<1x128xi32, #tpu.memory_space<vmem>>
      %dma_start3A_121 = tpu.memref_squeeze %dma_start3A_120 : memref<1x128xi32, #tpu.memory_space<vmem>> -> memref<128xi32, #tpu.memory_space<vmem>>
      %dma_start3A_122 = arith.constant 0 : i32
      %dma_start3A_123 = tpu.memref_slice %arg9[%dma_start3A_122] : memref<4224xf32, #tpu.memory_space<hbm>> -> memref<4224xf32, #tpu.memory_space<hbm>>
      tpu.enqueue_indirect_dma source(%dma_start3A_123 : memref<4224xf32, #tpu.memory_space<hbm>>) target(%dma_start3A_118 : memref<128xf32, #tpu.memory_space<vmem>>) offsets(%dma_start3A_121 : memref<128xi32, #tpu.memory_space<vmem>>) semaphore(%arg26 : memref<!tpu.dma_semaphore, #tpu.memory_space<semaphore_mem>>)
      %mul3A_124 = arith.constant 128 : i32
      %mul3A_125 = arith.muli %add3A_91, %mul3A_124 : i32
      %dma_start3A_126 = tpu.memref_slice %arg20[%mul3A_125] : memref<4096xf32, #tpu.memory_space<vmem>> -> memref<128xf32, #tpu.memory_space<vmem>>
      %dma_start3A_127 = arith.constant 0 : i32
      %dma_start3A_128 = tpu.memref_slice %arg17[%add3A_91, %dma_start3A_127] : memref<32x128xi32, #tpu.memory_space<vmem>> -> memref<1x128xi32, #tpu.memory_space<vmem>>
      %dma_start3A_129 = tpu.memref_squeeze %dma_start3A_128 : memref<1x128xi32, #tpu.memory_space<vmem>> -> memref<128xi32, #tpu.memory_space<vmem>>
      %dma_start3A_130 = arith.constant 0 : i32
      %dma_start3A_131 = tpu.memref_slice %arg6[%dma_start3A_130] : memref<131072xf32, #tpu.memory_space<hbm>> -> memref<131072xf32, #tpu.memory_space<hbm>>
      tpu.enqueue_indirect_dma source(%dma_start3A_131 : memref<131072xf32, #tpu.memory_space<hbm>>) target(%dma_start3A_126 : memref<128xf32, #tpu.memory_space<vmem>>) offsets(%dma_start3A_129 : memref<128xi32, #tpu.memory_space<vmem>>) semaphore(%arg26 : memref<!tpu.dma_semaphore, #tpu.memory_space<semaphore_mem>>)
      %mul3A_132 = arith.constant 128 : i32
      %mul3A_133 = arith.muli %add3A_91, %mul3A_132 : i32
      %dma_start3A_134 = tpu.memref_slice %arg24[%mul3A_133] : memref<4096xf32, #tpu.memory_space<vmem>> -> memref<128xf32, #tpu.memory_space<vmem>>
      %dma_start3A_135 = arith.constant 0 : i32
      %dma_start3A_136 = tpu.memref_slice %arg16[%add3A_91, %dma_start3A_135] : memref<32x128xi32, #tpu.memory_space<vmem>> -> memref<1x128xi32, #tpu.memory_space<vmem>>
      %dma_start3A_137 = tpu.memref_squeeze %dma_start3A_136 : memref<1x128xi32, #tpu.memory_space<vmem>> -> memref<128xi32, #tpu.memory_space<vmem>>
      %dma_start3A_138 = arith.constant 0 : i32
      %dma_start3A_139 = tpu.memref_slice %arg10[%dma_start3A_138] : memref<4224xf32, #tpu.memory_space<hbm>> -> memref<4224xf32, #tpu.memory_space<hbm>>
      tpu.enqueue_indirect_dma source(%dma_start3A_139 : memref<4224xf32, #tpu.memory_space<hbm>>) target(%dma_start3A_134 : memref<128xf32, #tpu.memory_space<vmem>>) offsets(%dma_start3A_137 : memref<128xi32, #tpu.memory_space<vmem>>) semaphore(%arg26 : memref<!tpu.dma_semaphore, #tpu.memory_space<semaphore_mem>>)
      %mul3A_140 = arith.constant 128 : i32
      %mul3A_141 = arith.muli %add3A_91, %mul3A_140 : i32
      %dma_start3A_142 = tpu.memref_slice %arg21[%mul3A_141] : memref<4096xf32, #tpu.memory_space<vmem>> -> memref<128xf32, #tpu.memory_space<vmem>>
      %dma_start3A_143 = arith.constant 0 : i32
      %dma_start3A_144 = tpu.memref_slice %arg17[%add3A_91, %dma_start3A_143] : memref<32x128xi32, #tpu.memory_space<vmem>> -> memref<1x128xi32, #tpu.memory_space<vmem>>
      %dma_start3A_145 = tpu.memref_squeeze %dma_start3A_144 : memref<1x128xi32, #tpu.memory_space<vmem>> -> memref<128xi32, #tpu.memory_space<vmem>>
      %dma_start3A_146 = arith.constant 0 : i32
      %dma_start3A_147 = tpu.memref_slice %arg7[%dma_start3A_146] : memref<131072xf32, #tpu.memory_space<hbm>> -> memref<131072xf32, #tpu.memory_space<hbm>>
      tpu.enqueue_indirect_dma source(%dma_start3A_147 : memref<131072xf32, #tpu.memory_space<hbm>>) target(%dma_start3A_142 : memref<128xf32, #tpu.memory_space<vmem>>) offsets(%dma_start3A_145 : memref<128xi32, #tpu.memory_space<vmem>>) semaphore(%arg26 : memref<!tpu.dma_semaphore, #tpu.memory_space<semaphore_mem>>)
      %mul3A_148 = arith.constant 128 : i32
      %mul3A_149 = arith.muli %add3A_91, %mul3A_148 : i32
      %dma_start3A_150 = tpu.memref_slice %arg25[%mul3A_149] : memref<4096xf32, #tpu.memory_space<vmem>> -> memref<128xf32, #tpu.memory_space<vmem>>
      %dma_start3A_151 = arith.constant 0 : i32
      %dma_start3A_152 = tpu.memref_slice %arg16[%add3A_91, %dma_start3A_151] : memref<32x128xi32, #tpu.memory_space<vmem>> -> memref<1x128xi32, #tpu.memory_space<vmem>>
      %dma_start3A_153 = tpu.memref_squeeze %dma_start3A_152 : memref<1x128xi32, #tpu.memory_space<vmem>> -> memref<128xi32, #tpu.memory_space<vmem>>
      %dma_start3A_154 = arith.constant 0 : i32
      %dma_start3A_155 = tpu.memref_slice %arg11[%dma_start3A_154] : memref<4224xf32, #tpu.memory_space<hbm>> -> memref<4224xf32, #tpu.memory_space<hbm>>
      tpu.enqueue_indirect_dma source(%dma_start3A_155 : memref<4224xf32, #tpu.memory_space<hbm>>) target(%dma_start3A_150 : memref<128xf32, #tpu.memory_space<vmem>>) offsets(%dma_start3A_153 : memref<128xi32, #tpu.memory_space<vmem>>) semaphore(%arg26 : memref<!tpu.dma_semaphore, #tpu.memory_space<semaphore_mem>>)
      %dma_wait3A = tpu.memref_slice %arg18[%mul3A_26] : memref<4096xf32, #tpu.memory_space<vmem>> -> memref<128xf32, #tpu.memory_space<vmem>>
      %dma_wait3A_156 = arith.constant 0 : i32
      %dma_wait3A_157 = tpu.memref_slice %arg17[%add3A_24, %dma_wait3A_156] : memref<32x128xi32, #tpu.memory_space<vmem>> -> memref<1x128xi32, #tpu.memory_space<vmem>>
      %dma_wait3A_158 = tpu.memref_squeeze %dma_wait3A_157 : memref<1x128xi32, #tpu.memory_space<vmem>> -> memref<128xi32, #tpu.memory_space<vmem>>
      %dma_wait3A_159 = arith.constant 0 : i32
      %dma_wait3A_160 = tpu.memref_slice %arg4[%dma_wait3A_159] : memref<131072xf32, #tpu.memory_space<hbm>> -> memref<131072xf32, #tpu.memory_space<hbm>>
      tpu.wait_indirect_dma semaphore(%arg26 : memref<!tpu.dma_semaphore, #tpu.memory_space<semaphore_mem>>) src(%dma_wait3A_160 : memref<131072xf32, #tpu.memory_space<hbm>>) dst(%dma_wait3A : memref<128xf32, #tpu.memory_space<vmem>>)
      %dma_wait3A_161 = tpu.memref_slice %arg22[%mul3A_33] : memref<4096xf32, #tpu.memory_space<vmem>> -> memref<128xf32, #tpu.memory_space<vmem>>
      %dma_wait3A_162 = arith.constant 0 : i32
      %dma_wait3A_163 = tpu.memref_slice %arg16[%add3A_24, %dma_wait3A_162] : memref<32x128xi32, #tpu.memory_space<vmem>> -> memref<1x128xi32, #tpu.memory_space<vmem>>
      %dma_wait3A_164 = tpu.memref_squeeze %dma_wait3A_163 : memref<1x128xi32, #tpu.memory_space<vmem>> -> memref<128xi32, #tpu.memory_space<vmem>>
      %dma_wait3A_165 = arith.constant 0 : i32
      %dma_wait3A_166 = tpu.memref_slice %arg8[%dma_wait3A_165] : memref<4224xf32, #tpu.memory_space<hbm>> -> memref<4224xf32, #tpu.memory_space<hbm>>
      tpu.wait_indirect_dma semaphore(%arg26 : memref<!tpu.dma_semaphore, #tpu.memory_space<semaphore_mem>>) src(%dma_wait3A_166 : memref<4224xf32, #tpu.memory_space<hbm>>) dst(%dma_wait3A_161 : memref<128xf32, #tpu.memory_space<vmem>>)
      %dma_wait3A_167 = tpu.memref_slice %arg19[%mul3A_41] : memref<4096xf32, #tpu.memory_space<vmem>> -> memref<128xf32, #tpu.memory_space<vmem>>
      %dma_wait3A_168 = arith.constant 0 : i32
      %dma_wait3A_169 = tpu.memref_slice %arg17[%add3A_24, %dma_wait3A_168] : memref<32x128xi32, #tpu.memory_space<vmem>> -> memref<1x128xi32, #tpu.memory_space<vmem>>
      %dma_wait3A_170 = tpu.memref_squeeze %dma_wait3A_169 : memref<1x128xi32, #tpu.memory_space<vmem>> -> memref<128xi32, #tpu.memory_space<vmem>>
      %dma_wait3A_171 = arith.constant 0 : i32
      %dma_wait3A_172 = tpu.memref_slice %arg5[%dma_wait3A_171] : memref<131072xf32, #tpu.memory_space<hbm>> -> memref<131072xf32, #tpu.memory_space<hbm>>
      tpu.wait_indirect_dma semaphore(%arg26 : memref<!tpu.dma_semaphore, #tpu.memory_space<semaphore_mem>>) src(%dma_wait3A_172 : memref<131072xf32, #tpu.memory_space<hbm>>) dst(%dma_wait3A_167 : memref<128xf32, #tpu.memory_space<vmem>>)
      %dma_wait3A_173 = tpu.memref_slice %arg23[%mul3A_49] : memref<4096xf32, #tpu.memory_space<vmem>> -> memref<128xf32, #tpu.memory_space<vmem>>
      %dma_wait3A_174 = arith.constant 0 : i32
      %dma_wait3A_175 = tpu.memref_slice %arg16[%add3A_24, %dma_wait3A_174] : memref<32x128xi32, #tpu.memory_space<vmem>> -> memref<1x128xi32, #tpu.memory_space<vmem>>
      %dma_wait3A_176 = tpu.memref_squeeze %dma_wait3A_175 : memref<1x128xi32, #tpu.memory_space<vmem>> -> memref<128xi32, #tpu.memory_space<vmem>>
      %dma_wait3A_177 = arith.constant 0 : i32
      %dma_wait3A_178 = tpu.memref_slice %arg9[%dma_wait3A_177] : memref<4224xf32, #tpu.memory_space<hbm>> -> memref<4224xf32, #tpu.memory_space<hbm>>
      tpu.wait_indirect_dma semaphore(%arg26 : memref<!tpu.dma_semaphore, #tpu.memory_space<semaphore_mem>>) src(%dma_wait3A_178 : memref<4224xf32, #tpu.memory_space<hbm>>) dst(%dma_wait3A_173 : memref<128xf32, #tpu.memory_space<vmem>>)
      %dma_wait3A_179 = tpu.memref_slice %arg20[%mul3A_57] : memref<4096xf32, #tpu.memory_space<vmem>> -> memref<128xf32, #tpu.memory_space<vmem>>
      %dma_wait3A_180 = arith.constant 0 : i32
      %dma_wait3A_181 = tpu.memref_slice %arg17[%add3A_24, %dma_wait3A_180] : memref<32x128xi32, #tpu.memory_space<vmem>> -> memref<1x128xi32, #tpu.memory_space<vmem>>
      %dma_wait3A_182 = tpu.memref_squeeze %dma_wait3A_181 : memref<1x128xi32, #tpu.memory_space<vmem>> -> memref<128xi32, #tpu.memory_space<vmem>>
      %dma_wait3A_183 = arith.constant 0 : i32
      %dma_wait3A_184 = tpu.memref_slice %arg6[%dma_wait3A_183] : memref<131072xf32, #tpu.memory_space<hbm>> -> memref<131072xf32, #tpu.memory_space<hbm>>
      tpu.wait_indirect_dma semaphore(%arg26 : memref<!tpu.dma_semaphore, #tpu.memory_space<semaphore_mem>>) src(%dma_wait3A_184 : memref<131072xf32, #tpu.memory_space<hbm>>) dst(%dma_wait3A_179 : memref<128xf32, #tpu.memory_space<vmem>>)
      %dma_wait3A_185 = tpu.memref_slice %arg24[%mul3A_65] : memref<4096xf32, #tpu.memory_space<vmem>> -> memref<128xf32, #tpu.memory_space<vmem>>
      %dma_wait3A_186 = arith.constant 0 : i32
      %dma_wait3A_187 = tpu.memref_slice %arg16[%add3A_24, %dma_wait3A_186] : memref<32x128xi32, #tpu.memory_space<vmem>> -> memref<1x128xi32, #tpu.memory_space<vmem>>
      %dma_wait3A_188 = tpu.memref_squeeze %dma_wait3A_187 : memref<1x128xi32, #tpu.memory_space<vmem>> -> memref<128xi32, #tpu.memory_space<vmem>>
      %dma_wait3A_189 = arith.constant 0 : i32
      %dma_wait3A_190 = tpu.memref_slice %arg10[%dma_wait3A_189] : memref<4224xf32, #tpu.memory_space<hbm>> -> memref<4224xf32, #tpu.memory_space<hbm>>
      tpu.wait_indirect_dma semaphore(%arg26 : memref<!tpu.dma_semaphore, #tpu.memory_space<semaphore_mem>>) src(%dma_wait3A_190 : memref<4224xf32, #tpu.memory_space<hbm>>) dst(%dma_wait3A_185 : memref<128xf32, #tpu.memory_space<vmem>>)
      %dma_wait3A_191 = tpu.memref_slice %arg21[%mul3A_73] : memref<4096xf32, #tpu.memory_space<vmem>> -> memref<128xf32, #tpu.memory_space<vmem>>
      %dma_wait3A_192 = arith.constant 0 : i32
      %dma_wait3A_193 = tpu.memref_slice %arg17[%add3A_24, %dma_wait3A_192] : memref<32x128xi32, #tpu.memory_space<vmem>> -> memref<1x128xi32, #tpu.memory_space<vmem>>
      %dma_wait3A_194 = tpu.memref_squeeze %dma_wait3A_193 : memref<1x128xi32, #tpu.memory_space<vmem>> -> memref<128xi32, #tpu.memory_space<vmem>>
      %dma_wait3A_195 = arith.constant 0 : i32
      %dma_wait3A_196 = tpu.memref_slice %arg7[%dma_wait3A_195] : memref<131072xf32, #tpu.memory_space<hbm>> -> memref<131072xf32, #tpu.memory_space<hbm>>
      tpu.wait_indirect_dma semaphore(%arg26 : memref<!tpu.dma_semaphore, #tpu.memory_space<semaphore_mem>>) src(%dma_wait3A_196 : memref<131072xf32, #tpu.memory_space<hbm>>) dst(%dma_wait3A_191 : memref<128xf32, #tpu.memory_space<vmem>>)
      %dma_wait3A_197 = tpu.memref_slice %arg25[%mul3A_81] : memref<4096xf32, #tpu.memory_space<vmem>> -> memref<128xf32, #tpu.memory_space<vmem>>
      %dma_wait3A_198 = arith.constant 0 : i32
      %dma_wait3A_199 = tpu.memref_slice %arg16[%add3A_24, %dma_wait3A_198] : memref<32x128xi32, #tpu.memory_space<vmem>> -> memref<1x128xi32, #tpu.memory_space<vmem>>
      %dma_wait3A_200 = tpu.memref_squeeze %dma_wait3A_199 : memref<1x128xi32, #tpu.memory_space<vmem>> -> memref<128xi32, #tpu.memory_space<vmem>>
      %dma_wait3A_201 = arith.constant 0 : i32
      %dma_wait3A_202 = tpu.memref_slice %arg11[%dma_wait3A_201] : memref<4224xf32, #tpu.memory_space<hbm>> -> memref<4224xf32, #tpu.memory_space<hbm>>
      tpu.wait_indirect_dma semaphore(%arg26 : memref<!tpu.dma_semaphore, #tpu.memory_space<semaphore_mem>>) src(%dma_wait3A_202 : memref<4224xf32, #tpu.memory_space<hbm>>) dst(%dma_wait3A_197 : memref<128xf32, #tpu.memory_space<vmem>>)
      %dma_wait3A_203 = tpu.memref_slice %arg18[%mul3A_93] : memref<4096xf32, #tpu.memory_space<vmem>> -> memref<128xf32, #tpu.memory_space<vmem>>
      %dma_wait3A_204 = arith.constant 0 : i32
      %dma_wait3A_205 = tpu.memref_slice %arg17[%add3A_91, %dma_wait3A_204] : memref<32x128xi32, #tpu.memory_space<vmem>> -> memref<1x128xi32, #tpu.memory_space<vmem>>
      %dma_wait3A_206 = tpu.memref_squeeze %dma_wait3A_205 : memref<1x128xi32, #tpu.memory_space<vmem>> -> memref<128xi32, #tpu.memory_space<vmem>>
      %dma_wait3A_207 = arith.constant 0 : i32
      %dma_wait3A_208 = tpu.memref_slice %arg4[%dma_wait3A_207] : memref<131072xf32, #tpu.memory_space<hbm>> -> memref<131072xf32, #tpu.memory_space<hbm>>
      tpu.wait_indirect_dma semaphore(%arg26 : memref<!tpu.dma_semaphore, #tpu.memory_space<semaphore_mem>>) src(%dma_wait3A_208 : memref<131072xf32, #tpu.memory_space<hbm>>) dst(%dma_wait3A_203 : memref<128xf32, #tpu.memory_space<vmem>>)
      %dma_wait3A_209 = tpu.memref_slice %arg22[%mul3A_101] : memref<4096xf32, #tpu.memory_space<vmem>> -> memref<128xf32, #tpu.memory_space<vmem>>
      %dma_wait3A_210 = arith.constant 0 : i32
      %dma_wait3A_211 = tpu.memref_slice %arg16[%add3A_91, %dma_wait3A_210] : memref<32x128xi32, #tpu.memory_space<vmem>> -> memref<1x128xi32, #tpu.memory_space<vmem>>
      %dma_wait3A_212 = tpu.memref_squeeze %dma_wait3A_211 : memref<1x128xi32, #tpu.memory_space<vmem>> -> memref<128xi32, #tpu.memory_space<vmem>>
      %dma_wait3A_213 = arith.constant 0 : i32
      %dma_wait3A_214 = tpu.memref_slice %arg8[%dma_wait3A_213] : memref<4224xf32, #tpu.memory_space<hbm>> -> memref<4224xf32, #tpu.memory_space<hbm>>
      tpu.wait_indirect_dma semaphore(%arg26 : memref<!tpu.dma_semaphore, #tpu.memory_space<semaphore_mem>>) src(%dma_wait3A_214 : memref<4224xf32, #tpu.memory_space<hbm>>) dst(%dma_wait3A_209 : memref<128xf32, #tpu.memory_space<vmem>>)
      %dma_wait3A_215 = tpu.memref_slice %arg19[%mul3A_109] : memref<4096xf32, #tpu.memory_space<vmem>> -> memref<128xf32, #tpu.memory_space<vmem>>
      %dma_wait3A_216 = arith.constant 0 : i32
      %dma_wait3A_217 = tpu.memref_slice %arg17[%add3A_91, %dma_wait3A_216] : memref<32x128xi32, #tpu.memory_space<vmem>> -> memref<1x128xi32, #tpu.memory_space<vmem>>
      %dma_wait3A_218 = tpu.memref_squeeze %dma_wait3A_217 : memref<1x128xi32, #tpu.memory_space<vmem>> -> memref<128xi32, #tpu.memory_space<vmem>>
      %dma_wait3A_219 = arith.constant 0 : i32
      %dma_wait3A_220 = tpu.memref_slice %arg5[%dma_wait3A_219] : memref<131072xf32, #tpu.memory_space<hbm>> -> memref<131072xf32, #tpu.memory_space<hbm>>
      tpu.wait_indirect_dma semaphore(%arg26 : memref<!tpu.dma_semaphore, #tpu.memory_space<semaphore_mem>>) src(%dma_wait3A_220 : memref<131072xf32, #tpu.memory_space<hbm>>) dst(%dma_wait3A_215 : memref<128xf32, #tpu.memory_space<vmem>>)
      %dma_wait3A_221 = tpu.memref_slice %arg23[%mul3A_117] : memref<4096xf32, #tpu.memory_space<vmem>> -> memref<128xf32, #tpu.memory_space<vmem>>
      %dma_wait3A_222 = arith.constant 0 : i32
      %dma_wait3A_223 = tpu.memref_slice %arg16[%add3A_91, %dma_wait3A_222] : memref<32x128xi32, #tpu.memory_space<vmem>> -> memref<1x128xi32, #tpu.memory_space<vmem>>
      %dma_wait3A_224 = tpu.memref_squeeze %dma_wait3A_223 : memref<1x128xi32, #tpu.memory_space<vmem>> -> memref<128xi32, #tpu.memory_space<vmem>>
      %dma_wait3A_225 = arith.constant 0 : i32
      %dma_wait3A_226 = tpu.memref_slice %arg9[%dma_wait3A_225] : memref<4224xf32, #tpu.memory_space<hbm>> -> memref<4224xf32, #tpu.memory_space<hbm>>
      tpu.wait_indirect_dma semaphore(%arg26 : memref<!tpu.dma_semaphore, #tpu.memory_space<semaphore_mem>>) src(%dma_wait3A_226 : memref<4224xf32, #tpu.memory_space<hbm>>) dst(%dma_wait3A_221 : memref<128xf32, #tpu.memory_space<vmem>>)
      %dma_wait3A_227 = tpu.memref_slice %arg20[%mul3A_125] : memref<4096xf32, #tpu.memory_space<vmem>> -> memref<128xf32, #tpu.memory_space<vmem>>
      %dma_wait3A_228 = arith.constant 0 : i32
      %dma_wait3A_229 = tpu.memref_slice %arg17[%add3A_91, %dma_wait3A_228] : memref<32x128xi32, #tpu.memory_space<vmem>> -> memref<1x128xi32, #tpu.memory_space<vmem>>
      %dma_wait3A_230 = tpu.memref_squeeze %dma_wait3A_229 : memref<1x128xi32, #tpu.memory_space<vmem>> -> memref<128xi32, #tpu.memory_space<vmem>>
      %dma_wait3A_231 = arith.constant 0 : i32
      %dma_wait3A_232 = tpu.memref_slice %arg6[%dma_wait3A_231] : memref<131072xf32, #tpu.memory_space<hbm>> -> memref<131072xf32, #tpu.memory_space<hbm>>
      tpu.wait_indirect_dma semaphore(%arg26 : memref<!tpu.dma_semaphore, #tpu.memory_space<semaphore_mem>>) src(%dma_wait3A_232 : memref<131072xf32, #tpu.memory_space<hbm>>) dst(%dma_wait3A_227 : memref<128xf32, #tpu.memory_space<vmem>>)
      %dma_wait3A_233 = tpu.memref_slice %arg24[%mul3A_133] : memref<4096xf32, #tpu.memory_space<vmem>> -> memref<128xf32, #tpu.memory_space<vmem>>
      %dma_wait3A_234 = arith.constant 0 : i32
      %dma_wait3A_235 = tpu.memref_slice %arg16[%add3A_91, %dma_wait3A_234] : memref<32x128xi32, #tpu.memory_space<vmem>> -> memref<1x128xi32, #tpu.memory_space<vmem>>
      %dma_wait3A_236 = tpu.memref_squeeze %dma_wait3A_235 : memref<1x128xi32, #tpu.memory_space<vmem>> -> memref<128xi32, #tpu.memory_space<vmem>>
      %dma_wait3A_237 = arith.constant 0 : i32
      %dma_wait3A_238 = tpu.memref_slice %arg10[%dma_wait3A_237] : memref<4224xf32, #tpu.memory_space<hbm>> -> memref<4224xf32, #tpu.memory_space<hbm>>
      tpu.wait_indirect_dma semaphore(%arg26 : memref<!tpu.dma_semaphore, #tpu.memory_space<semaphore_mem>>) src(%dma_wait3A_238 : memref<4224xf32, #tpu.memory_space<hbm>>) dst(%dma_wait3A_233 : memref<128xf32, #tpu.memory_space<vmem>>)
      %dma_wait3A_239 = tpu.memref_slice %arg21[%mul3A_141] : memref<4096xf32, #tpu.memory_space<vmem>> -> memref<128xf32, #tpu.memory_space<vmem>>
      %dma_wait3A_240 = arith.constant 0 : i32
      %dma_wait3A_241 = tpu.memref_slice %arg17[%add3A_91, %dma_wait3A_240] : memref<32x128xi32, #tpu.memory_space<vmem>> -> memref<1x128xi32, #tpu.memory_space<vmem>>
      %dma_wait3A_242 = tpu.memref_squeeze %dma_wait3A_241 : memref<1x128xi32, #tpu.memory_space<vmem>> -> memref<128xi32, #tpu.memory_space<vmem>>
      %dma_wait3A_243 = arith.constant 0 : i32
      %dma_wait3A_244 = tpu.memref_slice %arg7[%dma_wait3A_243] : memref<131072xf32, #tpu.memory_space<hbm>> -> memref<131072xf32, #tpu.memory_space<hbm>>
      tpu.wait_indirect_dma semaphore(%arg26 : memref<!tpu.dma_semaphore, #tpu.memory_space<semaphore_mem>>) src(%dma_wait3A_244 : memref<131072xf32, #tpu.memory_space<hbm>>) dst(%dma_wait3A_239 : memref<128xf32, #tpu.memory_space<vmem>>)
      %dma_wait3A_245 = tpu.memref_slice %arg25[%mul3A_149] : memref<4096xf32, #tpu.memory_space<vmem>> -> memref<128xf32, #tpu.memory_space<vmem>>
      %dma_wait3A_246 = arith.constant 0 : i32
      %dma_wait3A_247 = tpu.memref_slice %arg16[%add3A_91, %dma_wait3A_246] : memref<32x128xi32, #tpu.memory_space<vmem>> -> memref<1x128xi32, #tpu.memory_space<vmem>>
      %dma_wait3A_248 = tpu.memref_squeeze %dma_wait3A_247 : memref<1x128xi32, #tpu.memory_space<vmem>> -> memref<128xi32, #tpu.memory_space<vmem>>
      %dma_wait3A_249 = arith.constant 0 : i32
      %dma_wait3A_250 = tpu.memref_slice %arg11[%dma_wait3A_249] : memref<4224xf32, #tpu.memory_space<hbm>> -> memref<4224xf32, #tpu.memory_space<hbm>>
      tpu.wait_indirect_dma semaphore(%arg26 : memref<!tpu.dma_semaphore, #tpu.memory_space<semaphore_mem>>) src(%dma_wait3A_250 : memref<4224xf32, #tpu.memory_space<hbm>>) dst(%dma_wait3A_245 : memref<128xf32, #tpu.memory_space<vmem>>)
    }
    %scan3A_10 = arith.constant 16 : i32
    %scan3A_11 = arith.constant 0 : i32
    %scan3A_12 = arith.constant 256 : i32
    %scan3A_13 = arith.addi %scan3A_11, %scan3A_12 : i32
    %scan3A_14 = arith.constant 1 : i32
    scf.for %scan3A_16 = %scan3A_11 to %scan3A_13 step %scan3A_14  : i32 {
      %mul3A_17 = arith.constant 1 : i32
      %mul3A_18 = arith.muli %scan3A_16, %mul3A_17 : i32
      %add3A_19 = arith.constant 0 : i32
      %add3A_20 = arith.addi %add3A_19, %mul3A_18 : i32
      %mul3A_21 = arith.constant 16 : i32
      %mul3A_22 = arith.muli %add3A_20, %mul3A_21 : i32
      %get3A = arith.index_cast %mul3A_22 : i32 to index
      %get3A_23 = tpu.vector_load %arg18[%get3A] {strides = array<i32>} : memref<4096xf32, #tpu.memory_space<vmem>>, vector<16xf32>,
      %get3A_24 = vector.shape_cast %get3A_23 : vector<16xf32> to vector<16xf32>
      %mul3A_25 = arith.constant 16 : i32
      %mul3A_26 = arith.muli %add3A_20, %mul3A_25 : i32
      %get3A_27 = arith.index_cast %mul3A_26 : i32 to index
      %get3A_28 = tpu.vector_load %arg22[%get3A_27] {strides = array<i32>} : memref<4096xf32, #tpu.memory_space<vmem>>, vector<16xf32>,
      %get3A_29 = vector.shape_cast %get3A_28 : vector<16xf32> to vector<16xf32>
      %mul3A_30 = arith.mulf %get3A_24, %get3A_29 : vector<16xf32>
      %mul3A_31 = arith.constant 16 : i32
      %mul3A_32 = arith.muli %add3A_20, %mul3A_31 : i32
      %swap3A = arith.index_cast %mul3A_32 : i32 to index
      %swap3A_33 = tpu.vector_load %arg18[%swap3A] {strides = array<i32>} : memref<4096xf32, #tpu.memory_space<vmem>>, vector<16xf32>,
      %swap3A_34 = vector.shape_cast %swap3A_33 : vector<16xf32> to vector<16xf32>
      %swap3A_35 = vector.shape_cast %mul3A_30 : vector<16xf32> to vector<16xf32>
      tpu.vector_store %arg18[%swap3A], %swap3A_35 {strides = array<i32>} : memref<4096xf32, #tpu.memory_space<vmem>>, vector<16xf32>,
      %mul3A_36 = arith.constant 16 : i32
      %mul3A_37 = arith.muli %add3A_20, %mul3A_36 : i32
      %get3A_38 = arith.index_cast %mul3A_37 : i32 to index
      %get3A_39 = tpu.vector_load %arg19[%get3A_38] {strides = array<i32>} : memref<4096xf32, #tpu.memory_space<vmem>>, vector<16xf32>,
      %get3A_40 = vector.shape_cast %get3A_39 : vector<16xf32> to vector<16xf32>
      %mul3A_41 = arith.constant 16 : i32
      %mul3A_42 = arith.muli %add3A_20, %mul3A_41 : i32
      %get3A_43 = arith.index_cast %mul3A_42 : i32 to index
      %get3A_44 = tpu.vector_load %arg23[%get3A_43] {strides = array<i32>} : memref<4096xf32, #tpu.memory_space<vmem>>, vector<16xf32>,
      %get3A_45 = vector.shape_cast %get3A_44 : vector<16xf32> to vector<16xf32>
      %mul3A_46 = arith.mulf %get3A_40, %get3A_45 : vector<16xf32>
      %mul3A_47 = arith.constant 16 : i32
      %mul3A_48 = arith.muli %add3A_20, %mul3A_47 : i32
      %swap3A_49 = arith.index_cast %mul3A_48 : i32 to index
      %swap3A_50 = tpu.vector_load %arg19[%swap3A_49] {strides = array<i32>} : memref<4096xf32, #tpu.memory_space<vmem>>, vector<16xf32>,
      %swap3A_51 = vector.shape_cast %swap3A_50 : vector<16xf32> to vector<16xf32>
      %swap3A_52 = vector.shape_cast %mul3A_46 : vector<16xf32> to vector<16xf32>
      tpu.vector_store %arg19[%swap3A_49], %swap3A_52 {strides = array<i32>} : memref<4096xf32, #tpu.memory_space<vmem>>, vector<16xf32>,
      %mul3A_53 = arith.constant 16 : i32
      %mul3A_54 = arith.muli %add3A_20, %mul3A_53 : i32
      %get3A_55 = arith.index_cast %mul3A_54 : i32 to index
      %get3A_56 = tpu.vector_load %arg20[%get3A_55] {strides = array<i32>} : memref<4096xf32, #tpu.memory_space<vmem>>, vector<16xf32>,
      %get3A_57 = vector.shape_cast %get3A_56 : vector<16xf32> to vector<16xf32>
      %mul3A_58 = arith.constant 16 : i32
      %mul3A_59 = arith.muli %add3A_20, %mul3A_58 : i32
      %get3A_60 = arith.index_cast %mul3A_59 : i32 to index
      %get3A_61 = tpu.vector_load %arg24[%get3A_60] {strides = array<i32>} : memref<4096xf32, #tpu.memory_space<vmem>>, vector<16xf32>,
      %get3A_62 = vector.shape_cast %get3A_61 : vector<16xf32> to vector<16xf32>
      %mul3A_63 = arith.mulf %get3A_57, %get3A_62 : vector<16xf32>
      %mul3A_64 = arith.constant 16 : i32
      %mul3A_65 = arith.muli %add3A_20, %mul3A_64 : i32
      %swap3A_66 = arith.index_cast %mul3A_65 : i32 to index
      %swap3A_67 = tpu.vector_load %arg20[%swap3A_66] {strides = array<i32>} : memref<4096xf32, #tpu.memory_space<vmem>>, vector<16xf32>,
      %swap3A_68 = vector.shape_cast %swap3A_67 : vector<16xf32> to vector<16xf32>
      %swap3A_69 = vector.shape_cast %mul3A_63 : vector<16xf32> to vector<16xf32>
      tpu.vector_store %arg20[%swap3A_66], %swap3A_69 {strides = array<i32>} : memref<4096xf32, #tpu.memory_space<vmem>>, vector<16xf32>,
      %mul3A_70 = arith.constant 16 : i32
      %mul3A_71 = arith.muli %add3A_20, %mul3A_70 : i32
      %get3A_72 = arith.index_cast %mul3A_71 : i32 to index
      %get3A_73 = tpu.vector_load %arg21[%get3A_72] {strides = array<i32>} : memref<4096xf32, #tpu.memory_space<vmem>>, vector<16xf32>,
      %get3A_74 = vector.shape_cast %get3A_73 : vector<16xf32> to vector<16xf32>
      %mul3A_75 = arith.constant 16 : i32
      %mul3A_76 = arith.muli %add3A_20, %mul3A_75 : i32
      %get3A_77 = arith.index_cast %mul3A_76 : i32 to index
      %get3A_78 = tpu.vector_load %arg25[%get3A_77] {strides = array<i32>} : memref<4096xf32, #tpu.memory_space<vmem>>, vector<16xf32>,
      %get3A_79 = vector.shape_cast %get3A_78 : vector<16xf32> to vector<16xf32>
      %mul3A_80 = arith.mulf %get3A_74, %get3A_79 : vector<16xf32>
      %mul3A_81 = arith.constant 16 : i32
      %mul3A_82 = arith.muli %add3A_20, %mul3A_81 : i32
      %swap3A_83 = arith.index_cast %mul3A_82 : i32 to index
      %swap3A_84 = tpu.vector_load %arg21[%swap3A_83] {strides = array<i32>} : memref<4096xf32, #tpu.memory_space<vmem>>, vector<16xf32>,
      %swap3A_85 = vector.shape_cast %swap3A_84 : vector<16xf32> to vector<16xf32>
      %swap3A_86 = vector.shape_cast %mul3A_80 : vector<16xf32> to vector<16xf32>
      tpu.vector_store %arg21[%swap3A_83], %swap3A_86 {strides = array<i32>} : memref<4096xf32, #tpu.memory_space<vmem>>, vector<16xf32>,
    }
    %scan3A_15 = arith.constant 256 : i32
    "tpu.region"() ({
      %run_scoped3A = tpu.sem_alloc : memref<!tpu.dma_semaphore, #tpu.memory_space<semaphore_mem>>
      %dma_start3A = tpu.memref_slice %arg12[%mul3A_2] : memref<131072xf32, #tpu.memory_space<hbm>> -> memref<4096xf32, #tpu.memory_space<hbm>>
      %dma_start3A_16 = tpu.memref_slice %arg12[%mul3A_2] : memref<131072xf32, #tpu.memory_space<hbm>> -> memref<4096xf32, #tpu.memory_space<hbm>>
      tpu.enqueue_dma source(%arg18 : memref<4096xf32, #tpu.memory_space<vmem>>) target(%dma_start3A_16 : memref<4096xf32, #tpu.memory_space<hbm>>) target_semaphore(%run_scoped3A : memref<!tpu.dma_semaphore, #tpu.memory_space<semaphore_mem>>)
      %dma_wait3A = tpu.memref_slice %arg12[%mul3A_2] : memref<131072xf32, #tpu.memory_space<hbm>> -> memref<4096xf32, #tpu.memory_space<hbm>>
      %dma_wait3A_17 = tpu.memref_slice %arg12[%mul3A_2] : memref<131072xf32, #tpu.memory_space<hbm>> -> memref<4096xf32, #tpu.memory_space<hbm>>
      tpu.wait_dma2 semaphore(%run_scoped3A : memref<!tpu.dma_semaphore, #tpu.memory_space<semaphore_mem>>) src(%arg18 : memref<4096xf32, #tpu.memory_space<vmem>>) dst(%dma_wait3A_17 : memref<4096xf32, #tpu.memory_space<hbm>>)
      tpu.yield
    }) : () -> ()
    "tpu.region"() ({
      %run_scoped3A = tpu.sem_alloc : memref<!tpu.dma_semaphore, #tpu.memory_space<semaphore_mem>>
      %dma_start3A = tpu.memref_slice %arg13[%mul3A_2] : memref<131072xf32, #tpu.memory_space<hbm>> -> memref<4096xf32, #tpu.memory_space<hbm>>
      %dma_start3A_16 = tpu.memref_slice %arg13[%mul3A_2] : memref<131072xf32, #tpu.memory_space<hbm>> -> memref<4096xf32, #tpu.memory_space<hbm>>
      tpu.enqueue_dma source(%arg19 : memref<4096xf32, #tpu.memory_space<vmem>>) target(%dma_start3A_16 : memref<4096xf32, #tpu.memory_space<hbm>>) target_semaphore(%run_scoped3A : memref<!tpu.dma_semaphore, #tpu.memory_space<semaphore_mem>>)
      %dma_wait3A = tpu.memref_slice %arg13[%mul3A_2] : memref<131072xf32, #tpu.memory_space<hbm>> -> memref<4096xf32, #tpu.memory_space<hbm>>
      %dma_wait3A_17 = tpu.memref_slice %arg13[%mul3A_2] : memref<131072xf32, #tpu.memory_space<hbm>> -> memref<4096xf32, #tpu.memory_space<hbm>>
      tpu.wait_dma2 semaphore(%run_scoped3A : memref<!tpu.dma_semaphore, #tpu.memory_space<semaphore_mem>>) src(%arg19 : memref<4096xf32, #tpu.memory_space<vmem>>) dst(%dma_wait3A_17 : memref<4096xf32, #tpu.memory_space<hbm>>)
      tpu.yield
    }) : () -> ()
    "tpu.region"() ({
      %run_scoped3A = tpu.sem_alloc : memref<!tpu.dma_semaphore, #tpu.memory_space<semaphore_mem>>
      %dma_start3A = tpu.memref_slice %arg14[%mul3A_2] : memref<131072xf32, #tpu.memory_space<hbm>> -> memref<4096xf32, #tpu.memory_space<hbm>>
      %dma_start3A_16 = tpu.memref_slice %arg14[%mul3A_2] : memref<131072xf32, #tpu.memory_space<hbm>> -> memref<4096xf32, #tpu.memory_space<hbm>>
      tpu.enqueue_dma source(%arg20 : memref<4096xf32, #tpu.memory_space<vmem>>) target(%dma_start3A_16 : memref<4096xf32, #tpu.memory_space<hbm>>) target_semaphore(%run_scoped3A : memref<!tpu.dma_semaphore, #tpu.memory_space<semaphore_mem>>)
      %dma_wait3A = tpu.memref_slice %arg14[%mul3A_2] : memref<131072xf32, #tpu.memory_space<hbm>> -> memref<4096xf32, #tpu.memory_space<hbm>>
      %dma_wait3A_17 = tpu.memref_slice %arg14[%mul3A_2] : memref<131072xf32, #tpu.memory_space<hbm>> -> memref<4096xf32, #tpu.memory_space<hbm>>
      tpu.wait_dma2 semaphore(%run_scoped3A : memref<!tpu.dma_semaphore, #tpu.memory_space<semaphore_mem>>) src(%arg20 : memref<4096xf32, #tpu.memory_space<vmem>>) dst(%dma_wait3A_17 : memref<4096xf32, #tpu.memory_space<hbm>>)
      tpu.yield
    }) : () -> ()
    "tpu.region"() ({
      %run_scoped3A = tpu.sem_alloc : memref<!tpu.dma_semaphore, #tpu.memory_space<semaphore_mem>>
      %dma_start3A = tpu.memref_slice %arg15[%mul3A_2] : memref<131072xf32, #tpu.memory_space<hbm>> -> memref<4096xf32, #tpu.memory_space<hbm>>
      %dma_start3A_16 = tpu.memref_slice %arg15[%mul3A_2] : memref<131072xf32, #tpu.memory_space<hbm>> -> memref<4096xf32, #tpu.memory_space<hbm>>
      tpu.enqueue_dma source(%arg21 : memref<4096xf32, #tpu.memory_space<vmem>>) target(%dma_start3A_16 : memref<4096xf32, #tpu.memory_space<hbm>>) target_semaphore(%run_scoped3A : memref<!tpu.dma_semaphore, #tpu.memory_space<semaphore_mem>>)
      %dma_wait3A = tpu.memref_slice %arg15[%mul3A_2] : memref<131072xf32, #tpu.memory_space<hbm>> -> memref<4096xf32, #tpu.memory_space<hbm>>
      %dma_wait3A_17 = tpu.memref_slice %arg15[%mul3A_2] : memref<131072xf32, #tpu.memory_space<hbm>> -> memref<4096xf32, #tpu.memory_space<hbm>>
      tpu.wait_dma2 semaphore(%run_scoped3A : memref<!tpu.dma_semaphore, #tpu.memory_space<semaphore_mem>>) src(%arg21 : memref<4096xf32, #tpu.memory_space<vmem>>) dst(%dma_wait3A_17 : memref<4096xf32, #tpu.memory_space<hbm>>)
      tpu.yield
    }) : () -> ()
    return
  }
}

module attributes {stable_mosaic.version = 14 : i64} {
  func.func @_ew_body(%arg0: i32, %arg1: memref<2048x128xf32, #tpu.memory_space<vmem>>, %arg2: memref<2048x128xf32, #tpu.memory_space<vmem>>, %arg3: memref<2048x128xf32, #tpu.memory_space<vmem>>, %arg4: memref<256x4xf32, #tpu.memory_space<vmem>>, %arg5: memref<4xf32, #tpu.memory_space<vmem>>, %arg6: memref<2048xf32, #tpu.memory_space<vmem>>, %arg7: memref<2048xf32, #tpu.memory_space<vmem>>, %arg8: memref<2048xf32, #tpu.memory_space<vmem>>, %arg9: memref<2048xf32, #tpu.memory_space<vmem>>) attributes {dimension_semantics = [#tpu.dimension_semantics<arbitrary>], iteration_bounds = array<i64: 64>, scalar_prefetch = 0 : i64, scratch_operands = 0 : i64, tpu.core_type = #tpu.core_type<tc>, window_params = [{transform_indices = @transform_0, window_bounds = array<i64: 2048, 128>}, {transform_indices = @transform_1, window_bounds = array<i64: 2048, 128>}, {transform_indices = @transform_2, window_bounds = array<i64: 2048, 128>}, {pipeline_mode = #tpu.pipeline_mode<synchronous>, transform_indices = @transform_3, window_bounds = array<i64: 256, 4>}, {pipeline_mode = #tpu.pipeline_mode<synchronous>, transform_indices = @transform_4, window_bounds = array<i64: 4>}, {transform_indices = @transform_5, window_bounds = array<i64: 2048>}, {transform_indices = @transform_6, window_bounds = array<i64: 2048>}, {transform_indices = @transform_7, window_bounds = array<i64: 2048>}, {transform_indices = @transform_8, window_bounds = array<i64: 2048>}]} {
    %get3A = arith.constant 0 : index
    %get3A_0 = arith.constant 0 : index
    %get3A_1 = vector.load %arg2[%get3A, %get3A_0] : memref<2048x128xf32, #tpu.memory_space<vmem>>, vector<2048x128xf32>
    %get3A_2 = arith.constant 0 : index
    %get3A_3 = arith.constant 0 : index
    %get3A_4 = vector.load %arg3[%get3A_2, %get3A_3] : memref<2048x128xf32, #tpu.memory_space<vmem>>, vector<2048x128xf32>
    %add3A = arith.addf %get3A_1, %get3A_4 : vector<2048x128xf32>
    %get3A_5 = arith.constant 0 : index
    %get3A_6 = arith.constant 0 : index
    %get3A_7 = vector.load %arg4[%get3A_5, %get3A_6] : memref<256x4xf32, #tpu.memory_space<vmem>>, vector<128x4xf32>
    %get3A_8 = arith.constant 128 : index
    %get3A_9 = arith.constant 0 : index
    %get3A_10 = vector.load %arg4[%get3A_8, %get3A_9] : memref<256x4xf32, #tpu.memory_space<vmem>>, vector<128x4xf32>
    %dot_general3A = arith.constant dense<0.000000e+00> : vector<2048x4xf32>
    %dot_general3A_11 = tpu.matmul %add3A, %get3A_7, %dot_general3A {dimension_numbers = #tpu.dot_dimension_numbers<[1], [0], [0], [1], [0, 0, 1, 1], [], []>, transpose_lhs_hint = false} : vector<2048x128xf32>, vector<128x4xf32>, vector<2048x4xf32> -> vector<2048x4xf32>
    %get3A_12 = arith.constant 0 : index
    %get3A_13 = arith.constant 0 : index
    %get3A_14 = vector.load %arg1[%get3A_12, %get3A_13] : memref<2048x128xf32, #tpu.memory_space<vmem>>, vector<2048x128xf32>
    %dot_general3A_15 = arith.constant dense<0.000000e+00> : vector<2048x4xf32>
    %dot_general3A_16 = tpu.matmul %get3A_14, %get3A_10, %dot_general3A_15 {dimension_numbers = #tpu.dot_dimension_numbers<[1], [0], [0], [1], [0, 0, 1, 1], [], []>, transpose_lhs_hint = false} : vector<2048x128xf32>, vector<128x4xf32>, vector<2048x4xf32> -> vector<2048x4xf32>
    %add3A_17 = arith.addf %dot_general3A_11, %dot_general3A_16 : vector<2048x4xf32>
    %get3A_18 = arith.constant 0 : index
    %get3A_19 = vector.load %arg5[%get3A_18] : memref<4xf32, #tpu.memory_space<vmem>>, vector<4xf32>
    %broadcast_in_dim3A = vector.shape_cast %get3A_19 : vector<4xf32> to vector<1x4xf32>
    %add3A_20 = vector.broadcast %broadcast_in_dim3A : vector<1x4xf32> to vector<2048x4xf32>
    %add3A_21 = arith.addf %add3A_17, %add3A_20 : vector<2048x4xf32>
    %tanh3A = math.tanh %add3A_21 : vector<2048x4xf32>
    %exp3A = math.exp %tanh3A : vector<2048x4xf32>
    %slice3A = vector.extract_strided_slice %exp3A {offsets = [0, 0], sizes = [2048, 1], strides = [1, 1]} : vector<2048x4xf32> to vector<2048x1xf32>
    %squeeze3A = vector.shape_cast %slice3A : vector<2048x1xf32> to vector<2048xf32>
    %swap3A = arith.constant 0 : index
    %swap3A_22 = vector.load %arg6[%swap3A] : memref<2048xf32, #tpu.memory_space<vmem>>, vector<2048xf32>
    tpu.vector_store %arg6[%swap3A], %squeeze3A {strides = array<i32>} : memref<2048xf32, #tpu.memory_space<vmem>>, vector<2048xf32>,
    %slice3A_23 = vector.extract_strided_slice %exp3A {offsets = [0, 1], sizes = [2048, 1], strides = [1, 1]} : vector<2048x4xf32> to vector<2048x1xf32>
    %squeeze3A_24 = vector.shape_cast %slice3A_23 : vector<2048x1xf32> to vector<2048xf32>
    %swap3A_25 = arith.constant 0 : index
    %swap3A_26 = vector.load %arg7[%swap3A_25] : memref<2048xf32, #tpu.memory_space<vmem>>, vector<2048xf32>
    tpu.vector_store %arg7[%swap3A_25], %squeeze3A_24 {strides = array<i32>} : memref<2048xf32, #tpu.memory_space<vmem>>, vector<2048xf32>,
    %slice3A_27 = vector.extract_strided_slice %exp3A {offsets = [0, 2], sizes = [2048, 1], strides = [1, 1]} : vector<2048x4xf32> to vector<2048x1xf32>
    %squeeze3A_28 = vector.shape_cast %slice3A_27 : vector<2048x1xf32> to vector<2048xf32>
    %swap3A_29 = arith.constant 0 : index
    %swap3A_30 = vector.load %arg8[%swap3A_29] : memref<2048xf32, #tpu.memory_space<vmem>>, vector<2048xf32>
    tpu.vector_store %arg8[%swap3A_29], %squeeze3A_28 {strides = array<i32>} : memref<2048xf32, #tpu.memory_space<vmem>>, vector<2048xf32>,
    %slice3A_31 = vector.extract_strided_slice %exp3A {offsets = [0, 3], sizes = [2048, 1], strides = [1, 1]} : vector<2048x4xf32> to vector<2048x1xf32>
    %squeeze3A_32 = vector.shape_cast %slice3A_31 : vector<2048x1xf32> to vector<2048xf32>
    %swap3A_33 = arith.constant 0 : index
    %swap3A_34 = vector.load %arg9[%swap3A_33] : memref<2048xf32, #tpu.memory_space<vmem>>, vector<2048xf32>
    tpu.vector_store %arg9[%swap3A_33], %squeeze3A_32 {strides = array<i32>} : memref<2048xf32, #tpu.memory_space<vmem>>, vector<2048xf32>,
    return
  }
  func.func @transform_0(%arg0: i32) -> (i32, i32) {
    %c0_i32 = arith.constant 0 : i32
    %c0_i32_0 = arith.constant 0 : i32
    return %arg0, %c0_i32 : i32, i32
  }
  func.func @transform_1(%arg0: i32) -> (i32, i32) {
    %c0_i32 = arith.constant 0 : i32
    %c0_i32_0 = arith.constant 0 : i32
    return %arg0, %c0_i32 : i32, i32
  }
  func.func @transform_2(%arg0: i32) -> (i32, i32) {
    %c0_i32 = arith.constant 0 : i32
    %c0_i32_0 = arith.constant 0 : i32
    return %arg0, %c0_i32 : i32, i32
  }
  func.func @transform_3(%arg0: i32) -> (i32, i32) {
    %c0_i32 = arith.constant 0 : i32
    %c0_i32_0 = arith.constant 0 : i32
    %c0_i32_1 = arith.constant 0 : i32
    return %c0_i32, %c0_i32_0 : i32, i32
  }
  func.func @transform_4(%arg0: i32) -> i32 {
    %c0_i32 = arith.constant 0 : i32
    %c0_i32_0 = arith.constant 0 : i32
    return %c0_i32 : i32
  }
  func.func @transform_5(%arg0: i32) -> i32 {
    %c0_i32 = arith.constant 0 : i32
    return %arg0 : i32
  }
  func.func @transform_6(%arg0: i32) -> i32 {
    %c0_i32 = arith.constant 0 : i32
    return %arg0 : i32
  }
  func.func @transform_7(%arg0: i32) -> i32 {
    %c0_i32 = arith.constant 0 : i32
    return %arg0 : i32
  }
  func.func @transform_8(%arg0: i32) -> i32 {
    %c0_i32 = arith.constant 0 : i32
    return %arg0 : i32
  }
}

module attributes {stable_mosaic.version = 14 : i64} {
  func.func @_recip_body(%arg0: memref<8448xf32, #tpu.memory_space<vmem>>, %arg1: memref<8448xf32, #tpu.memory_space<vmem>>, %arg2: memref<8448xf32, #tpu.memory_space<vmem>>, %arg3: memref<8448xf32, #tpu.memory_space<vmem>>, %arg4: memref<4224xf32, #tpu.memory_space<vmem>>, %arg5: memref<4224xf32, #tpu.memory_space<vmem>>, %arg6: memref<4224xf32, #tpu.memory_space<vmem>>, %arg7: memref<4224xf32, #tpu.memory_space<vmem>>) attributes {dimension_semantics = [], scalar_prefetch = 0 : i64, scratch_operands = 0 : i64, tpu.core_type = #tpu.core_type<tc>} {
    %get3A = arith.constant 0 : index
    %get3A_0 = vector.load %arg0[%get3A] : memref<8448xf32, #tpu.memory_space<vmem>>, vector<4224xf32>
    %get3A_1 = arith.constant 4224 : index
    %get3A_2 = vector.load %arg0[%get3A_1] : memref<8448xf32, #tpu.memory_space<vmem>>, vector<4224xf32>
    %add3A = arith.addf %get3A_0, %get3A_2 : vector<4224xf32>
    %div3A = arith.constant 1.000000e+00 : f32
    %div3A_3 = vector.broadcast %div3A : f32 to vector<4224xf32>
    %div3A_4 = arith.divf %div3A_3, %add3A : vector<4224xf32>
    %swap3A = arith.constant 0 : index
    %swap3A_5 = vector.load %arg4[%swap3A] : memref<4224xf32, #tpu.memory_space<vmem>>, vector<4224xf32>
    tpu.vector_store %arg4[%swap3A], %div3A_4 {strides = array<i32>} : memref<4224xf32, #tpu.memory_space<vmem>>, vector<4224xf32>,
    %get3A_6 = arith.constant 0 : index
    %get3A_7 = vector.load %arg1[%get3A_6] : memref<8448xf32, #tpu.memory_space<vmem>>, vector<4224xf32>
    %get3A_8 = arith.constant 4224 : index
    %get3A_9 = vector.load %arg1[%get3A_8] : memref<8448xf32, #tpu.memory_space<vmem>>, vector<4224xf32>
    %add3A_10 = arith.addf %get3A_7, %get3A_9 : vector<4224xf32>
    %div3A_11 = arith.constant 1.000000e+00 : f32
    %div3A_12 = vector.broadcast %div3A_11 : f32 to vector<4224xf32>
    %div3A_13 = arith.divf %div3A_12, %add3A_10 : vector<4224xf32>
    %swap3A_14 = arith.constant 0 : index
    %swap3A_15 = vector.load %arg5[%swap3A_14] : memref<4224xf32, #tpu.memory_space<vmem>>, vector<4224xf32>
    tpu.vector_store %arg5[%swap3A_14], %div3A_13 {strides = array<i32>} : memref<4224xf32, #tpu.memory_space<vmem>>, vector<4224xf32>,
    %get3A_16 = arith.constant 0 : index
    %get3A_17 = vector.load %arg2[%get3A_16] : memref<8448xf32, #tpu.memory_space<vmem>>, vector<4224xf32>
    %get3A_18 = arith.constant 4224 : index
    %get3A_19 = vector.load %arg2[%get3A_18] : memref<8448xf32, #tpu.memory_space<vmem>>, vector<4224xf32>
    %add3A_20 = arith.addf %get3A_17, %get3A_19 : vector<4224xf32>
    %div3A_21 = arith.constant 1.000000e+00 : f32
    %div3A_22 = vector.broadcast %div3A_21 : f32 to vector<4224xf32>
    %div3A_23 = arith.divf %div3A_22, %add3A_20 : vector<4224xf32>
    %swap3A_24 = arith.constant 0 : index
    %swap3A_25 = vector.load %arg6[%swap3A_24] : memref<4224xf32, #tpu.memory_space<vmem>>, vector<4224xf32>
    tpu.vector_store %arg6[%swap3A_24], %div3A_23 {strides = array<i32>} : memref<4224xf32, #tpu.memory_space<vmem>>, vector<4224xf32>,
    %get3A_26 = arith.constant 0 : index
    %get3A_27 = vector.load %arg3[%get3A_26] : memref<8448xf32, #tpu.memory_space<vmem>>, vector<4224xf32>
    %get3A_28 = arith.constant 4224 : index
    %get3A_29 = vector.load %arg3[%get3A_28] : memref<8448xf32, #tpu.memory_space<vmem>>, vector<4224xf32>
    %add3A_30 = arith.addf %get3A_27, %get3A_29 : vector<4224xf32>
    %div3A_31 = arith.constant 1.000000e+00 : f32
    %div3A_32 = vector.broadcast %div3A_31 : f32 to vector<4224xf32>
    %div3A_33 = arith.divf %div3A_32, %add3A_30 : vector<4224xf32>
    %swap3A_34 = arith.constant 0 : index
    %swap3A_35 = vector.load %arg7[%swap3A_34] : memref<4224xf32, #tpu.memory_space<vmem>>, vector<4224xf32>
    tpu.vector_store %arg7[%swap3A_34], %div3A_33 {strides = array<i32>} : memref<4224xf32, #tpu.memory_space<vmem>>, vector<4224xf32>,
    return
  }
}

</mosaic_0001>

<sc_bundles>
// kernel: kernel.12.cloned.1.call-start
scs
__scs_entry_jumppad:
0x0: {  	(pc) =	sbr.rel $0x88, $3  }
0x1: {  	(tag) =	ssettag $0x0;
	lr =	simm.s32 $0x1  }
0x2: {  	[smem:$0x3F9B] =	sst lr;
	_ =	strace $0xD0000000  }
0x3: {  	_ = 	snop  }
0x4: {  	_ = 	snop  }
0x5: {  	_ = 	snop  }
0x6: {  	_ = 	snop  }
0x7: {  	_ = 	snop  }
__scs_overlays_trampoline_lowered:
0x8: {  	[smem:$0x3FAA] =	sst s0  }
0x9: {  	[smem:$0x3FAB] =	sst s1  }
0xa: {  	[smem:$0x3FAC] =	sst s2  }
0xb: {  	[smem:$0x3FAD] =	sst s3  }
0xc: {  	[smem:$0x3FAE] =	sst s4  }
0xd: {  	[smem:$0x3FAF] =	sst s5  }
0xe: {  	[smem:$0x3FB0] =	sst s6  }
0xf: {  	[smem:$0x3FB1] =	sst s7  }
0x10: {  	[smem:$0x3FB2] =	sst s8  }
0x11: {  	[smem:$0x3FB3] =	sst s9;
	s0 =	simm.s32 @!p0 $0x0  }
0x12: {  	s1 =	sld [smem:$0x3F99];
	s0 =	simm.s32 @p0 $0x1  }
0x13: {  	[smem:$0x3FB4] =	sst s0;
	s0 =	simm.s32 @!p1 $0x0  }
0x14: {  	s2 =	sld [smem:$0x3F98];
	s0 =	simm.s32 @p1 $0x1  }
0x15: {  	[smem:$0x3FB5] =	sst s0;
	s0 =	simm.s32 @!p2 $0x0  }
0x16: {  	s3 =	sld [smem:$0x3FDB];
	s0 =	simm.s32 @p2 $0x1  }
0x17: {  	s4 =	simm.s32 $0x1BF5;
	[smem:$0x3FB7] =	sst s0  }
0x18: {  	s0 =	sld [smem:$0x3F9A];
	_ =	swait.ge [sflag:s4], $0x0  }
0x19: {  	s7 =	sld [smem:$0x3F9B]  }
0x1a: {  	s8 =	sadd.s32 $0xFFFFE003, lr  }
0x1b: {  	s9 =	sadd.s32 $0xFFFFFEF7, lr;
	s5 =	simm.s32 $0xFFFFFFFF;
	p2 =	slt.u32 s8, $0xFFFFF086  }
0x1c: {  	p1 =	slt.u32 s9, $0xF7A;
	s5 =	simm.s32 @!p2 $0x0  }
0x1d: {  	s5 =	simm.s32 @p1 $0x1;
	p0 =	seq.s32 s7, s2  }
0x1e: {  	s7 =	smul.u32 @!p0 $0xF7A, s2;
	p2 =	seq.s32 @!p0 s5, $0x0  }
0x1f: {  	s9 =	smul.u32 $0xF7A, s1;
	s8 =	simm.s32 @!p0 $0x1BF5;
	p2 =	por !p2, p0  }
0x20: {  	[sflag:s8] =	ssyncset.s32 @!p0 $0xFFFFF086;
	s6 =	sadd.s32 @!p0 s3, s7;
	s7 =	simm.s32 @!p0 $0x108  }
0x21: {  	s3 =	sadd.s32 s3, s9;
	s6 =	sadd.s32 @!p0 $0x88, s6;
	s7 =	simm.s32 @p2 $0x1082  }
0x22: {  	[simem:s7], [sflag:s8] =	dma.local @!p0 [hbm:s6], $0xF7A  }
0x23: {  	s9 =	sor.u32 $0xD0000000, s2;
	s6 =	simm.s32 $0x108;
	_ =	swait.ge @!p0 [sflag:s8], $0x0  }
0x24: {  	s3 =	sadd.s32 $0x88, s3;
	s6 =	simm.s32 @!p1 $0x1082;
	[sflag:s4] =	ssyncset.s32 $0xFFFFF086  }
0x25: {  	[simem:s6], [sflag:s4] =	dma.local [hbm:s3], $0xF7A  }
0x26: {  	[smem:$0x3F9B] =	sst s1;
	(tag) =	ssettag s2;
	_ =	strace s9  }
0x27: {  	s1 =	sld [smem:$0x3FAB]  }
0x28: {  	s2 =	sld [smem:$0x3FAC]  }
0x29: {  	s4 =	sld [smem:$0x3FAE]  }
0x2a: {  	p0 =	seq.s32 s5, $0x0;
	s5 =	sld [smem:$0x3FAF]  }
0x2b: {  	s6 =	sld [smem:$0x3FB0]  }
0x2c: {  	s7 =	sld [smem:$0x3FB1]  }
0x2d: {  	s3 =	simm.s32 $0x108;
	s8 =	sld [smem:$0x3FB2]  }
0x2e: {  	s3 =	simm.s32 @!p0 $0x1082;
	s9 =	sld [smem:$0x3FB3]  }
0x2f: {  	lr =	sadd.s32 s0, s3;
	s0 =	sld [smem:$0x3FAA]  }
0x30: {  	s3 =	sld [smem:$0x3FAD]  }
0x31: {  	[smem:$0x3FB6] =	sst s10  }
0x32: {  	s10 =	sld [smem:$0x3FB4];
	_ =	sdelay $0x3  }
0x33: {  	p0 =	seq.s32 s10, $0x1;
	s10 =	sld [smem:$0x3FB6];
	_ =	sdelay $0x3  }
0x34: {  	[smem:$0x3FB6] =	sst s10  }
0x35: {  	s10 =	sld [smem:$0x3FB5];
	_ =	sdelay $0x3  }
0x36: {  	p1 =	seq.s32 s10, $0x1;
	s10 =	sld [smem:$0x3FB6];
	_ =	sdelay $0x3  }
0x37: {  	[smem:$0x3FB6] =	sst s10  }
0x38: {  	s10 =	sld [smem:$0x3FB7]  }
0x39: {  	_ = 	snop;
	(pc) =	sbr.ind lr, $3  }
0x3a: {  	_ = 	snop  }
0x3b: {  	_ = 	snop  }
0x3c: {  	p2 =	seq.s32 s10, $0x1;
	s10 =	sld [smem:$0x3FB6]  }
0x3d: {  	_ =	shalt  }
0x3e: {  	_ =	shalt  }
0x3f: {  	_ =	shalt  }
0x40: {  	_ =	shalt  }
0x41: {  	_ =	shalt  }
0x42: {  	_ =	shalt  }
0x43: {  	_ =	shalt  }
0x44: {  	_ =	shalt  }
0x45: {  	_ =	shalt  }
0x46: {  	_ =	shalt  }
0x47: {  	_ =	shalt  }
0x48: {  	_ =	shalt  }
0x49: {  	_ =	shalt  }
0x4a: {  	_ =	shalt  }
0x4b: {  	_ =	shalt  }
0x4c: {  	_ =	shalt  }
0x4d: {  	_ =	shalt  }
0x4e: {  	_ =	shalt  }
0x4f: {  	_ =	shalt  }
0x50: {  	_ =	shalt  }
0x51: {  	_ =	shalt  }
0x52: {  	_ =	shalt  }
0x53: {  	_ =	shalt  }
0x54: {  	_ =	shalt  }
0x55: {  	_ =	shalt  }
0x56: {  	_ =	shalt  }
0x57: {  	_ =	shalt  }
0x58: {  	_ =	shalt  }
0x59: {  	_ =	shalt  }
0x5a: {  	_ =	shalt  }
0x5b: {  	_ =	shalt  }
0x5c: {  	_ =	shalt  }
0x5d: {  	_ =	shalt  }
0x5e: {  	_ =	shalt  }
0x5f: {  	_ =	shalt  }
0x60: {  	_ =	shalt  }
0x61: {  	_ =	shalt  }
0x62: {  	_ =	shalt  }
0x63: {  	_ =	shalt  }
0x64: {  	_ =	shalt  }
0x65: {  	_ =	shalt  }
0x66: {  	_ =	shalt  }
0x67: {  	_ =	shalt  }
0x68: {  	_ =	shalt  }
0x69: {  	_ =	shalt  }
0x6a: {  	_ =	shalt  }
0x6b: {  	_ =	shalt  }
0x6c: {  	_ =	shalt  }
0x6d: {  	_ =	shalt  }
0x6e: {  	_ =	shalt  }
0x6f: {  	_ =	shalt  }
0x70: {  	_ =	shalt  }
0x71: {  	_ =	shalt  }
0x72: {  	_ =	shalt  }
0x73: {  	_ =	shalt  }
0x74: {  	_ =	shalt  }
0x75: {  	_ =	shalt  }
0x76: {  	_ =	shalt  }
0x77: {  	_ =	shalt  }
0x78: {  	_ =	shalt  }
0x79: {  	_ =	shalt  }
0x7a: {  	_ =	shalt  }
0x7b: {  	_ =	shalt  }
0x7c: {  	_ =	shalt  }
0x7d: {  	_ =	shalt  }
0x7e: {  	_ =	shalt  }
0x7f: {  	_ =	shalt  }
0x80: {  	_ =	shalt  }
0x81: {  	_ =	shalt  }
0x82: {  	_ =	shalt  }
0x83: {  	_ =	shalt  }
0x84: {  	_ =	shalt  }
0x85: {  	_ =	shalt  }
0x86: {  	_ =	shalt  }
0x87: {  	_ =	shalt  }
.Lfunc_end0:
.L_simem_size_0:
called_computation.1_lowered:
.L_overlay_start_0:
0x88: {  	s2 =	sld [smem:$0x3FD9]  }
0x89: {  	s3 =	sld [smem:$0x3FFE];
	_ =	sdelay $0x1  }
0x8a: {  	s1 =	srdreg.scid  }
0x8b: {  	s0 =	sand.u32 $0x1, s1  }
0x8c: {  	s16 =	sshll.u32 s0, $0xA;
	s2 =	sadd.s32 s3, s2  }
0x8d: {  	s2 =	sadd.s32 s2, s16  }
0x8e: {  	[smem:$0x3FC2] =	sst s2  }
0x8f: {  	_ = 	snop  }
0x90: {  	(tm) =	ssettm $0x1  }
0x91: {  	s17 =	sld [smem:$0x3FFB];
	_ =	sdelay $0x3  }
0x92: {  	_ =	strace s17  }
0x93: {  	s2 =	sld [smem:$0x3FFC];
	_ =	sdelay $0x3  }
0x94: {  	_ =	strace s2  }
0x95: {  	s2 =	sld [smem:$0x3FFD];
	_ =	sdelay $0x3  }
0x96: {  	_ =	strace s2  }
0x97: {  	_ =	strace $0x8FFFFFFF  }
0x98: {  	s18 =	sld [smem:$0x3FDB];
	_ =	sdelay $0x1  }
0x99: {  	s19 =	simm.s32 $_scs_section_size  }
0x9a: {  	s4 =	simm.s32 $_size__tile_overlayer_lowered;
	s5 =	simm.s32 $_tile_overlayer_lowered  }
0x9b: {  	s22 =	simm.s32 $0x1BFF;
	s21 =	sshll.u32 s5, $0x1;
	s2 =	sadd.s32 s19, s18  }
0x9c: {  	s6 =	simm.s32 $0x0;
	s20 =	sshll.u32 s4, $0x1;
	s4 =	sadd.s32 s21, s2  }
0x9d: {  	[timem:s6], [sflag:s22] =	dma.local [hbm:s4], s20  }
0x9e: {  	_ =	swait.ge [sflag:s22], s20  }
0x9f: {  	s3 =	ssub.s32 $0x0, s20;
	[sflag:s22] =	ssyncset.done $0x0  }
0xa0: {  	[sflag:s22] =	ssyncadd.s32 s3;
	_ =	sdelay $0x1  }
0xa1: {  	s23 =	simm.s32 $0x1B8B  }
0xa2: {  	_ =	swait.ge [sflag:s23], $0x1  }
0xa3: {  	[sflag:s23] =	ssyncset.done $0x0  }
0xa4: {  	s25 =	simm.s32 $0x1B8E;
	s24 =	sld [smem:$0x3FFE];
	[sflag:s23] =	ssyncadd.s32 $0xFFFFFFFF  }
0xa5: {  	s26 =	simm.s32 $execute0_lowered;
	[smem:$0x3FD2] =	sst s25  }
0xa6: {  	s4 =	sshll.u32 s26, $0x1;
	_ =	strace $0x80000049;
	[dreg:$0x1] =	wrdreg $0xFFFFFFFF  }
0xa7: {  	s28 =	simm.s32 $_size_execute0_lowered;
	s2 =	sadd.s32 s2, s4;
	[dreg:$0x0] =	wrdreg $0x0  }
0xa8: {  	s4 =	sshll.u32 s28, $0x1;
	[dreg:$0x2] =	wrdreg s2  }
0xa9: {  	[dreg:$0x3] =	wrdreg s4  }
0xaa: {  	[dreg:$0x4] =	wrdreg $0xC0  }
0xab: {  	_ =	task [dreg:s6], $0x5FFFF  }
0xac: {  	[dreg:$0x1] =	wrdreg $0xFFFFFFFF  }
0xad: {  	[dreg:$0x0] =	wrdreg $0x60  }
0xae: {  	[dreg:$0x2] =	wrdreg s24  }
0xaf: {  	[dreg:$0x3] =	wrdreg $0x9  }
0xb0: {  	_ =	task.clear_ibuf [dreg:s6], $0x4FFFF;
	_ =	strace $0x90000049  }
0xb1: {  	s29 =	simm.s32 $0x9;
	_ =	strace $0x8000004B  }
0xb2: {  	_ =	swait.ge [sflag:s29], $0x1  }
0xb3: {  	[sflag:s29] =	ssyncadd.s32 $0xFFFFFFFF  }
0xb4: {  	_ =	strace $0x9000004B  }
0xb5: {  	_ =	sfence  }
0xb6: {  	s30 =	sld [smem:$0x0];
	_ =	sdelay $0x2  }
0xb7: {  	s31 =	sshll.u32 s1, $0xD;
	s1 =	sshrl.u32 s1, $0x2  }
0xb8: {  	s3 =	sand.u32 $0x4000, s31;
	s1 =	sadd.s32 s1, s30  }
0xb9: {  	s0 =	sor.u32 s3, s0;
	s1 =	sshll.u32 s1, $0x11  }
0xba: {  	s0 =	sor.u32 s1, s0  }
0xbb: {  	s0 =	sadd.s32 $0x8F2B, s0  }
0xbc: {  	[sflag:s0] =	ssyncadd.remote.s32 $0x1  }
0xbd: {  	_ =	sfence.sel $0xFFFF  }
0xbe: {  	[dreg:$0x0] =	wrdreg $0xFFFFFFFF;
	(pc) =	sbr.abs _section_cstart, $3  }
0xbf: {  	[dreg:$0x1] =	wrdreg $0xFFFFFFFF  }
0xc0: {  	_ =	task.clear_ibuf [dreg:s6], $0x2FFFF;
	_ =	strace $0x9FFFFFFF  }
0xc1: {  	(tm) =	ssettm $0x7FFFFFFF  }
tec
execute0_lowered:
.L_overlay_start_1:
0x0: {  	(tag) =	ssettag $0x1  }
0x1: {  	s0 =	rddreg [dreg:$0x0];
	s1 =	srdreg.scid;
	s2 =	simm.s32 $0x0  }
0x2: {  	s8 =	stileid.u32;
	s9 =	simm.s32 $0x2;
	s10 =	simm.s32 $0x80  }
0x3: {  	s11 =	simm.s32 $0x1000;
	s20 =	simm.s32 $0x1;
	s22 =	simm.s32 $0x2C00  }
0x4: {  	s23 =	simm.s32 $0x3C80;
	s24 =	simm.s32 $0x2C80;
	s25 =	simm.s32 $0x3D00  }
0x5: {  	s28 =	simm.s32 $0x3D80;
	s29 =	simm.s32 $0x2D80;
	s30 =	simm.s32 $0x3E00  }
0x6: {  	s31 =	simm.s32 $0x2E00;
	s12 =	simm.s32 $0x3F00;
	s13 =	simm.s32 $0x2F00  }
0x7: {  	s14 =	simm.s32 $0x3F80;
	s15 =	simm.s32 $0x2F80;
	s16 =	simm.s32 $0x0  }
0x8: {  	s1 =	sand.u32 $0x1, s1;
	[smem:$0x7FF] =	sst s2;
	s3 =	sshll.u32 s8, $0xA  }
0x9: {  	s8 =	sshll.u32 s8, $0xD;
	s4 =	sshll.u32 s1, $0x9;
	_ =	strace $0x8000004A  }
0xa: {  	s5 =	ssub.s32 $0x2, s1;
	s1 =	sshll.u32 s1, $0xC;
	s4 =	sor.u32 s4, s3  }
0xb: {  	s3 =	sadd.s32 $0xC400, s0;
	s7 =	sshrl.u32 s5, $0x1;
	s19 =	sor.u32 s1, s8  }
0xc: {  	s1 =	simm.s32 $0x2E80;
	s6 =	sadd.s32 s4, s0;
	s4 =	sadd.s32 $0x214400, s0  }
0xd: {  	v0 =	vlaneseq.u32;
	s26 =	ssub.s32 s5, s7;
	s0 =	simm.s32 $0x3E80;
	s5 =	sadd.s32 $0x8400, s6  }
0xe: {  	v1 =	vor.u32 $0x1000000, v0;
	s6 =	sadd.s32 $0x210400, s6;
	s7 =	smax.u32 s26, $0x1;
	s26 =	simm.s32 $0x2D00  }
.LBB2_1:
0xf: {  	[tilespmem:s2], [sflag:$0x2] =	stream.linear.gather [hbm4b:s5+s2], $0x1000, $0x38;
	[tilespmem:$0x4000] =	vst v63  }
0x10: {  	_ =	swait.ge [sflag:s9], $0x1000  }
0x11: {  	[sflag:s9] =	ssyncset.done $0x0  }
0x12: {  	[sflag:s9] =	ssyncadd.s32 $0xFFFFF000  }
0x13: {  	[tilespmem:s11], [sflag:$0x1] =	stream.indirect.gather [hbm4b:s3+s10], $0x1, s2, s10, $0xb8;
	[tilespmem:$0x4000] =	vst v63  }
0x14: {  	s8 =	simm.s32 $0x1080  }
0x15: {  	[tilespmem:s8], [sflag:$0x1] =	stream.indirect.gather [hbm4b:s3+s10], $0x1, s10, s10, $0xb8;
	[tilespmem:$0x4000] =	vst v63  }
0x16: {  	s21 =	simm.s32 $0x100;
	s17 =	simm.s32 $0x1100  }
0x17: {  	[tilespmem:s17], [sflag:$0x1] =	stream.indirect.gather [hbm4b:s3+s10], $0x1, s21, s10, $0xb8;
	[tilespmem:$0x4000] =	vst v63  }
0x18: {  	s18 =	simm.s32 $0x180;
	s21 =	simm.s32 $0x1180  }
0x19: {  	[tilespmem:s21], [sflag:$0x1] =	stream.indirect.gather [hbm4b:s3+s10], $0x1, s18, s10, $0xb8;
	[tilespmem:$0x4000] =	vst v63  }
0x1a: {  	s18 =	simm.s32 $0x200;
	s21 =	simm.s32 $0x1200  }
0x1b: {  	[tilespmem:s21], [sflag:$0x1] =	stream.indirect.gather [hbm4b:s3+s10], $0x1, s18, s10, $0xb8;
	[tilespmem:$0x4000] =	vst v63  }
0x1c: {  	s18 =	simm.s32 $0x280;
	s21 =	simm.s32 $0x1280  }
0x1d: {  	[tilespmem:s21], [sflag:$0x1] =	stream.indirect.gather [hbm4b:s3+s10], $0x1, s18, s10, $0xb8;
	[tilespmem:$0x4000] =	vst v63  }
0x1e: {  	s18 =	simm.s32 $0x300;
	s21 =	simm.s32 $0x1300  }
0x1f: {  	[tilespmem:s21], [sflag:$0x1] =	stream.indirect.gather [hbm4b:s3+s10], $0x1, s18, s10, $0xb8;
	[tilespmem:$0x4000] =	vst v63  }
0x20: {  	s18 =	simm.s32 $0x380;
	s21 =	simm.s32 $0x1380  }
0x21: {  	[tilespmem:s21], [sflag:$0x1] =	stream.indirect.gather [hbm4b:s3+s10], $0x1, s18, s10, $0xb8;
	[tilespmem:$0x4000] =	vst v63  }
0x22: {  	s18 =	simm.s32 $0x400;
	s21 =	simm.s32 $0x1400  }
0x23: {  	[tilespmem:s21], [sflag:$0x1] =	stream.indirect.gather [hbm4b:s3+s10], $0x1, s18, s10, $0xb8;
	[tilespmem:$0x4000] =	vst v63  }
0x24: {  	s18 =	simm.s32 $0x480;
	s21 =	simm.s32 $0x1480  }
0x25: {  	[tilespmem:s21], [sflag:$0x1] =	stream.indirect.gather [hbm4b:s3+s10], $0x1, s18, s10, $0xb8;
	[tilespmem:$0x4000] =	vst v63  }
0x26: {  	s18 =	simm.s32 $0x500;
	s21 =	simm.s32 $0x1500  }
0x27: {  	[tilespmem:s21], [sflag:$0x1] =	stream.indirect.gather [hbm4b:s3+s10], $0x1, s18, s10, $0xb8;
	[tilespmem:$0x4000] =	vst v63  }
0x28: {  	s18 =	simm.s32 $0x580;
	s21 =	simm.s32 $0x1580  }
0x29: {  	[tilespmem:s21], [sflag:$0x1] =	stream.indirect.gather [hbm4b:s3+s10], $0x1, s18, s10, $0xb8;
	[tilespmem:$0x4000] =	vst v63  }
0x2a: {  	s18 =	simm.s32 $0x600;
	s21 =	simm.s32 $0x1600  }
0x2b: {  	[tilespmem:s21], [sflag:$0x1] =	stream.indirect.gather [hbm4b:s3+s10], $0x1, s18, s10, $0xb8;
	[tilespmem:$0x4000] =	vst v63  }
0x2c: {  	s18 =	simm.s32 $0x680;
	s21 =	simm.s32 $0x1680  }
0x2d: {  	[tilespmem:s21], [sflag:$0x1] =	stream.indirect.gather [hbm4b:s3+s10], $0x1, s18, s10, $0xb8;
	[tilespmem:$0x4000] =	vst v63  }
0x2e: {  	s18 =	simm.s32 $0x700;
	s21 =	simm.s32 $0x1700  }
0x2f: {  	[tilespmem:s21], [sflag:$0x1] =	stream.indirect.gather [hbm4b:s3+s10], $0x1, s18, s10, $0xb8;
	[tilespmem:$0x4000] =	vst v63  }
0x30: {  	s18 =	simm.s32 $0x780;
	s21 =	simm.s32 $0x1780  }
0x31: {  	[tilespmem:s21], [sflag:$0x1] =	stream.indirect.gather [hbm4b:s3+s10], $0x1, s18, s10, $0xb8;
	[tilespmem:$0x4000] =	vst v63  }
0x32: {  	_ =	swait.ge [sflag:s20], $0x80  }
0x33: {  	[sflag:s20] =	ssyncset.done $0x0  }
0x34: {  	[sflag:s20] =	ssyncadd.s32 $0xFFFFFF80  }
0x35: {  	_ =	swait.ge [sflag:s20], $0x80  }
0x36: {  	[sflag:s20] =	ssyncset.done $0x0  }
0x37: {  	[sflag:s20] =	ssyncadd.s32 $0xFFFFFF80  }
0x38: {  	_ =	swait.ge [sflag:s20], $0x80  }
0x39: {  	[sflag:s20] =	ssyncset.done $0x0  }
0x3a: {  	[sflag:s20] =	ssyncadd.s32 $0xFFFFFF80  }
0x3b: {  	_ =	swait.ge [sflag:s20], $0x80  }
0x3c: {  	[sflag:s20] =	ssyncset.done $0x0  }
0x3d: {  	[sflag:s20] =	ssyncadd.s32 $0xFFFFFF80  }
0x3e: {  	_ =	swait.ge [sflag:s20], $0x80  }
0x3f: {  	[sflag:s20] =	ssyncset.done $0x0  }
0x40: {  	[sflag:s20] =	ssyncadd.s32 $0xFFFFFF80  }
0x41: {  	_ =	swait.ge [sflag:s20], $0x80  }
0x42: {  	[sflag:s20] =	ssyncset.done $0x0  }
0x43: {  	[sflag:s20] =	ssyncadd.s32 $0xFFFFFF80  }
0x44: {  	_ =	swait.ge [sflag:s20], $0x80  }
0x45: {  	[sflag:s20] =	ssyncset.done $0x0  }
0x46: {  	[sflag:s20] =	ssyncadd.s32 $0xFFFFFF80  }
0x47: {  	_ =	swait.ge [sflag:s20], $0x80  }
0x48: {  	[sflag:s20] =	ssyncset.done $0x0  }
0x49: {  	[sflag:s20] =	ssyncadd.s32 $0xFFFFFF80  }
0x4a: {  	_ =	swait.ge [sflag:s20], $0x80  }
0x4b: {  	[sflag:s20] =	ssyncset.done $0x0  }
0x4c: {  	[sflag:s20] =	ssyncadd.s32 $0xFFFFFF80  }
0x4d: {  	_ =	swait.ge [sflag:s20], $0x80  }
0x4e: {  	[sflag:s20] =	ssyncset.done $0x0  }
0x4f: {  	[sflag:s20] =	ssyncadd.s32 $0xFFFFFF80  }
0x50: {  	_ =	swait.ge [sflag:s20], $0x80  }
0x51: {  	[sflag:s20] =	ssyncset.done $0x0  }
0x52: {  	[sflag:s20] =	ssyncadd.s32 $0xFFFFFF80  }
0x53: {  	_ =	swait.ge [sflag:s20], $0x80  }
0x54: {  	[sflag:s20] =	ssyncset.done $0x0  }
0x55: {  	[sflag:s20] =	ssyncadd.s32 $0xFFFFFF80  }
0x56: {  	_ =	swait.ge [sflag:s20], $0x80  }
0x57: {  	[sflag:s20] =	ssyncset.done $0x0  }
0x58: {  	[sflag:s20] =	ssyncadd.s32 $0xFFFFFF80  }
0x59: {  	_ =	swait.ge [sflag:s20], $0x80  }
0x5a: {  	[sflag:s20] =	ssyncset.done $0x0  }
0x5b: {  	[sflag:s20] =	ssyncadd.s32 $0xFFFFFF80  }
0x5c: {  	_ =	swait.ge [sflag:s20], $0x80  }
0x5d: {  	[sflag:s20] =	ssyncset.done $0x0  }
0x5e: {  	[sflag:s20] =	ssyncadd.s32 $0xFFFFFF80  }
0x5f: {  	_ =	swait.ge [sflag:s20], $0x80  }
0x60: {  	[sflag:s20] =	ssyncset.done $0x0  }
0x61: {  	s18 =	simm.s32 $0x800;
	s21 =	simm.s32 $0x1800;
	[sflag:s20] =	ssyncadd.s32 $0xFFFFFF80  }
0x62: {  	[tilespmem:s21], [sflag:$0x1] =	stream.indirect.gather [hbm4b:s3+s10], $0x1, s18, s10, $0xb8;
	[tilespmem:$0x4000] =	vst v63  }
0x63: {  	s18 =	simm.s32 $0x880;
	s21 =	simm.s32 $0x1880  }
0x64: {  	[tilespmem:s21], [sflag:$0x1] =	stream.indirect.gather [hbm4b:s3+s10], $0x1, s18, s10, $0xb8;
	[tilespmem:$0x4000] =	vst v63  }
0x65: {  	s18 =	simm.s32 $0x900;
	s21 =	simm.s32 $0x1900  }
0x66: {  	[tilespmem:s21], [sflag:$0x1] =	stream.indirect.gather [hbm4b:s3+s10], $0x1, s18, s10, $0xb8;
	[tilespmem:$0x4000] =	vst v63  }
0x67: {  	s18 =	simm.s32 $0x980;
	s21 =	simm.s32 $0x1980  }
0x68: {  	[tilespmem:s21], [sflag:$0x1] =	stream.indirect.gather [hbm4b:s3+s10], $0x1, s18, s10, $0xb8;
	[tilespmem:$0x4000] =	vst v63  }
0x69: {  	s18 =	simm.s32 $0xA00;
	s21 =	simm.s32 $0x1A00  }
0x6a: {  	[tilespmem:s21], [sflag:$0x1] =	stream.indirect.gather [hbm4b:s3+s10], $0x1, s18, s10, $0xb8;
	[tilespmem:$0x4000] =	vst v63  }
0x6b: {  	s18 =	simm.s32 $0xA80;
	s21 =	simm.s32 $0x1A80  }
0x6c: {  	[tilespmem:s21], [sflag:$0x1] =	stream.indirect.gather [hbm4b:s3+s10], $0x1, s18, s10, $0xb8;
	[tilespmem:$0x4000] =	vst v63  }
0x6d: {  	s18 =	simm.s32 $0xB00;
	s21 =	simm.s32 $0x1B00  }
0x6e: {  	[tilespmem:s21], [sflag:$0x1] =	stream.indirect.gather [hbm4b:s3+s10], $0x1, s18, s10, $0xb8;
	[tilespmem:$0x4000] =	vst v63  }
0x6f: {  	s18 =	simm.s32 $0xB80;
	s21 =	simm.s32 $0x1B80  }
0x70: {  	[tilespmem:s21], [sflag:$0x1] =	stream.indirect.gather [hbm4b:s3+s10], $0x1, s18, s10, $0xb8;
	[tilespmem:$0x4000] =	vst v63  }
0x71: {  	s18 =	simm.s32 $0xC00;
	s21 =	simm.s32 $0x1C00  }
0x72: {  	[tilespmem:s21], [sflag:$0x1] =	stream.indirect.gather [hbm4b:s3+s10], $0x1, s18, s10, $0xb8;
	[tilespmem:$0x4000] =	vst v63  }
0x73: {  	s18 =	simm.s32 $0xC80;
	s21 =	simm.s32 $0x1C80  }
0x74: {  	[tilespmem:s21], [sflag:$0x1] =	stream.indirect.gather [hbm4b:s3+s10], $0x1, s18, s10, $0xb8;
	[tilespmem:$0x4000] =	vst v63  }
0x75: {  	s18 =	simm.s32 $0xD00;
	s21 =	simm.s32 $0x1D00  }
0x76: {  	[tilespmem:s21], [sflag:$0x1] =	stream.indirect.gather [hbm4b:s3+s10], $0x1, s18, s10, $0xb8;
	[tilespmem:$0x4000] =	vst v63  }
0x77: {  	s18 =	simm.s32 $0xD80;
	s21 =	simm.s32 $0x1D80  }
0x78: {  	[tilespmem:s21], [sflag:$0x1] =	stream.indirect.gather [hbm4b:s3+s10], $0x1, s18, s10, $0xb8;
	[tilespmem:$0x4000] =	vst v63  }
0x79: {  	s18 =	simm.s32 $0xE00;
	s21 =	simm.s32 $0x1E00  }
0x7a: {  	[tilespmem:s21], [sflag:$0x1] =	stream.indirect.gather [hbm4b:s3+s10], $0x1, s18, s10, $0xb8;
	[tilespmem:$0x4000] =	vst v63  }
0x7b: {  	s18 =	simm.s32 $0xE80;
	s21 =	simm.s32 $0x1E80  }
0x7c: {  	[tilespmem:s21], [sflag:$0x1] =	stream.indirect.gather [hbm4b:s3+s10], $0x1, s18, s10, $0xb8;
	[tilespmem:$0x4000] =	vst v63  }
0x7d: {  	s18 =	simm.s32 $0xF00;
	s21 =	simm.s32 $0x1F00  }
0x7e: {  	[tilespmem:s21], [sflag:$0x1] =	stream.indirect.gather [hbm4b:s3+s10], $0x1, s18, s10, $0xb8;
	[tilespmem:$0x4000] =	vst v63  }
0x7f: {  	s18 =	simm.s32 $0xF80;
	s21 =	simm.s32 $0x1F80  }
0x80: {  	[tilespmem:s21], [sflag:$0x1] =	stream.indirect.gather [hbm4b:s3+s10], $0x1, s18, s10, $0xb8;
	[tilespmem:$0x4000] =	vst v63  }
0x81: {  	_ =	swait.ge [sflag:s20], $0x80  }
0x82: {  	[sflag:s20] =	ssyncset.done $0x0  }
0x83: {  	[sflag:s20] =	ssyncadd.s32 $0xFFFFFF80  }
0x84: {  	_ =	swait.ge [sflag:s20], $0x80  }
0x85: {  	[sflag:s20] =	ssyncset.done $0x0  }
0x86: {  	[sflag:s20] =	ssyncadd.s32 $0xFFFFFF80  }
0x87: {  	_ =	swait.ge [sflag:s20], $0x80  }
0x88: {  	[sflag:s20] =	ssyncset.done $0x0  }
0x89: {  	[sflag:s20] =	ssyncadd.s32 $0xFFFFFF80  }
0x8a: {  	_ =	swait.ge [sflag:s20], $0x80  }
0x8b: {  	[sflag:s20] =	ssyncset.done $0x0  }
0x8c: {  	[sflag:s20] =	ssyncadd.s32 $0xFFFFFF80  }
0x8d: {  	_ =	swait.ge [sflag:s20], $0x80  }
0x8e: {  	[sflag:s20] =	ssyncset.done $0x0  }
0x8f: {  	[sflag:s20] =	ssyncadd.s32 $0xFFFFFF80  }
0x90: {  	_ =	swait.ge [sflag:s20], $0x80  }
0x91: {  	[sflag:s20] =	ssyncset.done $0x0  }
0x92: {  	[sflag:s20] =	ssyncadd.s32 $0xFFFFFF80  }
0x93: {  	_ =	swait.ge [sflag:s20], $0x80  }
0x94: {  	[sflag:s20] =	ssyncset.done $0x0  }
0x95: {  	[sflag:s20] =	ssyncadd.s32 $0xFFFFFF80  }
0x96: {  	_ =	swait.ge [sflag:s20], $0x80  }
0x97: {  	[sflag:s20] =	ssyncset.done $0x0  }
0x98: {  	[sflag:s20] =	ssyncadd.s32 $0xFFFFFF80  }
0x99: {  	_ =	swait.ge [sflag:s20], $0x80  }
0x9a: {  	[sflag:s20] =	ssyncset.done $0x0  }
0x9b: {  	[sflag:s20] =	ssyncadd.s32 $0xFFFFFF80  }
0x9c: {  	_ =	swait.ge [sflag:s20], $0x80  }
0x9d: {  	[sflag:s20] =	ssyncset.done $0x0  }
0x9e: {  	[sflag:s20] =	ssyncadd.s32 $0xFFFFFF80  }
0x9f: {  	_ =	swait.ge [sflag:s20], $0x80  }
0xa0: {  	[sflag:s20] =	ssyncset.done $0x0  }
0xa1: {  	[sflag:s20] =	ssyncadd.s32 $0xFFFFFF80  }
0xa2: {  	_ =	swait.ge [sflag:s20], $0x80  }
0xa3: {  	[sflag:s20] =	ssyncset.done $0x0  }
0xa4: {  	[sflag:s20] =	ssyncadd.s32 $0xFFFFFF80  }
0xa5: {  	_ =	swait.ge [sflag:s20], $0x80  }
0xa6: {  	[sflag:s20] =	ssyncset.done $0x0  }
0xa7: {  	[sflag:s20] =	ssyncadd.s32 $0xFFFFFF80  }
0xa8: {  	_ =	swait.ge [sflag:s20], $0x80  }
0xa9: {  	[sflag:s20] =	ssyncset.done $0x0  }
0xaa: {  	[sflag:s20] =	ssyncadd.s32 $0xFFFFFF80  }
0xab: {  	_ =	swait.ge [sflag:s20], $0x80  }
0xac: {  	[sflag:s20] =	ssyncset.done $0x0  }
0xad: {  	[sflag:s20] =	ssyncadd.s32 $0xFFFFFF80  }
0xae: {  	_ =	swait.ge [sflag:s20], $0x80  }
0xaf: {  	[sflag:s20] =	ssyncset.done $0x0  }
0xb0: {  	[sflag:s20] =	ssyncadd.s32 $0xFFFFFF80  }
0xb1: {  	[hbm4b:s6+s2] =	stream.linear.scatter [tilespmem:s11], [sflag:$0x2], $0x1000, $0x38;
	[tilespmem:$0x4000] =	vst v63  }
0xb2: {  	_ =	swait.ge [sflag:s9], $0x1000  }
0xb3: {  	[sflag:s9] =	ssyncset.done $0x0  }
0xb4: {  	s17 =	simm.s32 $0x0;
	[sflag:s9] =	ssyncadd.s32 $0xFFFFF000  }
0xb5: {  	v3 =	vld [tilespmem:s17+$0x1000]  }
0xb6: {  	v2 =	vld [tilespmem:s17+$0x0];
	_ =	sdelay $0x2  }
0xb7: {  	v4 =	vor.u32 s19, v0;
	s8 =	smov.u32 s19;
	s18 =	simm.s32 $0x40  }
.LBB2_2:
0xb8: {  	s21 =	sshra.s32 s18, $0x2;
	p0 =	sne.s32 s18, $0x3FC0;
	s18 =	sadd.s32 $0x40, s18;
	[tilespmem:s17+$0x2000] =	vst v4;
	vm0 =	vgt.s32 v4, v3;
	v4 =	vor.u32 s8, v1  }
.Ltmp0:
0xb9: {  	v3 =	vld [tilespmem:s21+$0x1000];
	v4 =	vsel vm0, v2, v4;
	(pc) =	sbr.rel @p0 .LBB2_2-.Ltmp0, $3  }
0xba: {  	v2 =	vld [tilespmem:s21+$0x0];
	[tilespmem:s17+$0x3000] =	vst v4;
	s17 =	smov.u32 s21;
	_ =	sdelay $0x1  }
0xbb: {  	s8 =	sadd.s32 $0x10, s8  }
0xbc: {  	v4 =	vor.u32 s8, v0  }
0xbd: {  	v5 =	vor.u32 s8, v1;
	vm0 =	vgt.s32 v4, v3  }
0xbe: {  	[tilespmem:s17+$0x2000] =	vst v4;
	v2 =	vsel vm0, v2, v5  }
0xbf: {  	s18 =	simm.s32 $0x3000;
	s21 =	simm.s32 $0x2000;
	[tilespmem:s17+$0x3000] =	vst v2  }
0xc0: {  	[hbm4b:s4+s10] =	stream.indirect.scatter [tilespmem:s21], [sflag:$0x1], $0x1, s18, s10, $0xb8;
	[tilespmem:$0x4000] =	vst v63  }
0xc1: {  	s18 =	simm.s32 $0x3080;
	s21 =	simm.s32 $0x2080  }
0xc2: {  	[hbm4b:s4+s10] =	stream.indirect.scatter [tilespmem:s21], [sflag:$0x1], $0x1, s18, s10, $0xb8;
	[tilespmem:$0x4000] =	vst v63  }
0xc3: {  	s18 =	simm.s32 $0x3100;
	s21 =	simm.s32 $0x2100  }
0xc4: {  	[hbm4b:s4+s10] =	stream.indirect.scatter [tilespmem:s21], [sflag:$0x1], $0x1, s18, s10, $0xb8;
	[tilespmem:$0x4000] =	vst v63  }
0xc5: {  	s18 =	simm.s32 $0x3180;
	s21 =	simm.s32 $0x2180  }
0xc6: {  	[hbm4b:s4+s10] =	stream.indirect.scatter [tilespmem:s21], [sflag:$0x1], $0x1, s18, s10, $0xb8;
	[tilespmem:$0x4000] =	vst v63  }
0xc7: {  	s18 =	simm.s32 $0x3200;
	s21 =	simm.s32 $0x2200  }
0xc8: {  	[hbm4b:s4+s10] =	stream.indirect.scatter [tilespmem:s21], [sflag:$0x1], $0x1, s18, s10, $0xb8;
	[tilespmem:$0x4000] =	vst v63  }
0xc9: {  	s18 =	simm.s32 $0x3280;
	s21 =	simm.s32 $0x2280  }
0xca: {  	[hbm4b:s4+s10] =	stream.indirect.scatter [tilespmem:s21], [sflag:$0x1], $0x1, s18, s10, $0xb8;
	[tilespmem:$0x4000] =	vst v63  }
0xcb: {  	s18 =	simm.s32 $0x3300;
	s21 =	simm.s32 $0x2300  }
0xcc: {  	[hbm4b:s4+s10] =	stream.indirect.scatter [tilespmem:s21], [sflag:$0x1], $0x1, s18, s10, $0xb8;
	[tilespmem:$0x4000] =	vst v63  }
0xcd: {  	s18 =	simm.s32 $0x3380;
	s21 =	simm.s32 $0x2380  }
0xce: {  	[hbm4b:s4+s10] =	stream.indirect.scatter [tilespmem:s21], [sflag:$0x1], $0x1, s18, s10, $0xb8;
	[tilespmem:$0x4000] =	vst v63  }
0xcf: {  	s18 =	simm.s32 $0x3400;
	s21 =	simm.s32 $0x2400  }
0xd0: {  	[hbm4b:s4+s10] =	stream.indirect.scatter [tilespmem:s21], [sflag:$0x1], $0x1, s18, s10, $0xb8;
	[tilespmem:$0x4000] =	vst v63  }
0xd1: {  	s18 =	simm.s32 $0x3480;
	s21 =	simm.s32 $0x2480  }
0xd2: {  	[hbm4b:s4+s10] =	stream.indirect.scatter [tilespmem:s21], [sflag:$0x1], $0x1, s18, s10, $0xb8;
	[tilespmem:$0x4000] =	vst v63  }
0xd3: {  	s18 =	simm.s32 $0x3500;
	s21 =	simm.s32 $0x2500  }
0xd4: {  	[hbm4b:s4+s10] =	stream.indirect.scatter [tilespmem:s21], [sflag:$0x1], $0x1, s18, s10, $0xb8;
	[tilespmem:$0x4000] =	vst v63  }
0xd5: {  	s18 =	simm.s32 $0x3580;
	s21 =	simm.s32 $0x2580  }
0xd6: {  	[hbm4b:s4+s10] =	stream.indirect.scatter [tilespmem:s21], [sflag:$0x1], $0x1, s18, s10, $0xb8;
	[tilespmem:$0x4000] =	vst v63  }
0xd7: {  	s18 =	simm.s32 $0x3600;
	s21 =	simm.s32 $0x2600  }
0xd8: {  	[hbm4b:s4+s10] =	stream.indirect.scatter [tilespmem:s21], [sflag:$0x1], $0x1, s18, s10, $0xb8;
	[tilespmem:$0x4000] =	vst v63  }
0xd9: {  	s18 =	simm.s32 $0x3680;
	s21 =	simm.s32 $0x2680  }
0xda: {  	[hbm4b:s4+s10] =	stream.indirect.scatter [tilespmem:s21], [sflag:$0x1], $0x1, s18, s10, $0xb8;
	[tilespmem:$0x4000] =	vst v63  }
0xdb: {  	s18 =	simm.s32 $0x3700;
	s21 =	simm.s32 $0x2700  }
0xdc: {  	[hbm4b:s4+s10] =	stream.indirect.scatter [tilespmem:s21], [sflag:$0x1], $0x1, s18, s10, $0xb8;
	[tilespmem:$0x4000] =	vst v63  }
0xdd: {  	s18 =	simm.s32 $0x3780;
	s21 =	simm.s32 $0x2780  }
0xde: {  	[hbm4b:s4+s10] =	stream.indirect.scatter [tilespmem:s21], [sflag:$0x1], $0x1, s18, s10, $0xb8;
	[tilespmem:$0x4000] =	vst v63  }
0xdf: {  	_ =	swait.ge [sflag:s20], $0x80  }
0xe0: {  	[sflag:s20] =	ssyncset.done $0x0  }
0xe1: {  	[sflag:s20] =	ssyncadd.s32 $0xFFFFFF80  }
0xe2: {  	_ =	swait.ge [sflag:s20], $0x80  }
0xe3: {  	[sflag:s20] =	ssyncset.done $0x0  }
0xe4: {  	[sflag:s20] =	ssyncadd.s32 $0xFFFFFF80  }
0xe5: {  	_ =	swait.ge [sflag:s20], $0x80  }
0xe6: {  	[sflag:s20] =	ssyncset.done $0x0  }
0xe7: {  	[sflag:s20] =	ssyncadd.s32 $0xFFFFFF80  }
0xe8: {  	_ =	swait.ge [sflag:s20], $0x80  }
0xe9: {  	[sflag:s20] =	ssyncset.done $0x0  }
0xea: {  	[sflag:s20] =	ssyncadd.s32 $0xFFFFFF80  }
0xeb: {  	_ =	swait.ge [sflag:s20], $0x80  }
0xec: {  	[sflag:s20] =	ssyncset.done $0x0  }
0xed: {  	[sflag:s20] =	ssyncadd.s32 $0xFFFFFF80  }
0xee: {  	_ =	swait.ge [sflag:s20], $0x80  }
0xef: {  	[sflag:s20] =	ssyncset.done $0x0  }
0xf0: {  	[sflag:s20] =	ssyncadd.s32 $0xFFFFFF80  }
0xf1: {  	_ =	swait.ge [sflag:s20], $0x80  }
0xf2: {  	[sflag:s20] =	ssyncset.done $0x0  }
0xf3: {  	[sflag:s20] =	ssyncadd.s32 $0xFFFFFF80  }
0xf4: {  	_ =	swait.ge [sflag:s20], $0x80  }
0xf5: {  	[sflag:s20] =	ssyncset.done $0x0  }
0xf6: {  	[sflag:s20] =	ssyncadd.s32 $0xFFFFFF80  }
0xf7: {  	_ =	swait.ge [sflag:s20], $0x80  }
0xf8: {  	[sflag:s20] =	ssyncset.done $0x0  }
0xf9: {  	[sflag:s20] =	ssyncadd.s32 $0xFFFFFF80  }
0xfa: {  	_ =	swait.ge [sflag:s20], $0x80  }
0xfb: {  	[sflag:s20] =	ssyncset.done $0x0  }
0xfc: {  	[sflag:s20] =	ssyncadd.s32 $0xFFFFFF80  }
0xfd: {  	_ =	swait.ge [sflag:s20], $0x80  }
0xfe: {  	[sflag:s20] =	ssyncset.done $0x0  }
0xff: {  	[sflag:s20] =	ssyncadd.s32 $0xFFFFFF80  }
0x100: {  	_ =	swait.ge [sflag:s20], $0x80  }
0x101: {  	[sflag:s20] =	ssyncset.done $0x0  }
0x102: {  	[sflag:s20] =	ssyncadd.s32 $0xFFFFFF80  }
0x103: {  	_ =	swait.ge [sflag:s20], $0x80  }
0x104: {  	[sflag:s20] =	ssyncset.done $0x0  }
0x105: {  	[sflag:s20] =	ssyncadd.s32 $0xFFFFFF80  }
0x106: {  	_ =	swait.ge [sflag:s20], $0x80  }
0x107: {  	[sflag:s20] =	ssyncset.done $0x0  }
0x108: {  	[sflag:s20] =	ssyncadd.s32 $0xFFFFFF80  }
0x109: {  	_ =	swait.ge [sflag:s20], $0x80  }
0x10a: {  	[sflag:s20] =	ssyncset.done $0x0  }
0x10b: {  	[sflag:s20] =	ssyncadd.s32 $0xFFFFFF80  }
0x10c: {  	_ =	swait.ge [sflag:s20], $0x80  }
0x10d: {  	[sflag:s20] =	ssyncset.done $0x0  }
0x10e: {  	s18 =	simm.s32 $0x3800;
	s21 =	simm.s32 $0x2800;
	[sflag:s20] =	ssyncadd.s32 $0xFFFFFF80  }
0x10f: {  	[hbm4b:s4+s10] =	stream.indirect.scatter [tilespmem:s21], [sflag:$0x1], $0x1, s18, s10, $0xb8;
	[tilespmem:$0x4000] =	vst v63  }
0x110: {  	s18 =	simm.s32 $0x3880;
	s21 =	simm.s32 $0x2880  }
0x111: {  	[hbm4b:s4+s10] =	stream.indirect.scatter [tilespmem:s21], [sflag:$0x1], $0x1, s18, s10, $0xb8;
	[tilespmem:$0x4000] =	vst v63  }
0x112: {  	s18 =	simm.s32 $0x3900;
	s21 =	simm.s32 $0x2900  }
0x113: {  	[hbm4b:s4+s10] =	stream.indirect.scatter [tilespmem:s21], [sflag:$0x1], $0x1, s18, s10, $0xb8;
	[tilespmem:$0x4000] =	vst v63  }
0x114: {  	s18 =	simm.s32 $0x3980;
	s21 =	simm.s32 $0x2980  }
0x115: {  	[hbm4b:s4+s10] =	stream.indirect.scatter [tilespmem:s21], [sflag:$0x1], $0x1, s18, s10, $0xb8;
	[tilespmem:$0x4000] =	vst v63  }
0x116: {  	s18 =	simm.s32 $0x3A00;
	s21 =	simm.s32 $0x2A00  }
0x117: {  	[hbm4b:s4+s10] =	stream.indirect.scatter [tilespmem:s21], [sflag:$0x1], $0x1, s18, s10, $0xb8;
	[tilespmem:$0x4000] =	vst v63  }
0x118: {  	s18 =	simm.s32 $0x3A80;
	s21 =	simm.s32 $0x2A80  }
0x119: {  	[hbm4b:s4+s10] =	stream.indirect.scatter [tilespmem:s21], [sflag:$0x1], $0x1, s18, s10, $0xb8;
	[tilespmem:$0x4000] =	vst v63  }
0x11a: {  	s18 =	simm.s32 $0x3B00;
	s21 =	simm.s32 $0x2B00  }
0x11b: {  	[hbm4b:s4+s10] =	stream.indirect.scatter [tilespmem:s21], [sflag:$0x1], $0x1, s18, s10, $0xb8;
	[tilespmem:$0x4000] =	vst v63  }
0x11c: {  	s17 =	simm.s32 $0x3B80;
	s18 =	simm.s32 $0x2B80  }
0x11d: {  	[hbm4b:s4+s10] =	stream.indirect.scatter [tilespmem:s18], [sflag:$0x1], $0x1, s17, s10, $0xb8;
	[tilespmem:$0x4000] =	vst v63  }
0x11e: {  	s21 =	simm.s32 $0x3C00  }
0x11f: {  	[hbm4b:s4+s10] =	stream.indirect.scatter [tilespmem:s22], [sflag:$0x1], $0x1, s21, s10, $0xb8;
	[tilespmem:$0x4000] =	vst v63  }
0x120: {  	_ = 	snop  }
0x121: {  	[hbm4b:s4+s10] =	stream.indirect.scatter [tilespmem:s24], [sflag:$0x1], $0x1, s23, s10, $0xb8;
	[tilespmem:$0x4000] =	vst v63  }
0x122: {  	_ = 	snop  }
0x123: {  	[hbm4b:s4+s10] =	stream.indirect.scatter [tilespmem:s26], [sflag:$0x1], $0x1, s25, s10, $0xb8;
	[tilespmem:$0x4000] =	vst v63  }
0x124: {  	_ = 	snop  }
0x125: {  	[hbm4b:s4+s10] =	stream.indirect.scatter [tilespmem:s29], [sflag:$0x1], $0x1, s28, s10, $0xb8;
	[tilespmem:$0x4000] =	vst v63  }
0x126: {  	_ = 	snop  }
0x127: {  	[hbm4b:s4+s10] =	stream.indirect.scatter [tilespmem:s31], [sflag:$0x1], $0x1, s30, s10, $0xb8;
	[tilespmem:$0x4000] =	vst v63  }
0x128: {  	_ = 	snop  }
0x129: {  	[hbm4b:s4+s10] =	stream.indirect.scatter [tilespmem:s1], [sflag:$0x1], $0x1, s0, s10, $0xb8;
	[tilespmem:$0x4000] =	vst v63  }
0x12a: {  	_ = 	snop  }
0x12b: {  	[hbm4b:s4+s10] =	stream.indirect.scatter [tilespmem:s13], [sflag:$0x1], $0x1, s12, s10, $0xb8;
	[tilespmem:$0x4000] =	vst v63  }
0x12c: {  	_ = 	snop  }
0x12d: {  	[hbm4b:s4+s10] =	stream.indirect.scatter [tilespmem:s15], [sflag:$0x1], $0x1, s14, s10, $0xb8;
	[tilespmem:$0x4000] =	vst v63  }
0x12e: {  	_ =	swait.ge [sflag:s20], $0x80  }
0x12f: {  	[sflag:s20] =	ssyncset.done $0x0  }
0x130: {  	[sflag:s20] =	ssyncadd.s32 $0xFFFFFF80  }
0x131: {  	_ =	swait.ge [sflag:s20], $0x80  }
0x132: {  	[sflag:s20] =	ssyncset.done $0x0  }
0x133: {  	[sflag:s20] =	ssyncadd.s32 $0xFFFFFF80  }
0x134: {  	_ =	swait.ge [sflag:s20], $0x80  }
0x135: {  	[sflag:s20] =	ssyncset.done $0x0  }
0x136: {  	[sflag:s20] =	ssyncadd.s32 $0xFFFFFF80  }
0x137: {  	_ =	swait.ge [sflag:s20], $0x80  }
0x138: {  	[sflag:s20] =	ssyncset.done $0x0  }
0x139: {  	[sflag:s20] =	ssyncadd.s32 $0xFFFFFF80  }
0x13a: {  	_ =	swait.ge [sflag:s20], $0x80  }
0x13b: {  	[sflag:s20] =	ssyncset.done $0x0  }
0x13c: {  	[sflag:s20] =	ssyncadd.s32 $0xFFFFFF80  }
0x13d: {  	_ =	swait.ge [sflag:s20], $0x80  }
0x13e: {  	[sflag:s20] =	ssyncset.done $0x0  }
0x13f: {  	[sflag:s20] =	ssyncadd.s32 $0xFFFFFF80  }
0x140: {  	_ =	swait.ge [sflag:s20], $0x80  }
0x141: {  	[sflag:s20] =	ssyncset.done $0x0  }
0x142: {  	[sflag:s20] =	ssyncadd.s32 $0xFFFFFF80  }
0x143: {  	_ =	swait.ge [sflag:s20], $0x80  }
0x144: {  	[sflag:s20] =	ssyncset.done $0x0  }
0x145: {  	[sflag:s20] =	ssyncadd.s32 $0xFFFFFF80  }
0x146: {  	_ =	swait.ge [sflag:s20], $0x80  }
0x147: {  	[sflag:s20] =	ssyncset.done $0x0  }
0x148: {  	[sflag:s20] =	ssyncadd.s32 $0xFFFFFF80  }
0x149: {  	_ =	swait.ge [sflag:s20], $0x80  }
0x14a: {  	[sflag:s20] =	ssyncset.done $0x0  }
0x14b: {  	[sflag:s20] =	ssyncadd.s32 $0xFFFFFF80  }
0x14c: {  	_ =	swait.ge [sflag:s20], $0x80  }
0x14d: {  	[sflag:s20] =	ssyncset.done $0x0  }
0x14e: {  	[sflag:s20] =	ssyncadd.s32 $0xFFFFFF80  }
0x14f: {  	_ =	swait.ge [sflag:s20], $0x80  }
0x150: {  	[sflag:s20] =	ssyncset.done $0x0  }
0x151: {  	[sflag:s20] =	ssyncadd.s32 $0xFFFFFF80  }
0x152: {  	_ =	swait.ge [sflag:s20], $0x80  }
0x153: {  	[sflag:s20] =	ssyncset.done $0x0  }
0x154: {  	[sflag:s20] =	ssyncadd.s32 $0xFFFFFF80  }
0x155: {  	_ =	swait.ge [sflag:s20], $0x80  }
0x156: {  	[sflag:s20] =	ssyncset.done $0x0  }
0x157: {  	s16 =	sadd.s32 $0x1, s16;
	[sflag:s20] =	ssyncadd.s32 $0xFFFFFF80  }
0x158: {  	p0 =	sne.s32 s16, s7;
	_ =	swait.ge [sflag:s20], $0x80  }
.Ltmp1:
0x159: {  	[sflag:s20] =	ssyncset.done $0x0;
	(pc) =	sbr.rel @p0 .LBB2_1-.Ltmp1, $4  }
0x15a: {  	[sflag:s20] =	ssyncadd.s32 $0xFFFFFF80  }
0x15b: {  	_ =	swait.ge [sflag:s20], $0x80  }
0x15c: {  	[sflag:s20] =	ssyncset.done $0x0  }
0x15d: {  	[sflag:s20] =	ssyncadd.s32 $0xFFFFFF80  }
0x15e: {  	_ =	sfence.sel $0x180000  }
0x15f: {  	[bflag:$0x0] =	sbarrier.arrive $0xFFFF  }
0x160: {  	_ =	strace $0x9000004A  }
0x161: {  	s0 =	stileid.u32;
	[bflag:$0x2] =	sbarrier.arrive $0xFFFF  }
0x162: {  	p0 =	sne.s32 s0, $0x0;
	s0 =	rddreg [dreg:$0x1]  }
0x163: {  	s0 =	sadd.s32 @!p0 $0x100000, s0  }
0x164: {  	[sflag:s0] =	ssyncadd.tile.s32 @!p0 $0x1;
	_ =	shalt  }
.Lfunc_end2:
_tile_overlayer_lowered:
.L_overlay_start_2:
0x165: {  	(tag) =	ssettag $0x2  }
0x166: {  	s0 =	rddreg [dreg:$0x0];
	s2 =	stileid.u32  }
0x167: {  	s1 =	rddreg [dreg:$0x1];
	p0 =	sne.s32 s2, $0x0  }
0x168: {  	s3 =	rddreg [dreg:$0x2];
	[bflag:$0x3] =	sbarrier.arrive $0xFFFF;
	s2 =	simm.s32 @!p0 $0x1C02  }
0x169: {  	[timem:s3], [sflag:s2] =	dma.local @!p0 [hbm:s0], s1  }
0x16a: {  	s0 =	simm.s32 @!p0 $0x2  }
0x16b: {  	_ =	swait.ge @!p0 [sflag:s0], s1  }
0x16c: {  	s1 =	ssub.s32 @!p0 $0x0, s1;
	[sflag:s0] =	ssyncset.done @!p0 $0x0  }
0x16d: {  	[sflag:s0] =	ssyncadd.s32 @!p0 s1  }
0x16e: {  	[bflag:$0x3] =	sbarrier.arrive $0xFFFF  }
0x16f: {  	_ =	shalt  }

// kernel: kernel.15.cloned.1.call-start
scs
__scs_entry_jumppad:
0x0: {  	(pc) =	sbr.rel $0x88, $3  }
0x1: {  	(tag) =	ssettag $0x0;
	lr =	simm.s32 $0x1  }
0x2: {  	[smem:$0x3F9B] =	sst lr;
	_ =	strace $0xD0000000  }
0x3: {  	_ = 	snop  }
0x4: {  	_ = 	snop  }
0x5: {  	_ = 	snop  }
0x6: {  	_ = 	snop  }
0x7: {  	_ = 	snop  }
__scs_overlays_trampoline_lowered:
0x8: {  	[smem:$0x3FAA] =	sst s0  }
0x9: {  	[smem:$0x3FAB] =	sst s1  }
0xa: {  	[smem:$0x3FAC] =	sst s2  }
0xb: {  	[smem:$0x3FAD] =	sst s3  }
0xc: {  	[smem:$0x3FAE] =	sst s4  }
0xd: {  	[smem:$0x3FAF] =	sst s5  }
0xe: {  	[smem:$0x3FB0] =	sst s6  }
0xf: {  	[smem:$0x3FB1] =	sst s7  }
0x10: {  	[smem:$0x3FB2] =	sst s8  }
0x11: {  	[smem:$0x3FB3] =	sst s9;
	s0 =	simm.s32 @!p0 $0x0  }
0x12: {  	s1 =	sld [smem:$0x3F99];
	s0 =	simm.s32 @p0 $0x1  }
0x13: {  	[smem:$0x3FB4] =	sst s0;
	s0 =	simm.s32 @!p1 $0x0  }
0x14: {  	s2 =	sld [smem:$0x3F98];
	s0 =	simm.s32 @p1 $0x1  }
0x15: {  	[smem:$0x3FB5] =	sst s0;
	s0 =	simm.s32 @!p2 $0x0  }
0x16: {  	s3 =	sld [smem:$0x3FDB];
	s0 =	simm.s32 @p2 $0x1  }
0x17: {  	s4 =	simm.s32 $0x1BF5;
	[smem:$0x3FB7] =	sst s0  }
0x18: {  	s0 =	sld [smem:$0x3F9A];
	_ =	swait.ge [sflag:s4], $0x0  }
0x19: {  	s7 =	sld [smem:$0x3F9B]  }
0x1a: {  	s8 =	sadd.s32 $0xFFFFE003, lr  }
0x1b: {  	s9 =	sadd.s32 $0xFFFFFEF7, lr;
	s5 =	simm.s32 $0xFFFFFFFF;
	p2 =	slt.u32 s8, $0xFFFFF086  }
0x1c: {  	p1 =	slt.u32 s9, $0xF7A;
	s5 =	simm.s32 @!p2 $0x0  }
0x1d: {  	s5 =	simm.s32 @p1 $0x1;
	p0 =	seq.s32 s7, s2  }
0x1e: {  	s7 =	smul.u32 @!p0 $0xF7A, s2;
	p2 =	seq.s32 @!p0 s5, $0x0  }
0x1f: {  	s9 =	smul.u32 $0xF7A, s1;
	s8 =	simm.s32 @!p0 $0x1BF5;
	p2 =	por !p2, p0  }
0x20: {  	[sflag:s8] =	ssyncset.s32 @!p0 $0xFFFFF086;
	s6 =	sadd.s32 @!p0 s3, s7;
	s7 =	simm.s32 @!p0 $0x108  }
0x21: {  	s3 =	sadd.s32 s3, s9;
	s6 =	sadd.s32 @!p0 $0x88, s6;
	s7 =	simm.s32 @p2 $0x1082  }
0x22: {  	[simem:s7], [sflag:s8] =	dma.local @!p0 [hbm:s6], $0xF7A  }
0x23: {  	s9 =	sor.u32 $0xD0000000, s2;
	s6 =	simm.s32 $0x108;
	_ =	swait.ge @!p0 [sflag:s8], $0x0  }
0x24: {  	s3 =	sadd.s32 $0x88, s3;
	s6 =	simm.s32 @!p1 $0x1082;
	[sflag:s4] =	ssyncset.s32 $0xFFFFF086  }
0x25: {  	[simem:s6], [sflag:s4] =	dma.local [hbm:s3], $0xF7A  }
0x26: {  	[smem:$0x3F9B] =	sst s1;
	(tag) =	ssettag s2;
	_ =	strace s9  }
0x27: {  	s1 =	sld [smem:$0x3FAB]  }
0x28: {  	s2 =	sld [smem:$0x3FAC]  }
0x29: {  	s4 =	sld [smem:$0x3FAE]  }
0x2a: {  	p0 =	seq.s32 s5, $0x0;
	s5 =	sld [smem:$0x3FAF]  }
0x2b: {  	s6 =	sld [smem:$0x3FB0]  }
0x2c: {  	s7 =	sld [smem:$0x3FB1]  }
0x2d: {  	s3 =	simm.s32 $0x108;
	s8 =	sld [smem:$0x3FB2]  }
0x2e: {  	s3 =	simm.s32 @!p0 $0x1082;
	s9 =	sld [smem:$0x3FB3]  }
0x2f: {  	lr =	sadd.s32 s0, s3;
	s0 =	sld [smem:$0x3FAA]  }
0x30: {  	s3 =	sld [smem:$0x3FAD]  }
0x31: {  	[smem:$0x3FB6] =	sst s10  }
0x32: {  	s10 =	sld [smem:$0x3FB4];
	_ =	sdelay $0x3  }
0x33: {  	p0 =	seq.s32 s10, $0x1;
	s10 =	sld [smem:$0x3FB6];
	_ =	sdelay $0x3  }
0x34: {  	[smem:$0x3FB6] =	sst s10  }
0x35: {  	s10 =	sld [smem:$0x3FB5];
	_ =	sdelay $0x3  }
0x36: {  	p1 =	seq.s32 s10, $0x1;
	s10 =	sld [smem:$0x3FB6];
	_ =	sdelay $0x3  }
0x37: {  	[smem:$0x3FB6] =	sst s10  }
0x38: {  	s10 =	sld [smem:$0x3FB7]  }
0x39: {  	_ = 	snop;
	(pc) =	sbr.ind lr, $3  }
0x3a: {  	_ = 	snop  }
0x3b: {  	_ = 	snop  }
0x3c: {  	p2 =	seq.s32 s10, $0x1;
	s10 =	sld [smem:$0x3FB6]  }
0x3d: {  	_ =	shalt  }
0x3e: {  	_ =	shalt  }
0x3f: {  	_ =	shalt  }
0x40: {  	_ =	shalt  }
0x41: {  	_ =	shalt  }
0x42: {  	_ =	shalt  }
0x43: {  	_ =	shalt  }
0x44: {  	_ =	shalt  }
0x45: {  	_ =	shalt  }
0x46: {  	_ =	shalt  }
0x47: {  	_ =	shalt  }
0x48: {  	_ =	shalt  }
0x49: {  	_ =	shalt  }
0x4a: {  	_ =	shalt  }
0x4b: {  	_ =	shalt  }
0x4c: {  	_ =	shalt  }
0x4d: {  	_ =	shalt  }
0x4e: {  	_ =	shalt  }
0x4f: {  	_ =	shalt  }
0x50: {  	_ =	shalt  }
0x51: {  	_ =	shalt  }
0x52: {  	_ =	shalt  }
0x53: {  	_ =	shalt  }
0x54: {  	_ =	shalt  }
0x55: {  	_ =	shalt  }
0x56: {  	_ =	shalt  }
0x57: {  	_ =	shalt  }
0x58: {  	_ =	shalt  }
0x59: {  	_ =	shalt  }
0x5a: {  	_ =	shalt  }
0x5b: {  	_ =	shalt  }
0x5c: {  	_ =	shalt  }
0x5d: {  	_ =	shalt  }
0x5e: {  	_ =	shalt  }
0x5f: {  	_ =	shalt  }
0x60: {  	_ =	shalt  }
0x61: {  	_ =	shalt  }
0x62: {  	_ =	shalt  }
0x63: {  	_ =	shalt  }
0x64: {  	_ =	shalt  }
0x65: {  	_ =	shalt  }
0x66: {  	_ =	shalt  }
0x67: {  	_ =	shalt  }
0x68: {  	_ =	shalt  }
0x69: {  	_ =	shalt  }
0x6a: {  	_ =	shalt  }
0x6b: {  	_ =	shalt  }
0x6c: {  	_ =	shalt  }
0x6d: {  	_ =	shalt  }
0x6e: {  	_ =	shalt  }
0x6f: {  	_ =	shalt  }
0x70: {  	_ =	shalt  }
0x71: {  	_ =	shalt  }
0x72: {  	_ =	shalt  }
0x73: {  	_ =	shalt  }
0x74: {  	_ =	shalt  }
0x75: {  	_ =	shalt  }
0x76: {  	_ =	shalt  }
0x77: {  	_ =	shalt  }
0x78: {  	_ =	shalt  }
0x79: {  	_ =	shalt  }
0x7a: {  	_ =	shalt  }
0x7b: {  	_ =	shalt  }
0x7c: {  	_ =	shalt  }
0x7d: {  	_ =	shalt  }
0x7e: {  	_ =	shalt  }
0x7f: {  	_ =	shalt  }
0x80: {  	_ =	shalt  }
0x81: {  	_ =	shalt  }
0x82: {  	_ =	shalt  }
0x83: {  	_ =	shalt  }
0x84: {  	_ =	shalt  }
0x85: {  	_ =	shalt  }
0x86: {  	_ =	shalt  }
0x87: {  	_ =	shalt  }
.Lfunc_end0:
.L_simem_size_0:
called_computation.2_lowered:
.L_overlay_start_0:
0x88: {  	s2 =	sld [smem:$0x3FD9]  }
0x89: {  	s3 =	sld [smem:$0x3FFE];
	_ =	sdelay $0x1  }
0x8a: {  	s1 =	srdreg.scid  }
0x8b: {  	s0 =	sand.u32 $0x1, s1  }
0x8c: {  	s17 =	sshll.u32 s0, $0xA;
	s2 =	sadd.s32 s3, s2  }
0x8d: {  	s2 =	sadd.s32 s2, s17  }
0x8e: {  	[smem:$0x3FC2] =	sst s2  }
0x8f: {  	_ = 	snop  }
0x90: {  	s2 =	sld [smem:$0x3FD0];
	(tm) =	ssettm $0x1  }
0x91: {  	s18 =	sld [smem:$0x3FFB];
	_ =	sdelay $0x3  }
0x92: {  	_ =	strace s18  }
0x93: {  	s3 =	sld [smem:$0x3FFC];
	_ =	sdelay $0x3  }
0x94: {  	_ =	strace s3  }
0x95: {  	s3 =	sld [smem:$0x3FFD];
	_ =	sdelay $0x3  }
0x96: {  	_ =	strace s3  }
0x97: {  	_ =	strace $0x8FFFFFFF  }
0x98: {  	s19 =	sld [smem:$0x3FDB];
	_ =	sdelay $0x1  }
0x99: {  	s4 =	simm.s32 $_scs_section_size  }
0x9a: {  	s5 =	simm.s32 $_size__tile_overlayer_lowered;
	s6 =	simm.s32 $_tile_overlayer_lowered  }
0x9b: {  	s22 =	simm.s32 $0x1BFF;
	s21 =	sshll.u32 s6, $0x1;
	s3 =	sadd.s32 s4, s19  }
0x9c: {  	s7 =	simm.s32 $0x0;
	s20 =	sshll.u32 s5, $0x1;
	s5 =	sadd.s32 s21, s3  }
0x9d: {  	[timem:s7], [sflag:s22] =	dma.local [hbm:s5], s20  }
0x9e: {  	_ =	swait.ge [sflag:s22], s20  }
0x9f: {  	s4 =	ssub.s32 $0x0, s20;
	[sflag:s22] =	ssyncset.done $0x0  }
0xa0: {  	[sflag:s22] =	ssyncadd.s32 s4;
	_ =	sdelay $0x1  }
0xa1: {  	s23 =	simm.s32 $0x1B8B  }
0xa2: {  	_ =	swait.ge [sflag:s23], $0x1  }
0xa3: {  	[sflag:s23] =	ssyncset.done $0x0  }
0xa4: {  	s25 =	simm.s32 $0x1B8E;
	s24 =	sld [smem:$0x3FFE];
	[sflag:s23] =	ssyncadd.s32 $0xFFFFFFFF  }
0xa5: {  	s26 =	simm.s32 $execute0_lowered;
	[smem:$0x3FD2] =	sst s25  }
0xa6: {  	s5 =	sshll.u32 s26, $0x1;
	_ =	strace $0x8000004C;
	[dreg:$0x1] =	wrdreg $0xFFFFFFFF  }
0xa7: {  	s28 =	simm.s32 $_size_execute0_lowered;
	s3 =	sadd.s32 s3, s5;
	[dreg:$0x0] =	wrdreg $0x0  }
0xa8: {  	s5 =	sshll.u32 s28, $0x1;
	[dreg:$0x2] =	wrdreg s3  }
0xa9: {  	[dreg:$0x3] =	wrdreg s5  }
0xaa: {  	[dreg:$0x4] =	wrdreg $0xC0  }
0xab: {  	_ =	task [dreg:s7], $0x5FFFF  }
0xac: {  	[dreg:$0x1] =	wrdreg $0xFFFFFFFF  }
0xad: {  	[dreg:$0x0] =	wrdreg $0x60  }
0xae: {  	[dreg:$0x2] =	wrdreg s24  }
0xaf: {  	[dreg:$0x3] =	wrdreg s2  }
0xb0: {  	[dreg:$0x4] =	wrdreg $0x9  }
0xb1: {  	_ =	task.clear_ibuf [dreg:s7], $0x5FFFF;
	_ =	strace $0x9000004C  }
0xb2: {  	s29 =	simm.s32 $0x9;
	_ =	strace $0x8000004E  }
0xb3: {  	_ =	swait.ge [sflag:s29], $0x1  }
0xb4: {  	[sflag:s29] =	ssyncadd.s32 $0xFFFFFFFF  }
0xb5: {  	_ =	strace $0x9000004E  }
0xb6: {  	_ =	sfence  }
0xb7: {  	s30 =	sld [smem:$0x0];
	_ =	sdelay $0x2  }
0xb8: {  	s31 =	sshll.u32 s1, $0xD;
	s1 =	sshrl.u32 s1, $0x2  }
0xb9: {  	s3 =	sand.u32 $0x4000, s31;
	s1 =	sadd.s32 s1, s30  }
0xba: {  	s0 =	sor.u32 s3, s0;
	s1 =	sshll.u32 s1, $0x11  }
0xbb: {  	s0 =	sor.u32 s1, s0  }
0xbc: {  	s0 =	sadd.s32 $0x8F2B, s0  }
0xbd: {  	[sflag:s0] =	ssyncadd.remote.s32 $0x1  }
0xbe: {  	_ =	sfence.sel $0xFFFF  }
0xbf: {  	[dreg:$0x0] =	wrdreg $0xFFFFFFFF;
	(pc) =	sbr.abs _section_cstart, $3  }
0xc0: {  	[dreg:$0x1] =	wrdreg $0xFFFFFFFF  }
0xc1: {  	_ =	task.clear_ibuf [dreg:s7], $0x2FFFF;
	_ =	strace $0x9FFFFFFF  }
0xc2: {  	(tm) =	ssettm $0x7FFFFFFF  }
0xc3: {  	_ =	shalt  }
tec
execute0_lowered:
.L_overlay_start_1:
0x0: {  	(tag) =	ssettag $0x1  }
0x1: {  	s0 =	rddreg [dreg:$0x0]  }
0x2: {  	s1 =	rddreg [dreg:$0x1];
	s3 =	simm.s32 $0x0  }
0x3: {  	s2 =	srdreg.scid;
	s9 =	stileid.u32;
	s10 =	simm.s32 $0x2  }
0x4: {  	s11 =	simm.s32 $0x1000;
	s12 =	simm.s32 $0x80;
	s23 =	simm.s32 $0x1  }
0x5: {  	s31 =	simm.s32 $0x3C80;
	s13 =	simm.s32 $0x4D00;
	s14 =	simm.s32 $0x3D80  }
0x6: {  	s15 =	simm.s32 $0x4D80;
	s16 =	simm.s32 $0x3E00;
	s17 =	simm.s32 $0x4E00  }
0x7: {  	s18 =	simm.s32 $0x3E80;
	s19 =	simm.s32 $0x4E80;
	s20 =	simm.s32 $0x3F00  }
0x8: {  	s21 =	simm.s32 $0x4F00;
	s22 =	simm.s32 $0x3F80;
	s24 =	simm.s32 $0x4F80  }
0x9: {  	s25 =	simm.s32 $0x0;
	[smem:$0x7FF] =	sst s3;
	s2 =	sand.u32 $0x1, s2  }
0xa: {  	s4 =	sshll.u32 s9, $0xA;
	s30 =	sshll.u32 s9, $0xD;
	s5 =	sshll.u32 s2, $0x9  }
0xb: {  	s6 =	ssub.s32 $0x2, s2;
	_ =	strace $0x8000004D;
	s2 =	sshll.u32 s2, $0xC  }
0xc: {  	s5 =	sor.u32 s5, s4;
	s7 =	sshrl.u32 s6, $0x1;
	s4 =	sadd.s32 $0x214400, s0  }
0xd: {  	s9 =	sor.u32 s2, s30;
	s2 =	simm.s32 $0x3D00;
	s0 =	sadd.s32 s5, s0  }
0xe: {  	s8 =	ssub.s32 s6, s7;
	s5 =	sadd.s32 $0x8400, s0;
	s6 =	sadd.s32 $0x210400, s0  }
0xf: {  	v0 =	vlaneseq.u32;
	s7 =	sadd.s32 $0xC400, s0;
	s8 =	smax.u32 s8, $0x1;
	s0 =	simm.s32 $0x4C80  }
.LBB2_1:
0x10: {  	[tilespmem:s3], [sflag:$0x2] =	stream.linear.gather [hbm4b:s5+s3], $0x1000, $0x38;
	[tilespmem:$0x5000] =	vst v63  }
0x11: {  	_ =	swait.ge [sflag:s10], $0x1000  }
0x12: {  	[sflag:s10] =	ssyncset.done $0x0  }
0x13: {  	[sflag:s10] =	ssyncadd.s32 $0xFFFFF000  }
0x14: {  	[tilespmem:s11], [sflag:$0x2] =	stream.linear.gather [hbm4b:s6+s3], $0x1000, $0x38;
	[tilespmem:$0x5000] =	vst v63  }
0x15: {  	_ =	swait.ge [sflag:s10], $0x1000  }
0x16: {  	[sflag:s10] =	ssyncset.done $0x0  }
0x17: {  	s26 =	simm.s32 $0x2000;
	[sflag:s10] =	ssyncadd.s32 $0xFFFFF000  }
0x18: {  	[tilespmem:s26], [sflag:$0x1] =	stream.indirect.gather [hbm4b:s4+s12], $0x1, s3, s12, $0xb8;
	[tilespmem:$0x5000] =	vst v63  }
0x19: {  	s30 =	simm.s32 $0x2080  }
0x1a: {  	[tilespmem:s30], [sflag:$0x1] =	stream.indirect.gather [hbm4b:s4+s12], $0x1, s12, s12, $0xb8;
	[tilespmem:$0x5000] =	vst v63  }
0x1b: {  	s28 =	simm.s32 $0x2100;
	s30 =	simm.s32 $0x100  }
0x1c: {  	[tilespmem:s28], [sflag:$0x1] =	stream.indirect.gather [hbm4b:s4+s12], $0x1, s30, s12, $0xb8;
	[tilespmem:$0x5000] =	vst v63  }
0x1d: {  	s30 =	simm.s32 $0x180;
	s28 =	simm.s32 $0x2180  }
0x1e: {  	[tilespmem:s28], [sflag:$0x1] =	stream.indirect.gather [hbm4b:s4+s12], $0x1, s30, s12, $0xb8;
	[tilespmem:$0x5000] =	vst v63  }
0x1f: {  	s30 =	simm.s32 $0x200;
	s28 =	simm.s32 $0x2200  }
0x20: {  	[tilespmem:s28], [sflag:$0x1] =	stream.indirect.gather [hbm4b:s4+s12], $0x1, s30, s12, $0xb8;
	[tilespmem:$0x5000] =	vst v63  }
0x21: {  	s30 =	simm.s32 $0x280;
	s28 =	simm.s32 $0x2280  }
0x22: {  	[tilespmem:s28], [sflag:$0x1] =	stream.indirect.gather [hbm4b:s4+s12], $0x1, s30, s12, $0xb8;
	[tilespmem:$0x5000] =	vst v63  }
0x23: {  	s30 =	simm.s32 $0x300;
	s28 =	simm.s32 $0x2300  }
0x24: {  	[tilespmem:s28], [sflag:$0x1] =	stream.indirect.gather [hbm4b:s4+s12], $0x1, s30, s12, $0xb8;
	[tilespmem:$0x5000] =	vst v63  }
0x25: {  	s30 =	simm.s32 $0x380;
	s28 =	simm.s32 $0x2380  }
0x26: {  	[tilespmem:s28], [sflag:$0x1] =	stream.indirect.gather [hbm4b:s4+s12], $0x1, s30, s12, $0xb8;
	[tilespmem:$0x5000] =	vst v63  }
0x27: {  	s30 =	simm.s32 $0x400;
	s28 =	simm.s32 $0x2400  }
0x28: {  	[tilespmem:s28], [sflag:$0x1] =	stream.indirect.gather [hbm4b:s4+s12], $0x1, s30, s12, $0xb8;
	[tilespmem:$0x5000] =	vst v63  }
0x29: {  	s30 =	simm.s32 $0x480;
	s28 =	simm.s32 $0x2480  }
0x2a: {  	[tilespmem:s28], [sflag:$0x1] =	stream.indirect.gather [hbm4b:s4+s12], $0x1, s30, s12, $0xb8;
	[tilespmem:$0x5000] =	vst v63  }
0x2b: {  	s30 =	simm.s32 $0x500;
	s28 =	simm.s32 $0x2500  }
0x2c: {  	[tilespmem:s28], [sflag:$0x1] =	stream.indirect.gather [hbm4b:s4+s12], $0x1, s30, s12, $0xb8;
	[tilespmem:$0x5000] =	vst v63  }
0x2d: {  	s30 =	simm.s32 $0x580;
	s28 =	simm.s32 $0x2580  }
0x2e: {  	[tilespmem:s28], [sflag:$0x1] =	stream.indirect.gather [hbm4b:s4+s12], $0x1, s30, s12, $0xb8;
	[tilespmem:$0x5000] =	vst v63  }
0x2f: {  	s30 =	simm.s32 $0x600;
	s28 =	simm.s32 $0x2600  }
0x30: {  	[tilespmem:s28], [sflag:$0x1] =	stream.indirect.gather [hbm4b:s4+s12], $0x1, s30, s12, $0xb8;
	[tilespmem:$0x5000] =	vst v63  }
0x31: {  	s30 =	simm.s32 $0x680;
	s28 =	simm.s32 $0x2680  }
0x32: {  	[tilespmem:s28], [sflag:$0x1] =	stream.indirect.gather [hbm4b:s4+s12], $0x1, s30, s12, $0xb8;
	[tilespmem:$0x5000] =	vst v63  }
0x33: {  	s30 =	simm.s32 $0x700;
	s28 =	simm.s32 $0x2700  }
0x34: {  	[tilespmem:s28], [sflag:$0x1] =	stream.indirect.gather [hbm4b:s4+s12], $0x1, s30, s12, $0xb8;
	[tilespmem:$0x5000] =	vst v63  }
0x35: {  	s30 =	simm.s32 $0x780;
	s28 =	simm.s32 $0x2780  }
0x36: {  	[tilespmem:s28], [sflag:$0x1] =	stream.indirect.gather [hbm4b:s4+s12], $0x1, s30, s12, $0xb8;
	[tilespmem:$0x5000] =	vst v63  }
0x37: {  	_ =	swait.ge [sflag:s23], $0x80  }
0x38: {  	[sflag:s23] =	ssyncset.done $0x0  }
0x39: {  	[sflag:s23] =	ssyncadd.s32 $0xFFFFFF80  }
0x3a: {  	_ =	swait.ge [sflag:s23], $0x80  }
0x3b: {  	[sflag:s23] =	ssyncset.done $0x0  }
0x3c: {  	[sflag:s23] =	ssyncadd.s32 $0xFFFFFF80  }
0x3d: {  	_ =	swait.ge [sflag:s23], $0x80  }
0x3e: {  	[sflag:s23] =	ssyncset.done $0x0  }
0x3f: {  	[sflag:s23] =	ssyncadd.s32 $0xFFFFFF80  }
0x40: {  	_ =	swait.ge [sflag:s23], $0x80  }
0x41: {  	[sflag:s23] =	ssyncset.done $0x0  }
0x42: {  	[sflag:s23] =	ssyncadd.s32 $0xFFFFFF80  }
0x43: {  	_ =	swait.ge [sflag:s23], $0x80  }
0x44: {  	[sflag:s23] =	ssyncset.done $0x0  }
0x45: {  	[sflag:s23] =	ssyncadd.s32 $0xFFFFFF80  }
0x46: {  	_ =	swait.ge [sflag:s23], $0x80  }
0x47: {  	[sflag:s23] =	ssyncset.done $0x0  }
0x48: {  	[sflag:s23] =	ssyncadd.s32 $0xFFFFFF80  }
0x49: {  	_ =	swait.ge [sflag:s23], $0x80  }
0x4a: {  	[sflag:s23] =	ssyncset.done $0x0  }
0x4b: {  	[sflag:s23] =	ssyncadd.s32 $0xFFFFFF80  }
0x4c: {  	_ =	swait.ge [sflag:s23], $0x80  }
0x4d: {  	[sflag:s23] =	ssyncset.done $0x0  }
0x4e: {  	[sflag:s23] =	ssyncadd.s32 $0xFFFFFF80  }
0x4f: {  	_ =	swait.ge [sflag:s23], $0x80  }
0x50: {  	[sflag:s23] =	ssyncset.done $0x0  }
0x51: {  	[sflag:s23] =	ssyncadd.s32 $0xFFFFFF80  }
0x52: {  	_ =	swait.ge [sflag:s23], $0x80  }
0x53: {  	[sflag:s23] =	ssyncset.done $0x0  }
0x54: {  	[sflag:s23] =	ssyncadd.s32 $0xFFFFFF80  }
0x55: {  	_ =	swait.ge [sflag:s23], $0x80  }
0x56: {  	[sflag:s23] =	ssyncset.done $0x0  }
0x57: {  	[sflag:s23] =	ssyncadd.s32 $0xFFFFFF80  }
0x58: {  	_ =	swait.ge [sflag:s23], $0x80  }
0x59: {  	[sflag:s23] =	ssyncset.done $0x0  }
0x5a: {  	[sflag:s23] =	ssyncadd.s32 $0xFFFFFF80  }
0x5b: {  	_ =	swait.ge [sflag:s23], $0x80  }
0x5c: {  	[sflag:s23] =	ssyncset.done $0x0  }
0x5d: {  	[sflag:s23] =	ssyncadd.s32 $0xFFFFFF80  }
0x5e: {  	_ =	swait.ge [sflag:s23], $0x80  }
0x5f: {  	[sflag:s23] =	ssyncset.done $0x0  }
0x60: {  	[sflag:s23] =	ssyncadd.s32 $0xFFFFFF80  }
0x61: {  	_ =	swait.ge [sflag:s23], $0x80  }
0x62: {  	[sflag:s23] =	ssyncset.done $0x0  }
0x63: {  	[sflag:s23] =	ssyncadd.s32 $0xFFFFFF80  }
0x64: {  	_ =	swait.ge [sflag:s23], $0x80  }
0x65: {  	[sflag:s23] =	ssyncset.done $0x0  }
0x66: {  	s30 =	simm.s32 $0x800;
	s28 =	simm.s32 $0x2800;
	[sflag:s23] =	ssyncadd.s32 $0xFFFFFF80  }
0x67: {  	[tilespmem:s28], [sflag:$0x1] =	stream.indirect.gather [hbm4b:s4+s12], $0x1, s30, s12, $0xb8;
	[tilespmem:$0x5000] =	vst v63  }
0x68: {  	s30 =	simm.s32 $0x880;
	s28 =	simm.s32 $0x2880  }
0x69: {  	[tilespmem:s28], [sflag:$0x1] =	stream.indirect.gather [hbm4b:s4+s12], $0x1, s30, s12, $0xb8;
	[tilespmem:$0x5000] =	vst v63  }
0x6a: {  	s30 =	simm.s32 $0x900;
	s28 =	simm.s32 $0x2900  }
0x6b: {  	[tilespmem:s28], [sflag:$0x1] =	stream.indirect.gather [hbm4b:s4+s12], $0x1, s30, s12, $0xb8;
	[tilespmem:$0x5000] =	vst v63  }
0x6c: {  	s30 =	simm.s32 $0x980;
	s28 =	simm.s32 $0x2980  }
0x6d: {  	[tilespmem:s28], [sflag:$0x1] =	stream.indirect.gather [hbm4b:s4+s12], $0x1, s30, s12, $0xb8;
	[tilespmem:$0x5000] =	vst v63  }
0x6e: {  	s30 =	simm.s32 $0xA00;
	s28 =	simm.s32 $0x2A00  }
0x6f: {  	[tilespmem:s28], [sflag:$0x1] =	stream.indirect.gather [hbm4b:s4+s12], $0x1, s30, s12, $0xb8;
	[tilespmem:$0x5000] =	vst v63  }
0x70: {  	s30 =	simm.s32 $0xA80;
	s28 =	simm.s32 $0x2A80  }
0x71: {  	[tilespmem:s28], [sflag:$0x1] =	stream.indirect.gather [hbm4b:s4+s12], $0x1, s30, s12, $0xb8;
	[tilespmem:$0x5000] =	vst v63  }
0x72: {  	s30 =	simm.s32 $0xB00;
	s28 =	simm.s32 $0x2B00  }
0x73: {  	[tilespmem:s28], [sflag:$0x1] =	stream.indirect.gather [hbm4b:s4+s12], $0x1, s30, s12, $0xb8;
	[tilespmem:$0x5000] =	vst v63  }
0x74: {  	s30 =	simm.s32 $0xB80;
	s28 =	simm.s32 $0x2B80  }
0x75: {  	[tilespmem:s28], [sflag:$0x1] =	stream.indirect.gather [hbm4b:s4+s12], $0x1, s30, s12, $0xb8;
	[tilespmem:$0x5000] =	vst v63  }
0x76: {  	s30 =	simm.s32 $0xC00;
	s28 =	simm.s32 $0x2C00  }
0x77: {  	[tilespmem:s28], [sflag:$0x1] =	stream.indirect.gather [hbm4b:s4+s12], $0x1, s30, s12, $0xb8;
	[tilespmem:$0x5000] =	vst v63  }
0x78: {  	s30 =	simm.s32 $0xC80;
	s28 =	simm.s32 $0x2C80  }
0x79: {  	[tilespmem:s28], [sflag:$0x1] =	stream.indirect.gather [hbm4b:s4+s12], $0x1, s30, s12, $0xb8;
	[tilespmem:$0x5000] =	vst v63  }
0x7a: {  	s30 =	simm.s32 $0xD00;
	s28 =	simm.s32 $0x2D00  }
0x7b: {  	[tilespmem:s28], [sflag:$0x1] =	stream.indirect.gather [hbm4b:s4+s12], $0x1, s30, s12, $0xb8;
	[tilespmem:$0x5000] =	vst v63  }
0x7c: {  	s30 =	simm.s32 $0xD80;
	s28 =	simm.s32 $0x2D80  }
0x7d: {  	[tilespmem:s28], [sflag:$0x1] =	stream.indirect.gather [hbm4b:s4+s12], $0x1, s30, s12, $0xb8;
	[tilespmem:$0x5000] =	vst v63  }
0x7e: {  	s30 =	simm.s32 $0xE00;
	s28 =	simm.s32 $0x2E00  }
0x7f: {  	[tilespmem:s28], [sflag:$0x1] =	stream.indirect.gather [hbm4b:s4+s12], $0x1, s30, s12, $0xb8;
	[tilespmem:$0x5000] =	vst v63  }
0x80: {  	s30 =	simm.s32 $0xE80;
	s28 =	simm.s32 $0x2E80  }
0x81: {  	[tilespmem:s28], [sflag:$0x1] =	stream.indirect.gather [hbm4b:s4+s12], $0x1, s30, s12, $0xb8;
	[tilespmem:$0x5000] =	vst v63  }
0x82: {  	s30 =	simm.s32 $0xF00;
	s28 =	simm.s32 $0x2F00  }
0x83: {  	[tilespmem:s28], [sflag:$0x1] =	stream.indirect.gather [hbm4b:s4+s12], $0x1, s30, s12, $0xb8;
	[tilespmem:$0x5000] =	vst v63  }
0x84: {  	s30 =	simm.s32 $0xF80;
	s28 =	simm.s32 $0x2F80  }
0x85: {  	[tilespmem:s28], [sflag:$0x1] =	stream.indirect.gather [hbm4b:s4+s12], $0x1, s30, s12, $0xb8;
	[tilespmem:$0x5000] =	vst v63  }
0x86: {  	_ =	swait.ge [sflag:s23], $0x80  }
0x87: {  	[sflag:s23] =	ssyncset.done $0x0  }
0x88: {  	[sflag:s23] =	ssyncadd.s32 $0xFFFFFF80  }
0x89: {  	_ =	swait.ge [sflag:s23], $0x80  }
0x8a: {  	[sflag:s23] =	ssyncset.done $0x0  }
0x8b: {  	[sflag:s23] =	ssyncadd.s32 $0xFFFFFF80  }
0x8c: {  	_ =	swait.ge [sflag:s23], $0x80  }
0x8d: {  	[sflag:s23] =	ssyncset.done $0x0  }
0x8e: {  	[sflag:s23] =	ssyncadd.s32 $0xFFFFFF80  }
0x8f: {  	_ =	swait.ge [sflag:s23], $0x80  }
0x90: {  	[sflag:s23] =	ssyncset.done $0x0  }
0x91: {  	[sflag:s23] =	ssyncadd.s32 $0xFFFFFF80  }
0x92: {  	_ =	swait.ge [sflag:s23], $0x80  }
0x93: {  	[sflag:s23] =	ssyncset.done $0x0  }
0x94: {  	[sflag:s23] =	ssyncadd.s32 $0xFFFFFF80  }
0x95: {  	_ =	swait.ge [sflag:s23], $0x80  }
0x96: {  	[sflag:s23] =	ssyncset.done $0x0  }
0x97: {  	[sflag:s23] =	ssyncadd.s32 $0xFFFFFF80  }
0x98: {  	_ =	swait.ge [sflag:s23], $0x80  }
0x99: {  	[sflag:s23] =	ssyncset.done $0x0  }
0x9a: {  	[sflag:s23] =	ssyncadd.s32 $0xFFFFFF80  }
0x9b: {  	_ =	swait.ge [sflag:s23], $0x80  }
0x9c: {  	[sflag:s23] =	ssyncset.done $0x0  }
0x9d: {  	[sflag:s23] =	ssyncadd.s32 $0xFFFFFF80  }
0x9e: {  	_ =	swait.ge [sflag:s23], $0x80  }
0x9f: {  	[sflag:s23] =	ssyncset.done $0x0  }
0xa0: {  	[sflag:s23] =	ssyncadd.s32 $0xFFFFFF80  }
0xa1: {  	_ =	swait.ge [sflag:s23], $0x80  }
0xa2: {  	[sflag:s23] =	ssyncset.done $0x0  }
0xa3: {  	[sflag:s23] =	ssyncadd.s32 $0xFFFFFF80  }
0xa4: {  	_ =	swait.ge [sflag:s23], $0x80  }
0xa5: {  	[sflag:s23] =	ssyncset.done $0x0  }
0xa6: {  	[sflag:s23] =	ssyncadd.s32 $0xFFFFFF80  }
0xa7: {  	_ =	swait.ge [sflag:s23], $0x80  }
0xa8: {  	[sflag:s23] =	ssyncset.done $0x0  }
0xa9: {  	[sflag:s23] =	ssyncadd.s32 $0xFFFFFF80  }
0xaa: {  	_ =	swait.ge [sflag:s23], $0x80  }
0xab: {  	[sflag:s23] =	ssyncset.done $0x0  }
0xac: {  	[sflag:s23] =	ssyncadd.s32 $0xFFFFFF80  }
0xad: {  	_ =	swait.ge [sflag:s23], $0x80  }
0xae: {  	[sflag:s23] =	ssyncset.done $0x0  }
0xaf: {  	[sflag:s23] =	ssyncadd.s32 $0xFFFFFF80  }
0xb0: {  	_ =	swait.ge [sflag:s23], $0x80  }
0xb1: {  	[sflag:s23] =	ssyncset.done $0x0  }
0xb2: {  	[sflag:s23] =	ssyncadd.s32 $0xFFFFFF80  }
0xb3: {  	_ =	swait.ge [sflag:s23], $0x80  }
0xb4: {  	[sflag:s23] =	ssyncset.done $0x0  }
0xb5: {  	s28 =	simm.s32 $0x0;
	[sflag:s23] =	ssyncadd.s32 $0xFFFFFF80  }
0xb6: {  	v3 =	vld [tilespmem:s28+$0x2000]  }
0xb7: {  	v1 =	vld [tilespmem:s28+$0x1000];
	_ =	sdelay $0x3  }
0xb8: {  	s26 =	simm.s32 $0x10  }
0xb9: {  	vm0 =	vgt.s32 v3, v1;
	vm1 =	vlt.u32 v3, $0x20000;
	v1 =	vld [tilespmem:s26+$0x2000]  }
0xba: {  	v4 =	vor.u32 s9, v0;
	v2 =	vld [tilespmem:s26+$0x1000];
	vm0 =	vmand vm1, vm0  }
0xbb: {  	v3 =	vsel vm0, v3, v4  }
0xbc: {  	s29 =	simm.s32 $0x80;
	[tilespmem:s28+$0x3000] =	vst v3;
	s28 =	smov.u32 s9  }
.LBB2_2:
0xbd: {  	p0 =	sne.s32 s29, $0x3FC0  }
.Ltmp0:
0xbe: {  	s30 =	sshra.s32 s29, $0x2;
	v3 =	vmov v1;
	(pc) =	sbr.rel @p0 .LBB2_2-.Ltmp0, $4  }
0xbf: {  	s29 =	sadd.s32 $0x40, s29;
	s28 =	sadd.s32 $0x10, s28;
	v1 =	vld [tilespmem:s30+$0x2000];
	vm0 =	vgt.s32 v3, v2;
	vm1 =	vlt.u32 v3, $0x20000  }
0xc0: {  	v4 =	vor.u32 s28, v0;
	v2 =	vld [tilespmem:s30+$0x1000];
	vm0 =	vmand vm1, vm0  }
0xc1: {  	v3 =	vsel vm0, v3, v4  }
0xc2: {  	[tilespmem:s26+$0x3000] =	vst v3;
	s26 =	smov.u32 s30  }
0xc3: {  	_ =	sdelay $0x1  }
0xc4: {  	s28 =	sadd.s32 $0x10, s28;
	vm1 =	vlt.u32 v1, $0x20000;
	vm0 =	vgt.s32 v1, v2  }
0xc5: {  	v2 =	vor.u32 s28, v0;
	vm0 =	vmand vm1, vm0  }
0xc6: {  	v1 =	vsel vm0, v1, v2  }
0xc7: {  	s30 =	simm.s32 $0x3000;
	s28 =	simm.s32 $0x4000;
	[tilespmem:s26+$0x3000] =	vst v1  }
0xc8: {  	[tilespmem:s28], [sflag:$0x1] =	stream.indirect.gather [hbm4b:s1+s12], $0x1, s30, s12, $0xb8;
	[tilespmem:$0x5000] =	vst v63  }
0xc9: {  	s29 =	simm.s32 $0x3080;
	s28 =	simm.s32 $0x4080  }
0xca: {  	[tilespmem:s28], [sflag:$0x1] =	stream.indirect.gather [hbm4b:s1+s12], $0x1, s29, s12, $0xb8;
	[tilespmem:$0x5000] =	vst v63  }
0xcb: {  	s30 =	simm.s32 $0x3100;
	s28 =	simm.s32 $0x4100  }
0xcc: {  	[tilespmem:s28], [sflag:$0x1] =	stream.indirect.gather [hbm4b:s1+s12], $0x1, s30, s12, $0xb8;
	[tilespmem:$0x5000] =	vst v63  }
0xcd: {  	s29 =	simm.s32 $0x3180;
	s28 =	simm.s32 $0x4180  }
0xce: {  	[tilespmem:s28], [sflag:$0x1] =	stream.indirect.gather [hbm4b:s1+s12], $0x1, s29, s12, $0xb8;
	[tilespmem:$0x5000] =	vst v63  }
0xcf: {  	s30 =	simm.s32 $0x3200;
	s28 =	simm.s32 $0x4200  }
0xd0: {  	[tilespmem:s28], [sflag:$0x1] =	stream.indirect.gather [hbm4b:s1+s12], $0x1, s30, s12, $0xb8;
	[tilespmem:$0x5000] =	vst v63  }
0xd1: {  	s29 =	simm.s32 $0x3280;
	s28 =	simm.s32 $0x4280  }
0xd2: {  	[tilespmem:s28], [sflag:$0x1] =	stream.indirect.gather [hbm4b:s1+s12], $0x1, s29, s12, $0xb8;
	[tilespmem:$0x5000] =	vst v63  }
0xd3: {  	s30 =	simm.s32 $0x3300;
	s28 =	simm.s32 $0x4300  }
0xd4: {  	[tilespmem:s28], [sflag:$0x1] =	stream.indirect.gather [hbm4b:s1+s12], $0x1, s30, s12, $0xb8;
	[tilespmem:$0x5000] =	vst v63  }
0xd5: {  	s29 =	simm.s32 $0x3380;
	s28 =	simm.s32 $0x4380  }
0xd6: {  	[tilespmem:s28], [sflag:$0x1] =	stream.indirect.gather [hbm4b:s1+s12], $0x1, s29, s12, $0xb8;
	[tilespmem:$0x5000] =	vst v63  }
0xd7: {  	s30 =	simm.s32 $0x3400;
	s28 =	simm.s32 $0x4400  }
0xd8: {  	[tilespmem:s28], [sflag:$0x1] =	stream.indirect.gather [hbm4b:s1+s12], $0x1, s30, s12, $0xb8;
	[tilespmem:$0x5000] =	vst v63  }
0xd9: {  	s29 =	simm.s32 $0x3480;
	s28 =	simm.s32 $0x4480  }
0xda: {  	[tilespmem:s28], [sflag:$0x1] =	stream.indirect.gather [hbm4b:s1+s12], $0x1, s29, s12, $0xb8;
	[tilespmem:$0x5000] =	vst v63  }
0xdb: {  	s30 =	simm.s32 $0x3500;
	s28 =	simm.s32 $0x4500  }
0xdc: {  	[tilespmem:s28], [sflag:$0x1] =	stream.indirect.gather [hbm4b:s1+s12], $0x1, s30, s12, $0xb8;
	[tilespmem:$0x5000] =	vst v63  }
0xdd: {  	s29 =	simm.s32 $0x3580;
	s28 =	simm.s32 $0x4580  }
0xde: {  	[tilespmem:s28], [sflag:$0x1] =	stream.indirect.gather [hbm4b:s1+s12], $0x1, s29, s12, $0xb8;
	[tilespmem:$0x5000] =	vst v63  }
0xdf: {  	s30 =	simm.s32 $0x3600;
	s28 =	simm.s32 $0x4600  }
0xe0: {  	[tilespmem:s28], [sflag:$0x1] =	stream.indirect.gather [hbm4b:s1+s12], $0x1, s30, s12, $0xb8;
	[tilespmem:$0x5000] =	vst v63  }
0xe1: {  	s29 =	simm.s32 $0x3680;
	s28 =	simm.s32 $0x4680  }
0xe2: {  	[tilespmem:s28], [sflag:$0x1] =	stream.indirect.gather [hbm4b:s1+s12], $0x1, s29, s12, $0xb8;
	[tilespmem:$0x5000] =	vst v63  }
0xe3: {  	s30 =	simm.s32 $0x3700;
	s28 =	simm.s32 $0x4700  }
0xe4: {  	[tilespmem:s28], [sflag:$0x1] =	stream.indirect.gather [hbm4b:s1+s12], $0x1, s30, s12, $0xb8;
	[tilespmem:$0x5000] =	vst v63  }
0xe5: {  	s29 =	simm.s32 $0x3780;
	s28 =	simm.s32 $0x4780  }
0xe6: {  	[tilespmem:s28], [sflag:$0x1] =	stream.indirect.gather [hbm4b:s1+s12], $0x1, s29, s12, $0xb8;
	[tilespmem:$0x5000] =	vst v63  }
0xe7: {  	_ =	swait.ge [sflag:s23], $0x80  }
0xe8: {  	[sflag:s23] =	ssyncset.done $0x0  }
0xe9: {  	[sflag:s23] =	ssyncadd.s32 $0xFFFFFF80  }
0xea: {  	_ =	swait.ge [sflag:s23], $0x80  }
0xeb: {  	[sflag:s23] =	ssyncset.done $0x0  }
0xec: {  	[sflag:s23] =	ssyncadd.s32 $0xFFFFFF80  }
0xed: {  	_ =	swait.ge [sflag:s23], $0x80  }
0xee: {  	[sflag:s23] =	ssyncset.done $0x0  }
0xef: {  	[sflag:s23] =	ssyncadd.s32 $0xFFFFFF80  }
0xf0: {  	_ =	swait.ge [sflag:s23], $0x80  }
0xf1: {  	[sflag:s23] =	ssyncset.done $0x0  }
0xf2: {  	[sflag:s23] =	ssyncadd.s32 $0xFFFFFF80  }
0xf3: {  	_ =	swait.ge [sflag:s23], $0x80  }
0xf4: {  	[sflag:s23] =	ssyncset.done $0x0  }
0xf5: {  	[sflag:s23] =	ssyncadd.s32 $0xFFFFFF80  }
0xf6: {  	_ =	swait.ge [sflag:s23], $0x80  }
0xf7: {  	[sflag:s23] =	ssyncset.done $0x0  }
0xf8: {  	[sflag:s23] =	ssyncadd.s32 $0xFFFFFF80  }
0xf9: {  	_ =	swait.ge [sflag:s23], $0x80  }
0xfa: {  	[sflag:s23] =	ssyncset.done $0x0  }
0xfb: {  	[sflag:s23] =	ssyncadd.s32 $0xFFFFFF80  }
0xfc: {  	_ =	swait.ge [sflag:s23], $0x80  }
0xfd: {  	[sflag:s23] =	ssyncset.done $0x0  }
0xfe: {  	[sflag:s23] =	ssyncadd.s32 $0xFFFFFF80  }
0xff: {  	_ =	swait.ge [sflag:s23], $0x80  }
0x100: {  	[sflag:s23] =	ssyncset.done $0x0  }
0x101: {  	[sflag:s23] =	ssyncadd.s32 $0xFFFFFF80  }
0x102: {  	_ =	swait.ge [sflag:s23], $0x80  }
0x103: {  	[sflag:s23] =	ssyncset.done $0x0  }
0x104: {  	[sflag:s23] =	ssyncadd.s32 $0xFFFFFF80  }
0x105: {  	_ =	swait.ge [sflag:s23], $0x80  }
0x106: {  	[sflag:s23] =	ssyncset.done $0x0  }
0x107: {  	[sflag:s23] =	ssyncadd.s32 $0xFFFFFF80  }
0x108: {  	_ =	swait.ge [sflag:s23], $0x80  }
0x109: {  	[sflag:s23] =	ssyncset.done $0x0  }
0x10a: {  	[sflag:s23] =	ssyncadd.s32 $0xFFFFFF80  }
0x10b: {  	_ =	swait.ge [sflag:s23], $0x80  }
0x10c: {  	[sflag:s23] =	ssyncset.done $0x0  }
0x10d: {  	[sflag:s23] =	ssyncadd.s32 $0xFFFFFF80  }
0x10e: {  	_ =	swait.ge [sflag:s23], $0x80  }
0x10f: {  	[sflag:s23] =	ssyncset.done $0x0  }
0x110: {  	[sflag:s23] =	ssyncadd.s32 $0xFFFFFF80  }
0x111: {  	_ =	swait.ge [sflag:s23], $0x80  }
0x112: {  	[sflag:s23] =	ssyncset.done $0x0  }
0x113: {  	[sflag:s23] =	ssyncadd.s32 $0xFFFFFF80  }
0x114: {  	_ =	swait.ge [sflag:s23], $0x80  }
0x115: {  	[sflag:s23] =	ssyncset.done $0x0  }
0x116: {  	s30 =	simm.s32 $0x3800;
	s28 =	simm.s32 $0x4800;
	[sflag:s23] =	ssyncadd.s32 $0xFFFFFF80  }
0x117: {  	[tilespmem:s28], [sflag:$0x1] =	stream.indirect.gather [hbm4b:s1+s12], $0x1, s30, s12, $0xb8;
	[tilespmem:$0x5000] =	vst v63  }
0x118: {  	s29 =	simm.s32 $0x3880;
	s28 =	simm.s32 $0x4880  }
0x119: {  	[tilespmem:s28], [sflag:$0x1] =	stream.indirect.gather [hbm4b:s1+s12], $0x1, s29, s12, $0xb8;
	[tilespmem:$0x5000] =	vst v63  }
0x11a: {  	s30 =	simm.s32 $0x3900;
	s28 =	simm.s32 $0x4900  }
0x11b: {  	[tilespmem:s28], [sflag:$0x1] =	stream.indirect.gather [hbm4b:s1+s12], $0x1, s30, s12, $0xb8;
	[tilespmem:$0x5000] =	vst v63  }
0x11c: {  	s29 =	simm.s32 $0x3980;
	s28 =	simm.s32 $0x4980  }
0x11d: {  	[tilespmem:s28], [sflag:$0x1] =	stream.indirect.gather [hbm4b:s1+s12], $0x1, s29, s12, $0xb8;
	[tilespmem:$0x5000] =	vst v63  }
0x11e: {  	s30 =	simm.s32 $0x3A00;
	s28 =	simm.s32 $0x4A00  }
0x11f: {  	[tilespmem:s28], [sflag:$0x1] =	stream.indirect.gather [hbm4b:s1+s12], $0x1, s30, s12, $0xb8;
	[tilespmem:$0x5000] =	vst v63  }
0x120: {  	s29 =	simm.s32 $0x3A80;
	s28 =	simm.s32 $0x4A80  }
0x121: {  	[tilespmem:s28], [sflag:$0x1] =	stream.indirect.gather [hbm4b:s1+s12], $0x1, s29, s12, $0xb8;
	[tilespmem:$0x5000] =	vst v63  }
0x122: {  	s30 =	simm.s32 $0x3B00;
	s28 =	simm.s32 $0x4B00  }
0x123: {  	[tilespmem:s28], [sflag:$0x1] =	stream.indirect.gather [hbm4b:s1+s12], $0x1, s30, s12, $0xb8;
	[tilespmem:$0x5000] =	vst v63  }
0x124: {  	s29 =	simm.s32 $0x3B80;
	s28 =	simm.s32 $0x4B80  }
0x125: {  	[tilespmem:s28], [sflag:$0x1] =	stream.indirect.gather [hbm4b:s1+s12], $0x1, s29, s12, $0xb8;
	[tilespmem:$0x5000] =	vst v63  }
0x126: {  	s30 =	simm.s32 $0x3C00;
	s28 =	simm.s32 $0x4C00  }
0x127: {  	[tilespmem:s28], [sflag:$0x1] =	stream.indirect.gather [hbm4b:s1+s12], $0x1, s30, s12, $0xb8;
	[tilespmem:$0x5000] =	vst v63  }
0x128: {  	_ = 	snop  }
0x129: {  	[tilespmem:s0], [sflag:$0x1] =	stream.indirect.gather [hbm4b:s1+s12], $0x1, s31, s12, $0xb8;
	[tilespmem:$0x5000] =	vst v63  }
0x12a: {  	_ = 	snop  }
0x12b: {  	[tilespmem:s13], [sflag:$0x1] =	stream.indirect.gather [hbm4b:s1+s12], $0x1, s2, s12, $0xb8;
	[tilespmem:$0x5000] =	vst v63  }
0x12c: {  	_ = 	snop  }
0x12d: {  	[tilespmem:s15], [sflag:$0x1] =	stream.indirect.gather [hbm4b:s1+s12], $0x1, s14, s12, $0xb8;
	[tilespmem:$0x5000] =	vst v63  }
0x12e: {  	_ = 	snop  }
0x12f: {  	[tilespmem:s17], [sflag:$0x1] =	stream.indirect.gather [hbm4b:s1+s12], $0x1, s16, s12, $0xb8;
	[tilespmem:$0x5000] =	vst v63  }
0x130: {  	_ = 	snop  }
0x131: {  	[tilespmem:s19], [sflag:$0x1] =	stream.indirect.gather [hbm4b:s1+s12], $0x1, s18, s12, $0xb8;
	[tilespmem:$0x5000] =	vst v63  }
0x132: {  	_ = 	snop  }
0x133: {  	[tilespmem:s21], [sflag:$0x1] =	stream.indirect.gather [hbm4b:s1+s12], $0x1, s20, s12, $0xb8;
	[tilespmem:$0x5000] =	vst v63  }
0x134: {  	_ = 	snop  }
0x135: {  	[tilespmem:s24], [sflag:$0x1] =	stream.indirect.gather [hbm4b:s1+s12], $0x1, s22, s12, $0xb8;
	[tilespmem:$0x5000] =	vst v63  }
0x136: {  	_ =	swait.ge [sflag:s23], $0x80  }
0x137: {  	[sflag:s23] =	ssyncset.done $0x0  }
0x138: {  	[sflag:s23] =	ssyncadd.s32 $0xFFFFFF80  }
0x139: {  	_ =	swait.ge [sflag:s23], $0x80  }
0x13a: {  	[sflag:s23] =	ssyncset.done $0x0  }
0x13b: {  	[sflag:s23] =	ssyncadd.s32 $0xFFFFFF80  }
0x13c: {  	_ =	swait.ge [sflag:s23], $0x80  }
0x13d: {  	[sflag:s23] =	ssyncset.done $0x0  }
0x13e: {  	[sflag:s23] =	ssyncadd.s32 $0xFFFFFF80  }
0x13f: {  	_ =	swait.ge [sflag:s23], $0x80  }
0x140: {  	[sflag:s23] =	ssyncset.done $0x0  }
0x141: {  	[sflag:s23] =	ssyncadd.s32 $0xFFFFFF80  }
0x142: {  	_ =	swait.ge [sflag:s23], $0x80  }
0x143: {  	[sflag:s23] =	ssyncset.done $0x0  }
0x144: {  	[sflag:s23] =	ssyncadd.s32 $0xFFFFFF80  }
0x145: {  	_ =	swait.ge [sflag:s23], $0x80  }
0x146: {  	[sflag:s23] =	ssyncset.done $0x0  }
0x147: {  	[sflag:s23] =	ssyncadd.s32 $0xFFFFFF80  }
0x148: {  	_ =	swait.ge [sflag:s23], $0x80  }
0x149: {  	[sflag:s23] =	ssyncset.done $0x0  }
0x14a: {  	[sflag:s23] =	ssyncadd.s32 $0xFFFFFF80  }
0x14b: {  	_ =	swait.ge [sflag:s23], $0x80  }
0x14c: {  	[sflag:s23] =	ssyncset.done $0x0  }
0x14d: {  	[sflag:s23] =	ssyncadd.s32 $0xFFFFFF80  }
0x14e: {  	_ =	swait.ge [sflag:s23], $0x80  }
0x14f: {  	[sflag:s23] =	ssyncset.done $0x0  }
0x150: {  	[sflag:s23] =	ssyncadd.s32 $0xFFFFFF80  }
0x151: {  	_ =	swait.ge [sflag:s23], $0x80  }
0x152: {  	[sflag:s23] =	ssyncset.done $0x0  }
0x153: {  	[sflag:s23] =	ssyncadd.s32 $0xFFFFFF80  }
0x154: {  	_ =	swait.ge [sflag:s23], $0x80  }
0x155: {  	[sflag:s23] =	ssyncset.done $0x0  }
0x156: {  	[sflag:s23] =	ssyncadd.s32 $0xFFFFFF80  }
0x157: {  	_ =	swait.ge [sflag:s23], $0x80  }
0x158: {  	[sflag:s23] =	ssyncset.done $0x0  }
0x159: {  	[sflag:s23] =	ssyncadd.s32 $0xFFFFFF80  }
0x15a: {  	_ =	swait.ge [sflag:s23], $0x80  }
0x15b: {  	[sflag:s23] =	ssyncset.done $0x0  }
0x15c: {  	[sflag:s23] =	ssyncadd.s32 $0xFFFFFF80  }
0x15d: {  	_ =	swait.ge [sflag:s23], $0x80  }
0x15e: {  	[sflag:s23] =	ssyncset.done $0x0  }
0x15f: {  	[sflag:s23] =	ssyncadd.s32 $0xFFFFFF80  }
0x160: {  	_ =	swait.ge [sflag:s23], $0x80  }
0x161: {  	[sflag:s23] =	ssyncset.done $0x0  }
0x162: {  	[sflag:s23] =	ssyncadd.s32 $0xFFFFFF80  }
0x163: {  	_ =	swait.ge [sflag:s23], $0x80  }
0x164: {  	[sflag:s23] =	ssyncset.done $0x0  }
0x165: {  	s26 =	simm.s32 $0x0;
	[sflag:s23] =	ssyncadd.s32 $0xFFFFFF80  }
0x166: {  	v1 =	vld [tilespmem:s26+$0x0]  }
0x167: {  	s28 =	simm.s32 $0x40;
	v2 =	vld [tilespmem:s26+$0x2000]  }
.LBB2_4:
0x168: {  	p0 =	sne.s32 s28, $0x3FC0;
	v3 =	vld [tilespmem:s26+$0x1000]  }
0x169: {  	v4 =	vld [tilespmem:s26+$0x4000];
	_ =	sdelay $0x1  }
0x16a: {  	v5 =	vld [tilespmem:s26+$0x3000];
	_ =	sdelay $0x1  }
.Ltmp1:
0x16b: {  	vm1 =	vlt.u32 v2, $0x20000;
	vm0 =	vgt.s32 v2, v3;
	(pc) =	sbr.rel @p0 .LBB2_4-.Ltmp1, $4  }
0x16c: {  	vm0 =	vmand vm0, vm1;
	vm1 =	veq.s32 v4, v1  }
0x16d: {  	s29 =	sshra.s32 s28, $0x2;
	vm0 =	vmand vm1, vm0  }
0x16e: {  	v1 =	vld [tilespmem:s29+$0x0];
	v3 =	vsel vm0, v5, v3  }
0x16f: {  	s28 =	sadd.s32 $0x40, s28;
	v2 =	vld [tilespmem:s29+$0x2000];
	[tilespmem:s26+$0x1000] =	vst v3;
	s26 =	smov.u32 s29  }
0x170: {  	v3 =	vld [tilespmem:s26+$0x1000]  }
0x171: {  	v4 =	vld [tilespmem:s26+$0x4000];
	_ =	sdelay $0x1  }
0x172: {  	v5 =	vld [tilespmem:s26+$0x3000];
	_ =	sdelay $0x1  }
0x173: {  	vm1 =	vlt.u32 v2, $0x20000;
	vm0 =	vgt.s32 v2, v3  }
0x174: {  	vm15 =	veq.s32 v4, v1;
	vm0 =	vmand vm0, vm1  }
0x175: {  	s25 =	sadd.s32 $0x1, s25;
	vm0 =	vmand vm15, vm0  }
0x176: {  	p0 =	sne.s32 s25, s8;
	v1 =	vsel vm0, v5, v3  }
.Ltmp2:
0x177: {  	[tilespmem:s26+$0x1000] =	vst v1;
	(pc) =	sbr.rel @p0 .LBB2_1-.Ltmp2, $4  }
0x178: {  	[hbm4b:s7+s3] =	stream.linear.scatter [tilespmem:s11], [sflag:$0x2], $0x1000, $0x38;
	[tilespmem:$0x5000] =	vst v63  }
0x179: {  	_ =	swait.ge [sflag:s10], $0x1000  }
0x17a: {  	[sflag:s10] =	ssyncset.done $0x0  }
0x17b: {  	[sflag:s10] =	ssyncadd.s32 $0xFFFFF000  }
0x17c: {  	_ =	sfence.sel $0x180000  }
0x17d: {  	[bflag:$0x0] =	sbarrier.arrive $0xFFFF  }
0x17e: {  	_ =	strace $0x9000004D  }
0x17f: {  	s0 =	stileid.u32;
	[bflag:$0x2] =	sbarrier.arrive $0xFFFF  }
0x180: {  	p0 =	sne.s32 s0, $0x0;
	s0 =	rddreg [dreg:$0x2]  }
0x181: {  	s0 =	sadd.s32 @!p0 $0x100000, s0  }
0x182: {  	[sflag:s0] =	ssyncadd.tile.s32 @!p0 $0x1;
	_ =	shalt  }
.Lfunc_end2:
_tile_overlayer_lowered:
.L_overlay_start_2:
0x183: {  	(tag) =	ssettag $0x2  }
0x184: {  	s0 =	rddreg [dreg:$0x0];
	s2 =	stileid.u32  }
0x185: {  	s1 =	rddreg [dreg:$0x1];
	p0 =	sne.s32 s2, $0x0  }
0x186: {  	s3 =	rddreg [dreg:$0x2];
	[bflag:$0x3] =	sbarrier.arrive $0xFFFF;
	s2 =	simm.s32 @!p0 $0x1C02  }
0x187: {  	[timem:s3], [sflag:s2] =	dma.local @!p0 [hbm:s0], s1  }
0x188: {  	s0 =	simm.s32 @!p0 $0x2  }
0x189: {  	_ =	swait.ge @!p0 [sflag:s0], s1  }
0x18a: {  	s1 =	ssub.s32 @!p0 $0x0, s1;
	[sflag:s0] =	ssyncset.done @!p0 $0x0  }
0x18b: {  	[sflag:s0] =	ssyncadd.s32 @!p0 s1  }
0x18c: {  	[bflag:$0x3] =	sbarrier.arrive $0xFFFF  }
0x18d: {  	_ =	shalt  }

// kernel: kernel.18.cloned.1.call-start
scs
__scs_entry_jumppad:
0x0: {  	(pc) =	sbr.rel $0x88, $3  }
0x1: {  	(tag) =	ssettag $0x0;
	lr =	simm.s32 $0x1  }
0x2: {  	[smem:$0x3F9B] =	sst lr;
	_ =	strace $0xD0000000  }
0x3: {  	_ = 	snop  }
0x4: {  	_ = 	snop  }
0x5: {  	_ = 	snop  }
0x6: {  	_ = 	snop  }
0x7: {  	_ = 	snop  }
__scs_overlays_trampoline_lowered:
0x8: {  	[smem:$0x3FAA] =	sst s0  }
0x9: {  	[smem:$0x3FAB] =	sst s1  }
0xa: {  	[smem:$0x3FAC] =	sst s2  }
0xb: {  	[smem:$0x3FAD] =	sst s3  }
0xc: {  	[smem:$0x3FAE] =	sst s4  }
0xd: {  	[smem:$0x3FAF] =	sst s5  }
0xe: {  	[smem:$0x3FB0] =	sst s6  }
0xf: {  	[smem:$0x3FB1] =	sst s7  }
0x10: {  	[smem:$0x3FB2] =	sst s8  }
0x11: {  	[smem:$0x3FB3] =	sst s9;
	s0 =	simm.s32 @!p0 $0x0  }
0x12: {  	s1 =	sld [smem:$0x3F99];
	s0 =	simm.s32 @p0 $0x1  }
0x13: {  	[smem:$0x3FB4] =	sst s0;
	s0 =	simm.s32 @!p1 $0x0  }
0x14: {  	s2 =	sld [smem:$0x3F98];
	s0 =	simm.s32 @p1 $0x1  }
0x15: {  	[smem:$0x3FB5] =	sst s0;
	s0 =	simm.s32 @!p2 $0x0  }
0x16: {  	s3 =	sld [smem:$0x3FDB];
	s0 =	simm.s32 @p2 $0x1  }
0x17: {  	s4 =	simm.s32 $0x1BF5;
	[smem:$0x3FB7] =	sst s0  }
0x18: {  	s0 =	sld [smem:$0x3F9A];
	_ =	swait.ge [sflag:s4], $0x0  }
0x19: {  	s7 =	sld [smem:$0x3F9B]  }
0x1a: {  	s8 =	sadd.s32 $0xFFFFE003, lr  }
0x1b: {  	s9 =	sadd.s32 $0xFFFFFEF7, lr;
	s5 =	simm.s32 $0xFFFFFFFF;
	p2 =	slt.u32 s8, $0xFFFFF086  }
0x1c: {  	p1 =	slt.u32 s9, $0xF7A;
	s5 =	simm.s32 @!p2 $0x0  }
0x1d: {  	s5 =	simm.s32 @p1 $0x1;
	p0 =	seq.s32 s7, s2  }
0x1e: {  	s7 =	smul.u32 @!p0 $0xF7A, s2;
	p2 =	seq.s32 @!p0 s5, $0x0  }
0x1f: {  	s9 =	smul.u32 $0xF7A, s1;
	s8 =	simm.s32 @!p0 $0x1BF5;
	p2 =	por !p2, p0  }
0x20: {  	[sflag:s8] =	ssyncset.s32 @!p0 $0xFFFFF086;
	s6 =	sadd.s32 @!p0 s3, s7;
	s7 =	simm.s32 @!p0 $0x108  }
0x21: {  	s3 =	sadd.s32 s3, s9;
	s6 =	sadd.s32 @!p0 $0x88, s6;
	s7 =	simm.s32 @p2 $0x1082  }
0x22: {  	[simem:s7], [sflag:s8] =	dma.local @!p0 [hbm:s6], $0xF7A  }
0x23: {  	s9 =	sor.u32 $0xD0000000, s2;
	s6 =	simm.s32 $0x108;
	_ =	swait.ge @!p0 [sflag:s8], $0x0  }
0x24: {  	s3 =	sadd.s32 $0x88, s3;
	s6 =	simm.s32 @!p1 $0x1082;
	[sflag:s4] =	ssyncset.s32 $0xFFFFF086  }
0x25: {  	[simem:s6], [sflag:s4] =	dma.local [hbm:s3], $0xF7A  }
0x26: {  	[smem:$0x3F9B] =	sst s1;
	(tag) =	ssettag s2;
	_ =	strace s9  }
0x27: {  	s1 =	sld [smem:$0x3FAB]  }
0x28: {  	s2 =	sld [smem:$0x3FAC]  }
0x29: {  	s4 =	sld [smem:$0x3FAE]  }
0x2a: {  	p0 =	seq.s32 s5, $0x0;
	s5 =	sld [smem:$0x3FAF]  }
0x2b: {  	s6 =	sld [smem:$0x3FB0]  }
0x2c: {  	s7 =	sld [smem:$0x3FB1]  }
0x2d: {  	s3 =	simm.s32 $0x108;
	s8 =	sld [smem:$0x3FB2]  }
0x2e: {  	s3 =	simm.s32 @!p0 $0x1082;
	s9 =	sld [smem:$0x3FB3]  }
0x2f: {  	lr =	sadd.s32 s0, s3;
	s0 =	sld [smem:$0x3FAA]  }
0x30: {  	s3 =	sld [smem:$0x3FAD]  }
0x31: {  	[smem:$0x3FB6] =	sst s10  }
0x32: {  	s10 =	sld [smem:$0x3FB4];
	_ =	sdelay $0x3  }
0x33: {  	p0 =	seq.s32 s10, $0x1;
	s10 =	sld [smem:$0x3FB6];
	_ =	sdelay $0x3  }
0x34: {  	[smem:$0x3FB6] =	sst s10  }
0x35: {  	s10 =	sld [smem:$0x3FB5];
	_ =	sdelay $0x3  }
0x36: {  	p1 =	seq.s32 s10, $0x1;
	s10 =	sld [smem:$0x3FB6];
	_ =	sdelay $0x3  }
0x37: {  	[smem:$0x3FB6] =	sst s10  }
0x38: {  	s10 =	sld [smem:$0x3FB7]  }
0x39: {  	_ = 	snop;
	(pc) =	sbr.ind lr, $3  }
0x3a: {  	_ = 	snop  }
0x3b: {  	_ = 	snop  }
0x3c: {  	p2 =	seq.s32 s10, $0x1;
	s10 =	sld [smem:$0x3FB6]  }
0x3d: {  	_ =	shalt  }
0x3e: {  	_ =	shalt  }
0x3f: {  	_ =	shalt  }
0x40: {  	_ =	shalt  }
0x41: {  	_ =	shalt  }
0x42: {  	_ =	shalt  }
0x43: {  	_ =	shalt  }
0x44: {  	_ =	shalt  }
0x45: {  	_ =	shalt  }
0x46: {  	_ =	shalt  }
0x47: {  	_ =	shalt  }
0x48: {  	_ =	shalt  }
0x49: {  	_ =	shalt  }
0x4a: {  	_ =	shalt  }
0x4b: {  	_ =	shalt  }
0x4c: {  	_ =	shalt  }
0x4d: {  	_ =	shalt  }
0x4e: {  	_ =	shalt  }
0x4f: {  	_ =	shalt  }
0x50: {  	_ =	shalt  }
0x51: {  	_ =	shalt  }
0x52: {  	_ =	shalt  }
0x53: {  	_ =	shalt  }
0x54: {  	_ =	shalt  }
0x55: {  	_ =	shalt  }
0x56: {  	_ =	shalt  }
0x57: {  	_ =	shalt  }
0x58: {  	_ =	shalt  }
0x59: {  	_ =	shalt  }
0x5a: {  	_ =	shalt  }
0x5b: {  	_ =	shalt  }
0x5c: {  	_ =	shalt  }
0x5d: {  	_ =	shalt  }
0x5e: {  	_ =	shalt  }
0x5f: {  	_ =	shalt  }
0x60: {  	_ =	shalt  }
0x61: {  	_ =	shalt  }
0x62: {  	_ =	shalt  }
0x63: {  	_ =	shalt  }
0x64: {  	_ =	shalt  }
0x65: {  	_ =	shalt  }
0x66: {  	_ =	shalt  }
0x67: {  	_ =	shalt  }
0x68: {  	_ =	shalt  }
0x69: {  	_ =	shalt  }
0x6a: {  	_ =	shalt  }
0x6b: {  	_ =	shalt  }
0x6c: {  	_ =	shalt  }
0x6d: {  	_ =	shalt  }
0x6e: {  	_ =	shalt  }
0x6f: {  	_ =	shalt  }
0x70: {  	_ =	shalt  }
0x71: {  	_ =	shalt  }
0x72: {  	_ =	shalt  }
0x73: {  	_ =	shalt  }
0x74: {  	_ =	shalt  }
0x75: {  	_ =	shalt  }
0x76: {  	_ =	shalt  }
0x77: {  	_ =	shalt  }
0x78: {  	_ =	shalt  }
0x79: {  	_ =	shalt  }
0x7a: {  	_ =	shalt  }
0x7b: {  	_ =	shalt  }
0x7c: {  	_ =	shalt  }
0x7d: {  	_ =	shalt  }
0x7e: {  	_ =	shalt  }
0x7f: {  	_ =	shalt  }
0x80: {  	_ =	shalt  }
0x81: {  	_ =	shalt  }
0x82: {  	_ =	shalt  }
0x83: {  	_ =	shalt  }
0x84: {  	_ =	shalt  }
0x85: {  	_ =	shalt  }
0x86: {  	_ =	shalt  }
0x87: {  	_ =	shalt  }
.Lfunc_end0:
.L_simem_size_0:
called_computation.3_lowered:
.L_overlay_start_0:
0x88: {  	s2 =	sld [smem:$0x3FD9]  }
0x89: {  	s3 =	sld [smem:$0x3FFE];
	_ =	sdelay $0x1  }
0x8a: {  	s1 =	srdreg.scid  }
0x8b: {  	s0 =	sand.u32 $0x1, s1  }
0x8c: {  	s17 =	sshll.u32 s0, $0xA;
	s2 =	sadd.s32 s3, s2  }
0x8d: {  	s2 =	sadd.s32 s2, s17  }
0x8e: {  	[smem:$0x3FC2] =	sst s2  }
0x8f: {  	_ = 	snop  }
0x90: {  	s2 =	sld [smem:$0x3FD0];
	(tm) =	ssettm $0x1  }
0x91: {  	s18 =	sld [smem:$0x3FFB];
	_ =	sdelay $0x3  }
0x92: {  	_ =	strace s18  }
0x93: {  	s3 =	sld [smem:$0x3FFC];
	_ =	sdelay $0x3  }
0x94: {  	_ =	strace s3  }
0x95: {  	s3 =	sld [smem:$0x3FFD];
	_ =	sdelay $0x3  }
0x96: {  	_ =	strace s3  }
0x97: {  	_ =	strace $0x8FFFFFFF  }
0x98: {  	s19 =	sld [smem:$0x3FDB];
	_ =	sdelay $0x1  }
0x99: {  	s4 =	simm.s32 $_scs_section_size  }
0x9a: {  	s5 =	simm.s32 $_size__tile_overlayer_lowered;
	s6 =	simm.s32 $_tile_overlayer_lowered  }
0x9b: {  	s22 =	simm.s32 $0x1BFF;
	s21 =	sshll.u32 s6, $0x1;
	s3 =	sadd.s32 s4, s19  }
0x9c: {  	s7 =	simm.s32 $0x0;
	s20 =	sshll.u32 s5, $0x1;
	s5 =	sadd.s32 s21, s3  }
0x9d: {  	[timem:s7], [sflag:s22] =	dma.local [hbm:s5], s20  }
0x9e: {  	_ =	swait.ge [sflag:s22], s20  }
0x9f: {  	s4 =	ssub.s32 $0x0, s20;
	[sflag:s22] =	ssyncset.done $0x0  }
0xa0: {  	[sflag:s22] =	ssyncadd.s32 s4;
	_ =	sdelay $0x1  }
0xa1: {  	s23 =	simm.s32 $0x1B8B  }
0xa2: {  	_ =	swait.ge [sflag:s23], $0x1  }
0xa3: {  	[sflag:s23] =	ssyncset.done $0x0  }
0xa4: {  	s25 =	simm.s32 $0x1B8E;
	s24 =	sld [smem:$0x3FFE];
	[sflag:s23] =	ssyncadd.s32 $0xFFFFFFFF  }
0xa5: {  	s26 =	simm.s32 $execute0_lowered;
	[smem:$0x3FD2] =	sst s25  }
0xa6: {  	s5 =	sshll.u32 s26, $0x1;
	_ =	strace $0x8000004F;
	[dreg:$0x1] =	wrdreg $0xFFFFFFFF  }
0xa7: {  	s28 =	simm.s32 $_size_execute0_lowered;
	s3 =	sadd.s32 s3, s5;
	[dreg:$0x0] =	wrdreg $0x0  }
0xa8: {  	s5 =	sshll.u32 s28, $0x1;
	[dreg:$0x2] =	wrdreg s3  }
0xa9: {  	[dreg:$0x3] =	wrdreg s5  }
0xaa: {  	[dreg:$0x4] =	wrdreg $0xC0  }
0xab: {  	_ =	task [dreg:s7], $0x5FFFF  }
0xac: {  	[dreg:$0x1] =	wrdreg $0xFFFFFFFF  }
0xad: {  	[dreg:$0x0] =	wrdreg $0x60  }
0xae: {  	[dreg:$0x2] =	wrdreg s24  }
0xaf: {  	[dreg:$0x3] =	wrdreg s2  }
0xb0: {  	[dreg:$0x4] =	wrdreg $0x0  }
0xb1: {  	[dreg:$0x5] =	wrdreg $0x1080  }
0xb2: {  	[dreg:$0x6] =	wrdreg $0x2100  }
0xb3: {  	[dreg:$0x7] =	wrdreg $0x3180  }
0xb4: {  	[dreg:$0x8] =	wrdreg $0x9  }
0xb5: {  	_ =	task.clear_ibuf [dreg:s7], $0x9FFFF;
	_ =	strace $0x9000004F  }
0xb6: {  	s29 =	simm.s32 $0x9;
	_ =	strace $0x80000051  }
0xb7: {  	_ =	swait.ge [sflag:s29], $0x1  }
0xb8: {  	[sflag:s29] =	ssyncadd.s32 $0xFFFFFFFF  }
0xb9: {  	_ =	strace $0x90000051  }
0xba: {  	_ =	sfence  }
0xbb: {  	s30 =	sld [smem:$0x0];
	_ =	sdelay $0x2  }
0xbc: {  	s31 =	sshll.u32 s1, $0xD;
	s1 =	sshrl.u32 s1, $0x2  }
0xbd: {  	s3 =	sand.u32 $0x4000, s31;
	s1 =	sadd.s32 s1, s30  }
0xbe: {  	s0 =	sor.u32 s3, s0;
	s1 =	sshll.u32 s1, $0x11  }
0xbf: {  	s0 =	sor.u32 s1, s0  }
0xc0: {  	s0 =	sadd.s32 $0x8F2B, s0  }
0xc1: {  	[sflag:s0] =	ssyncadd.remote.s32 $0x1  }
0xc2: {  	_ =	sfence.sel $0xFFFF  }
0xc3: {  	[dreg:$0x0] =	wrdreg $0xFFFFFFFF;
	(pc) =	sbr.abs _section_cstart, $3  }
0xc4: {  	[dreg:$0x1] =	wrdreg $0xFFFFFFFF  }
0xc5: {  	_ =	task.clear_ibuf [dreg:s7], $0x2FFFF;
	_ =	strace $0x9FFFFFFF  }
0xc6: {  	(tm) =	ssettm $0x7FFFFFFF  }
0xc7: {  	_ =	shalt  }
tec
execute0_lowered:
.L_overlay_start_1:
0x0: {  	(tag) =	ssettag $0x1  }
0x1: {  	s0 =	rddreg [dreg:$0x0]  }
0x2: {  	s13 =	rddreg [dreg:$0x1]  }
0x3: {  	s1 =	rddreg [dreg:$0x2]  }
0x4: {  	s2 =	rddreg [dreg:$0x3]  }
0x5: {  	s3 =	rddreg [dreg:$0x4]  }
0x6: {  	s4 =	rddreg [dreg:$0x5]  }
0x7: {  	s5 =	srdreg.scid;
	s18 =	stileid.u32;
	s24 =	simm.s32 $0x2  }
0x8: {  	s31 =	simm.s32 $0x80;
	s23 =	simm.s32 $0x0;
	s19 =	sand.u32 $0x1, s5  }
0x9: {  	s5 =	simm.s32 $0x0;
	s6 =	sshll.u32 s18, $0xA;
	s30 =	sshll.u32 s18, $0xD  }
0xa: {  	p0 =	sne.s32 s18, $0x0;
	s7 =	sshll.u32 s19, $0x9;
	[smem:$0x7FF] =	sst s5  }
0xb: {  	s14 =	smul.u32 $0x210, s19;
	s29 =	ssub.s32 $0x2, s19;
	s19 =	sshll.u32 s19, $0xC  }
0xc: {  	s20 =	sshrl.u32 @!p0 s2, $0x3;
	s21 =	sshrl.u32 @!p0 s3, $0x3;
	s22 =	sshrl.u32 @!p0 s4, $0x3  }
0xd: {  	s6 =	sor.u32 s7, s6;
	_ =	strace $0x80000050;
	s8 =	sshrl.u32 s29, $0x1  }
0xe: {  	s28 =	sor.u32 s19, s30;
	s19 =	sshrl.u32 @!p0 s1, $0x3;
	s12 =	sadd.s32 s6, s0  }
0xf: {  	s6 =	sadd.s32 $0x8400, s0;
	s0 =	sadd.s32 s14, s0;
	s17 =	ssub.s32 s29, s8  }
0x10: {  	s13 =	sadd.s32 s13, s14;
	s7 =	sadd.s32 $0x4400, s12;
	s8 =	sadd.s32 $0xC400, s12  }
0x11: {  	s9 =	sadd.s32 $0x10400, s12;
	s10 =	sadd.s32 $0x14400, s12;
	s11 =	sadd.s32 $0x18400, s12  }
0x12: {  	s12 =	sadd.s32 $0x1C400, s12;
	s14 =	sadd.s32 $0x8800, s0;
	s15 =	sadd.s32 $0x8E00, s0  }
0x13: {  	v0 =	vlaneseq.u32;
	s16 =	sadd.s32 $0x9400, s0;
	s17 =	smax.u32 s17, $0x1;
	s0 =	simm.s32 $0x1  }
.LBB2_1:
0x14: {  	s18 =	simm.s32 @!p0 $0x1C02;
	s25 =	simm.s32 @!p0 $0x2  }
0x15: {  	[spmem:s19], [sflag:s18] =	dma.local @!p0 [hbm:s6], $0x210  }
0x16: {  	_ =	swait.ge @!p0 [sflag:s25], $0x210  }
0x17: {  	[sflag:s25] =	ssyncset.done @!p0 $0x0  }
0x18: {  	[sflag:s25] =	ssyncadd.s32 @!p0 $0xFFFFFDF0  }
0x19: {  	[spmem:s20], [sflag:s18] =	dma.local @!p0 [hbm:s6], $0x210  }
0x1a: {  	_ =	swait.ge @!p0 [sflag:s25], $0x210  }
0x1b: {  	[sflag:s25] =	ssyncset.done @!p0 $0x0  }
0x1c: {  	[sflag:s25] =	ssyncadd.s32 @!p0 $0xFFFFFDF0  }
0x1d: {  	[spmem:s21], [sflag:s18] =	dma.local @!p0 [hbm:s6], $0x210  }
0x1e: {  	_ =	swait.ge @!p0 [sflag:s25], $0x210  }
0x1f: {  	[sflag:s25] =	ssyncset.done @!p0 $0x0  }
0x20: {  	[sflag:s25] =	ssyncadd.s32 @!p0 $0xFFFFFDF0  }
0x21: {  	[spmem:s22], [sflag:s18] =	dma.local @!p0 [hbm:s6], $0x210  }
0x22: {  	_ =	swait.ge @!p0 [sflag:s25], $0x210  }
0x23: {  	[sflag:s25] =	ssyncset.done @!p0 $0x0  }
0x24: {  	s29 =	simm.s32 $0x420;
	[sflag:s25] =	ssyncadd.s32 @!p0 $0xFFFFFDF0  }
0x25: {  	[tilespmem:s29], [sflag:$0x2] =	stream.linear.gather [hbm4b:s7+s5], $0x1000, $0x38;
	[tilespmem:$0x7420] =	vst v63  }
0x26: {  	_ =	swait.ge [sflag:s24], $0x1000  }
0x27: {  	[sflag:s24] =	ssyncset.done $0x0  }
0x28: {  	s30 =	simm.s32 $0x1420;
	[sflag:s24] =	ssyncadd.s32 $0xFFFFF000  }
0x29: {  	[tilespmem:s30], [sflag:$0x2] =	stream.linear.gather [hbm4b:s8+s5], $0x1000, $0x38;
	[tilespmem:$0x7420] =	vst v63  }
0x2a: {  	_ =	swait.ge [sflag:s24], $0x1000  }
0x2b: {  	[sflag:s24] =	ssyncset.done $0x0  }
0x2c: {  	s25 =	simm.s32 $0x3420;
	[sflag:s24] =	ssyncadd.s32 $0xFFFFF000  }
0x2d: {  	[tilespmem:s25], [sflag:$0x2] =	stream.linear.gather [hbm4b:s9+s5], $0x1000, $0x38;
	[tilespmem:$0x7420] =	vst v63  }
0x2e: {  	_ =	swait.ge [sflag:s24], $0x1000  }
0x2f: {  	[sflag:s24] =	ssyncset.done $0x0  }
0x30: {  	s26 =	simm.s32 $0x4420;
	[sflag:s24] =	ssyncadd.s32 $0xFFFFF000  }
0x31: {  	[tilespmem:s26], [sflag:$0x2] =	stream.linear.gather [hbm4b:s10+s5], $0x1000, $0x38;
	[tilespmem:$0x7420] =	vst v63  }
0x32: {  	_ =	swait.ge [sflag:s24], $0x1000  }
0x33: {  	[sflag:s24] =	ssyncset.done $0x0  }
0x34: {  	s29 =	simm.s32 $0x5420;
	[sflag:s24] =	ssyncadd.s32 $0xFFFFF000  }
0x35: {  	[tilespmem:s29], [sflag:$0x2] =	stream.linear.gather [hbm4b:s11+s5], $0x1000, $0x38;
	[tilespmem:$0x7420] =	vst v63  }
0x36: {  	_ =	swait.ge [sflag:s24], $0x1000  }
0x37: {  	[sflag:s24] =	ssyncset.done $0x0  }
0x38: {  	s30 =	simm.s32 $0x6420;
	[sflag:s24] =	ssyncadd.s32 $0xFFFFF000  }
0x39: {  	[tilespmem:s30], [sflag:$0x2] =	stream.linear.gather [hbm4b:s12+s5], $0x1000, $0x38;
	[tilespmem:$0x7420] =	vst v63  }
0x3a: {  	_ =	swait.ge [sflag:s24], $0x1000  }
0x3b: {  	[sflag:s24] =	ssyncset.done $0x0  }
0x3c: {  	s25 =	simm.s32 $0x0;
	[sflag:s24] =	ssyncadd.s32 $0xFFFFF000  }
0x3d: {  	v1 =	vld [tilespmem:s25+$0x1420]  }
0x3e: {  	v2 =	vld [tilespmem:s25+$0x420];
	_ =	sdelay $0x2  }
0x3f: {  	v3 =	vor.u32 s28, v0;
	s18 =	smov.u32 s28;
	s26 =	simm.s32 $0x40  }
.LBB2_2:
0x40: {  	s29 =	sshra.s32 s26, $0x2;
	p1 =	sne.s32 s26, $0x3FC0;
	s26 =	sadd.s32 $0x40, s26;
	vm0 =	veq.s32 v1, v3  }
.Ltmp0:
0x41: {  	v1 =	vld [tilespmem:s29+$0x1420];
	v3 =	vnsel vm0, $0x1000, v2;
	(pc) =	sbr.rel @p1 .LBB2_2-.Ltmp0, $3  }
0x42: {  	v2 =	vld [tilespmem:s29+$0x420];
	[tilespmem:s25+$0x2420] =	vst v3;
	s25 =	smov.u32 s29;
	_ =	sdelay $0x1  }
0x43: {  	s18 =	sadd.s32 $0x10, s18  }
0x44: {  	v3 =	vor.u32 s18, v0  }
0x45: {  	vm0 =	veq.s32 v1, v3  }
0x46: {  	v1 =	vnsel vm0, $0x1000, v2  }
0x47: {  	[tilespmem:s25+$0x2420] =	vst v1  }
0x48: {  	s18 =	simm.s32 $0x3420;
	s25 =	simm.s32 $0x2420;
	[bflag:$0x0] =	sbarrier.arrive $0xFFFF  }
0x49: {  	[spmem:s1] =	stream.indirect.scatter.add.f32 [tilespmem:s18], [sflag:$0x1], $0x1, s25, s31, $0xb8;
	[tilespmem:$0x7420] =	vst v63  }
0x4a: {  	s26 =	simm.s32 $0x4420  }
0x4b: {  	[spmem:s2] =	stream.indirect.scatter.add.f32 [tilespmem:s26], [sflag:$0x1], $0x1, s25, s31, $0xb8;
	[tilespmem:$0x7420] =	vst v63  }
0x4c: {  	s29 =	simm.s32 $0x5420  }
0x4d: {  	[spmem:s3] =	stream.indirect.scatter.add.f32 [tilespmem:s29], [sflag:$0x1], $0x1, s25, s31, $0xb8;
	[tilespmem:$0x7420] =	vst v63  }
0x4e: {  	s30 =	simm.s32 $0x6420  }
0x4f: {  	[spmem:s4] =	stream.indirect.scatter.add.f32 [tilespmem:s30], [sflag:$0x1], $0x1, s25, s31, $0xb8;
	[tilespmem:$0x7420] =	vst v63  }
0x50: {  	_ =	swait.ge [sflag:s0], $0x80  }
0x51: {  	[sflag:s0] =	ssyncset.done $0x0  }
0x52: {  	[sflag:s0] =	ssyncadd.s32 $0xFFFFFF80  }
0x53: {  	_ =	swait.ge [sflag:s0], $0x80  }
0x54: {  	[sflag:s0] =	ssyncset.done $0x0  }
0x55: {  	[sflag:s0] =	ssyncadd.s32 $0xFFFFFF80  }
0x56: {  	_ =	swait.ge [sflag:s0], $0x80  }
0x57: {  	[sflag:s0] =	ssyncset.done $0x0  }
0x58: {  	[sflag:s0] =	ssyncadd.s32 $0xFFFFFF80  }
0x59: {  	_ =	swait.ge [sflag:s0], $0x80  }
0x5a: {  	s26 =	simm.s32 $0x80;
	s25 =	simm.s32 $0x400;
	[sflag:s0] =	ssyncset.done $0x0  }
.LBB2_4:
0x5b: {  	s18 =	sadd.s32 $0x3420, s26  }
0x5c: {  	s29 =	sadd.s32 $0x2420, s26;
	[sflag:s0] =	ssyncadd.s32 $0xFFFFFF80;
	s30 =	smov.u32 s25  }
0x5d: {  	[spmem:s1] =	stream.indirect.scatter.add.f32 [tilespmem:s18], [sflag:$0x1], $0x1, s29, s31, $0xb8;
	[tilespmem:$0x7420] =	vst v63  }
0x5e: {  	p1 =	sne.s32 s25, $0x3E00;
	s25 =	sadd.s32 $0x200, s25;
	s18 =	sadd.s32 $0x4420, s26  }
0x5f: {  	[spmem:s2] =	stream.indirect.scatter.add.f32 [tilespmem:s18], [sflag:$0x1], $0x1, s29, s31, $0xb8;
	[tilespmem:$0x7420] =	vst v63  }
0x60: {  	s18 =	sadd.s32 $0x5420, s26  }
0x61: {  	[spmem:s3] =	stream.indirect.scatter.add.f32 [tilespmem:s18], [sflag:$0x1], $0x1, s29, s31, $0xb8;
	[tilespmem:$0x7420] =	vst v63  }
0x62: {  	s18 =	sadd.s32 $0x6420, s26  }
0x63: {  	[spmem:s4] =	stream.indirect.scatter.add.f32 [tilespmem:s18], [sflag:$0x1], $0x1, s29, s31, $0xb8;
	[tilespmem:$0x7420] =	vst v63  }
0x64: {  	_ =	swait.ge [sflag:s0], $0x80  }
0x65: {  	[sflag:s0] =	ssyncset.done $0x0  }
0x66: {  	[sflag:s0] =	ssyncadd.s32 $0xFFFFFF80  }
0x67: {  	_ =	swait.ge [sflag:s0], $0x80  }
0x68: {  	[sflag:s0] =	ssyncset.done $0x0  }
0x69: {  	[sflag:s0] =	ssyncadd.s32 $0xFFFFFF80  }
.Ltmp1:
0x6a: {  	_ =	swait.ge [sflag:s0], $0x80;
	(pc) =	sbr.rel @p1 .LBB2_4-.Ltmp1, $4  }
0x6b: {  	[sflag:s0] =	ssyncset.done $0x0  }
0x6c: {  	[sflag:s0] =	ssyncadd.s32 $0xFFFFFF80  }
0x6d: {  	_ =	swait.ge [sflag:s0], $0x80  }
0x6e: {  	s26 =	sshra.s32 s30, $0x2;
	[sflag:s0] =	ssyncset.done $0x0  }
0x6f: {  	s18 =	sadd.s32 $0x3420, s26;
	s25 =	sadd.s32 $0x2420, s26;
	[sflag:s0] =	ssyncadd.s32 $0xFFFFFF80  }
0x70: {  	[spmem:s1] =	stream.indirect.scatter.add.f32 [tilespmem:s18], [sflag:$0x1], $0x1, s25, s31, $0xb8;
	[tilespmem:$0x7420] =	vst v63  }
0x71: {  	s30 =	sadd.s32 $0x4420, s26  }
0x72: {  	[spmem:s2] =	stream.indirect.scatter.add.f32 [tilespmem:s30], [sflag:$0x1], $0x1, s25, s31, $0xb8;
	[tilespmem:$0x7420] =	vst v63  }
0x73: {  	s29 =	sadd.s32 $0x5420, s26  }
0x74: {  	[spmem:s3] =	stream.indirect.scatter.add.f32 [tilespmem:s29], [sflag:$0x1], $0x1, s25, s31, $0xb8;
	[tilespmem:$0x7420] =	vst v63  }
0x75: {  	s30 =	sadd.s32 $0x6420, s26  }
0x76: {  	[spmem:s4] =	stream.indirect.scatter.add.f32 [tilespmem:s30], [sflag:$0x1], $0x1, s25, s31, $0xb8;
	[tilespmem:$0x7420] =	vst v63  }
0x77: {  	_ =	swait.ge [sflag:s0], $0x80  }
0x78: {  	[sflag:s0] =	ssyncset.done $0x0  }
0x79: {  	[sflag:s0] =	ssyncadd.s32 $0xFFFFFF80  }
0x7a: {  	_ =	swait.ge [sflag:s0], $0x80  }
0x7b: {  	[sflag:s0] =	ssyncset.done $0x0  }
0x7c: {  	[sflag:s0] =	ssyncadd.s32 $0xFFFFFF80  }
0x7d: {  	_ =	swait.ge [sflag:s0], $0x80  }
0x7e: {  	[sflag:s0] =	ssyncset.done $0x0  }
0x7f: {  	[sflag:s0] =	ssyncadd.s32 $0xFFFFFF80  }
0x80: {  	_ =	swait.ge [sflag:s0], $0x80  }
0x81: {  	[sflag:s0] =	ssyncset.done $0x0  }
0x82: {  	[sflag:s0] =	ssyncadd.s32 $0xFFFFFF80  }
0x83: {  	s18 =	simm.s32 @!p0 $0x1C02;
	s25 =	simm.s32 @!p0 $0x2;
	[bflag:$0x0] =	sbarrier.arrive $0xFFFF  }
0x84: {  	[hbm:s13], [sflag:s18] =	dma.local @!p0 [spmem:s19], $0x210  }
0x85: {  	_ =	swait.ge @!p0 [sflag:s25], $0x210  }
0x86: {  	[sflag:s25] =	ssyncset.done @!p0 $0x0  }
0x87: {  	[sflag:s25] =	ssyncadd.s32 @!p0 $0xFFFFFDF0  }
0x88: {  	[hbm:s14], [sflag:s18] =	dma.local @!p0 [spmem:s20], $0x210  }
0x89: {  	_ =	swait.ge @!p0 [sflag:s25], $0x210  }
0x8a: {  	[sflag:s25] =	ssyncset.done @!p0 $0x0  }
0x8b: {  	[sflag:s25] =	ssyncadd.s32 @!p0 $0xFFFFFDF0  }
0x8c: {  	[hbm:s15], [sflag:s18] =	dma.local @!p0 [spmem:s21], $0x210  }
0x8d: {  	s23 =	sadd.s32 $0x1, s23;
	_ =	swait.ge @!p0 [sflag:s25], $0x210  }
0x8e: {  	p1 =	sne.s32 s23, s17;
	[sflag:s25] =	ssyncset.done @!p0 $0x0  }
.Ltmp2:
0x8f: {  	[sflag:s25] =	ssyncadd.s32 @!p0 $0xFFFFFDF0;
	(pc) =	sbr.rel @p1 .LBB2_1-.Ltmp2, $4  }
0x90: {  	[hbm:s16], [sflag:s18] =	dma.local @!p0 [spmem:s22], $0x210  }
0x91: {  	_ =	swait.ge @!p0 [sflag:s25], $0x210  }
0x92: {  	[sflag:s25] =	ssyncset.done @!p0 $0x0  }
0x93: {  	[sflag:s25] =	ssyncadd.s32 @!p0 $0xFFFFFDF0  }
0x94: {  	_ =	sfence.sel $0x180000  }
0x95: {  	[bflag:$0x0] =	sbarrier.arrive $0xFFFF  }
0x96: {  	_ =	strace $0x90000050  }
0x97: {  	[bflag:$0x2] =	sbarrier.arrive $0xFFFF  }
0x98: {  	s0 =	rddreg [dreg:$0x6]  }
0x99: {  	s0 =	sadd.s32 @!p0 $0x100000, s0  }
0x9a: {  	[sflag:s0] =	ssyncadd.tile.s32 @!p0 $0x1;
	_ =	shalt  }
.Lfunc_end2:
_tile_overlayer_lowered:
.L_overlay_start_2:
0x9b: {  	(tag) =	ssettag $0x2  }
0x9c: {  	s0 =	rddreg [dreg:$0x0];
	s2 =	stileid.u32  }
0x9d: {  	s1 =	rddreg [dreg:$0x1];
	p0 =	sne.s32 s2, $0x0  }
0x9e: {  	s3 =	rddreg [dreg:$0x2];
	[bflag:$0x3] =	sbarrier.arrive $0xFFFF;
	s2 =	simm.s32 @!p0 $0x1C02  }
0x9f: {  	[timem:s3], [sflag:s2] =	dma.local @!p0 [hbm:s0], s1  }
0xa0: {  	s0 =	simm.s32 @!p0 $0x2  }
0xa1: {  	_ =	swait.ge @!p0 [sflag:s0], s1  }
0xa2: {  	s1 =	ssub.s32 @!p0 $0x0, s1;
	[sflag:s0] =	ssyncset.done @!p0 $0x0  }
0xa3: {  	[sflag:s0] =	ssyncadd.s32 @!p0 s1  }
0xa4: {  	[bflag:$0x3] =	sbarrier.arrive $0xFFFF  }
0xa5: {  	_ =	shalt  }

// kernel: kernel.21.cloned.1.call-start
scs
__scs_entry_jumppad:
0x0: {  	(pc) =	sbr.rel $0x88, $3  }
0x1: {  	(tag) =	ssettag $0x0;
	lr =	simm.s32 $0x1  }
0x2: {  	[smem:$0x3F9B] =	sst lr;
	_ =	strace $0xD0000000  }
0x3: {  	_ = 	snop  }
0x4: {  	_ = 	snop  }
0x5: {  	_ = 	snop  }
0x6: {  	_ = 	snop  }
0x7: {  	_ = 	snop  }
__scs_overlays_trampoline_lowered:
0x8: {  	[smem:$0x3FAA] =	sst s0  }
0x9: {  	[smem:$0x3FAB] =	sst s1  }
0xa: {  	[smem:$0x3FAC] =	sst s2  }
0xb: {  	[smem:$0x3FAD] =	sst s3  }
0xc: {  	[smem:$0x3FAE] =	sst s4  }
0xd: {  	[smem:$0x3FAF] =	sst s5  }
0xe: {  	[smem:$0x3FB0] =	sst s6  }
0xf: {  	[smem:$0x3FB1] =	sst s7  }
0x10: {  	[smem:$0x3FB2] =	sst s8  }
0x11: {  	[smem:$0x3FB3] =	sst s9;
	s0 =	simm.s32 @!p0 $0x0  }
0x12: {  	s1 =	sld [smem:$0x3F99];
	s0 =	simm.s32 @p0 $0x1  }
0x13: {  	[smem:$0x3FB4] =	sst s0;
	s0 =	simm.s32 @!p1 $0x0  }
0x14: {  	s2 =	sld [smem:$0x3F98];
	s0 =	simm.s32 @p1 $0x1  }
0x15: {  	[smem:$0x3FB5] =	sst s0;
	s0 =	simm.s32 @!p2 $0x0  }
0x16: {  	s3 =	sld [smem:$0x3FDB];
	s0 =	simm.s32 @p2 $0x1  }
0x17: {  	s4 =	simm.s32 $0x1BF5;
	[smem:$0x3FB7] =	sst s0  }
0x18: {  	s0 =	sld [smem:$0x3F9A];
	_ =	swait.ge [sflag:s4], $0x0  }
0x19: {  	s7 =	sld [smem:$0x3F9B]  }
0x1a: {  	s8 =	sadd.s32 $0xFFFFE003, lr  }
0x1b: {  	s9 =	sadd.s32 $0xFFFFFEF7, lr;
	s5 =	simm.s32 $0xFFFFFFFF;
	p2 =	slt.u32 s8, $0xFFFFF086  }
0x1c: {  	p1 =	slt.u32 s9, $0xF7A;
	s5 =	simm.s32 @!p2 $0x0  }
0x1d: {  	s5 =	simm.s32 @p1 $0x1;
	p0 =	seq.s32 s7, s2  }
0x1e: {  	s7 =	smul.u32 @!p0 $0xF7A, s2;
	p2 =	seq.s32 @!p0 s5, $0x0  }
0x1f: {  	s9 =	smul.u32 $0xF7A, s1;
	s8 =	simm.s32 @!p0 $0x1BF5;
	p2 =	por !p2, p0  }
0x20: {  	[sflag:s8] =	ssyncset.s32 @!p0 $0xFFFFF086;
	s6 =	sadd.s32 @!p0 s3, s7;
	s7 =	simm.s32 @!p0 $0x108  }
0x21: {  	s3 =	sadd.s32 s3, s9;
	s6 =	sadd.s32 @!p0 $0x88, s6;
	s7 =	simm.s32 @p2 $0x1082  }
0x22: {  	[simem:s7], [sflag:s8] =	dma.local @!p0 [hbm:s6], $0xF7A  }
0x23: {  	s9 =	sor.u32 $0xD0000000, s2;
	s6 =	simm.s32 $0x108;
	_ =	swait.ge @!p0 [sflag:s8], $0x0  }
0x24: {  	s3 =	sadd.s32 $0x88, s3;
	s6 =	simm.s32 @!p1 $0x1082;
	[sflag:s4] =	ssyncset.s32 $0xFFFFF086  }
0x25: {  	[simem:s6], [sflag:s4] =	dma.local [hbm:s3], $0xF7A  }
0x26: {  	[smem:$0x3F9B] =	sst s1;
	(tag) =	ssettag s2;
	_ =	strace s9  }
0x27: {  	s1 =	sld [smem:$0x3FAB]  }
0x28: {  	s2 =	sld [smem:$0x3FAC]  }
0x29: {  	s4 =	sld [smem:$0x3FAE]  }
0x2a: {  	p0 =	seq.s32 s5, $0x0;
	s5 =	sld [smem:$0x3FAF]  }
0x2b: {  	s6 =	sld [smem:$0x3FB0]  }
0x2c: {  	s7 =	sld [smem:$0x3FB1]  }
0x2d: {  	s3 =	simm.s32 $0x108;
	s8 =	sld [smem:$0x3FB2]  }
0x2e: {  	s3 =	simm.s32 @!p0 $0x1082;
	s9 =	sld [smem:$0x3FB3]  }
0x2f: {  	lr =	sadd.s32 s0, s3;
	s0 =	sld [smem:$0x3FAA]  }
0x30: {  	s3 =	sld [smem:$0x3FAD]  }
0x31: {  	[smem:$0x3FB6] =	sst s10  }
0x32: {  	s10 =	sld [smem:$0x3FB4];
	_ =	sdelay $0x3  }
0x33: {  	p0 =	seq.s32 s10, $0x1;
	s10 =	sld [smem:$0x3FB6];
	_ =	sdelay $0x3  }
0x34: {  	[smem:$0x3FB6] =	sst s10  }
0x35: {  	s10 =	sld [smem:$0x3FB5];
	_ =	sdelay $0x3  }
0x36: {  	p1 =	seq.s32 s10, $0x1;
	s10 =	sld [smem:$0x3FB6];
	_ =	sdelay $0x3  }
0x37: {  	[smem:$0x3FB6] =	sst s10  }
0x38: {  	s10 =	sld [smem:$0x3FB7]  }
0x39: {  	_ = 	snop;
	(pc) =	sbr.ind lr, $3  }
0x3a: {  	_ = 	snop  }
0x3b: {  	_ = 	snop  }
0x3c: {  	p2 =	seq.s32 s10, $0x1;
	s10 =	sld [smem:$0x3FB6]  }
0x3d: {  	_ =	shalt  }
0x3e: {  	_ =	shalt  }
0x3f: {  	_ =	shalt  }
0x40: {  	_ =	shalt  }
0x41: {  	_ =	shalt  }
0x42: {  	_ =	shalt  }
0x43: {  	_ =	shalt  }
0x44: {  	_ =	shalt  }
0x45: {  	_ =	shalt  }
0x46: {  	_ =	shalt  }
0x47: {  	_ =	shalt  }
0x48: {  	_ =	shalt  }
0x49: {  	_ =	shalt  }
0x4a: {  	_ =	shalt  }
0x4b: {  	_ =	shalt  }
0x4c: {  	_ =	shalt  }
0x4d: {  	_ =	shalt  }
0x4e: {  	_ =	shalt  }
0x4f: {  	_ =	shalt  }
0x50: {  	_ =	shalt  }
0x51: {  	_ =	shalt  }
0x52: {  	_ =	shalt  }
0x53: {  	_ =	shalt  }
0x54: {  	_ =	shalt  }
0x55: {  	_ =	shalt  }
0x56: {  	_ =	shalt  }
0x57: {  	_ =	shalt  }
0x58: {  	_ =	shalt  }
0x59: {  	_ =	shalt  }
0x5a: {  	_ =	shalt  }
0x5b: {  	_ =	shalt  }
0x5c: {  	_ =	shalt  }
0x5d: {  	_ =	shalt  }
0x5e: {  	_ =	shalt  }
0x5f: {  	_ =	shalt  }
0x60: {  	_ =	shalt  }
0x61: {  	_ =	shalt  }
0x62: {  	_ =	shalt  }
0x63: {  	_ =	shalt  }
0x64: {  	_ =	shalt  }
0x65: {  	_ =	shalt  }
0x66: {  	_ =	shalt  }
0x67: {  	_ =	shalt  }
0x68: {  	_ =	shalt  }
0x69: {  	_ =	shalt  }
0x6a: {  	_ =	shalt  }
0x6b: {  	_ =	shalt  }
0x6c: {  	_ =	shalt  }
0x6d: {  	_ =	shalt  }
0x6e: {  	_ =	shalt  }
0x6f: {  	_ =	shalt  }
0x70: {  	_ =	shalt  }
0x71: {  	_ =	shalt  }
0x72: {  	_ =	shalt  }
0x73: {  	_ =	shalt  }
0x74: {  	_ =	shalt  }
0x75: {  	_ =	shalt  }
0x76: {  	_ =	shalt  }
0x77: {  	_ =	shalt  }
0x78: {  	_ =	shalt  }
0x79: {  	_ =	shalt  }
0x7a: {  	_ =	shalt  }
0x7b: {  	_ =	shalt  }
0x7c: {  	_ =	shalt  }
0x7d: {  	_ =	shalt  }
0x7e: {  	_ =	shalt  }
0x7f: {  	_ =	shalt  }
0x80: {  	_ =	shalt  }
0x81: {  	_ =	shalt  }
0x82: {  	_ =	shalt  }
0x83: {  	_ =	shalt  }
0x84: {  	_ =	shalt  }
0x85: {  	_ =	shalt  }
0x86: {  	_ =	shalt  }
0x87: {  	_ =	shalt  }
.Lfunc_end0:
.L_simem_size_0:
called_computation.4_lowered:
.L_overlay_start_0:
0x88: {  	s2 =	sld [smem:$0x3FD9]  }
0x89: {  	s3 =	sld [smem:$0x3FFE];
	_ =	sdelay $0x1  }
0x8a: {  	s1 =	srdreg.scid  }
0x8b: {  	s0 =	sand.u32 $0x1, s1  }
0x8c: {  	s17 =	sshll.u32 s0, $0xA;
	s2 =	sadd.s32 s3, s2  }
0x8d: {  	s2 =	sadd.s32 s2, s17  }
0x8e: {  	[smem:$0x3FC2] =	sst s2  }
0x8f: {  	_ = 	snop  }
0x90: {  	s2 =	sld [smem:$0x3FD0];
	(tm) =	ssettm $0x1  }
0x91: {  	s18 =	sld [smem:$0x3FFB];
	_ =	sdelay $0x3  }
0x92: {  	_ =	strace s18  }
0x93: {  	s3 =	sld [smem:$0x3FFC];
	_ =	sdelay $0x3  }
0x94: {  	_ =	strace s3  }
0x95: {  	s3 =	sld [smem:$0x3FFD];
	_ =	sdelay $0x3  }
0x96: {  	_ =	strace s3  }
0x97: {  	_ =	strace $0x8FFFFFFF  }
0x98: {  	s19 =	sld [smem:$0x3FDB];
	_ =	sdelay $0x1  }
0x99: {  	s4 =	simm.s32 $_scs_section_size  }
0x9a: {  	s5 =	simm.s32 $_size__tile_overlayer_lowered;
	s6 =	simm.s32 $_tile_overlayer_lowered  }
0x9b: {  	s22 =	simm.s32 $0x1BFF;
	s21 =	sshll.u32 s6, $0x1;
	s3 =	sadd.s32 s4, s19  }
0x9c: {  	s7 =	simm.s32 $0x0;
	s20 =	sshll.u32 s5, $0x1;
	s5 =	sadd.s32 s21, s3  }
0x9d: {  	[timem:s7], [sflag:s22] =	dma.local [hbm:s5], s20  }
0x9e: {  	_ =	swait.ge [sflag:s22], s20  }
0x9f: {  	s4 =	ssub.s32 $0x0, s20;
	[sflag:s22] =	ssyncset.done $0x0  }
0xa0: {  	[sflag:s22] =	ssyncadd.s32 s4;
	_ =	sdelay $0x1  }
0xa1: {  	s23 =	simm.s32 $0x1B8B  }
0xa2: {  	_ =	swait.ge [sflag:s23], $0x1  }
0xa3: {  	[sflag:s23] =	ssyncset.done $0x0  }
0xa4: {  	s25 =	simm.s32 $0x1B8E;
	s24 =	sld [smem:$0x3FFE];
	[sflag:s23] =	ssyncadd.s32 $0xFFFFFFFF  }
0xa5: {  	s26 =	simm.s32 $execute0_lowered;
	[smem:$0x3FD2] =	sst s25  }
0xa6: {  	s5 =	sshll.u32 s26, $0x1;
	_ =	strace $0x80000052;
	[dreg:$0x1] =	wrdreg $0xFFFFFFFF  }
0xa7: {  	s28 =	simm.s32 $_size_execute0_lowered;
	s3 =	sadd.s32 s3, s5;
	[dreg:$0x0] =	wrdreg $0x0  }
0xa8: {  	s5 =	sshll.u32 s28, $0x1;
	[dreg:$0x2] =	wrdreg s3  }
0xa9: {  	[dreg:$0x3] =	wrdreg s5  }
0xaa: {  	[dreg:$0x4] =	wrdreg $0xC0  }
0xab: {  	_ =	task [dreg:s7], $0x5FFFF  }
0xac: {  	[dreg:$0x1] =	wrdreg $0xFFFFFFFF  }
0xad: {  	[dreg:$0x0] =	wrdreg $0x60  }
0xae: {  	[dreg:$0x2] =	wrdreg s24  }
0xaf: {  	[dreg:$0x3] =	wrdreg s2  }
0xb0: {  	[dreg:$0x4] =	wrdreg $0x9  }
0xb1: {  	_ =	task.clear_ibuf [dreg:s7], $0x5FFFF;
	_ =	strace $0x90000052  }
0xb2: {  	s29 =	simm.s32 $0x9;
	_ =	strace $0x80000054  }
0xb3: {  	_ =	swait.ge [sflag:s29], $0x1  }
0xb4: {  	[sflag:s29] =	ssyncadd.s32 $0xFFFFFFFF  }
0xb5: {  	_ =	strace $0x90000054  }
0xb6: {  	_ =	sfence  }
0xb7: {  	s30 =	sld [smem:$0x0];
	_ =	sdelay $0x2  }
0xb8: {  	s31 =	sshll.u32 s1, $0xD;
	s1 =	sshrl.u32 s1, $0x2  }
0xb9: {  	s3 =	sand.u32 $0x4000, s31;
	s1 =	sadd.s32 s1, s30  }
0xba: {  	s0 =	sor.u32 s3, s0;
	s1 =	sshll.u32 s1, $0x11  }
0xbb: {  	s0 =	sor.u32 s1, s0  }
0xbc: {  	s0 =	sadd.s32 $0x8F2B, s0  }
0xbd: {  	[sflag:s0] =	ssyncadd.remote.s32 $0x1  }
0xbe: {  	_ =	sfence.sel $0xFFFF  }
0xbf: {  	[dreg:$0x0] =	wrdreg $0xFFFFFFFF;
	(pc) =	sbr.abs _section_cstart, $3  }
0xc0: {  	[dreg:$0x1] =	wrdreg $0xFFFFFFFF  }
0xc1: {  	_ =	task.clear_ibuf [dreg:s7], $0x2FFFF;
	_ =	strace $0x9FFFFFFF  }
0xc2: {  	(tm) =	ssettm $0x7FFFFFFF  }
0xc3: {  	_ =	shalt  }
tec
execute0_lowered:
.L_overlay_start_1:
0x0: {  	(tag) =	ssettag $0x1  }
0x1: {  	s10 =	rddreg [dreg:$0x0]  }
0x2: {  	s1 =	rddreg [dreg:$0x1]  }
0x3: {  	s2 =	simm.s32 $0x0;
	s7 =	srdreg.scid;
	s0 =	stileid.u32  }
0x4: {  	s18 =	simm.s32 $0x2;
	s19 =	simm.s32 $0x1000;
	s20 =	simm.s32 $0x80  }
0x5: {  	s21 =	simm.s32 $0x1;
	s22 =	simm.s32 $0x2000;
	s23 =	simm.s32 $0x3000  }
0x6: {  	s24 =	simm.s32 $0x4000;
	s25 =	simm.s32 $0x5000;
	s26 =	simm.s32 $0x0  }
0x7: {  	[smem:$0x7FF] =	sst s2;
	s4 =	sadd.s32 $0x10400, s10;
	s5 =	sadd.s32 $0x14400, s10  }
0x8: {  	s6 =	sadd.s32 $0x18400, s10;
	s9 =	sand.u32 $0x1, s7;
	s7 =	sadd.s32 $0x1C400, s10  }
0x9: {  	s11 =	sshll.u32 s0, $0xA;
	s8 =	sadd.s32 $0x8400, s10;
	s12 =	sshll.u32 s9, $0x9  }
0xa: {  	_ =	strace $0x80000053;
	s30 =	ssub.s32 $0x2, s9;
	s11 =	sor.u32 s12, s11  }
0xb: {  	s9 =	sadd.s32 $0x8800, s10;
	s31 =	sshrl.u32 s30, $0x1;
	s16 =	sadd.s32 s11, s10  }
0xc: {  	s10 =	sadd.s32 $0x8C00, s10;
	s17 =	ssub.s32 s30, s31;
	s11 =	sadd.s32 $0x4400, s16  }
0xd: {  	s12 =	sadd.s32 $0xC400, s16;
	s13 =	sadd.s32 $0x20400, s16;
	s14 =	sadd.s32 $0x24400, s16  }
0xe: {  	s15 =	sadd.s32 $0x28400, s16;
	s16 =	sadd.s32 $0x2C400, s16;
	s17 =	smax.u32 s17, $0x1  }
.LBB2_1:
0xf: {  	[tilespmem:s2], [sflag:$0x2] =	stream.linear.gather [hbm4b:s11+s2], $0x1000, $0x38;
	[tilespmem:$0xA000] =	vst v63  }
0x10: {  	_ =	swait.ge [sflag:s18], $0x1000  }
0x11: {  	[sflag:s18] =	ssyncset.done $0x0  }
0x12: {  	[sflag:s18] =	ssyncadd.s32 $0xFFFFF000  }
0x13: {  	[tilespmem:s19], [sflag:$0x2] =	stream.linear.gather [hbm4b:s12+s2], $0x1000, $0x38;
	[tilespmem:$0xA000] =	vst v63  }
0x14: {  	_ =	swait.ge [sflag:s18], $0x1000  }
0x15: {  	[sflag:s18] =	ssyncset.done $0x0  }
0x16: {  	s28 =	simm.s32 $0x2000;
	s29 =	simm.s32 $0x1000;
	[sflag:s18] =	ssyncadd.s32 $0xFFFFF000  }
0x17: {  	[tilespmem:s28], [sflag:$0x1] =	stream.indirect.gather [hbm4b:s4+s20], $0x1, s29, s20, $0xb8;
	[tilespmem:$0xA000] =	vst v63  }
0x18: {  	s30 =	simm.s32 $0x6000;
	s28 =	simm.s32 $0x0  }
0x19: {  	[tilespmem:s30], [sflag:$0x1] =	stream.indirect.gather [hbm4b:s1+s20], $0x1, s28, s20, $0xb8;
	[tilespmem:$0xA000] =	vst v63  }
0x1a: {  	s30 =	simm.s32 $0x3000  }
0x1b: {  	[tilespmem:s30], [sflag:$0x1] =	stream.indirect.gather [hbm4b:s5+s20], $0x1, s29, s20, $0xb8;
	[tilespmem:$0xA000] =	vst v63  }
0x1c: {  	s30 =	simm.s32 $0x7000  }
0x1d: {  	[tilespmem:s30], [sflag:$0x1] =	stream.indirect.gather [hbm4b:s8+s20], $0x1, s28, s20, $0xb8;
	[tilespmem:$0xA000] =	vst v63  }
0x1e: {  	s30 =	simm.s32 $0x4000  }
0x1f: {  	[tilespmem:s30], [sflag:$0x1] =	stream.indirect.gather [hbm4b:s6+s20], $0x1, s29, s20, $0xb8;
	[tilespmem:$0xA000] =	vst v63  }
0x20: {  	s30 =	simm.s32 $0x8000  }
0x21: {  	[tilespmem:s30], [sflag:$0x1] =	stream.indirect.gather [hbm4b:s9+s20], $0x1, s28, s20, $0xb8;
	[tilespmem:$0xA000] =	vst v63  }
0x22: {  	s30 =	simm.s32 $0x5000  }
0x23: {  	[tilespmem:s30], [sflag:$0x1] =	stream.indirect.gather [hbm4b:s7+s20], $0x1, s29, s20, $0xb8;
	[tilespmem:$0xA000] =	vst v63  }
0x24: {  	s3 =	simm.s32 $0x9000  }
0x25: {  	[tilespmem:s3], [sflag:$0x1] =	stream.indirect.gather [hbm4b:s10+s20], $0x1, s28, s20, $0xb8;
	[tilespmem:$0xA000] =	vst v63  }
0x26: {  	s31 =	simm.s32 $0x1080;
	s28 =	simm.s32 $0x2080  }
0x27: {  	[tilespmem:s28], [sflag:$0x1] =	stream.indirect.gather [hbm4b:s4+s20], $0x1, s31, s20, $0xb8;
	[tilespmem:$0xA000] =	vst v63  }
0x28: {  	s30 =	simm.s32 $0x80;
	s28 =	simm.s32 $0x6080  }
0x29: {  	[tilespmem:s28], [sflag:$0x1] =	stream.indirect.gather [hbm4b:s1+s20], $0x1, s30, s20, $0xb8;
	[tilespmem:$0xA000] =	vst v63  }
0x2a: {  	s28 =	simm.s32 $0x3080  }
0x2b: {  	[tilespmem:s28], [sflag:$0x1] =	stream.indirect.gather [hbm4b:s5+s20], $0x1, s31, s20, $0xb8;
	[tilespmem:$0xA000] =	vst v63  }
0x2c: {  	s28 =	simm.s32 $0x7080  }
0x2d: {  	[tilespmem:s28], [sflag:$0x1] =	stream.indirect.gather [hbm4b:s8+s20], $0x1, s30, s20, $0xb8;
	[tilespmem:$0xA000] =	vst v63  }
0x2e: {  	s28 =	simm.s32 $0x4080  }
0x2f: {  	[tilespmem:s28], [sflag:$0x1] =	stream.indirect.gather [hbm4b:s6+s20], $0x1, s31, s20, $0xb8;
	[tilespmem:$0xA000] =	vst v63  }
0x30: {  	s28 =	simm.s32 $0x8080  }
0x31: {  	[tilespmem:s28], [sflag:$0x1] =	stream.indirect.gather [hbm4b:s9+s20], $0x1, s30, s20, $0xb8;
	[tilespmem:$0xA000] =	vst v63  }
0x32: {  	s28 =	simm.s32 $0x5080  }
0x33: {  	[tilespmem:s28], [sflag:$0x1] =	stream.indirect.gather [hbm4b:s7+s20], $0x1, s31, s20, $0xb8;
	[tilespmem:$0xA000] =	vst v63  }
0x34: {  	s28 =	simm.s32 $0x9080  }
0x35: {  	[tilespmem:s28], [sflag:$0x1] =	stream.indirect.gather [hbm4b:s10+s20], $0x1, s30, s20, $0xb8;
	[tilespmem:$0xA000] =	vst v63  }
0x36: {  	_ =	swait.ge [sflag:s21], $0x80  }
0x37: {  	[sflag:s21] =	ssyncset.done $0x0  }
0x38: {  	[sflag:s21] =	ssyncadd.s32 $0xFFFFFF80  }
0x39: {  	_ =	swait.ge [sflag:s21], $0x80  }
0x3a: {  	[sflag:s21] =	ssyncset.done $0x0  }
0x3b: {  	[sflag:s21] =	ssyncadd.s32 $0xFFFFFF80  }
0x3c: {  	_ =	swait.ge [sflag:s21], $0x80  }
0x3d: {  	[sflag:s21] =	ssyncset.done $0x0  }
0x3e: {  	[sflag:s21] =	ssyncadd.s32 $0xFFFFFF80  }
0x3f: {  	_ =	swait.ge [sflag:s21], $0x80  }
0x40: {  	[sflag:s21] =	ssyncset.done $0x0  }
0x41: {  	[sflag:s21] =	ssyncadd.s32 $0xFFFFFF80  }
0x42: {  	_ =	swait.ge [sflag:s21], $0x80  }
0x43: {  	[sflag:s21] =	ssyncset.done $0x0  }
0x44: {  	[sflag:s21] =	ssyncadd.s32 $0xFFFFFF80  }
0x45: {  	_ =	swait.ge [sflag:s21], $0x80  }
0x46: {  	[sflag:s21] =	ssyncset.done $0x0  }
0x47: {  	[sflag:s21] =	ssyncadd.s32 $0xFFFFFF80  }
0x48: {  	_ =	swait.ge [sflag:s21], $0x80  }
0x49: {  	[sflag:s21] =	ssyncset.done $0x0  }
0x4a: {  	[sflag:s21] =	ssyncadd.s32 $0xFFFFFF80  }
0x4b: {  	_ =	swait.ge [sflag:s21], $0x80  }
0x4c: {  	[sflag:s21] =	ssyncset.done $0x0  }
0x4d: {  	[sflag:s21] =	ssyncadd.s32 $0xFFFFFF80  }
0x4e: {  	_ =	swait.ge [sflag:s21], $0x80  }
0x4f: {  	[sflag:s21] =	ssyncset.done $0x0  }
0x50: {  	[sflag:s21] =	ssyncadd.s32 $0xFFFFFF80  }
0x51: {  	_ =	swait.ge [sflag:s21], $0x80  }
0x52: {  	[sflag:s21] =	ssyncset.done $0x0  }
0x53: {  	[sflag:s21] =	ssyncadd.s32 $0xFFFFFF80  }
0x54: {  	_ =	swait.ge [sflag:s21], $0x80  }
0x55: {  	[sflag:s21] =	ssyncset.done $0x0  }
0x56: {  	[sflag:s21] =	ssyncadd.s32 $0xFFFFFF80  }
0x57: {  	_ =	swait.ge [sflag:s21], $0x80  }
0x58: {  	[sflag:s21] =	ssyncset.done $0x0  }
0x59: {  	[sflag:s21] =	ssyncadd.s32 $0xFFFFFF80  }
0x5a: {  	_ =	swait.ge [sflag:s21], $0x80  }
0x5b: {  	[sflag:s21] =	ssyncset.done $0x0  }
0x5c: {  	[sflag:s21] =	ssyncadd.s32 $0xFFFFFF80  }
0x5d: {  	_ =	swait.ge [sflag:s21], $0x80  }
0x5e: {  	[sflag:s21] =	ssyncset.done $0x0  }
0x5f: {  	[sflag:s21] =	ssyncadd.s32 $0xFFFFFF80  }
0x60: {  	_ =	swait.ge [sflag:s21], $0x80  }
0x61: {  	[sflag:s21] =	ssyncset.done $0x0  }
0x62: {  	[sflag:s21] =	ssyncadd.s32 $0xFFFFFF80  }
0x63: {  	_ =	swait.ge [sflag:s21], $0x80  }
0x64: {  	s28 =	simm.s32 $0x800;
	s30 =	simm.s32 $0x100;
	[sflag:s21] =	ssyncset.done $0x0  }
.LBB2_2:
0x65: {  	s31 =	sadd.s32 $0x2000, s30  }
0x66: {  	s0 =	sadd.s32 $0x1000, s30;
	[sflag:s21] =	ssyncadd.s32 $0xFFFFFF80;
	s29 =	smov.u32 s28  }
0x67: {  	[tilespmem:s31], [sflag:$0x1] =	stream.indirect.gather [hbm4b:s4+s20], $0x1, s0, s20, $0xb8;
	[tilespmem:$0xA000] =	vst v63  }
0x68: {  	p0 =	sne.s32 s28, $0x3C00;
	s28 =	sadd.s32 $0x400, s28;
	s31 =	sadd.s32 $0x6000, s30  }
0x69: {  	[tilespmem:s31], [sflag:$0x1] =	stream.indirect.gather [hbm4b:s1+s20], $0x1, s30, s20, $0xb8;
	[tilespmem:$0xA000] =	vst v63  }
0x6a: {  	s31 =	sadd.s32 $0x3000, s30  }
0x6b: {  	[tilespmem:s31], [sflag:$0x1] =	stream.indirect.gather [hbm4b:s5+s20], $0x1, s0, s20, $0xb8;
	[tilespmem:$0xA000] =	vst v63  }
0x6c: {  	s31 =	sadd.s32 $0x7000, s30  }
0x6d: {  	[tilespmem:s31], [sflag:$0x1] =	stream.indirect.gather [hbm4b:s8+s20], $0x1, s30, s20, $0xb8;
	[tilespmem:$0xA000] =	vst v63  }
0x6e: {  	s31 =	sadd.s32 $0x4000, s30  }
0x6f: {  	[tilespmem:s31], [sflag:$0x1] =	stream.indirect.gather [hbm4b:s6+s20], $0x1, s0, s20, $0xb8;
	[tilespmem:$0xA000] =	vst v63  }
0x70: {  	s31 =	sadd.s32 $0x8000, s30  }
0x71: {  	[tilespmem:s31], [sflag:$0x1] =	stream.indirect.gather [hbm4b:s9+s20], $0x1, s30, s20, $0xb8;
	[tilespmem:$0xA000] =	vst v63  }
0x72: {  	s31 =	sadd.s32 $0x5000, s30  }
0x73: {  	[tilespmem:s31], [sflag:$0x1] =	stream.indirect.gather [hbm4b:s7+s20], $0x1, s0, s20, $0xb8;
	[tilespmem:$0xA000] =	vst v63  }
0x74: {  	s0 =	sadd.s32 $0x9000, s30  }
0x75: {  	[tilespmem:s0], [sflag:$0x1] =	stream.indirect.gather [hbm4b:s10+s20], $0x1, s30, s20, $0xb8;
	[tilespmem:$0xA000] =	vst v63  }
0x76: {  	s31 =	sadd.s32 $0x1080, s30;
	s0 =	sadd.s32 $0x2080, s30  }
0x77: {  	[tilespmem:s0], [sflag:$0x1] =	stream.indirect.gather [hbm4b:s4+s20], $0x1, s31, s20, $0xb8;
	[tilespmem:$0xA000] =	vst v63  }
0x78: {  	s3 =	sadd.s32 $0x80, s30;
	s0 =	sadd.s32 $0x6080, s30  }
0x79: {  	[tilespmem:s0], [sflag:$0x1] =	stream.indirect.gather [hbm4b:s1+s20], $0x1, s3, s20, $0xb8;
	[tilespmem:$0xA000] =	vst v63  }
0x7a: {  	s0 =	sadd.s32 $0x3080, s30  }
0x7b: {  	[tilespmem:s0], [sflag:$0x1] =	stream.indirect.gather [hbm4b:s5+s20], $0x1, s31, s20, $0xb8;
	[tilespmem:$0xA000] =	vst v63  }
0x7c: {  	s0 =	sadd.s32 $0x7080, s30  }
0x7d: {  	[tilespmem:s0], [sflag:$0x1] =	stream.indirect.gather [hbm4b:s8+s20], $0x1, s3, s20, $0xb8;
	[tilespmem:$0xA000] =	vst v63  }
0x7e: {  	s0 =	sadd.s32 $0x4080, s30  }
0x7f: {  	[tilespmem:s0], [sflag:$0x1] =	stream.indirect.gather [hbm4b:s6+s20], $0x1, s31, s20, $0xb8;
	[tilespmem:$0xA000] =	vst v63  }
0x80: {  	s0 =	sadd.s32 $0x8080, s30  }
0x81: {  	[tilespmem:s0], [sflag:$0x1] =	stream.indirect.gather [hbm4b:s9+s20], $0x1, s3, s20, $0xb8;
	[tilespmem:$0xA000] =	vst v63  }
0x82: {  	s0 =	sadd.s32 $0x5080, s30  }
0x83: {  	[tilespmem:s0], [sflag:$0x1] =	stream.indirect.gather [hbm4b:s7+s20], $0x1, s31, s20, $0xb8;
	[tilespmem:$0xA000] =	vst v63  }
0x84: {  	s0 =	sadd.s32 $0x9080, s30  }
0x85: {  	[tilespmem:s0], [sflag:$0x1] =	stream.indirect.gather [hbm4b:s10+s20], $0x1, s3, s20, $0xb8;
	[tilespmem:$0xA000] =	vst v63  }
0x86: {  	_ =	swait.ge [sflag:s21], $0x80  }
0x87: {  	[sflag:s21] =	ssyncset.done $0x0  }
0x88: {  	[sflag:s21] =	ssyncadd.s32 $0xFFFFFF80  }
0x89: {  	_ =	swait.ge [sflag:s21], $0x80  }
0x8a: {  	[sflag:s21] =	ssyncset.done $0x0  }
0x8b: {  	[sflag:s21] =	ssyncadd.s32 $0xFFFFFF80  }
0x8c: {  	_ =	swait.ge [sflag:s21], $0x80  }
0x8d: {  	[sflag:s21] =	ssyncset.done $0x0  }
0x8e: {  	[sflag:s21] =	ssyncadd.s32 $0xFFFFFF80  }
0x8f: {  	_ =	swait.ge [sflag:s21], $0x80  }
0x90: {  	[sflag:s21] =	ssyncset.done $0x0  }
0x91: {  	[sflag:s21] =	ssyncadd.s32 $0xFFFFFF80  }
0x92: {  	_ =	swait.ge [sflag:s21], $0x80  }
0x93: {  	[sflag:s21] =	ssyncset.done $0x0  }
0x94: {  	[sflag:s21] =	ssyncadd.s32 $0xFFFFFF80  }
0x95: {  	_ =	swait.ge [sflag:s21], $0x80  }
0x96: {  	[sflag:s21] =	ssyncset.done $0x0  }
0x97: {  	[sflag:s21] =	ssyncadd.s32 $0xFFFFFF80  }
0x98: {  	_ =	swait.ge [sflag:s21], $0x80  }
0x99: {  	[sflag:s21] =	ssyncset.done $0x0  }
0x9a: {  	[sflag:s21] =	ssyncadd.s32 $0xFFFFFF80  }
0x9b: {  	_ =	swait.ge [sflag:s21], $0x80  }
0x9c: {  	[sflag:s21] =	ssyncset.done $0x0  }
0x9d: {  	[sflag:s21] =	ssyncadd.s32 $0xFFFFFF80  }
0x9e: {  	_ =	swait.ge [sflag:s21], $0x80  }
0x9f: {  	[sflag:s21] =	ssyncset.done $0x0  }
0xa0: {  	[sflag:s21] =	ssyncadd.s32 $0xFFFFFF80  }
0xa1: {  	_ =	swait.ge [sflag:s21], $0x80  }
0xa2: {  	[sflag:s21] =	ssyncset.done $0x0  }
0xa3: {  	[sflag:s21] =	ssyncadd.s32 $0xFFFFFF80  }
0xa4: {  	_ =	swait.ge [sflag:s21], $0x80  }
0xa5: {  	[sflag:s21] =	ssyncset.done $0x0  }
0xa6: {  	[sflag:s21] =	ssyncadd.s32 $0xFFFFFF80  }
0xa7: {  	_ =	swait.ge [sflag:s21], $0x80  }
0xa8: {  	[sflag:s21] =	ssyncset.done $0x0  }
0xa9: {  	[sflag:s21] =	ssyncadd.s32 $0xFFFFFF80  }
0xaa: {  	_ =	swait.ge [sflag:s21], $0x80  }
0xab: {  	[sflag:s21] =	ssyncset.done $0x0  }
0xac: {  	[sflag:s21] =	ssyncadd.s32 $0xFFFFFF80  }
0xad: {  	_ =	swait.ge [sflag:s21], $0x80  }
0xae: {  	[sflag:s21] =	ssyncset.done $0x0  }
0xaf: {  	[sflag:s21] =	ssyncadd.s32 $0xFFFFFF80  }
.Ltmp0:
0xb0: {  	_ =	swait.ge [sflag:s21], $0x80;
	(pc) =	sbr.rel @p0 .LBB2_2-.Ltmp0, $4  }
0xb1: {  	[sflag:s21] =	ssyncset.done $0x0  }
0xb2: {  	[sflag:s21] =	ssyncadd.s32 $0xFFFFFF80  }
0xb3: {  	_ =	swait.ge [sflag:s21], $0x80  }
0xb4: {  	s30 =	sshra.s32 s29, $0x2;
	[sflag:s21] =	ssyncset.done $0x0  }
0xb5: {  	s0 =	sadd.s32 $0x2000, s30;
	s3 =	sadd.s32 $0x1000, s30;
	[sflag:s21] =	ssyncadd.s32 $0xFFFFFF80  }
0xb6: {  	[tilespmem:s0], [sflag:$0x1] =	stream.indirect.gather [hbm4b:s4+s20], $0x1, s3, s20, $0xb8;
	[tilespmem:$0xA000] =	vst v63  }
0xb7: {  	s31 =	sadd.s32 $0x6000, s30  }
0xb8: {  	[tilespmem:s31], [sflag:$0x1] =	stream.indirect.gather [hbm4b:s1+s20], $0x1, s30, s20, $0xb8;
	[tilespmem:$0xA000] =	vst v63  }
0xb9: {  	s31 =	sadd.s32 $0x3000, s30  }
0xba: {  	[tilespmem:s31], [sflag:$0x1] =	stream.indirect.gather [hbm4b:s5+s20], $0x1, s3, s20, $0xb8;
	[tilespmem:$0xA000] =	vst v63  }
0xbb: {  	s31 =	sadd.s32 $0x7000, s30  }
0xbc: {  	[tilespmem:s31], [sflag:$0x1] =	stream.indirect.gather [hbm4b:s8+s20], $0x1, s30, s20, $0xb8;
	[tilespmem:$0xA000] =	vst v63  }
0xbd: {  	s31 =	sadd.s32 $0x4000, s30  }
0xbe: {  	[tilespmem:s31], [sflag:$0x1] =	stream.indirect.gather [hbm4b:s6+s20], $0x1, s3, s20, $0xb8;
	[tilespmem:$0xA000] =	vst v63  }
0xbf: {  	s31 =	sadd.s32 $0x8000, s30  }
0xc0: {  	[tilespmem:s31], [sflag:$0x1] =	stream.indirect.gather [hbm4b:s9+s20], $0x1, s30, s20, $0xb8;
	[tilespmem:$0xA000] =	vst v63  }
0xc1: {  	s31 =	sadd.s32 $0x5000, s30  }
0xc2: {  	[tilespmem:s31], [sflag:$0x1] =	stream.indirect.gather [hbm4b:s7+s20], $0x1, s3, s20, $0xb8;
	[tilespmem:$0xA000] =	vst v63  }
0xc3: {  	s3 =	sadd.s32 $0x9000, s30  }
0xc4: {  	[tilespmem:s3], [sflag:$0x1] =	stream.indirect.gather [hbm4b:s10+s20], $0x1, s30, s20, $0xb8;
	[tilespmem:$0xA000] =	vst v63  }
0xc5: {  	s31 =	sadd.s32 $0x2080, s30;
	s3 =	sadd.s32 $0x1080, s30  }
0xc6: {  	[tilespmem:s31], [sflag:$0x1] =	stream.indirect.gather [hbm4b:s4+s20], $0x1, s3, s20, $0xb8;
	[tilespmem:$0xA000] =	vst v63  }
0xc7: {  	s28 =	sadd.s32 $0x80, s30;
	s31 =	sadd.s32 $0x6080, s30  }
0xc8: {  	[tilespmem:s31], [sflag:$0x1] =	stream.indirect.gather [hbm4b:s1+s20], $0x1, s28, s20, $0xb8;
	[tilespmem:$0xA000] =	vst v63  }
0xc9: {  	s31 =	sadd.s32 $0x3080, s30  }
0xca: {  	[tilespmem:s31], [sflag:$0x1] =	stream.indirect.gather [hbm4b:s5+s20], $0x1, s3, s20, $0xb8;
	[tilespmem:$0xA000] =	vst v63  }
0xcb: {  	s31 =	sadd.s32 $0x7080, s30  }
0xcc: {  	[tilespmem:s31], [sflag:$0x1] =	stream.indirect.gather [hbm4b:s8+s20], $0x1, s28, s20, $0xb8;
	[tilespmem:$0xA000] =	vst v63  }
0xcd: {  	s31 =	sadd.s32 $0x4080, s30  }
0xce: {  	[tilespmem:s31], [sflag:$0x1] =	stream.indirect.gather [hbm4b:s6+s20], $0x1, s3, s20, $0xb8;
	[tilespmem:$0xA000] =	vst v63  }
0xcf: {  	s31 =	sadd.s32 $0x8080, s30  }
0xd0: {  	[tilespmem:s31], [sflag:$0x1] =	stream.indirect.gather [hbm4b:s9+s20], $0x1, s28, s20, $0xb8;
	[tilespmem:$0xA000] =	vst v63  }
0xd1: {  	s31 =	sadd.s32 $0x5080, s30  }
0xd2: {  	[tilespmem:s31], [sflag:$0x1] =	stream.indirect.gather [hbm4b:s7+s20], $0x1, s3, s20, $0xb8;
	[tilespmem:$0xA000] =	vst v63  }
0xd3: {  	s31 =	sadd.s32 $0x9080, s30  }
0xd4: {  	[tilespmem:s31], [sflag:$0x1] =	stream.indirect.gather [hbm4b:s10+s20], $0x1, s28, s20, $0xb8;
	[tilespmem:$0xA000] =	vst v63  }
0xd5: {  	_ =	swait.ge [sflag:s21], $0x80  }
0xd6: {  	[sflag:s21] =	ssyncset.done $0x0  }
0xd7: {  	[sflag:s21] =	ssyncadd.s32 $0xFFFFFF80  }
0xd8: {  	_ =	swait.ge [sflag:s21], $0x80  }
0xd9: {  	[sflag:s21] =	ssyncset.done $0x0  }
0xda: {  	[sflag:s21] =	ssyncadd.s32 $0xFFFFFF80  }
0xdb: {  	_ =	swait.ge [sflag:s21], $0x80  }
0xdc: {  	[sflag:s21] =	ssyncset.done $0x0  }
0xdd: {  	[sflag:s21] =	ssyncadd.s32 $0xFFFFFF80  }
0xde: {  	_ =	swait.ge [sflag:s21], $0x80  }
0xdf: {  	[sflag:s21] =	ssyncset.done $0x0  }
0xe0: {  	[sflag:s21] =	ssyncadd.s32 $0xFFFFFF80  }
0xe1: {  	_ =	swait.ge [sflag:s21], $0x80  }
0xe2: {  	[sflag:s21] =	ssyncset.done $0x0  }
0xe3: {  	[sflag:s21] =	ssyncadd.s32 $0xFFFFFF80  }
0xe4: {  	_ =	swait.ge [sflag:s21], $0x80  }
0xe5: {  	[sflag:s21] =	ssyncset.done $0x0  }
0xe6: {  	[sflag:s21] =	ssyncadd.s32 $0xFFFFFF80  }
0xe7: {  	_ =	swait.ge [sflag:s21], $0x80  }
0xe8: {  	[sflag:s21] =	ssyncset.done $0x0  }
0xe9: {  	[sflag:s21] =	ssyncadd.s32 $0xFFFFFF80  }
0xea: {  	_ =	swait.ge [sflag:s21], $0x80  }
0xeb: {  	[sflag:s21] =	ssyncset.done $0x0  }
0xec: {  	[sflag:s21] =	ssyncadd.s32 $0xFFFFFF80  }
0xed: {  	_ =	swait.ge [sflag:s21], $0x80  }
0xee: {  	[sflag:s21] =	ssyncset.done $0x0  }
0xef: {  	[sflag:s21] =	ssyncadd.s32 $0xFFFFFF80  }
0xf0: {  	_ =	swait.ge [sflag:s21], $0x80  }
0xf1: {  	[sflag:s21] =	ssyncset.done $0x0  }
0xf2: {  	[sflag:s21] =	ssyncadd.s32 $0xFFFFFF80  }
0xf3: {  	_ =	swait.ge [sflag:s21], $0x80  }
0xf4: {  	[sflag:s21] =	ssyncset.done $0x0  }
0xf5: {  	[sflag:s21] =	ssyncadd.s32 $0xFFFFFF80  }
0xf6: {  	_ =	swait.ge [sflag:s21], $0x80  }
0xf7: {  	[sflag:s21] =	ssyncset.done $0x0  }
0xf8: {  	[sflag:s21] =	ssyncadd.s32 $0xFFFFFF80  }
0xf9: {  	_ =	swait.ge [sflag:s21], $0x80  }
0xfa: {  	[sflag:s21] =	ssyncset.done $0x0  }
0xfb: {  	[sflag:s21] =	ssyncadd.s32 $0xFFFFFF80  }
0xfc: {  	_ =	swait.ge [sflag:s21], $0x80  }
0xfd: {  	[sflag:s21] =	ssyncset.done $0x0  }
0xfe: {  	[sflag:s21] =	ssyncadd.s32 $0xFFFFFF80  }
0xff: {  	_ =	swait.ge [sflag:s21], $0x80  }
0x100: {  	[sflag:s21] =	ssyncset.done $0x0  }
0x101: {  	[sflag:s21] =	ssyncadd.s32 $0xFFFFFF80  }
0x102: {  	_ =	swait.ge [sflag:s21], $0x80  }
0x103: {  	[sflag:s21] =	ssyncset.done $0x0  }
0x104: {  	s28 =	simm.s32 $0x0;
	[sflag:s21] =	ssyncadd.s32 $0xFFFFFF80  }
0x105: {  	v5 =	vld [tilespmem:s28+$0x6000]  }
0x106: {  	v6 =	vld [tilespmem:s28+$0x7000]  }
0x107: {  	v1 =	vld [tilespmem:s28+$0x8000]  }
0x108: {  	v0 =	vld [tilespmem:s28+$0x9000]  }
0x109: {  	v2 =	vld [tilespmem:s28+$0x2000]  }
0x10a: {  	v4 =	vld [tilespmem:s28+$0x3000]  }
0x10b: {  	s29 =	simm.s32 $0x40;
	v3 =	vld [tilespmem:s28+$0x4000]  }
.LBB2_4:
0x10c: {  	s0 =	sshra.s32 s29, $0x2;
	p0 =	sne.s32 s29, $0x3FC0;
	v7 =	vld [tilespmem:s28+$0x5000];
	v8 =	vmov v1  }
0x10d: {  	v9 =	vld [tilespmem:s0+$0x6000];
	v10 =	vmov v0  }
0x10e: {  	v11 =	vld [tilespmem:s0+$0x7000];
	v2 =	vmul.f32 v5, v2  }
.Ltmp1:
0x10f: {  	v1 =	vld [tilespmem:s0+$0x8000];
	v4 =	vmul.f32 v6, v4;
	(pc) =	sbr.rel @p0 .LBB2_4-.Ltmp1, $4  }
0x110: {  	v0 =	vld [tilespmem:s0+$0x9000];
	[tilespmem:s28+$0x2000] =	vst v2;
	v3 =	vmul.f32 v8, v3  }
0x111: {  	v2 =	vld [tilespmem:s0+$0x2000];
	[tilespmem:s28+$0x3000] =	vst v4;
	v7 =	vmul.f32 v10, v7  }
0x112: {  	v4 =	vld [tilespmem:s0+$0x3000];
	[tilespmem:s28+$0x4000] =	vst v3;
	v5 =	vmov v9  }
0x113: {  	s29 =	sadd.s32 $0x40, s29;
	v3 =	vld [tilespmem:s0+$0x4000];
	[tilespmem:s28+$0x5000] =	vst v7;
	v6 =	vmov v11;
	s28 =	smov.u32 s0  }
0x114: {  	v7 =	vld [tilespmem:s28+$0x5000];
	_ =	sdelay $0x1  }
0x115: {  	v2 =	vmul.f32 v5, v2  }
0x116: {  	v4 =	vmul.f32 v6, v4  }
0x117: {  	[tilespmem:s28+$0x2000] =	vst v2;
	v1 =	vmul.f32 v1, v3  }
0x118: {  	[tilespmem:s28+$0x3000] =	vst v4;
	v0 =	vmul.f32 v0, v7  }
0x119: {  	[tilespmem:s28+$0x4000] =	vst v1  }
0x11a: {  	[tilespmem:s28+$0x5000] =	vst v0  }
0x11b: {  	[hbm4b:s13+s2] =	stream.linear.scatter [tilespmem:s22], [sflag:$0x2], $0x1000, $0x38;
	[tilespmem:$0xA000] =	vst v63  }
0x11c: {  	_ =	swait.ge [sflag:s18], $0x1000  }
0x11d: {  	[sflag:s18] =	ssyncset.done $0x0  }
0x11e: {  	[sflag:s18] =	ssyncadd.s32 $0xFFFFF000  }
0x11f: {  	[hbm4b:s14+s2] =	stream.linear.scatter [tilespmem:s23], [sflag:$0x2], $0x1000, $0x38;
	[tilespmem:$0xA000] =	vst v63  }
0x120: {  	_ =	swait.ge [sflag:s18], $0x1000  }
0x121: {  	[sflag:s18] =	ssyncset.done $0x0  }
0x122: {  	[sflag:s18] =	ssyncadd.s32 $0xFFFFF000  }
0x123: {  	[hbm4b:s15+s2] =	stream.linear.scatter [tilespmem:s24], [sflag:$0x2], $0x1000, $0x38;
	[tilespmem:$0xA000] =	vst v63  }
0x124: {  	s26 =	sadd.s32 $0x1, s26;
	_ =	swait.ge [sflag:s18], $0x1000  }
0x125: {  	p0 =	sne.s32 s26, s17;
	[sflag:s18] =	ssyncset.done $0x0  }
.Ltmp2:
0x126: {  	[sflag:s18] =	ssyncadd.s32 $0xFFFFF000;
	(pc) =	sbr.rel @p0 .LBB2_1-.Ltmp2, $4  }
0x127: {  	[hbm4b:s16+s2] =	stream.linear.scatter [tilespmem:s25], [sflag:$0x2], $0x1000, $0x38;
	[tilespmem:$0xA000] =	vst v63  }
0x128: {  	_ =	swait.ge [sflag:s18], $0x1000  }
0x129: {  	[sflag:s18] =	ssyncset.done $0x0  }
0x12a: {  	[sflag:s18] =	ssyncadd.s32 $0xFFFFF000  }
0x12b: {  	_ =	sfence.sel $0x180000  }
0x12c: {  	[bflag:$0x0] =	sbarrier.arrive $0xFFFF  }
0x12d: {  	_ =	strace $0x90000053  }
0x12e: {  	s0 =	stileid.u32;
	[bflag:$0x2] =	sbarrier.arrive $0xFFFF  }
0x12f: {  	p0 =	sne.s32 s0, $0x0;
	s0 =	rddreg [dreg:$0x2]  }
0x130: {  	s0 =	sadd.s32 @!p0 $0x100000, s0  }
0x131: {  	[sflag:s0] =	ssyncadd.tile.s32 @!p0 $0x1;
	_ =	shalt  }
.Lfunc_end2:
_tile_overlayer_lowered:
.L_overlay_start_2:
0x132: {  	(tag) =	ssettag $0x2  }
0x133: {  	s0 =	rddreg [dreg:$0x0];
	s2 =	stileid.u32  }
0x134: {  	s1 =	rddreg [dreg:$0x1];
	p0 =	sne.s32 s2, $0x0  }
0x135: {  	s3 =	rddreg [dreg:$0x2];
	[bflag:$0x3] =	sbarrier.arrive $0xFFFF;
	s2 =	simm.s32 @!p0 $0x1C02  }
0x136: {  	[timem:s3], [sflag:s2] =	dma.local @!p0 [hbm:s0], s1  }
0x137: {  	s0 =	simm.s32 @!p0 $0x2  }
0x138: {  	_ =	swait.ge @!p0 [sflag:s0], s1  }
0x139: {  	s1 =	ssub.s32 @!p0 $0x0, s1;
	[sflag:s0] =	ssyncset.done @!p0 $0x0  }
0x13a: {  	[sflag:s0] =	ssyncadd.s32 @!p0 s1  }
0x13b: {  	[bflag:$0x3] =	sbarrier.arrive $0xFFFF  }
0x13c: {  	_ =	shalt  }

// kernel: kernel.9.cloned.1.call-start
scs
__scs_entry_jumppad:
0x0: {  	(pc) =	sbr.rel $0x88, $3  }
0x1: {  	(tag) =	ssettag $0x0;
	lr =	simm.s32 $0x1  }
0x2: {  	[smem:$0x3F9B] =	sst lr;
	_ =	strace $0xD0000000  }
0x3: {  	_ = 	snop  }
0x4: {  	_ = 	snop  }
0x5: {  	_ = 	snop  }
0x6: {  	_ = 	snop  }
0x7: {  	_ = 	snop  }
__scs_overlays_trampoline_lowered:
0x8: {  	[smem:$0x3FAA] =	sst s0  }
0x9: {  	[smem:$0x3FAB] =	sst s1  }
0xa: {  	[smem:$0x3FAC] =	sst s2  }
0xb: {  	[smem:$0x3FAD] =	sst s3  }
0xc: {  	[smem:$0x3FAE] =	sst s4  }
0xd: {  	[smem:$0x3FAF] =	sst s5  }
0xe: {  	[smem:$0x3FB0] =	sst s6  }
0xf: {  	[smem:$0x3FB1] =	sst s7  }
0x10: {  	[smem:$0x3FB2] =	sst s8  }
0x11: {  	[smem:$0x3FB3] =	sst s9;
	s0 =	simm.s32 @!p0 $0x0  }
0x12: {  	s1 =	sld [smem:$0x3F99];
	s0 =	simm.s32 @p0 $0x1  }
0x13: {  	[smem:$0x3FB4] =	sst s0;
	s0 =	simm.s32 @!p1 $0x0  }
0x14: {  	s2 =	sld [smem:$0x3F98];
	s0 =	simm.s32 @p1 $0x1  }
0x15: {  	[smem:$0x3FB5] =	sst s0;
	s0 =	simm.s32 @!p2 $0x0  }
0x16: {  	s3 =	sld [smem:$0x3FDB];
	s0 =	simm.s32 @p2 $0x1  }
0x17: {  	s4 =	simm.s32 $0x1BF5;
	[smem:$0x3FB7] =	sst s0  }
0x18: {  	s0 =	sld [smem:$0x3F9A];
	_ =	swait.ge [sflag:s4], $0x0  }
0x19: {  	s7 =	sld [smem:$0x3F9B]  }
0x1a: {  	s8 =	sadd.s32 $0xFFFFE003, lr  }
0x1b: {  	s9 =	sadd.s32 $0xFFFFFEF7, lr;
	s5 =	simm.s32 $0xFFFFFFFF;
	p2 =	slt.u32 s8, $0xFFFFF086  }
0x1c: {  	p1 =	slt.u32 s9, $0xF7A;
	s5 =	simm.s32 @!p2 $0x0  }
0x1d: {  	s5 =	simm.s32 @p1 $0x1;
	p0 =	seq.s32 s7, s2  }
0x1e: {  	s7 =	smul.u32 @!p0 $0xF7A, s2;
	p2 =	seq.s32 @!p0 s5, $0x0  }
0x1f: {  	s9 =	smul.u32 $0xF7A, s1;
	s8 =	simm.s32 @!p0 $0x1BF5;
	p2 =	por !p2, p0  }
0x20: {  	[sflag:s8] =	ssyncset.s32 @!p0 $0xFFFFF086;
	s6 =	sadd.s32 @!p0 s3, s7;
	s7 =	simm.s32 @!p0 $0x108  }
0x21: {  	s3 =	sadd.s32 s3, s9;
	s6 =	sadd.s32 @!p0 $0x88, s6;
	s7 =	simm.s32 @p2 $0x1082  }
0x22: {  	[simem:s7], [sflag:s8] =	dma.local @!p0 [hbm:s6], $0xF7A  }
0x23: {  	s9 =	sor.u32 $0xD0000000, s2;
	s6 =	simm.s32 $0x108;
	_ =	swait.ge @!p0 [sflag:s8], $0x0  }
0x24: {  	s3 =	sadd.s32 $0x88, s3;
	s6 =	simm.s32 @!p1 $0x1082;
	[sflag:s4] =	ssyncset.s32 $0xFFFFF086  }
0x25: {  	[simem:s6], [sflag:s4] =	dma.local [hbm:s3], $0xF7A  }
0x26: {  	[smem:$0x3F9B] =	sst s1;
	(tag) =	ssettag s2;
	_ =	strace s9  }
0x27: {  	s1 =	sld [smem:$0x3FAB]  }
0x28: {  	s2 =	sld [smem:$0x3FAC]  }
0x29: {  	s4 =	sld [smem:$0x3FAE]  }
0x2a: {  	p0 =	seq.s32 s5, $0x0;
	s5 =	sld [smem:$0x3FAF]  }
0x2b: {  	s6 =	sld [smem:$0x3FB0]  }
0x2c: {  	s7 =	sld [smem:$0x3FB1]  }
0x2d: {  	s3 =	simm.s32 $0x108;
	s8 =	sld [smem:$0x3FB2]  }
0x2e: {  	s3 =	simm.s32 @!p0 $0x1082;
	s9 =	sld [smem:$0x3FB3]  }
0x2f: {  	lr =	sadd.s32 s0, s3;
	s0 =	sld [smem:$0x3FAA]  }
0x30: {  	s3 =	sld [smem:$0x3FAD]  }
0x31: {  	[smem:$0x3FB6] =	sst s10  }
0x32: {  	s10 =	sld [smem:$0x3FB4];
	_ =	sdelay $0x3  }
0x33: {  	p0 =	seq.s32 s10, $0x1;
	s10 =	sld [smem:$0x3FB6];
	_ =	sdelay $0x3  }
0x34: {  	[smem:$0x3FB6] =	sst s10  }
0x35: {  	s10 =	sld [smem:$0x3FB5];
	_ =	sdelay $0x3  }
0x36: {  	p1 =	seq.s32 s10, $0x1;
	s10 =	sld [smem:$0x3FB6];
	_ =	sdelay $0x3  }
0x37: {  	[smem:$0x3FB6] =	sst s10  }
0x38: {  	s10 =	sld [smem:$0x3FB7]  }
0x39: {  	_ = 	snop;
	(pc) =	sbr.ind lr, $3  }
0x3a: {  	_ = 	snop  }
0x3b: {  	_ = 	snop  }
0x3c: {  	p2 =	seq.s32 s10, $0x1;
	s10 =	sld [smem:$0x3FB6]  }
0x3d: {  	_ =	shalt  }
0x3e: {  	_ =	shalt  }
0x3f: {  	_ =	shalt  }
0x40: {  	_ =	shalt  }
0x41: {  	_ =	shalt  }
0x42: {  	_ =	shalt  }
0x43: {  	_ =	shalt  }
0x44: {  	_ =	shalt  }
0x45: {  	_ =	shalt  }
0x46: {  	_ =	shalt  }
0x47: {  	_ =	shalt  }
0x48: {  	_ =	shalt  }
0x49: {  	_ =	shalt  }
0x4a: {  	_ =	shalt  }
0x4b: {  	_ =	shalt  }
0x4c: {  	_ =	shalt  }
0x4d: {  	_ =	shalt  }
0x4e: {  	_ =	shalt  }
0x4f: {  	_ =	shalt  }
0x50: {  	_ =	shalt  }
0x51: {  	_ =	shalt  }
0x52: {  	_ =	shalt  }
0x53: {  	_ =	shalt  }
0x54: {  	_ =	shalt  }
0x55: {  	_ =	shalt  }
0x56: {  	_ =	shalt  }
0x57: {  	_ =	shalt  }
0x58: {  	_ =	shalt  }
0x59: {  	_ =	shalt  }
0x5a: {  	_ =	shalt  }
0x5b: {  	_ =	shalt  }
0x5c: {  	_ =	shalt  }
0x5d: {  	_ =	shalt  }
0x5e: {  	_ =	shalt  }
0x5f: {  	_ =	shalt  }
0x60: {  	_ =	shalt  }
0x61: {  	_ =	shalt  }
0x62: {  	_ =	shalt  }
0x63: {  	_ =	shalt  }
0x64: {  	_ =	shalt  }
0x65: {  	_ =	shalt  }
0x66: {  	_ =	shalt  }
0x67: {  	_ =	shalt  }
0x68: {  	_ =	shalt  }
0x69: {  	_ =	shalt  }
0x6a: {  	_ =	shalt  }
0x6b: {  	_ =	shalt  }
0x6c: {  	_ =	shalt  }
0x6d: {  	_ =	shalt  }
0x6e: {  	_ =	shalt  }
0x6f: {  	_ =	shalt  }
0x70: {  	_ =	shalt  }
0x71: {  	_ =	shalt  }
0x72: {  	_ =	shalt  }
0x73: {  	_ =	shalt  }
0x74: {  	_ =	shalt  }
0x75: {  	_ =	shalt  }
0x76: {  	_ =	shalt  }
0x77: {  	_ =	shalt  }
0x78: {  	_ =	shalt  }
0x79: {  	_ =	shalt  }
0x7a: {  	_ =	shalt  }
0x7b: {  	_ =	shalt  }
0x7c: {  	_ =	shalt  }
0x7d: {  	_ =	shalt  }
0x7e: {  	_ =	shalt  }
0x7f: {  	_ =	shalt  }
0x80: {  	_ =	shalt  }
0x81: {  	_ =	shalt  }
0x82: {  	_ =	shalt  }
0x83: {  	_ =	shalt  }
0x84: {  	_ =	shalt  }
0x85: {  	_ =	shalt  }
0x86: {  	_ =	shalt  }
0x87: {  	_ =	shalt  }
.Lfunc_end0:
.L_simem_size_0:
called_computation_lowered:
.L_overlay_start_0:
0x88: {  	s2 =	sld [smem:$0x3FD9]  }
0x89: {  	s3 =	sld [smem:$0x3FFE];
	_ =	sdelay $0x1  }
0x8a: {  	s1 =	srdreg.scid  }
0x8b: {  	s0 =	sand.u32 $0x1, s1  }
0x8c: {  	s16 =	sshll.u32 s0, $0xA;
	s2 =	sadd.s32 s3, s2  }
0x8d: {  	s2 =	sadd.s32 s2, s16  }
0x8e: {  	[smem:$0x3FC2] =	sst s2  }
0x8f: {  	_ = 	snop  }
0x90: {  	(tm) =	ssettm $0x1  }
0x91: {  	s17 =	sld [smem:$0x3FFB];
	_ =	sdelay $0x3  }
0x92: {  	_ =	strace s17  }
0x93: {  	s2 =	sld [smem:$0x3FFC];
	_ =	sdelay $0x3  }
0x94: {  	_ =	strace s2  }
0x95: {  	s2 =	sld [smem:$0x3FFD];
	_ =	sdelay $0x3  }
0x96: {  	_ =	strace s2  }
0x97: {  	_ =	strace $0x8FFFFFFF  }
0x98: {  	s18 =	sld [smem:$0x3FDB];
	_ =	sdelay $0x1  }
0x99: {  	s19 =	simm.s32 $_scs_section_size  }
0x9a: {  	s4 =	simm.s32 $_size__tile_overlayer_lowered;
	s5 =	simm.s32 $_tile_overlayer_lowered  }
0x9b: {  	s22 =	simm.s32 $0x1BFF;
	s21 =	sshll.u32 s5, $0x1;
	s2 =	sadd.s32 s19, s18  }
0x9c: {  	s6 =	simm.s32 $0x0;
	s20 =	sshll.u32 s4, $0x1;
	s4 =	sadd.s32 s21, s2  }
0x9d: {  	[timem:s6], [sflag:s22] =	dma.local [hbm:s4], s20  }
0x9e: {  	_ =	swait.ge [sflag:s22], s20  }
0x9f: {  	s3 =	ssub.s32 $0x0, s20;
	[sflag:s22] =	ssyncset.done $0x0  }
0xa0: {  	[sflag:s22] =	ssyncadd.s32 s3;
	_ =	sdelay $0x1  }
0xa1: {  	s23 =	simm.s32 $0x1B8B  }
0xa2: {  	_ =	swait.ge [sflag:s23], $0x1  }
0xa3: {  	[sflag:s23] =	ssyncset.done $0x0  }
0xa4: {  	s25 =	simm.s32 $0x1B8E;
	s24 =	sld [smem:$0x3FFE];
	[sflag:s23] =	ssyncadd.s32 $0xFFFFFFFF  }
0xa5: {  	s26 =	simm.s32 $execute0_lowered;
	[smem:$0x3FD2] =	sst s25  }
0xa6: {  	s4 =	sshll.u32 s26, $0x1;
	_ =	strace $0x80000046;
	[dreg:$0x1] =	wrdreg $0xFFFFFFFF  }
0xa7: {  	s28 =	simm.s32 $_size_execute0_lowered;
	s2 =	sadd.s32 s2, s4;
	[dreg:$0x0] =	wrdreg $0x0  }
0xa8: {  	s4 =	sshll.u32 s28, $0x1;
	[dreg:$0x2] =	wrdreg s2  }
0xa9: {  	[dreg:$0x3] =	wrdreg s4  }
0xaa: {  	[dreg:$0x4] =	wrdreg $0xC0  }
0xab: {  	_ =	task [dreg:s6], $0x5FFFF  }
0xac: {  	[dreg:$0x1] =	wrdreg $0xFFFFFFFF  }
0xad: {  	[dreg:$0x0] =	wrdreg $0x60  }
0xae: {  	[dreg:$0x2] =	wrdreg s24  }
0xaf: {  	[dreg:$0x3] =	wrdreg $0x9  }
0xb0: {  	_ =	task.clear_ibuf [dreg:s6], $0x4FFFF;
	_ =	strace $0x90000046  }
0xb1: {  	s29 =	simm.s32 $0x9;
	_ =	strace $0x80000048  }
0xb2: {  	_ =	swait.ge [sflag:s29], $0x1  }
0xb3: {  	[sflag:s29] =	ssyncadd.s32 $0xFFFFFFFF  }
0xb4: {  	_ =	strace $0x90000048  }
0xb5: {  	_ =	sfence  }
0xb6: {  	s30 =	sld [smem:$0x0];
	_ =	sdelay $0x2  }
0xb7: {  	s31 =	sshll.u32 s1, $0xD;
	s1 =	sshrl.u32 s1, $0x2  }
0xb8: {  	s3 =	sand.u32 $0x4000, s31;
	s1 =	sadd.s32 s1, s30  }
0xb9: {  	s0 =	sor.u32 s3, s0;
	s1 =	sshll.u32 s1, $0x11  }
0xba: {  	s0 =	sor.u32 s1, s0  }
0xbb: {  	s0 =	sadd.s32 $0x8F2B, s0  }
0xbc: {  	[sflag:s0] =	ssyncadd.remote.s32 $0x1  }
0xbd: {  	_ =	sfence.sel $0xFFFF  }
0xbe: {  	[dreg:$0x0] =	wrdreg $0xFFFFFFFF;
	(pc) =	sbr.abs _section_cstart, $3  }
0xbf: {  	[dreg:$0x1] =	wrdreg $0xFFFFFFFF  }
0xc0: {  	_ =	task.clear_ibuf [dreg:s6], $0x2FFFF;
	_ =	strace $0x9FFFFFFF  }
0xc1: {  	(tm) =	ssettm $0x7FFFFFFF  }
tec
execute0_lowered:
.L_overlay_start_1:
0x0: {  	(tag) =	ssettag $0x1  }
0x1: {  	s0 =	rddreg [dreg:$0x0];
	s1 =	srdreg.scid  }
0x2: {  	s2 =	simm.s32 $0x0;
	s6 =	stileid.u32;
	s7 =	simm.s32 $0x2  }
0x3: {  	s8 =	simm.s32 $0x80;
	s15 =	simm.s32 $0x1;
	s9 =	simm.s32 $0x1C00  }
0x4: {  	s10 =	simm.s32 $0xC80;
	s11 =	simm.s32 $0x1C80;
	s12 =	simm.s32 $0xD00  }
0x5: {  	s13 =	simm.s32 $0x1D00;
	s14 =	simm.s32 $0xD80;
	s16 =	simm.s32 $0x1D80  }
0x6: {  	s17 =	simm.s32 $0xE00;
	s18 =	simm.s32 $0x1E00;
	s19 =	simm.s32 $0xE80  }
0x7: {  	s20 =	simm.s32 $0x1E80;
	s21 =	simm.s32 $0xF00;
	s22 =	simm.s32 $0x1F00  }
0x8: {  	s23 =	simm.s32 $0xF80;
	s24 =	simm.s32 $0x1F80;
	s25 =	simm.s32 $0x0  }
0x9: {  	s1 =	sand.u32 $0x1, s1;
	[smem:$0x7FF] =	sst s2;
	s3 =	sshll.u32 s6, $0xA  }
0xa: {  	s6 =	sshll.u32 s6, $0xD;
	s4 =	sshll.u32 s1, $0x9;
	_ =	strace $0x80000047  }
0xb: {  	s30 =	ssub.s32 $0x2, s1;
	s1 =	sshll.u32 s1, $0xC;
	s3 =	sor.u32 s4, s3  }
0xc: {  	s31 =	sshrl.u32 s30, $0x1;
	s6 =	sor.u32 s1, s6;
	s1 =	simm.s32 $0xC00  }
0xd: {  	s5 =	sadd.s32 s3, s0;
	s3 =	sadd.s32 $0xC400, s0;
	s0 =	ssub.s32 s30, s31  }
0xe: {  	v0 =	vlaneseq.u32;
	s4 =	sadd.s32 $0x8400, s5;
	s5 =	smax.u32 s0, $0x1;
	s0 =	simm.s32 $0x1B80  }
.LBB2_1:
0xf: {  	[tilespmem:s2], [sflag:$0x2] =	stream.linear.gather [hbm4b:s4+s2], $0x1000, $0x38;
	[tilespmem:$0x2000] =	vst v63  }
0x10: {  	s26 =	sand.u32 $0x3E00, s2  }
0x11: {  	s28 =	sadd.s32 $0x0, s6;
	s29 =	sand.u32 $0x70, s2;
	_ =	swait.ge [sflag:s7], $0x1000  }
0x12: {  	s30 =	sshrl.u32 s26, $0x2;
	s26 =	simm.s32 $0x40;
	[sflag:s7] =	ssyncset.done $0x0  }
0x13: {  	v1 =	vor.u32 s28, v0;
	s28 =	simm.s32 $0x0;
	s29 =	sor.u32 s29, s30;
	[sflag:s7] =	ssyncadd.s32 $0xFFFFF000  }
.LBB2_2:
0x14: {  	p0 =	sne.s32 s26, $0x3FC0  }
0x15: {  	[tilespmem:s29+$0x1000] =	vst v1;
	s28 =	sadd.s32 $0x10, s28;
	s29 =	smov.u32 s26;
	s26 =	sadd.s32 $0x40, s26  }
.Ltmp0:
0x16: {  	(pc) =	sbr.rel @p0 .LBB2_2-.Ltmp0, $4  }
0x17: {  	_ = 	snop  }
0x18: {  	s29 =	sand.u32 $0x3E00, s29  }
0x19: {  	s30 =	sadd.s32 s28, s6;
	s31 =	sand.u32 $0x70, s28;
	s29 =	sshrl.u32 s29, $0x2  }
0x1a: {  	v1 =	vor.u32 s30, v0;
	s29 =	sor.u32 s31, s29  }
0x1b: {  	[tilespmem:s29+$0x1000] =	vst v1;
	s26 =	simm.s32 $0x1000  }
0x1c: {  	[hbm4b:s3+s8] =	stream.indirect.scatter [tilespmem:s26], [sflag:$0x1], $0x1, s2, s8, $0xb8;
	[tilespmem:$0x2000] =	vst v63  }
0x1d: {  	s28 =	simm.s32 $0x1080  }
0x1e: {  	[hbm4b:s3+s8] =	stream.indirect.scatter [tilespmem:s28], [sflag:$0x1], $0x1, s8, s8, $0xb8;
	[tilespmem:$0x2000] =	vst v63  }
0x1f: {  	s29 =	simm.s32 $0x100;
	s28 =	simm.s32 $0x1100  }
0x20: {  	[hbm4b:s3+s8] =	stream.indirect.scatter [tilespmem:s28], [sflag:$0x1], $0x1, s29, s8, $0xb8;
	[tilespmem:$0x2000] =	vst v63  }
0x21: {  	s30 =	simm.s32 $0x180;
	s31 =	simm.s32 $0x1180  }
0x22: {  	[hbm4b:s3+s8] =	stream.indirect.scatter [tilespmem:s31], [sflag:$0x1], $0x1, s30, s8, $0xb8;
	[tilespmem:$0x2000] =	vst v63  }
0x23: {  	s29 =	simm.s32 $0x200;
	s30 =	simm.s32 $0x1200  }
0x24: {  	[hbm4b:s3+s8] =	stream.indirect.scatter [tilespmem:s30], [sflag:$0x1], $0x1, s29, s8, $0xb8;
	[tilespmem:$0x2000] =	vst v63  }
0x25: {  	s31 =	simm.s32 $0x280;
	s29 =	simm.s32 $0x1280  }
0x26: {  	[hbm4b:s3+s8] =	stream.indirect.scatter [tilespmem:s29], [sflag:$0x1], $0x1, s31, s8, $0xb8;
	[tilespmem:$0x2000] =	vst v63  }
0x27: {  	s30 =	simm.s32 $0x300;
	s31 =	simm.s32 $0x1300  }
0x28: {  	[hbm4b:s3+s8] =	stream.indirect.scatter [tilespmem:s31], [sflag:$0x1], $0x1, s30, s8, $0xb8;
	[tilespmem:$0x2000] =	vst v63  }
0x29: {  	s29 =	simm.s32 $0x380;
	s30 =	simm.s32 $0x1380  }
0x2a: {  	[hbm4b:s3+s8] =	stream.indirect.scatter [tilespmem:s30], [sflag:$0x1], $0x1, s29, s8, $0xb8;
	[tilespmem:$0x2000] =	vst v63  }
0x2b: {  	s31 =	simm.s32 $0x400;
	s29 =	simm.s32 $0x1400  }
0x2c: {  	[hbm4b:s3+s8] =	stream.indirect.scatter [tilespmem:s29], [sflag:$0x1], $0x1, s31, s8, $0xb8;
	[tilespmem:$0x2000] =	vst v63  }
0x2d: {  	s30 =	simm.s32 $0x480;
	s31 =	simm.s32 $0x1480  }
0x2e: {  	[hbm4b:s3+s8] =	stream.indirect.scatter [tilespmem:s31], [sflag:$0x1], $0x1, s30, s8, $0xb8;
	[tilespmem:$0x2000] =	vst v63  }
0x2f: {  	s29 =	simm.s32 $0x500;
	s30 =	simm.s32 $0x1500  }
0x30: {  	[hbm4b:s3+s8] =	stream.indirect.scatter [tilespmem:s30], [sflag:$0x1], $0x1, s29, s8, $0xb8;
	[tilespmem:$0x2000] =	vst v63  }
0x31: {  	s31 =	simm.s32 $0x580;
	s29 =	simm.s32 $0x1580  }
0x32: {  	[hbm4b:s3+s8] =	stream.indirect.scatter [tilespmem:s29], [sflag:$0x1], $0x1, s31, s8, $0xb8;
	[tilespmem:$0x2000] =	vst v63  }
0x33: {  	s30 =	simm.s32 $0x600;
	s31 =	simm.s32 $0x1600  }
0x34: {  	[hbm4b:s3+s8] =	stream.indirect.scatter [tilespmem:s31], [sflag:$0x1], $0x1, s30, s8, $0xb8;
	[tilespmem:$0x2000] =	vst v63  }
0x35: {  	s29 =	simm.s32 $0x680;
	s30 =	simm.s32 $0x1680  }
0x36: {  	[hbm4b:s3+s8] =	stream.indirect.scatter [tilespmem:s30], [sflag:$0x1], $0x1, s29, s8, $0xb8;
	[tilespmem:$0x2000] =	vst v63  }
0x37: {  	s31 =	simm.s32 $0x700;
	s29 =	simm.s32 $0x1700  }
0x38: {  	[hbm4b:s3+s8] =	stream.indirect.scatter [tilespmem:s29], [sflag:$0x1], $0x1, s31, s8, $0xb8;
	[tilespmem:$0x2000] =	vst v63  }
0x39: {  	s30 =	simm.s32 $0x780;
	s31 =	simm.s32 $0x1780  }
0x3a: {  	[hbm4b:s3+s8] =	stream.indirect.scatter [tilespmem:s31], [sflag:$0x1], $0x1, s30, s8, $0xb8;
	[tilespmem:$0x2000] =	vst v63  }
0x3b: {  	_ =	swait.ge [sflag:s15], $0x80  }
0x3c: {  	[sflag:s15] =	ssyncset.done $0x0  }
0x3d: {  	[sflag:s15] =	ssyncadd.s32 $0xFFFFFF80  }
0x3e: {  	_ =	swait.ge [sflag:s15], $0x80  }
0x3f: {  	[sflag:s15] =	ssyncset.done $0x0  }
0x40: {  	[sflag:s15] =	ssyncadd.s32 $0xFFFFFF80  }
0x41: {  	_ =	swait.ge [sflag:s15], $0x80  }
0x42: {  	[sflag:s15] =	ssyncset.done $0x0  }
0x43: {  	[sflag:s15] =	ssyncadd.s32 $0xFFFFFF80  }
0x44: {  	_ =	swait.ge [sflag:s15], $0x80  }
0x45: {  	[sflag:s15] =	ssyncset.done $0x0  }
0x46: {  	[sflag:s15] =	ssyncadd.s32 $0xFFFFFF80  }
0x47: {  	_ =	swait.ge [sflag:s15], $0x80  }
0x48: {  	[sflag:s15] =	ssyncset.done $0x0  }
0x49: {  	[sflag:s15] =	ssyncadd.s32 $0xFFFFFF80  }
0x4a: {  	_ =	swait.ge [sflag:s15], $0x80  }
0x4b: {  	[sflag:s15] =	ssyncset.done $0x0  }
0x4c: {  	[sflag:s15] =	ssyncadd.s32 $0xFFFFFF80  }
0x4d: {  	_ =	swait.ge [sflag:s15], $0x80  }
0x4e: {  	[sflag:s15] =	ssyncset.done $0x0  }
0x4f: {  	[sflag:s15] =	ssyncadd.s32 $0xFFFFFF80  }
0x50: {  	_ =	swait.ge [sflag:s15], $0x80  }
0x51: {  	[sflag:s15] =	ssyncset.done $0x0  }
0x52: {  	[sflag:s15] =	ssyncadd.s32 $0xFFFFFF80  }
0x53: {  	_ =	swait.ge [sflag:s15], $0x80  }
0x54: {  	[sflag:s15] =	ssyncset.done $0x0  }
0x55: {  	[sflag:s15] =	ssyncadd.s32 $0xFFFFFF80  }
0x56: {  	_ =	swait.ge [sflag:s15], $0x80  }
0x57: {  	[sflag:s15] =	ssyncset.done $0x0  }
0x58: {  	[sflag:s15] =	ssyncadd.s32 $0xFFFFFF80  }
0x59: {  	_ =	swait.ge [sflag:s15], $0x80  }
0x5a: {  	[sflag:s15] =	ssyncset.done $0x0  }
0x5b: {  	[sflag:s15] =	ssyncadd.s32 $0xFFFFFF80  }
0x5c: {  	_ =	swait.ge [sflag:s15], $0x80  }
0x5d: {  	[sflag:s15] =	ssyncset.done $0x0  }
0x5e: {  	[sflag:s15] =	ssyncadd.s32 $0xFFFFFF80  }
0x5f: {  	_ =	swait.ge [sflag:s15], $0x80  }
0x60: {  	[sflag:s15] =	ssyncset.done $0x0  }
0x61: {  	[sflag:s15] =	ssyncadd.s32 $0xFFFFFF80  }
0x62: {  	_ =	swait.ge [sflag:s15], $0x80  }
0x63: {  	[sflag:s15] =	ssyncset.done $0x0  }
0x64: {  	[sflag:s15] =	ssyncadd.s32 $0xFFFFFF80  }
0x65: {  	_ =	swait.ge [sflag:s15], $0x80  }
0x66: {  	[sflag:s15] =	ssyncset.done $0x0  }
0x67: {  	[sflag:s15] =	ssyncadd.s32 $0xFFFFFF80  }
0x68: {  	_ =	swait.ge [sflag:s15], $0x80  }
0x69: {  	[sflag:s15] =	ssyncset.done $0x0  }
0x6a: {  	s29 =	simm.s32 $0x800;
	s30 =	simm.s32 $0x1800;
	[sflag:s15] =	ssyncadd.s32 $0xFFFFFF80  }
0x6b: {  	[hbm4b:s3+s8] =	stream.indirect.scatter [tilespmem:s30], [sflag:$0x1], $0x1, s29, s8, $0xb8;
	[tilespmem:$0x2000] =	vst v63  }
0x6c: {  	s31 =	simm.s32 $0x880;
	s29 =	simm.s32 $0x1880  }
0x6d: {  	[hbm4b:s3+s8] =	stream.indirect.scatter [tilespmem:s29], [sflag:$0x1], $0x1, s31, s8, $0xb8;
	[tilespmem:$0x2000] =	vst v63  }
0x6e: {  	s30 =	simm.s32 $0x900;
	s31 =	simm.s32 $0x1900  }
0x6f: {  	[hbm4b:s3+s8] =	stream.indirect.scatter [tilespmem:s31], [sflag:$0x1], $0x1, s30, s8, $0xb8;
	[tilespmem:$0x2000] =	vst v63  }
0x70: {  	s29 =	simm.s32 $0x980;
	s30 =	simm.s32 $0x1980  }
0x71: {  	[hbm4b:s3+s8] =	stream.indirect.scatter [tilespmem:s30], [sflag:$0x1], $0x1, s29, s8, $0xb8;
	[tilespmem:$0x2000] =	vst v63  }
0x72: {  	s31 =	simm.s32 $0xA00;
	s29 =	simm.s32 $0x1A00  }
0x73: {  	[hbm4b:s3+s8] =	stream.indirect.scatter [tilespmem:s29], [sflag:$0x1], $0x1, s31, s8, $0xb8;
	[tilespmem:$0x2000] =	vst v63  }
0x74: {  	s30 =	simm.s32 $0xA80;
	s31 =	simm.s32 $0x1A80  }
0x75: {  	[hbm4b:s3+s8] =	stream.indirect.scatter [tilespmem:s31], [sflag:$0x1], $0x1, s30, s8, $0xb8;
	[tilespmem:$0x2000] =	vst v63  }
0x76: {  	s29 =	simm.s32 $0xB00;
	s30 =	simm.s32 $0x1B00  }
0x77: {  	[hbm4b:s3+s8] =	stream.indirect.scatter [tilespmem:s30], [sflag:$0x1], $0x1, s29, s8, $0xb8;
	[tilespmem:$0x2000] =	vst v63  }
0x78: {  	s31 =	simm.s32 $0xB80  }
0x79: {  	[hbm4b:s3+s8] =	stream.indirect.scatter [tilespmem:s0], [sflag:$0x1], $0x1, s31, s8, $0xb8;
	[tilespmem:$0x2000] =	vst v63  }
0x7a: {  	_ = 	snop  }
0x7b: {  	[hbm4b:s3+s8] =	stream.indirect.scatter [tilespmem:s9], [sflag:$0x1], $0x1, s1, s8, $0xb8;
	[tilespmem:$0x2000] =	vst v63  }
0x7c: {  	_ = 	snop  }
0x7d: {  	[hbm4b:s3+s8] =	stream.indirect.scatter [tilespmem:s11], [sflag:$0x1], $0x1, s10, s8, $0xb8;
	[tilespmem:$0x2000] =	vst v63  }
0x7e: {  	_ = 	snop  }
0x7f: {  	[hbm4b:s3+s8] =	stream.indirect.scatter [tilespmem:s13], [sflag:$0x1], $0x1, s12, s8, $0xb8;
	[tilespmem:$0x2000] =	vst v63  }
0x80: {  	_ = 	snop  }
0x81: {  	[hbm4b:s3+s8] =	stream.indirect.scatter [tilespmem:s16], [sflag:$0x1], $0x1, s14, s8, $0xb8;
	[tilespmem:$0x2000] =	vst v63  }
0x82: {  	_ = 	snop  }
0x83: {  	[hbm4b:s3+s8] =	stream.indirect.scatter [tilespmem:s18], [sflag:$0x1], $0x1, s17, s8, $0xb8;
	[tilespmem:$0x2000] =	vst v63  }
0x84: {  	_ = 	snop  }
0x85: {  	[hbm4b:s3+s8] =	stream.indirect.scatter [tilespmem:s20], [sflag:$0x1], $0x1, s19, s8, $0xb8;
	[tilespmem:$0x2000] =	vst v63  }
0x86: {  	_ = 	snop  }
0x87: {  	[hbm4b:s3+s8] =	stream.indirect.scatter [tilespmem:s22], [sflag:$0x1], $0x1, s21, s8, $0xb8;
	[tilespmem:$0x2000] =	vst v63  }
0x88: {  	_ = 	snop  }
0x89: {  	[hbm4b:s3+s8] =	stream.indirect.scatter [tilespmem:s24], [sflag:$0x1], $0x1, s23, s8, $0xb8;
	[tilespmem:$0x2000] =	vst v63  }
0x8a: {  	_ =	swait.ge [sflag:s15], $0x80  }
0x8b: {  	[sflag:s15] =	ssyncset.done $0x0  }
0x8c: {  	[sflag:s15] =	ssyncadd.s32 $0xFFFFFF80  }
0x8d: {  	_ =	swait.ge [sflag:s15], $0x80  }
0x8e: {  	[sflag:s15] =	ssyncset.done $0x0  }
0x8f: {  	[sflag:s15] =	ssyncadd.s32 $0xFFFFFF80  }
0x90: {  	_ =	swait.ge [sflag:s15], $0x80  }
0x91: {  	[sflag:s15] =	ssyncset.done $0x0  }
0x92: {  	[sflag:s15] =	ssyncadd.s32 $0xFFFFFF80  }
0x93: {  	_ =	swait.ge [sflag:s15], $0x80  }
0x94: {  	[sflag:s15] =	ssyncset.done $0x0  }
0x95: {  	[sflag:s15] =	ssyncadd.s32 $0xFFFFFF80  }
0x96: {  	_ =	swait.ge [sflag:s15], $0x80  }
0x97: {  	[sflag:s15] =	ssyncset.done $0x0  }
0x98: {  	[sflag:s15] =	ssyncadd.s32 $0xFFFFFF80  }
0x99: {  	_ =	swait.ge [sflag:s15], $0x80  }
0x9a: {  	[sflag:s15] =	ssyncset.done $0x0  }
0x9b: {  	[sflag:s15] =	ssyncadd.s32 $0xFFFFFF80  }
0x9c: {  	_ =	swait.ge [sflag:s15], $0x80  }
0x9d: {  	[sflag:s15] =	ssyncset.done $0x0  }
0x9e: {  	[sflag:s15] =	ssyncadd.s32 $0xFFFFFF80  }
0x9f: {  	_ =	swait.ge [sflag:s15], $0x80  }
0xa0: {  	[sflag:s15] =	ssyncset.done $0x0  }
0xa1: {  	[sflag:s15] =	ssyncadd.s32 $0xFFFFFF80  }
0xa2: {  	_ =	swait.ge [sflag:s15], $0x80  }
0xa3: {  	[sflag:s15] =	ssyncset.done $0x0  }
0xa4: {  	[sflag:s15] =	ssyncadd.s32 $0xFFFFFF80  }
0xa5: {  	_ =	swait.ge [sflag:s15], $0x80  }
0xa6: {  	[sflag:s15] =	ssyncset.done $0x0  }
0xa7: {  	[sflag:s15] =	ssyncadd.s32 $0xFFFFFF80  }
0xa8: {  	_ =	swait.ge [sflag:s15], $0x80  }
0xa9: {  	[sflag:s15] =	ssyncset.done $0x0  }
0xaa: {  	[sflag:s15] =	ssyncadd.s32 $0xFFFFFF80  }
0xab: {  	_ =	swait.ge [sflag:s15], $0x80  }
0xac: {  	[sflag:s15] =	ssyncset.done $0x0  }
0xad: {  	[sflag:s15] =	ssyncadd.s32 $0xFFFFFF80  }
0xae: {  	_ =	swait.ge [sflag:s15], $0x80  }
0xaf: {  	[sflag:s15] =	ssyncset.done $0x0  }
0xb0: {  	[sflag:s15] =	ssyncadd.s32 $0xFFFFFF80  }
0xb1: {  	_ =	swait.ge [sflag:s15], $0x80  }
0xb2: {  	[sflag:s15] =	ssyncset.done $0x0  }
0xb3: {  	s25 =	sadd.s32 $0x1, s25;
	[sflag:s15] =	ssyncadd.s32 $0xFFFFFF80  }
0xb4: {  	p0 =	sne.s32 s25, s5;
	_ =	swait.ge [sflag:s15], $0x80  }
.Ltmp1:
0xb5: {  	[sflag:s15] =	ssyncset.done $0x0;
	(pc) =	sbr.rel @p0 .LBB2_1-.Ltmp1, $4  }
0xb6: {  	[sflag:s15] =	ssyncadd.s32 $0xFFFFFF80  }
0xb7: {  	_ =	swait.ge [sflag:s15], $0x80  }
0xb8: {  	[sflag:s15] =	ssyncset.done $0x0  }
0xb9: {  	[sflag:s15] =	ssyncadd.s32 $0xFFFFFF80  }
0xba: {  	_ =	sfence.sel $0x180000  }
0xbb: {  	[bflag:$0x0] =	sbarrier.arrive $0xFFFF  }
0xbc: {  	_ =	strace $0x90000047  }
0xbd: {  	s0 =	stileid.u32;
	[bflag:$0x2] =	sbarrier.arrive $0xFFFF  }
0xbe: {  	p0 =	sne.s32 s0, $0x0;
	s0 =	rddreg [dreg:$0x1]  }
0xbf: {  	s0 =	sadd.s32 @!p0 $0x100000, s0  }
0xc0: {  	[sflag:s0] =	ssyncadd.tile.s32 @!p0 $0x1;
	_ =	shalt  }
.Lfunc_end2:
_tile_overlayer_lowered:
.L_overlay_start_2:
0xc1: {  	(tag) =	ssettag $0x2  }
0xc2: {  	s0 =	rddreg [dreg:$0x0];
	s2 =	stileid.u32  }
0xc3: {  	s1 =	rddreg [dreg:$0x1];
	p0 =	sne.s32 s2, $0x0  }
0xc4: {  	s3 =	rddreg [dreg:$0x2];
	[bflag:$0x3] =	sbarrier.arrive $0xFFFF;
	s2 =	simm.s32 @!p0 $0x1C02  }
0xc5: {  	[timem:s3], [sflag:s2] =	dma.local @!p0 [hbm:s0], s1  }
0xc6: {  	s0 =	simm.s32 @!p0 $0x2  }
0xc7: {  	_ =	swait.ge @!p0 [sflag:s0], s1  }
0xc8: {  	s1 =	ssub.s32 @!p0 $0x0, s1;
	[sflag:s0] =	ssyncset.done @!p0 $0x0  }
0xc9: {  	[sflag:s0] =	ssyncadd.s32 @!p0 s1  }
0xca: {  	[bflag:$0x3] =	sbarrier.arrive $0xFFFF  }
0xcb: {  	_ =	shalt  }

</sc_bundles>
